<compile_context>
chip_gen: v7x
topology: tpu7x:2x2x1
jax: 0.10.2.dev20260603
libtpu: 0.0.44.dev20260713+nightly
codegen_flags: <defaults>
</compile_context>

<pallas_src>
import dataclasses
import functools

import jax
import jax.numpy as jnp
from jax import lax
from jax.experimental import pallas as pl
from jax.experimental.pallas import tpu as pltpu
from jax.experimental.pallas import tpu_sc as plsc

N = 10000
E = 320000
D = 128
G = 64

NPAD = 10240
NC = 2
NS = 16
NW = NC * NS
CH = 125
NCHUNK = E // CH
CPT = NCHUNK // NW
ROWS_PER_TILE = NPAD // NS
EPT = E // NW

RB = 1024
GRID = NPAD // RB

_sc_mesh = plsc.VectorSubcoreMesh(core_axis_name="c", subcore_axis_name="s")

_sc_params = pltpu.CompilerParams()
if "needs_layout_passes" in pltpu.CompilerParams.__dataclass_fields__:
    _sc_params = dataclasses.replace(_sc_params, needs_layout_passes=False)


def _zero_tile_slice(acc, zbuf, base, nrows, sem):
    zr = zbuf.shape[0]

    @pl.loop(0, zr)
    def _(i):
        for j in range(zbuf.shape[1] // 16):
            zbuf[i, pl.ds(j * 16, 16)] = jnp.zeros((16,), jnp.float32)

    pltpu.async_copy(zbuf, acc.at[pl.ds(base, zr)], sem)
    pltpu.async_copy(zbuf, acc.at[pl.ds(base + zr, zr)], sem)

    @pl.loop(2, nrows // zr)
    def _(k):
        pltpu.make_async_copy(zbuf, acc.at[pl.ds(base, zr)], sem).wait()
        pltpu.async_copy(zbuf, acc.at[pl.ds(base + k * zr, zr)], sem)

    pltpu.make_async_copy(zbuf, acc.at[pl.ds(base, zr)], sem).wait()
    pltpu.make_async_copy(zbuf, acc.at[pl.ds(base, zr)], sem).wait()


def _sc_agg_body(h_hbm, src_hbm, dst_hbm, out_hbm, acc, zbuf, sidx, dring, rows,
                 sg0, sg1, ss0, ss1, si0, si1, sz):
    c = lax.axis_index("c")
    s = lax.axis_index("s")
    wid = s * NC + c
    cbase = wid * CPT

    pltpu.sync_copy(src_hbm.at[pl.ds(cbase, CPT)], sidx)
    pltpu.async_copy(dst_hbm.at[cbase], dring.at[0], si0)
    pltpu.async_copy(dst_hbm.at[cbase + 1], dring.at[1], si1)
    pltpu.async_copy(h_hbm.at[sidx.at[0]], rows.at[0], sg0)

    _zero_tile_slice(acc, zbuf, s * ROWS_PER_TILE, ROWS_PER_TILE, sz)
    plsc.subcore_barrier()

    sg = (sg0, sg1)
    ss = (ss0, ss1)
    si = (si0, si1)

    @pl.loop(0, CPT // 2)
    def _(i):
        for b in range(2):
            k = i * 2 + b
            r = lax.rem(k, 4)
            o = 1 - b
            pltpu.make_async_copy(dst_hbm.at[cbase], dring.at[r], si[b]).wait()
            if b == 0:
                @pl.when(i > 0)
                def _():
                    pltpu.make_async_copy(rows.at[o], acc.at[dring.at[r]], ss[o]).wait()

                pltpu.async_copy(h_hbm.at[sidx.at[k + 1]], rows.at[o], sg[o])
            else:
                pltpu.make_async_copy(rows.at[o], acc.at[dring.at[r]], ss[o]).wait()

                @pl.when(i < CPT // 2 - 1)
                def _():
                    pltpu.async_copy(h_hbm.at[sidx.at[k + 1]], rows.at[o], sg[o])

            pltpu.make_async_copy(h_hbm.at[sidx.at[k]], rows.at[b], sg[b]).wait()
            pltpu.async_copy(rows.at[b], acc.at[dring.at[r]], ss[b], add=True)

            @pl.when(k < CPT - 2)
            def _():
                pltpu.async_copy(dst_hbm.at[cbase + k + 2],
                                 dring.at[lax.rem(k + 2, 4)], si[b])

    pltpu.make_async_copy(rows.at[1], acc.at[dring.at[0]], ss1).wait()

    plsc.subcore_barrier()
    base = s * ROWS_PER_TILE
    pltpu.sync_copy(acc.at[pl.ds(base, ROWS_PER_TILE)],
                    out_hbm.at[c].at[pl.ds(base, ROWS_PER_TILE)])


def _sc_agg(h, src_r, dst_r):
    return pl.kernel(
        _sc_agg_body,
        out_type=jax.ShapeDtypeStruct((NC, NPAD, D), jnp.float32),
        mesh=_sc_mesh,
        scratch_types=[
            pltpu.VMEM_SHARED((NPAD, D), jnp.float32),
            pltpu.VMEM((32, D), jnp.float32),
            pltpu.VMEM((CPT, CH), jnp.int32),
            pltpu.VMEM((4, CH), jnp.int32),
            pltpu.VMEM((2, CH, D), jnp.float32),
            pltpu.SemaphoreType.DMA,
            pltpu.SemaphoreType.DMA,
            pltpu.SemaphoreType.DMA,
            pltpu.SemaphoreType.DMA,
            pltpu.SemaphoreType.DMA,
            pltpu.SemaphoreType.DMA,
            pltpu.SemaphoreType.DMA,
        ],
    )(h, src_r, dst_r)


def _sc_deg_body(dst_hbm, out_hbm, degt, didx):
    c = lax.axis_index("c")
    s = lax.axis_index("s")
    wid = s * NC + c

    pltpu.sync_copy(dst_hbm.at[pl.ds(wid * EPT, EPT)], didx)

    @pl.loop(0, NPAD // 128)
    def _(k):
        for j in range(8):
            degt[pl.ds(k * 128 + j * 16, 16)] = jnp.zeros((16,), jnp.float32)

    ones16 = jnp.ones((16,), jnp.float32)

    @pl.loop(0, EPT // 80)
    def _(i):
        for j in range(5):
            idx = didx[pl.ds(i * 80 + j * 16, 16)]
            plsc.addupdate_scatter(degt, [idx], ones16)

    pltpu.sync_copy(degt, out_hbm.at[wid])


def _sc_deg(dst):
    return pl.kernel(
        _sc_deg_body,
        out_type=jax.ShapeDtypeStruct((NW, NPAD), jnp.float32),
        mesh=_sc_mesh,
        scratch_types=[
            pltpu.VMEM((NPAD,), jnp.float32),
            pltpu.VMEM((EPT,), jnp.int32),
        ],
        compiler_params=_sc_params,
    )(dst)


def _tc_r_body(h_ref, wr_ref, bl_ref, o_ref):
    o_ref[...] = lax.dot_general(h_ref[...], wr_ref[...], (((1,), (0,)), ((), ())),
                                 precision=lax.Precision.HIGHEST,
                                 preferred_element_type=jnp.float32) + bl_ref[...]


def _tc_r(h, Wr, bl):
    return pl.pallas_call(
        _tc_r_body,
        grid=(GRID,),
        in_specs=[
            pl.BlockSpec((RB, D), lambda i: (i, 0)),
            pl.BlockSpec((D, D), lambda i: (0, 0)),
            pl.BlockSpec((1, D), lambda i: (0, 0)),
        ],
        out_specs=pl.BlockSpec((RB, D), lambda i: (i, 0)),
        out_shape=jax.ShapeDtypeStruct((NPAD, D), jnp.float32),
    )(h, Wr, bl.reshape(1, D))


def _scaled_agg_matmul(ap_ref, dp_ref, wl_ref):
    a = ap_ref[0] + ap_ref[1]
    deg = lax.dot_general(dp_ref[...], jnp.ones((NW, 1), jnp.float32),
                          (((0,), (0,)), ((), ())),
                          precision=lax.Precision.HIGHEST,
                          preferred_element_type=jnp.float32)
    inv = 1.0 / jnp.maximum(deg, 1.0)
    return lax.dot_general(a * inv, wl_ref[...], (((1,), (0,)), ((), ())),
                           precision=lax.Precision.HIGHEST,
                           preferred_element_type=jnp.float32)


def _tc_combine_body(ap_ref, dp_ref, r_ref, wl_ref, o_ref):
    out = _scaled_agg_matmul(ap_ref, dp_ref, wl_ref) + r_ref[...]
    o_ref[...] = jnp.maximum(out, 0.0)


def _tc_combine(parts, degp, r, Wl):
    return pl.pallas_call(
        _tc_combine_body,
        grid=(GRID,),
        in_specs=[
            pl.BlockSpec((NC, RB, D), lambda i: (0, i, 0)),
            pl.BlockSpec((NW, RB), lambda i: (0, i)),
            pl.BlockSpec((RB, D), lambda i: (i, 0)),
            pl.BlockSpec((D, D), lambda i: (0, 0)),
        ],
        out_specs=pl.BlockSpec((RB, D), lambda i: (i, 0)),
        out_shape=jax.ShapeDtypeStruct((NPAD, D), jnp.float32),
    )(parts, degp, r, Wl)


def _tc_combine_pool_body(ap_ref, dp_ref, r_ref, wl_ref, b_ref, o_ref,
                          s_acc, c_acc):
    i = pl.program_id(0)

    @pl.when(i == 0)
    def _():
        s_acc[...] = jnp.zeros_like(s_acc)
        c_acc[...] = jnp.zeros_like(c_acc)

    h4 = _scaled_agg_matmul(ap_ref, dp_ref, wl_ref) + r_ref[...]
    b = b_ref[0, 0, :]
    onehot = (lax.broadcasted_iota(jnp.int32, (G, RB), 0) == b[None, :]).astype(jnp.float32)
    s_acc[...] += lax.dot_general(onehot, h4, (((1,), (0,)), ((), ())),
                                  precision=lax.Precision.HIGHEST,
                                  preferred_element_type=jnp.float32)
    cnt = jnp.sum(onehot, axis=1, keepdims=True)
    c_acc[...] += jnp.broadcast_to(cnt, (G, D))

    @pl.when(i == GRID - 1)
    def _():
        o_ref[...] = s_acc[...] / jnp.maximum(c_acc[...], 1.0)


def _tc_combine_pool(parts, degp, r, Wl, batch_r):
    return pl.pallas_call(
        _tc_combine_pool_body,
        grid=(GRID,),
        in_specs=[
            pl.BlockSpec((NC, RB, D), lambda i: (0, i, 0)),
            pl.BlockSpec((NW, RB), lambda i: (0, i)),
            pl.BlockSpec((RB, D), lambda i: (i, 0)),
            pl.BlockSpec((D, D), lambda i: (0, 0)),
            pl.BlockSpec((1, 1, RB), lambda i: (i, 0, 0)),
        ],
        out_specs=pl.BlockSpec((G, D), lambda i: (0, 0)),
        out_shape=jax.ShapeDtypeStruct((G, D), jnp.float32),
        scratch_shapes=[
            pltpu.VMEM((G, D), jnp.float32),
            pltpu.VMEM((G, D), jnp.float32),
        ],
    )(parts, degp, r, Wl, batch_r)


def kernel(x, edge_index, batch, Wl1, bl1, Wr1, Wl2, bl2, Wr2, Wl3, bl3, Wr3,
           Wl4, bl4, Wr4):
    src_r = edge_index[0].reshape(NCHUNK, CH)
    dst_r = edge_index[1].reshape(NCHUNK, CH)
    h = jnp.pad(x, ((0, NPAD - N), (0, 0)))
    batch_r = jnp.pad(batch, (0, NPAD - N), constant_values=G).reshape(GRID, 1, RB)

    degp = _sc_deg(edge_index[1])

    for Wl, bl, Wr in ((Wl1, bl1, Wr1), (Wl2, bl2, Wr2), (Wl3, bl3, Wr3)):
        parts = _sc_agg(h, src_r, dst_r)
        r = _tc_r(h, Wr, bl)
        h = _tc_combine(parts, degp, r, Wl)

    parts = _sc_agg(h, src_r, dst_r)
    r = _tc_r(h, Wr4, bl4)
    return _tc_combine_pool(parts, degp, r, Wl4, batch_r)

# --- scband reference (transcript-rebuilt; emitter-appended) ---
"""Pipeline reference for scband-graph-sagemodel-57767310131742 (READ-ONLY COPY).

The authoritative reference and input builder live on the scoring server;
editing this copy changes nothing except your own understanding.
"""

import jax, jax.numpy as jnp
import numpy as np

N = 10000
E = 320000
DIN = 128
DH = 128
DOUT = 128
G = 64


def setup_inputs(seed: int = 0) -> dict:
    key = jax.random.key(seed)
    ks = jax.random.split(key, 20)
    x = jax.random.normal(ks[0], (N, DIN), dtype=jnp.float32)
    edge_index = jax.random.randint(ks[1], (2, E), 0, N, dtype=jnp.int32)
    batch = jnp.sort(jax.random.randint(ks[2], (N,), 0, G, dtype=jnp.int32))

    def mk_layer(k, din, dout):
        k1, k2, k3 = jax.random.split(k, 3)
        s = 1.0 / np.sqrt(din)
        Wl = jax.random.uniform(k1, (din, dout), jnp.float32, -s, s)
        bl = jax.random.uniform(k2, (dout,), jnp.float32, -s, s)
        Wr = jax.random.uniform(k3, (din, dout), jnp.float32, -s, s)
        return Wl, bl, Wr

    Wl1, bl1, Wr1 = mk_layer(ks[3], DIN, DH)
    Wl2, bl2, Wr2 = mk_layer(ks[4], DH, DH)
    Wl3, bl3, Wr3 = mk_layer(ks[5], DH, DH)
    Wl4, bl4, Wr4 = mk_layer(ks[6], DH, DOUT)
    return {"x": x, "edge_index": edge_index, "batch": batch,
            "Wl1": Wl1, "bl1": bl1, "Wr1": Wr1,
            "Wl2": Wl2, "bl2": bl2, "Wr2": Wr2,
            "Wl3": Wl3, "bl3": bl3, "Wr3": Wr3,
            "Wl4": Wl4, "bl4": bl4, "Wr4": Wr4}


def _sage_conv(x, edge_index, Wl, bl, Wr):
    # PyG SAGEConv with mean aggregation: out = lin_l(mean_{j->i} x_j) + lin_r(x_i)
    src = edge_index[0]
    dst = edge_index[1]
    msgs = jnp.take(x, src, axis=0)
    agg_sum = jax.ops.segment_sum(msgs, dst, num_segments=N)
    deg = jax.ops.segment_sum(jnp.ones((E,), dtype=x.dtype), dst, num_segments=N)
    agg = agg_sum / jnp.clip(deg, 1.0, None)[:, None]
    return agg @ Wl + bl + x @ Wr


def _global_mean_pool(x, batch):
    s = jax.ops.segment_sum(x, batch, num_segments=G)
    cnt = jax.ops.segment_sum(jnp.ones((x.shape[0],), dtype=x.dtype), batch, num_segments=G)
    return s / jnp.clip(cnt, 1.0, None)[:, None]


def reference(x, edge_index, batch, Wl1, bl1, Wr1, Wl2, bl2, Wr2, Wl3, bl3, Wr3, Wl4, bl4, Wr4):
    # dropout is identity in eval mode
    h = _sage_conv(x, edge_index, Wl1, bl1, Wr1)
    h = jax.nn.relu(h)
    h = _sage_conv(h, edge_index, Wl2, bl2, Wr2)
    h = jax.nn.relu(h)
    h = _sage_conv(h, edge_index, Wl3, bl3, Wr3)
    h = jax.nn.relu(h)
    h = _sage_conv(h, edge_index, Wl4, bl4, Wr4)
    return _global_mean_pool(h, batch)

if __name__ == "__main__":
    import jax
    _d = setup_inputs()
    print(jax.jit(kernel)(*tuple(_d.values())))

</pallas_src>

<mosaic_0001>
#map = affine_map<(d0, d1) -> (0, 0)>
#map1 = affine_map<(d0, d1) -> (0, 0, 0)>
module attributes {stable_mosaic.version = 14 : i64} {
  func.func @_sc_agg_body(%arg0: i32, %arg1: i32, %arg2: memref<10240x128xf32, #tpu.memory_space<hbm>>, %arg3: memref<2560x125xi32, #tpu.memory_space<hbm>>, %arg4: memref<2560x125xi32, #tpu.memory_space<hbm>>, %arg5: memref<2x10240x128xf32, #tpu.memory_space<hbm>>, %arg6: memref<10240x128xf32, #tpu.memory_space<vmem_shared>>, %arg7: memref<32x128xf32, #tpu.memory_space<vmem>>, %arg8: memref<80x125xi32, #tpu.memory_space<vmem>>, %arg9: memref<4x125xi32, #tpu.memory_space<vmem>>, %arg10: memref<2x125x128xf32, #tpu.memory_space<vmem>>, %arg11: memref<!tpu.dma_semaphore, #tpu.memory_space<semaphore_mem>>, %arg12: memref<!tpu.dma_semaphore, #tpu.memory_space<semaphore_mem>>, %arg13: memref<!tpu.dma_semaphore, #tpu.memory_space<semaphore_mem>>, %arg14: memref<!tpu.dma_semaphore, #tpu.memory_space<semaphore_mem>>, %arg15: memref<!tpu.dma_semaphore, #tpu.memory_space<semaphore_mem>>, %arg16: memref<!tpu.dma_semaphore, #tpu.memory_space<semaphore_mem>>, %arg17: memref<!tpu.dma_semaphore, #tpu.memory_space<semaphore_mem>>) attributes {dimension_semantics = [#tpu.dimension_semantics<core_parallel>, #tpu.dimension_semantics<subcore_parallel>], iteration_bounds = array<i64: 2, 16>, scalar_prefetch = 0 : i64, scratch_operands = 12 : i64, tpu.core_type = #tpu.core_type<sc_vector_subcore>, window_params = [{transform_indices = #map}, {transform_indices = #map}, {transform_indices = #map}, {transform_indices = #map1}]} {
    %mul3A = arith.constant 2 : i32
    %mul3A_0 = arith.muli %arg1, %mul3A : i32
    %add3A = arith.addi %mul3A_0, %arg0 : i32
    %mul3A_1 = arith.constant 80 : i32
    %mul3A_2 = arith.muli %add3A, %mul3A_1 : i32
    "tpu.region"() ({
      %run_scoped3A = tpu.sem_alloc : memref<!tpu.dma_semaphore, #tpu.memory_space<semaphore_mem>>
      %dma_start3A_90 = arith.constant 0 : i32
      %dma_start3A_91 = tpu.memref_slice %arg3[%mul3A_2, %dma_start3A_90] : memref<2560x125xi32, #tpu.memory_space<hbm>> -> memref<80x125xi32, #tpu.memory_space<hbm>>
      %dma_start3A_92 = arith.constant 0 : i32
      %dma_start3A_93 = tpu.memref_slice %arg3[%mul3A_2, %dma_start3A_92] : memref<2560x125xi32, #tpu.memory_space<hbm>> -> memref<80x125xi32, #tpu.memory_space<hbm>>
      tpu.enqueue_dma source(%dma_start3A_93 : memref<80x125xi32, #tpu.memory_space<hbm>>) target(%arg8 : memref<80x125xi32, #tpu.memory_space<vmem>>) target_semaphore(%run_scoped3A : memref<!tpu.dma_semaphore, #tpu.memory_space<semaphore_mem>>)
      %dma_wait3A_94 = arith.constant 0 : i32
      %dma_wait3A_95 = tpu.memref_slice %arg3[%mul3A_2, %dma_wait3A_94] : memref<2560x125xi32, #tpu.memory_space<hbm>> -> memref<80x125xi32, #tpu.memory_space<hbm>>
      %dma_wait3A_96 = arith.constant 0 : i32
      %dma_wait3A_97 = tpu.memref_slice %arg3[%mul3A_2, %dma_wait3A_96] : memref<2560x125xi32, #tpu.memory_space<hbm>> -> memref<80x125xi32, #tpu.memory_space<hbm>>
      tpu.wait_dma2 semaphore(%run_scoped3A : memref<!tpu.dma_semaphore, #tpu.memory_space<semaphore_mem>>) src(%dma_wait3A_97 : memref<80x125xi32, #tpu.memory_space<hbm>>) dst(%arg8 : memref<80x125xi32, #tpu.memory_space<vmem>>)
      tpu.yield
    }) : () -> ()
    %dma_start3A = arith.constant 0 : i32
    %dma_start3A_3 = arith.constant 0 : i32
    %dma_start3A_4 = tpu.memref_slice %arg9[%dma_start3A, %dma_start3A_3] : memref<4x125xi32, #tpu.memory_space<vmem>> -> memref<1x125xi32, #tpu.memory_space<vmem>>
    %dma_start3A_5 = tpu.memref_squeeze %dma_start3A_4 : memref<1x125xi32, #tpu.memory_space<vmem>> -> memref<125xi32, #tpu.memory_space<vmem>>
    %dma_start3A_6 = arith.constant 0 : i32
    %dma_start3A_7 = tpu.memref_slice %arg4[%mul3A_2, %dma_start3A_6] : memref<2560x125xi32, #tpu.memory_space<hbm>> -> memref<1x125xi32, #tpu.memory_space<hbm>>
    %dma_start3A_8 = tpu.memref_squeeze %dma_start3A_7 : memref<1x125xi32, #tpu.memory_space<hbm>> -> memref<125xi32, #tpu.memory_space<hbm>>
    %dma_start3A_9 = arith.constant 0 : i32
    %dma_start3A_10 = tpu.memref_slice %arg9[%dma_start3A, %dma_start3A_9] : memref<4x125xi32, #tpu.memory_space<vmem>> -> memref<1x125xi32, #tpu.memory_space<vmem>>
    %dma_start3A_11 = tpu.memref_squeeze %dma_start3A_10 : memref<1x125xi32, #tpu.memory_space<vmem>> -> memref<125xi32, #tpu.memory_space<vmem>>
    %dma_start3A_12 = arith.constant 0 : i32
    %dma_start3A_13 = tpu.memref_slice %arg4[%mul3A_2, %dma_start3A_12] : memref<2560x125xi32, #tpu.memory_space<hbm>> -> memref<1x125xi32, #tpu.memory_space<hbm>>
    %dma_start3A_14 = tpu.memref_squeeze %dma_start3A_13 : memref<1x125xi32, #tpu.memory_space<hbm>> -> memref<125xi32, #tpu.memory_space<hbm>>
    tpu.enqueue_dma source(%dma_start3A_14 : memref<125xi32, #tpu.memory_space<hbm>>) target(%dma_start3A_11 : memref<125xi32, #tpu.memory_space<vmem>>) target_semaphore(%arg15 : memref<!tpu.dma_semaphore, #tpu.memory_space<semaphore_mem>>)
    %add3A_15 = arith.constant 1 : i32
    %add3A_16 = arith.addi %mul3A_2, %add3A_15 : i32
    %dma_start3A_17 = arith.constant 1 : i32
    %dma_start3A_18 = arith.constant 0 : i32
    %dma_start3A_19 = tpu.memref_slice %arg9[%dma_start3A_17, %dma_start3A_18] : memref<4x125xi32, #tpu.memory_space<vmem>> -> memref<1x125xi32, #tpu.memory_space<vmem>>
    %dma_start3A_20 = tpu.memref_squeeze %dma_start3A_19 : memref<1x125xi32, #tpu.memory_space<vmem>> -> memref<125xi32, #tpu.memory_space<vmem>>
    %dma_start3A_21 = arith.constant 0 : i32
    %dma_start3A_22 = tpu.memref_slice %arg4[%add3A_16, %dma_start3A_21] : memref<2560x125xi32, #tpu.memory_space<hbm>> -> memref<1x125xi32, #tpu.memory_space<hbm>>
    %dma_start3A_23 = tpu.memref_squeeze %dma_start3A_22 : memref<1x125xi32, #tpu.memory_space<hbm>> -> memref<125xi32, #tpu.memory_space<hbm>>
    %dma_start3A_24 = arith.constant 0 : i32
    %dma_start3A_25 = tpu.memref_slice %arg9[%dma_start3A_17, %dma_start3A_24] : memref<4x125xi32, #tpu.memory_space<vmem>> -> memref<1x125xi32, #tpu.memory_space<vmem>>
    %dma_start3A_26 = tpu.memref_squeeze %dma_start3A_25 : memref<1x125xi32, #tpu.memory_space<vmem>> -> memref<125xi32, #tpu.memory_space<vmem>>
    %dma_start3A_27 = arith.constant 0 : i32
    %dma_start3A_28 = tpu.memref_slice %arg4[%add3A_16, %dma_start3A_27] : memref<2560x125xi32, #tpu.memory_space<hbm>> -> memref<1x125xi32, #tpu.memory_space<hbm>>
    %dma_start3A_29 = tpu.memref_squeeze %dma_start3A_28 : memref<1x125xi32, #tpu.memory_space<hbm>> -> memref<125xi32, #tpu.memory_space<hbm>>
    tpu.enqueue_dma source(%dma_start3A_29 : memref<125xi32, #tpu.memory_space<hbm>>) target(%dma_start3A_26 : memref<125xi32, #tpu.memory_space<vmem>>) target_semaphore(%arg16 : memref<!tpu.dma_semaphore, #tpu.memory_space<semaphore_mem>>)
    %dma_start3A_30 = arith.constant 0 : i32
    %dma_start3A_31 = arith.constant 0 : i32
    %dma_start3A_32 = arith.constant 0 : i32
    %dma_start3A_33 = arith.constant 0 : i32
    %dma_start3A_34 = tpu.memref_slice %arg10[%dma_start3A_31, %dma_start3A_32, %dma_start3A_33] : memref<2x125x128xf32, #tpu.memory_space<vmem>> -> memref<1x125x128xf32, #tpu.memory_space<vmem>>
    %dma_start3A_35 = tpu.memref_squeeze %dma_start3A_34 : memref<1x125x128xf32, #tpu.memory_space<vmem>> -> memref<125x128xf32, #tpu.memory_space<vmem>>
    %dma_start3A_36 = arith.constant 0 : i32
    %dma_start3A_37 = tpu.memref_slice %arg8[%dma_start3A_30, %dma_start3A_36] : memref<80x125xi32, #tpu.memory_space<vmem>> -> memref<1x125xi32, #tpu.memory_space<vmem>>
    %dma_start3A_38 = tpu.memref_squeeze %dma_start3A_37 : memref<1x125xi32, #tpu.memory_space<vmem>> -> memref<125xi32, #tpu.memory_space<vmem>>
    %dma_start3A_39 = arith.constant 0 : i32
    %dma_start3A_40 = arith.constant 0 : i32
    %dma_start3A_41 = tpu.memref_slice %arg2[%dma_start3A_39, %dma_start3A_40] : memref<10240x128xf32, #tpu.memory_space<hbm>> -> memref<10240x128xf32, #tpu.memory_space<hbm>>
    tpu.enqueue_indirect_dma source(%dma_start3A_41 : memref<10240x128xf32, #tpu.memory_space<hbm>>) target(%dma_start3A_35 : memref<125x128xf32, #tpu.memory_space<vmem>>) offsets(%dma_start3A_38 : memref<125xi32, #tpu.memory_space<vmem>>) semaphore(%arg11 : memref<!tpu.dma_semaphore, #tpu.memory_space<semaphore_mem>>)
    %mul3A_42 = arith.constant 640 : i32
    %mul3A_43 = arith.muli %arg1, %mul3A_42 : i32
    %scan3A = arith.constant 0 : i32
    %scan3A_44 = arith.constant 32 : i32
    %scan3A_45 = arith.addi %scan3A, %scan3A_44 : i32
    %scan3A_46 = arith.constant 1 : i32
    scf.for %scan3A_90 = %scan3A to %scan3A_45 step %scan3A_46  : i32 {
      %mul3A_91 = arith.constant 1 : i32
      %mul3A_92 = arith.muli %scan3A_90, %mul3A_91 : i32
      %add3A_93 = arith.constant 0 : i32
      %add3A_94 = arith.addi %add3A_93, %mul3A_92 : i32
      %broadcast_in_dim3A = arith.constant 0.000000e+00 : f32
      %broadcast_in_dim3A_95 = vector.broadcast %broadcast_in_dim3A : f32 to vector<16xf32>
      %swap3A = arith.index_cast %add3A_94 : i32 to index
      %swap3A_96 = arith.constant 0 : index
      %swap3A_97 = tpu.vector_load %arg7[%swap3A, %swap3A_96] {strides = array<i32>} : memref<32x128xf32, #tpu.memory_space<vmem>>, vector<1x16xf32>,
      %swap3A_98 = vector.shape_cast %swap3A_97 : vector<1x16xf32> to vector<16xf32>
      %swap3A_99 = vector.shape_cast %broadcast_in_dim3A_95 : vector<16xf32> to vector<1x16xf32>
      tpu.vector_store %arg7[%swap3A, %swap3A_96], %swap3A_99 {strides = array<i32>} : memref<32x128xf32, #tpu.memory_space<vmem>>, vector<1x16xf32>,
      %broadcast_in_dim3A_100 = arith.constant 0.000000e+00 : f32
      %broadcast_in_dim3A_101 = vector.broadcast %broadcast_in_dim3A_100 : f32 to vector<16xf32>
      %swap3A_102 = arith.index_cast %add3A_94 : i32 to index
      %swap3A_103 = arith.constant 16 : index
      %swap3A_104 = tpu.vector_load %arg7[%swap3A_102, %swap3A_103] {strides = array<i32>} : memref<32x128xf32, #tpu.memory_space<vmem>>, vector<1x16xf32>,
      %swap3A_105 = vector.shape_cast %swap3A_104 : vector<1x16xf32> to vector<16xf32>
      %swap3A_106 = vector.shape_cast %broadcast_in_dim3A_101 : vector<16xf32> to vector<1x16xf32>
      tpu.vector_store %arg7[%swap3A_102, %swap3A_103], %swap3A_106 {strides = array<i32>} : memref<32x128xf32, #tpu.memory_space<vmem>>, vector<1x16xf32>,
      %broadcast_in_dim3A_107 = arith.constant 0.000000e+00 : f32
      %broadcast_in_dim3A_108 = vector.broadcast %broadcast_in_dim3A_107 : f32 to vector<16xf32>
      %swap3A_109 = arith.index_cast %add3A_94 : i32 to index
      %swap3A_110 = arith.constant 32 : index
      %swap3A_111 = tpu.vector_load %arg7[%swap3A_109, %swap3A_110] {strides = array<i32>} : memref<32x128xf32, #tpu.memory_space<vmem>>, vector<1x16xf32>,
      %swap3A_112 = vector.shape_cast %swap3A_111 : vector<1x16xf32> to vector<16xf32>
      %swap3A_113 = vector.shape_cast %broadcast_in_dim3A_108 : vector<16xf32> to vector<1x16xf32>
      tpu.vector_store %arg7[%swap3A_109, %swap3A_110], %swap3A_113 {strides = array<i32>} : memref<32x128xf32, #tpu.memory_space<vmem>>, vector<1x16xf32>,
      %broadcast_in_dim3A_114 = arith.constant 0.000000e+00 : f32
      %broadcast_in_dim3A_115 = vector.broadcast %broadcast_in_dim3A_114 : f32 to vector<16xf32>
      %swap3A_116 = arith.index_cast %add3A_94 : i32 to index
      %swap3A_117 = arith.constant 48 : index
      %swap3A_118 = tpu.vector_load %arg7[%swap3A_116, %swap3A_117] {strides = array<i32>} : memref<32x128xf32, #tpu.memory_space<vmem>>, vector<1x16xf32>,
      %swap3A_119 = vector.shape_cast %swap3A_118 : vector<1x16xf32> to vector<16xf32>
      %swap3A_120 = vector.shape_cast %broadcast_in_dim3A_115 : vector<16xf32> to vector<1x16xf32>
      tpu.vector_store %arg7[%swap3A_116, %swap3A_117], %swap3A_120 {strides = array<i32>} : memref<32x128xf32, #tpu.memory_space<vmem>>, vector<1x16xf32>,
      %broadcast_in_dim3A_121 = arith.constant 0.000000e+00 : f32
      %broadcast_in_dim3A_122 = vector.broadcast %broadcast_in_dim3A_121 : f32 to vector<16xf32>
      %swap3A_123 = arith.index_cast %add3A_94 : i32 to index
      %swap3A_124 = arith.constant 64 : index
      %swap3A_125 = tpu.vector_load %arg7[%swap3A_123, %swap3A_124] {strides = array<i32>} : memref<32x128xf32, #tpu.memory_space<vmem>>, vector<1x16xf32>,
      %swap3A_126 = vector.shape_cast %swap3A_125 : vector<1x16xf32> to vector<16xf32>
      %swap3A_127 = vector.shape_cast %broadcast_in_dim3A_122 : vector<16xf32> to vector<1x16xf32>
      tpu.vector_store %arg7[%swap3A_123, %swap3A_124], %swap3A_127 {strides = array<i32>} : memref<32x128xf32, #tpu.memory_space<vmem>>, vector<1x16xf32>,
      %broadcast_in_dim3A_128 = arith.constant 0.000000e+00 : f32
      %broadcast_in_dim3A_129 = vector.broadcast %broadcast_in_dim3A_128 : f32 to vector<16xf32>
      %swap3A_130 = arith.index_cast %add3A_94 : i32 to index
      %swap3A_131 = arith.constant 80 : index
      %swap3A_132 = tpu.vector_load %arg7[%swap3A_130, %swap3A_131] {strides = array<i32>} : memref<32x128xf32, #tpu.memory_space<vmem>>, vector<1x16xf32>,
      %swap3A_133 = vector.shape_cast %swap3A_132 : vector<1x16xf32> to vector<16xf32>
      %swap3A_134 = vector.shape_cast %broadcast_in_dim3A_129 : vector<16xf32> to vector<1x16xf32>
      tpu.vector_store %arg7[%swap3A_130, %swap3A_131], %swap3A_134 {strides = array<i32>} : memref<32x128xf32, #tpu.memory_space<vmem>>, vector<1x16xf32>,
      %broadcast_in_dim3A_135 = arith.constant 0.000000e+00 : f32
      %broadcast_in_dim3A_136 = vector.broadcast %broadcast_in_dim3A_135 : f32 to vector<16xf32>
      %swap3A_137 = arith.index_cast %add3A_94 : i32 to index
      %swap3A_138 = arith.constant 96 : index
      %swap3A_139 = tpu.vector_load %arg7[%swap3A_137, %swap3A_138] {strides = array<i32>} : memref<32x128xf32, #tpu.memory_space<vmem>>, vector<1x16xf32>,
      %swap3A_140 = vector.shape_cast %swap3A_139 : vector<1x16xf32> to vector<16xf32>
      %swap3A_141 = vector.shape_cast %broadcast_in_dim3A_136 : vector<16xf32> to vector<1x16xf32>
      tpu.vector_store %arg7[%swap3A_137, %swap3A_138], %swap3A_141 {strides = array<i32>} : memref<32x128xf32, #tpu.memory_space<vmem>>, vector<1x16xf32>,
      %broadcast_in_dim3A_142 = arith.constant 0.000000e+00 : f32
      %broadcast_in_dim3A_143 = vector.broadcast %broadcast_in_dim3A_142 : f32 to vector<16xf32>
      %swap3A_144 = arith.index_cast %add3A_94 : i32 to index
      %swap3A_145 = arith.constant 112 : index
      %swap3A_146 = tpu.vector_load %arg7[%swap3A_144, %swap3A_145] {strides = array<i32>} : memref<32x128xf32, #tpu.memory_space<vmem>>, vector<1x16xf32>,
      %swap3A_147 = vector.shape_cast %swap3A_146 : vector<1x16xf32> to vector<16xf32>
      %swap3A_148 = vector.shape_cast %broadcast_in_dim3A_143 : vector<16xf32> to vector<1x16xf32>
      tpu.vector_store %arg7[%swap3A_144, %swap3A_145], %swap3A_148 {strides = array<i32>} : memref<32x128xf32, #tpu.memory_space<vmem>>, vector<1x16xf32>,
    }
    %scan3A_47 = arith.constant 32 : i32
    %dma_start3A_48 = arith.constant 0 : i32
    %dma_start3A_49 = tpu.memref_slice %arg6[%mul3A_43, %dma_start3A_48] : memref<10240x128xf32, #tpu.memory_space<vmem_shared>> -> memref<32x128xf32, #tpu.memory_space<vmem_shared>>
    %dma_start3A_50 = arith.constant 0 : i32
    %dma_start3A_51 = tpu.memref_slice %arg6[%mul3A_43, %dma_start3A_50] : memref<10240x128xf32, #tpu.memory_space<vmem_shared>> -> memref<32x128xf32, #tpu.memory_space<vmem_shared>>
    tpu.enqueue_dma source(%arg7 : memref<32x128xf32, #tpu.memory_space<vmem>>) target(%dma_start3A_51 : memref<32x128xf32, #tpu.memory_space<vmem_shared>>) target_semaphore(%arg17 : memref<!tpu.dma_semaphore, #tpu.memory_space<semaphore_mem>>)
    %add3A_52 = arith.constant 32 : i32
    %add3A_53 = arith.addi %mul3A_43, %add3A_52 : i32
    %dma_start3A_54 = arith.constant 0 : i32
    %dma_start3A_55 = tpu.memref_slice %arg6[%add3A_53, %dma_start3A_54] : memref<10240x128xf32, #tpu.memory_space<vmem_shared>> -> memref<32x128xf32, #tpu.memory_space<vmem_shared>>
    %dma_start3A_56 = arith.constant 0 : i32
    %dma_start3A_57 = tpu.memref_slice %arg6[%add3A_53, %dma_start3A_56] : memref<10240x128xf32, #tpu.memory_space<vmem_shared>> -> memref<32x128xf32, #tpu.memory_space<vmem_shared>>
    tpu.enqueue_dma source(%arg7 : memref<32x128xf32, #tpu.memory_space<vmem>>) target(%dma_start3A_57 : memref<32x128xf32, #tpu.memory_space<vmem_shared>>) target_semaphore(%arg17 : memref<!tpu.dma_semaphore, #tpu.memory_space<semaphore_mem>>)
    %scan3A_58 = arith.constant 0 : i32
    %scan3A_59 = arith.constant 18 : i32
    %scan3A_60 = arith.addi %scan3A_58, %scan3A_59 : i32
    %scan3A_61 = arith.constant 1 : i32
    scf.for %scan3A_90 = %scan3A_58 to %scan3A_60 step %scan3A_61  : i32 {
      %mul3A_91 = arith.constant 1 : i32
      %mul3A_92 = arith.muli %scan3A_90, %mul3A_91 : i32
      %add3A_93 = arith.constant 2 : i32
      %add3A_94 = arith.addi %add3A_93, %mul3A_92 : i32
      %dma_wait3A_95 = arith.constant 0 : i32
      %dma_wait3A_96 = tpu.memref_slice %arg6[%mul3A_43, %dma_wait3A_95] : memref<10240x128xf32, #tpu.memory_space<vmem_shared>> -> memref<32x128xf32, #tpu.memory_space<vmem_shared>>
      %dma_wait3A_97 = arith.constant 0 : i32
      %dma_wait3A_98 = tpu.memref_slice %arg6[%mul3A_43, %dma_wait3A_97] : memref<10240x128xf32, #tpu.memory_space<vmem_shared>> -> memref<32x128xf32, #tpu.memory_space<vmem_shared>>
      tpu.wait_dma2 semaphore(%arg17 : memref<!tpu.dma_semaphore, #tpu.memory_space<semaphore_mem>>) src(%arg7 : memref<32x128xf32, #tpu.memory_space<vmem>>) dst(%dma_wait3A_98 : memref<32x128xf32, #tpu.memory_space<vmem_shared>>)
      %mul3A_99 = arith.constant 32 : i32
      %mul3A_100 = arith.muli %add3A_94, %mul3A_99 : i32
      %add3A_101 = arith.addi %mul3A_43, %mul3A_100 : i32
      %dma_start3A_102 = arith.constant 0 : i32
      %dma_start3A_103 = tpu.memref_slice %arg6[%add3A_101, %dma_start3A_102] : memref<10240x128xf32, #tpu.memory_space<vmem_shared>> -> memref<32x128xf32, #tpu.memory_space<vmem_shared>>
      %dma_start3A_104 = arith.constant 0 : i32
      %dma_start3A_105 = tpu.memref_slice %arg6[%add3A_101, %dma_start3A_104] : memref<10240x128xf32, #tpu.memory_space<vmem_shared>> -> memref<32x128xf32, #tpu.memory_space<vmem_shared>>
      tpu.enqueue_dma source(%arg7 : memref<32x128xf32, #tpu.memory_space<vmem>>) target(%dma_start3A_105 : memref<32x128xf32, #tpu.memory_space<vmem_shared>>) target_semaphore(%arg17 : memref<!tpu.dma_semaphore, #tpu.memory_space<semaphore_mem>>)
    }
    %scan3A_62 = arith.constant 18 : i32
    %dma_wait3A = arith.constant 0 : i32
    %dma_wait3A_63 = tpu.memref_slice %arg6[%mul3A_43, %dma_wait3A] : memref<10240x128xf32, #tpu.memory_space<vmem_shared>> -> memref<32x128xf32, #tpu.memory_space<vmem_shared>>
    %dma_wait3A_64 = arith.constant 0 : i32
    %dma_wait3A_65 = tpu.memref_slice %arg6[%mul3A_43, %dma_wait3A_64] : memref<10240x128xf32, #tpu.memory_space<vmem_shared>> -> memref<32x128xf32, #tpu.memory_space<vmem_shared>>
    tpu.wait_dma2 semaphore(%arg17 : memref<!tpu.dma_semaphore, #tpu.memory_space<semaphore_mem>>) src(%arg7 : memref<32x128xf32, #tpu.memory_space<vmem>>) dst(%dma_wait3A_65 : memref<32x128xf32, #tpu.memory_space<vmem_shared>>)
    %dma_wait3A_66 = arith.constant 0 : i32
    %dma_wait3A_67 = tpu.memref_slice %arg6[%mul3A_43, %dma_wait3A_66] : memref<10240x128xf32, #tpu.memory_space<vmem_shared>> -> memref<32x128xf32, #tpu.memory_space<vmem_shared>>
    %dma_wait3A_68 = arith.constant 0 : i32
    %dma_wait3A_69 = tpu.memref_slice %arg6[%mul3A_43, %dma_wait3A_68] : memref<10240x128xf32, #tpu.memory_space<vmem_shared>> -> memref<32x128xf32, #tpu.memory_space<vmem_shared>>
    tpu.wait_dma2 semaphore(%arg17 : memref<!tpu.dma_semaphore, #tpu.memory_space<semaphore_mem>>) src(%arg7 : memref<32x128xf32, #tpu.memory_space<vmem>>) dst(%dma_wait3A_69 : memref<32x128xf32, #tpu.memory_space<vmem_shared>>)
    %barrier3A = arith.constant 0 : index
    tpu.barrier barrier_id(%barrier3A)
    %scan3A_70 = arith.constant 0 : i32
    %scan3A_71 = arith.constant 40 : i32
    %scan3A_72 = arith.addi %scan3A_70, %scan3A_71 : i32
    %scan3A_73 = arith.constant 1 : i32
    scf.for %scan3A_90 = %scan3A_70 to %scan3A_72 step %scan3A_73  : i32 {
      %mul3A_91 = arith.constant 1 : i32
      %mul3A_92 = arith.muli %scan3A_90, %mul3A_91 : i32
      %add3A_93 = arith.constant 0 : i32
      %add3A_94 = arith.addi %add3A_93, %mul3A_92 : i32
      %mul3A_95 = arith.constant 2 : i32
      %mul3A_96 = arith.muli %add3A_94, %mul3A_95 : i32
      %add3A_97 = arith.constant 0 : i32
      %add3A_98 = arith.addi %mul3A_96, %add3A_97 : i32
      %rem3A = arith.constant 4 : i32
      %rem3A_99 = arith.remsi %add3A_98, %rem3A : i32
      %dma_wait3A_100 = arith.constant 0 : i32
      %dma_wait3A_101 = tpu.memref_slice %arg9[%rem3A_99, %dma_wait3A_100] : memref<4x125xi32, #tpu.memory_space<vmem>> -> memref<1x125xi32, #tpu.memory_space<vmem>>
      %dma_wait3A_102 = tpu.memref_squeeze %dma_wait3A_101 : memref<1x125xi32, #tpu.memory_space<vmem>> -> memref<125xi32, #tpu.memory_space<vmem>>
      %dma_wait3A_103 = arith.constant 0 : i32
      %dma_wait3A_104 = tpu.memref_slice %arg4[%mul3A_2, %dma_wait3A_103] : memref<2560x125xi32, #tpu.memory_space<hbm>> -> memref<1x125xi32, #tpu.memory_space<hbm>>
      %dma_wait3A_105 = tpu.memref_squeeze %dma_wait3A_104 : memref<1x125xi32, #tpu.memory_space<hbm>> -> memref<125xi32, #tpu.memory_space<hbm>>
      %dma_wait3A_106 = arith.constant 0 : i32
      %dma_wait3A_107 = tpu.memref_slice %arg9[%rem3A_99, %dma_wait3A_106] : memref<4x125xi32, #tpu.memory_space<vmem>> -> memref<1x125xi32, #tpu.memory_space<vmem>>
      %dma_wait3A_108 = tpu.memref_squeeze %dma_wait3A_107 : memref<1x125xi32, #tpu.memory_space<vmem>> -> memref<125xi32, #tpu.memory_space<vmem>>
      %dma_wait3A_109 = arith.constant 0 : i32
      %dma_wait3A_110 = tpu.memref_slice %arg4[%mul3A_2, %dma_wait3A_109] : memref<2560x125xi32, #tpu.memory_space<hbm>> -> memref<1x125xi32, #tpu.memory_space<hbm>>
      %dma_wait3A_111 = tpu.memref_squeeze %dma_wait3A_110 : memref<1x125xi32, #tpu.memory_space<hbm>> -> memref<125xi32, #tpu.memory_space<hbm>>
      tpu.wait_dma2 semaphore(%arg15 : memref<!tpu.dma_semaphore, #tpu.memory_space<semaphore_mem>>) src(%dma_wait3A_111 : memref<125xi32, #tpu.memory_space<hbm>>) dst(%dma_wait3A_108 : memref<125xi32, #tpu.memory_space<vmem>>)
      %gt3A = arith.constant 0 : i32
      %gt3A_112 = arith.cmpi sgt, %add3A_94, %gt3A : i32
      %convert_element_type3A = arith.extui %gt3A_112 : i1 to i32
      %cond3A = arith.constant 0 : i32
      %cond3A_113 = arith.cmpi ne, %convert_element_type3A, %cond3A : i32
      scf.if %cond3A_113 {
        %dma_wait3A_214 = arith.constant 1 : i32
        %dma_wait3A_215 = arith.constant 0 : i32
        %dma_wait3A_216 = arith.constant 0 : i32
        %dma_wait3A_217 = tpu.memref_slice %arg10[%dma_wait3A_214, %dma_wait3A_215, %dma_wait3A_216] : memref<2x125x128xf32, #tpu.memory_space<vmem>> -> memref<1x125x128xf32, #tpu.memory_space<vmem>>
        %dma_wait3A_218 = tpu.memref_squeeze %dma_wait3A_217 : memref<1x125x128xf32, #tpu.memory_space<vmem>> -> memref<125x128xf32, #tpu.memory_space<vmem>>
        %dma_wait3A_219 = arith.constant 0 : i32
        %dma_wait3A_220 = tpu.memref_slice %arg9[%rem3A_99, %dma_wait3A_219] : memref<4x125xi32, #tpu.memory_space<vmem>> -> memref<1x125xi32, #tpu.memory_space<vmem>>
        %dma_wait3A_221 = tpu.memref_squeeze %dma_wait3A_220 : memref<1x125xi32, #tpu.memory_space<vmem>> -> memref<125xi32, #tpu.memory_space<vmem>>
        %dma_wait3A_222 = arith.constant 0 : i32
        %dma_wait3A_223 = arith.constant 0 : i32
        %dma_wait3A_224 = tpu.memref_slice %arg6[%dma_wait3A_222, %dma_wait3A_223] : memref<10240x128xf32, #tpu.memory_space<vmem_shared>> -> memref<10240x128xf32, #tpu.memory_space<vmem_shared>>
        tpu.wait_indirect_dma semaphore(%arg14 : memref<!tpu.dma_semaphore, #tpu.memory_space<semaphore_mem>>) src(%dma_wait3A_218 : memref<125x128xf32, #tpu.memory_space<vmem>>) dst(%dma_wait3A_224 : memref<10240x128xf32, #tpu.memory_space<vmem_shared>>)
      } else {
      }
      %add3A_114 = arith.constant 1 : i32
      %add3A_115 = arith.addi %add3A_98, %add3A_114 : i32
      %dma_start3A_116 = arith.constant 1 : i32
      %dma_start3A_117 = arith.constant 0 : i32
      %dma_start3A_118 = arith.constant 0 : i32
      %dma_start3A_119 = tpu.memref_slice %arg10[%dma_start3A_116, %dma_start3A_117, %dma_start3A_118] : memref<2x125x128xf32, #tpu.memory_space<vmem>> -> memref<1x125x128xf32, #tpu.memory_space<vmem>>
      %dma_start3A_120 = tpu.memref_squeeze %dma_start3A_119 : memref<1x125x128xf32, #tpu.memory_space<vmem>> -> memref<125x128xf32, #tpu.memory_space<vmem>>
      %dma_start3A_121 = arith.constant 0 : i32
      %dma_start3A_122 = tpu.memref_slice %arg8[%add3A_115, %dma_start3A_121] : memref<80x125xi32, #tpu.memory_space<vmem>> -> memref<1x125xi32, #tpu.memory_space<vmem>>
      %dma_start3A_123 = tpu.memref_squeeze %dma_start3A_122 : memref<1x125xi32, #tpu.memory_space<vmem>> -> memref<125xi32, #tpu.memory_space<vmem>>
      %dma_start3A_124 = arith.constant 0 : i32
      %dma_start3A_125 = arith.constant 0 : i32
      %dma_start3A_126 = tpu.memref_slice %arg2[%dma_start3A_124, %dma_start3A_125] : memref<10240x128xf32, #tpu.memory_space<hbm>> -> memref<10240x128xf32, #tpu.memory_space<hbm>>
      tpu.enqueue_indirect_dma source(%dma_start3A_126 : memref<10240x128xf32, #tpu.memory_space<hbm>>) target(%dma_start3A_120 : memref<125x128xf32, #tpu.memory_space<vmem>>) offsets(%dma_start3A_123 : memref<125xi32, #tpu.memory_space<vmem>>) semaphore(%arg12 : memref<!tpu.dma_semaphore, #tpu.memory_space<semaphore_mem>>)
      %dma_wait3A_127 = arith.constant 0 : i32
      %dma_wait3A_128 = arith.constant 0 : i32
      %dma_wait3A_129 = arith.constant 0 : i32
      %dma_wait3A_130 = tpu.memref_slice %arg10[%dma_wait3A_127, %dma_wait3A_128, %dma_wait3A_129] : memref<2x125x128xf32, #tpu.memory_space<vmem>> -> memref<1x125x128xf32, #tpu.memory_space<vmem>>
      %dma_wait3A_131 = tpu.memref_squeeze %dma_wait3A_130 : memref<1x125x128xf32, #tpu.memory_space<vmem>> -> memref<125x128xf32, #tpu.memory_space<vmem>>
      %dma_wait3A_132 = arith.constant 0 : i32
      %dma_wait3A_133 = tpu.memref_slice %arg8[%add3A_98, %dma_wait3A_132] : memref<80x125xi32, #tpu.memory_space<vmem>> -> memref<1x125xi32, #tpu.memory_space<vmem>>
      %dma_wait3A_134 = tpu.memref_squeeze %dma_wait3A_133 : memref<1x125xi32, #tpu.memory_space<vmem>> -> memref<125xi32, #tpu.memory_space<vmem>>
      %dma_wait3A_135 = arith.constant 0 : i32
      %dma_wait3A_136 = arith.constant 0 : i32
      %dma_wait3A_137 = tpu.memref_slice %arg2[%dma_wait3A_135, %dma_wait3A_136] : memref<10240x128xf32, #tpu.memory_space<hbm>> -> memref<10240x128xf32, #tpu.memory_space<hbm>>
      tpu.wait_indirect_dma semaphore(%arg11 : memref<!tpu.dma_semaphore, #tpu.memory_space<semaphore_mem>>) src(%dma_wait3A_137 : memref<10240x128xf32, #tpu.memory_space<hbm>>) dst(%dma_wait3A_131 : memref<125x128xf32, #tpu.memory_space<vmem>>)
      %dma_start3A_138 = arith.constant 0 : i32
      %dma_start3A_139 = arith.constant 0 : i32
      %dma_start3A_140 = arith.constant 0 : i32
      %dma_start3A_141 = tpu.memref_slice %arg10[%dma_start3A_138, %dma_start3A_139, %dma_start3A_140] : memref<2x125x128xf32, #tpu.memory_space<vmem>> -> memref<1x125x128xf32, #tpu.memory_space<vmem>>
      %dma_start3A_142 = tpu.memref_squeeze %dma_start3A_141 : memref<1x125x128xf32, #tpu.memory_space<vmem>> -> memref<125x128xf32, #tpu.memory_space<vmem>>
      %dma_start3A_143 = arith.constant 0 : i32
      %dma_start3A_144 = tpu.memref_slice %arg9[%rem3A_99, %dma_start3A_143] : memref<4x125xi32, #tpu.memory_space<vmem>> -> memref<1x125xi32, #tpu.memory_space<vmem>>
      %dma_start3A_145 = tpu.memref_squeeze %dma_start3A_144 : memref<1x125xi32, #tpu.memory_space<vmem>> -> memref<125xi32, #tpu.memory_space<vmem>>
      %dma_start3A_146 = arith.constant 0 : i32
      %dma_start3A_147 = arith.constant 0 : i32
      %dma_start3A_148 = tpu.memref_slice %arg6[%dma_start3A_146, %dma_start3A_147] : memref<10240x128xf32, #tpu.memory_space<vmem_shared>> -> memref<10240x128xf32, #tpu.memory_space<vmem_shared>>
      tpu.enqueue_indirect_dma source(%dma_start3A_142 : memref<125x128xf32, #tpu.memory_space<vmem>>) target(%dma_start3A_148 : memref<10240x128xf32, #tpu.memory_space<vmem_shared>>) offsets(%dma_start3A_145 : memref<125xi32, #tpu.memory_space<vmem>>) semaphore(%arg13 : memref<!tpu.dma_semaphore, #tpu.memory_space<semaphore_mem>>) {add = true}
      %lt3A = arith.constant 78 : i32
      %lt3A_149 = arith.cmpi slt, %add3A_98, %lt3A : i32
      %convert_element_type3A_150 = arith.extui %lt3A_149 : i1 to i32
      %cond3A_151 = arith.constant 0 : i32
      %cond3A_152 = arith.cmpi ne, %convert_element_type3A_150, %cond3A_151 : i32
      scf.if %cond3A_152 {
        %add3A_214 = arith.addi %mul3A_2, %add3A_98 : i32
        %add3A_215 = arith.constant 2 : i32
        %add3A_216 = arith.addi %add3A_214, %add3A_215 : i32
        %add3A_217 = arith.constant 2 : i32
        %add3A_218 = arith.addi %add3A_98, %add3A_217 : i32
        %rem3A_219 = arith.constant 4 : i32
        %rem3A_220 = arith.remsi %add3A_218, %rem3A_219 : i32
        %dma_start3A_221 = arith.constant 0 : i32
        %dma_start3A_222 = tpu.memref_slice %arg9[%rem3A_220, %dma_start3A_221] : memref<4x125xi32, #tpu.memory_space<vmem>> -> memref<1x125xi32, #tpu.memory_space<vmem>>
        %dma_start3A_223 = tpu.memref_squeeze %dma_start3A_222 : memref<1x125xi32, #tpu.memory_space<vmem>> -> memref<125xi32, #tpu.memory_space<vmem>>
        %dma_start3A_224 = arith.constant 0 : i32
        %dma_start3A_225 = tpu.memref_slice %arg4[%add3A_216, %dma_start3A_224] : memref<2560x125xi32, #tpu.memory_space<hbm>> -> memref<1x125xi32, #tpu.memory_space<hbm>>
        %dma_start3A_226 = tpu.memref_squeeze %dma_start3A_225 : memref<1x125xi32, #tpu.memory_space<hbm>> -> memref<125xi32, #tpu.memory_space<hbm>>
        %dma_start3A_227 = arith.constant 0 : i32
        %dma_start3A_228 = tpu.memref_slice %arg9[%rem3A_220, %dma_start3A_227] : memref<4x125xi32, #tpu.memory_space<vmem>> -> memref<1x125xi32, #tpu.memory_space<vmem>>
        %dma_start3A_229 = tpu.memref_squeeze %dma_start3A_228 : memref<1x125xi32, #tpu.memory_space<vmem>> -> memref<125xi32, #tpu.memory_space<vmem>>
        %dma_start3A_230 = arith.constant 0 : i32
        %dma_start3A_231 = tpu.memref_slice %arg4[%add3A_216, %dma_start3A_230] : memref<2560x125xi32, #tpu.memory_space<hbm>> -> memref<1x125xi32, #tpu.memory_space<hbm>>
        %dma_start3A_232 = tpu.memref_squeeze %dma_start3A_231 : memref<1x125xi32, #tpu.memory_space<hbm>> -> memref<125xi32, #tpu.memory_space<hbm>>
        tpu.enqueue_dma source(%dma_start3A_232 : memref<125xi32, #tpu.memory_space<hbm>>) target(%dma_start3A_229 : memref<125xi32, #tpu.memory_space<vmem>>) target_semaphore(%arg15 : memref<!tpu.dma_semaphore, #tpu.memory_space<semaphore_mem>>)
      } else {
      }
      %mul3A_153 = arith.constant 2 : i32
      %mul3A_154 = arith.muli %add3A_94, %mul3A_153 : i32
      %add3A_155 = arith.constant 1 : i32
      %add3A_156 = arith.addi %mul3A_154, %add3A_155 : i32
      %rem3A_157 = arith.constant 4 : i32
      %rem3A_158 = arith.remsi %add3A_156, %rem3A_157 : i32
      %dma_wait3A_159 = arith.constant 0 : i32
      %dma_wait3A_160 = tpu.memref_slice %arg9[%rem3A_158, %dma_wait3A_159] : memref<4x125xi32, #tpu.memory_space<vmem>> -> memref<1x125xi32, #tpu.memory_space<vmem>>
      %dma_wait3A_161 = tpu.memref_squeeze %dma_wait3A_160 : memref<1x125xi32, #tpu.memory_space<vmem>> -> memref<125xi32, #tpu.memory_space<vmem>>
      %dma_wait3A_162 = arith.constant 0 : i32
      %dma_wait3A_163 = tpu.memref_slice %arg4[%mul3A_2, %dma_wait3A_162] : memref<2560x125xi32, #tpu.memory_space<hbm>> -> memref<1x125xi32, #tpu.memory_space<hbm>>
      %dma_wait3A_164 = tpu.memref_squeeze %dma_wait3A_163 : memref<1x125xi32, #tpu.memory_space<hbm>> -> memref<125xi32, #tpu.memory_space<hbm>>
      %dma_wait3A_165 = arith.constant 0 : i32
      %dma_wait3A_166 = tpu.memref_slice %arg9[%rem3A_158, %dma_wait3A_165] : memref<4x125xi32, #tpu.memory_space<vmem>> -> memref<1x125xi32, #tpu.memory_space<vmem>>
      %dma_wait3A_167 = tpu.memref_squeeze %dma_wait3A_166 : memref<1x125xi32, #tpu.memory_space<vmem>> -> memref<125xi32, #tpu.memory_space<vmem>>
      %dma_wait3A_168 = arith.constant 0 : i32
      %dma_wait3A_169 = tpu.memref_slice %arg4[%mul3A_2, %dma_wait3A_168] : memref<2560x125xi32, #tpu.memory_space<hbm>> -> memref<1x125xi32, #tpu.memory_space<hbm>>
      %dma_wait3A_170 = tpu.memref_squeeze %dma_wait3A_169 : memref<1x125xi32, #tpu.memory_space<hbm>> -> memref<125xi32, #tpu.memory_space<hbm>>
      tpu.wait_dma2 semaphore(%arg16 : memref<!tpu.dma_semaphore, #tpu.memory_space<semaphore_mem>>) src(%dma_wait3A_170 : memref<125xi32, #tpu.memory_space<hbm>>) dst(%dma_wait3A_167 : memref<125xi32, #tpu.memory_space<vmem>>)
      %dma_wait3A_171 = arith.constant 0 : i32
      %dma_wait3A_172 = arith.constant 0 : i32
      %dma_wait3A_173 = arith.constant 0 : i32
      %dma_wait3A_174 = tpu.memref_slice %arg10[%dma_wait3A_171, %dma_wait3A_172, %dma_wait3A_173] : memref<2x125x128xf32, #tpu.memory_space<vmem>> -> memref<1x125x128xf32, #tpu.memory_space<vmem>>
      %dma_wait3A_175 = tpu.memref_squeeze %dma_wait3A_174 : memref<1x125x128xf32, #tpu.memory_space<vmem>> -> memref<125x128xf32, #tpu.memory_space<vmem>>
      %dma_wait3A_176 = arith.constant 0 : i32
      %dma_wait3A_177 = tpu.memref_slice %arg9[%rem3A_158, %dma_wait3A_176] : memref<4x125xi32, #tpu.memory_space<vmem>> -> memref<1x125xi32, #tpu.memory_space<vmem>>
      %dma_wait3A_178 = tpu.memref_squeeze %dma_wait3A_177 : memref<1x125xi32, #tpu.memory_space<vmem>> -> memref<125xi32, #tpu.memory_space<vmem>>
      %dma_wait3A_179 = arith.constant 0 : i32
      %dma_wait3A_180 = arith.constant 0 : i32
      %dma_wait3A_181 = tpu.memref_slice %arg6[%dma_wait3A_179, %dma_wait3A_180] : memref<10240x128xf32, #tpu.memory_space<vmem_shared>> -> memref<10240x128xf32, #tpu.memory_space<vmem_shared>>
      tpu.wait_indirect_dma semaphore(%arg13 : memref<!tpu.dma_semaphore, #tpu.memory_space<semaphore_mem>>) src(%dma_wait3A_175 : memref<125x128xf32, #tpu.memory_space<vmem>>) dst(%dma_wait3A_181 : memref<10240x128xf32, #tpu.memory_space<vmem_shared>>)
      %lt3A_182 = arith.constant 39 : i32
      %lt3A_183 = arith.cmpi slt, %add3A_94, %lt3A_182 : i32
      %convert_element_type3A_184 = arith.extui %lt3A_183 : i1 to i32
      %cond3A_185 = arith.constant 0 : i32
      %cond3A_186 = arith.cmpi ne, %convert_element_type3A_184, %cond3A_185 : i32
      scf.if %cond3A_186 {
        %add3A_214 = arith.constant 1 : i32
        %add3A_215 = arith.addi %add3A_156, %add3A_214 : i32
        %dma_start3A_216 = arith.constant 0 : i32
        %dma_start3A_217 = arith.constant 0 : i32
        %dma_start3A_218 = arith.constant 0 : i32
        %dma_start3A_219 = tpu.memref_slice %arg10[%dma_start3A_216, %dma_start3A_217, %dma_start3A_218] : memref<2x125x128xf32, #tpu.memory_space<vmem>> -> memref<1x125x128xf32, #tpu.memory_space<vmem>>
        %dma_start3A_220 = tpu.memref_squeeze %dma_start3A_219 : memref<1x125x128xf32, #tpu.memory_space<vmem>> -> memref<125x128xf32, #tpu.memory_space<vmem>>
        %dma_start3A_221 = arith.constant 0 : i32
        %dma_start3A_222 = tpu.memref_slice %arg8[%add3A_215, %dma_start3A_221] : memref<80x125xi32, #tpu.memory_space<vmem>> -> memref<1x125xi32, #tpu.memory_space<vmem>>
        %dma_start3A_223 = tpu.memref_squeeze %dma_start3A_222 : memref<1x125xi32, #tpu.memory_space<vmem>> -> memref<125xi32, #tpu.memory_space<vmem>>
        %dma_start3A_224 = arith.constant 0 : i32
        %dma_start3A_225 = arith.constant 0 : i32
        %dma_start3A_226 = tpu.memref_slice %arg2[%dma_start3A_224, %dma_start3A_225] : memref<10240x128xf32, #tpu.memory_space<hbm>> -> memref<10240x128xf32, #tpu.memory_space<hbm>>
        tpu.enqueue_indirect_dma source(%dma_start3A_226 : memref<10240x128xf32, #tpu.memory_space<hbm>>) target(%dma_start3A_220 : memref<125x128xf32, #tpu.memory_space<vmem>>) offsets(%dma_start3A_223 : memref<125xi32, #tpu.memory_space<vmem>>) semaphore(%arg11 : memref<!tpu.dma_semaphore, #tpu.memory_space<semaphore_mem>>)
      } else {
      }
      %dma_wait3A_187 = arith.constant 1 : i32
      %dma_wait3A_188 = arith.constant 0 : i32
      %dma_wait3A_189 = arith.constant 0 : i32
      %dma_wait3A_190 = tpu.memref_slice %arg10[%dma_wait3A_187, %dma_wait3A_188, %dma_wait3A_189] : memref<2x125x128xf32, #tpu.memory_space<vmem>> -> memref<1x125x128xf32, #tpu.memory_space<vmem>>
      %dma_wait3A_191 = tpu.memref_squeeze %dma_wait3A_190 : memref<1x125x128xf32, #tpu.memory_space<vmem>> -> memref<125x128xf32, #tpu.memory_space<vmem>>
      %dma_wait3A_192 = arith.constant 0 : i32
      %dma_wait3A_193 = tpu.memref_slice %arg8[%add3A_156, %dma_wait3A_192] : memref<80x125xi32, #tpu.memory_space<vmem>> -> memref<1x125xi32, #tpu.memory_space<vmem>>
      %dma_wait3A_194 = tpu.memref_squeeze %dma_wait3A_193 : memref<1x125xi32, #tpu.memory_space<vmem>> -> memref<125xi32, #tpu.memory_space<vmem>>
      %dma_wait3A_195 = arith.constant 0 : i32
      %dma_wait3A_196 = arith.constant 0 : i32
      %dma_wait3A_197 = tpu.memref_slice %arg2[%dma_wait3A_195, %dma_wait3A_196] : memref<10240x128xf32, #tpu.memory_space<hbm>> -> memref<10240x128xf32, #tpu.memory_space<hbm>>
      tpu.wait_indirect_dma semaphore(%arg12 : memref<!tpu.dma_semaphore, #tpu.memory_space<semaphore_mem>>) src(%dma_wait3A_197 : memref<10240x128xf32, #tpu.memory_space<hbm>>) dst(%dma_wait3A_191 : memref<125x128xf32, #tpu.memory_space<vmem>>)
      %dma_start3A_198 = arith.constant 1 : i32
      %dma_start3A_199 = arith.constant 0 : i32
      %dma_start3A_200 = arith.constant 0 : i32
      %dma_start3A_201 = tpu.memref_slice %arg10[%dma_start3A_198, %dma_start3A_199, %dma_start3A_200] : memref<2x125x128xf32, #tpu.memory_space<vmem>> -> memref<1x125x128xf32, #tpu.memory_space<vmem>>
      %dma_start3A_202 = tpu.memref_squeeze %dma_start3A_201 : memref<1x125x128xf32, #tpu.memory_space<vmem>> -> memref<125x128xf32, #tpu.memory_space<vmem>>
      %dma_start3A_203 = arith.constant 0 : i32
      %dma_start3A_204 = tpu.memref_slice %arg9[%rem3A_158, %dma_start3A_203] : memref<4x125xi32, #tpu.memory_space<vmem>> -> memref<1x125xi32, #tpu.memory_space<vmem>>
      %dma_start3A_205 = tpu.memref_squeeze %dma_start3A_204 : memref<1x125xi32, #tpu.memory_space<vmem>> -> memref<125xi32, #tpu.memory_space<vmem>>
      %dma_start3A_206 = arith.constant 0 : i32
      %dma_start3A_207 = arith.constant 0 : i32
      %dma_start3A_208 = tpu.memref_slice %arg6[%dma_start3A_206, %dma_start3A_207] : memref<10240x128xf32, #tpu.memory_space<vmem_shared>> -> memref<10240x128xf32, #tpu.memory_space<vmem_shared>>
      tpu.enqueue_indirect_dma source(%dma_start3A_202 : memref<125x128xf32, #tpu.memory_space<vmem>>) target(%dma_start3A_208 : memref<10240x128xf32, #tpu.memory_space<vmem_shared>>) offsets(%dma_start3A_205 : memref<125xi32, #tpu.memory_space<vmem>>) semaphore(%arg14 : memref<!tpu.dma_semaphore, #tpu.memory_space<semaphore_mem>>) {add = true}
      %lt3A_209 = arith.constant 78 : i32
      %lt3A_210 = arith.cmpi slt, %add3A_156, %lt3A_209 : i32
      %convert_element_type3A_211 = arith.extui %lt3A_210 : i1 to i32
      %cond3A_212 = arith.constant 0 : i32
      %cond3A_213 = arith.cmpi ne, %convert_element_type3A_211, %cond3A_212 : i32
      scf.if %cond3A_213 {
        %add3A_214 = arith.addi %mul3A_2, %add3A_156 : i32
        %add3A_215 = arith.constant 2 : i32
        %add3A_216 = arith.addi %add3A_214, %add3A_215 : i32
        %add3A_217 = arith.constant 2 : i32
        %add3A_218 = arith.addi %add3A_156, %add3A_217 : i32
        %rem3A_219 = arith.constant 4 : i32
        %rem3A_220 = arith.remsi %add3A_218, %rem3A_219 : i32
        %dma_start3A_221 = arith.constant 0 : i32
        %dma_start3A_222 = tpu.memref_slice %arg9[%rem3A_220, %dma_start3A_221] : memref<4x125xi32, #tpu.memory_space<vmem>> -> memref<1x125xi32, #tpu.memory_space<vmem>>
        %dma_start3A_223 = tpu.memref_squeeze %dma_start3A_222 : memref<1x125xi32, #tpu.memory_space<vmem>> -> memref<125xi32, #tpu.memory_space<vmem>>
        %dma_start3A_224 = arith.constant 0 : i32
        %dma_start3A_225 = tpu.memref_slice %arg4[%add3A_216, %dma_start3A_224] : memref<2560x125xi32, #tpu.memory_space<hbm>> -> memref<1x125xi32, #tpu.memory_space<hbm>>
        %dma_start3A_226 = tpu.memref_squeeze %dma_start3A_225 : memref<1x125xi32, #tpu.memory_space<hbm>> -> memref<125xi32, #tpu.memory_space<hbm>>
        %dma_start3A_227 = arith.constant 0 : i32
        %dma_start3A_228 = tpu.memref_slice %arg9[%rem3A_220, %dma_start3A_227] : memref<4x125xi32, #tpu.memory_space<vmem>> -> memref<1x125xi32, #tpu.memory_space<vmem>>
        %dma_start3A_229 = tpu.memref_squeeze %dma_start3A_228 : memref<1x125xi32, #tpu.memory_space<vmem>> -> memref<125xi32, #tpu.memory_space<vmem>>
        %dma_start3A_230 = arith.constant 0 : i32
        %dma_start3A_231 = tpu.memref_slice %arg4[%add3A_216, %dma_start3A_230] : memref<2560x125xi32, #tpu.memory_space<hbm>> -> memref<1x125xi32, #tpu.memory_space<hbm>>
        %dma_start3A_232 = tpu.memref_squeeze %dma_start3A_231 : memref<1x125xi32, #tpu.memory_space<hbm>> -> memref<125xi32, #tpu.memory_space<hbm>>
        tpu.enqueue_dma source(%dma_start3A_232 : memref<125xi32, #tpu.memory_space<hbm>>) target(%dma_start3A_229 : memref<125xi32, #tpu.memory_space<vmem>>) target_semaphore(%arg16 : memref<!tpu.dma_semaphore, #tpu.memory_space<semaphore_mem>>)
      } else {
      }
    }
    %scan3A_74 = arith.constant 40 : i32
    %dma_wait3A_75 = arith.constant 1 : i32
    %dma_wait3A_76 = arith.constant 0 : i32
    %dma_wait3A_77 = arith.constant 0 : i32
    %dma_wait3A_78 = arith.constant 0 : i32
    %dma_wait3A_79 = tpu.memref_slice %arg10[%dma_wait3A_75, %dma_wait3A_77, %dma_wait3A_78] : memref<2x125x128xf32, #tpu.memory_space<vmem>> -> memref<1x125x128xf32, #tpu.memory_space<vmem>>
    %dma_wait3A_80 = tpu.memref_squeeze %dma_wait3A_79 : memref<1x125x128xf32, #tpu.memory_space<vmem>> -> memref<125x128xf32, #tpu.memory_space<vmem>>
    %dma_wait3A_81 = arith.constant 0 : i32
    %dma_wait3A_82 = tpu.memref_slice %arg9[%dma_wait3A_76, %dma_wait3A_81] : memref<4x125xi32, #tpu.memory_space<vmem>> -> memref<1x125xi32, #tpu.memory_space<vmem>>
    %dma_wait3A_83 = tpu.memref_squeeze %dma_wait3A_82 : memref<1x125xi32, #tpu.memory_space<vmem>> -> memref<125xi32, #tpu.memory_space<vmem>>
    %dma_wait3A_84 = arith.constant 0 : i32
    %dma_wait3A_85 = arith.constant 0 : i32
    %dma_wait3A_86 = tpu.memref_slice %arg6[%dma_wait3A_84, %dma_wait3A_85] : memref<10240x128xf32, #tpu.memory_space<vmem_shared>> -> memref<10240x128xf32, #tpu.memory_space<vmem_shared>>
    tpu.wait_indirect_dma semaphore(%arg14 : memref<!tpu.dma_semaphore, #tpu.memory_space<semaphore_mem>>) src(%dma_wait3A_80 : memref<125x128xf32, #tpu.memory_space<vmem>>) dst(%dma_wait3A_86 : memref<10240x128xf32, #tpu.memory_space<vmem_shared>>)
    %barrier3A_87 = arith.constant 0 : index
    tpu.barrier barrier_id(%barrier3A_87)
    %mul3A_88 = arith.constant 640 : i32
    %mul3A_89 = arith.muli %arg1, %mul3A_88 : i32
    "tpu.region"() ({
      %run_scoped3A = tpu.sem_alloc : memref<!tpu.dma_semaphore, #tpu.memory_space<semaphore_mem>>
      %dma_start3A_90 = arith.constant 0 : i32
      %dma_start3A_91 = arith.constant 0 : i32
      %dma_start3A_92 = tpu.memref_slice %arg5[%arg0, %dma_start3A_90, %dma_start3A_91] : memref<2x10240x128xf32, #tpu.memory_space<hbm>> -> memref<1x10240x128xf32, #tpu.memory_space<hbm>>
      %dma_start3A_93 = tpu.memref_squeeze %dma_start3A_92 : memref<1x10240x128xf32, #tpu.memory_space<hbm>> -> memref<10240x128xf32, #tpu.memory_space<hbm>>
      %dma_start3A_94 = arith.constant 0 : i32
      %dma_start3A_95 = tpu.memref_slice %dma_start3A_93[%mul3A_89, %dma_start3A_94] : memref<10240x128xf32, #tpu.memory_space<hbm>> -> memref<640x128xf32, #tpu.memory_space<hbm>>
      %dma_start3A_96 = arith.constant 0 : i32
      %dma_start3A_97 = tpu.memref_slice %arg6[%mul3A_89, %dma_start3A_96] : memref<10240x128xf32, #tpu.memory_space<vmem_shared>> -> memref<640x128xf32, #tpu.memory_space<vmem_shared>>
      tpu.enqueue_dma source(%dma_start3A_97 : memref<640x128xf32, #tpu.memory_space<vmem_shared>>) target(%dma_start3A_95 : memref<640x128xf32, #tpu.memory_space<hbm>>) target_semaphore(%run_scoped3A : memref<!tpu.dma_semaphore, #tpu.memory_space<semaphore_mem>>)
      %dma_wait3A_98 = arith.constant 0 : i32
      %dma_wait3A_99 = arith.constant 0 : i32
      %dma_wait3A_100 = tpu.memref_slice %arg5[%arg0, %dma_wait3A_98, %dma_wait3A_99] : memref<2x10240x128xf32, #tpu.memory_space<hbm>> -> memref<1x10240x128xf32, #tpu.memory_space<hbm>>
      %dma_wait3A_101 = tpu.memref_squeeze %dma_wait3A_100 : memref<1x10240x128xf32, #tpu.memory_space<hbm>> -> memref<10240x128xf32, #tpu.memory_space<hbm>>
      %dma_wait3A_102 = arith.constant 0 : i32
      %dma_wait3A_103 = tpu.memref_slice %dma_wait3A_101[%mul3A_89, %dma_wait3A_102] : memref<10240x128xf32, #tpu.memory_space<hbm>> -> memref<640x128xf32, #tpu.memory_space<hbm>>
      %dma_wait3A_104 = arith.constant 0 : i32
      %dma_wait3A_105 = tpu.memref_slice %arg6[%mul3A_89, %dma_wait3A_104] : memref<10240x128xf32, #tpu.memory_space<vmem_shared>> -> memref<640x128xf32, #tpu.memory_space<vmem_shared>>
      tpu.wait_dma2 semaphore(%run_scoped3A : memref<!tpu.dma_semaphore, #tpu.memory_space<semaphore_mem>>) src(%dma_wait3A_105 : memref<640x128xf32, #tpu.memory_space<vmem_shared>>) dst(%dma_wait3A_103 : memref<640x128xf32, #tpu.memory_space<hbm>>)
      tpu.yield
    }) : () -> ()
    return
  }
}

#map = affine_map<(d0, d1) -> (0, 0)>
#map1 = affine_map<(d0, d1) -> (0, 0, 0)>
module attributes {stable_mosaic.version = 14 : i64} {
  func.func @_sc_agg_body(%arg0: i32, %arg1: i32, %arg2: memref<10240x128xf32, #tpu.memory_space<hbm>>, %arg3: memref<2560x125xi32, #tpu.memory_space<hbm>>, %arg4: memref<2560x125xi32, #tpu.memory_space<hbm>>, %arg5: memref<2x10240x128xf32, #tpu.memory_space<hbm>>, %arg6: memref<10240x128xf32, #tpu.memory_space<vmem_shared>>, %arg7: memref<32x128xf32, #tpu.memory_space<vmem>>, %arg8: memref<80x125xi32, #tpu.memory_space<vmem>>, %arg9: memref<4x125xi32, #tpu.memory_space<vmem>>, %arg10: memref<2x125x128xf32, #tpu.memory_space<vmem>>, %arg11: memref<!tpu.dma_semaphore, #tpu.memory_space<semaphore_mem>>, %arg12: memref<!tpu.dma_semaphore, #tpu.memory_space<semaphore_mem>>, %arg13: memref<!tpu.dma_semaphore, #tpu.memory_space<semaphore_mem>>, %arg14: memref<!tpu.dma_semaphore, #tpu.memory_space<semaphore_mem>>, %arg15: memref<!tpu.dma_semaphore, #tpu.memory_space<semaphore_mem>>, %arg16: memref<!tpu.dma_semaphore, #tpu.memory_space<semaphore_mem>>, %arg17: memref<!tpu.dma_semaphore, #tpu.memory_space<semaphore_mem>>) attributes {dimension_semantics = [#tpu.dimension_semantics<core_parallel>, #tpu.dimension_semantics<subcore_parallel>], iteration_bounds = array<i64: 2, 16>, scalar_prefetch = 0 : i64, scratch_operands = 12 : i64, tpu.core_type = #tpu.core_type<sc_vector_subcore>, window_params = [{transform_indices = #map}, {transform_indices = #map}, {transform_indices = #map}, {transform_indices = #map1}]} {
    %mul3A = arith.constant 2 : i32
    %mul3A_0 = arith.muli %arg1, %mul3A : i32
    %add3A = arith.addi %mul3A_0, %arg0 : i32
    %mul3A_1 = arith.constant 80 : i32
    %mul3A_2 = arith.muli %add3A, %mul3A_1 : i32
    "tpu.region"() ({
      %run_scoped3A = tpu.sem_alloc : memref<!tpu.dma_semaphore, #tpu.memory_space<semaphore_mem>>
      %dma_start3A_90 = arith.constant 0 : i32
      %dma_start3A_91 = tpu.memref_slice %arg3[%mul3A_2, %dma_start3A_90] : memref<2560x125xi32, #tpu.memory_space<hbm>> -> memref<80x125xi32, #tpu.memory_space<hbm>>
      %dma_start3A_92 = arith.constant 0 : i32
      %dma_start3A_93 = tpu.memref_slice %arg3[%mul3A_2, %dma_start3A_92] : memref<2560x125xi32, #tpu.memory_space<hbm>> -> memref<80x125xi32, #tpu.memory_space<hbm>>
      tpu.enqueue_dma source(%dma_start3A_93 : memref<80x125xi32, #tpu.memory_space<hbm>>) target(%arg8 : memref<80x125xi32, #tpu.memory_space<vmem>>) target_semaphore(%run_scoped3A : memref<!tpu.dma_semaphore, #tpu.memory_space<semaphore_mem>>)
      %dma_wait3A_94 = arith.constant 0 : i32
      %dma_wait3A_95 = tpu.memref_slice %arg3[%mul3A_2, %dma_wait3A_94] : memref<2560x125xi32, #tpu.memory_space<hbm>> -> memref<80x125xi32, #tpu.memory_space<hbm>>
      %dma_wait3A_96 = arith.constant 0 : i32
      %dma_wait3A_97 = tpu.memref_slice %arg3[%mul3A_2, %dma_wait3A_96] : memref<2560x125xi32, #tpu.memory_space<hbm>> -> memref<80x125xi32, #tpu.memory_space<hbm>>
      tpu.wait_dma2 semaphore(%run_scoped3A : memref<!tpu.dma_semaphore, #tpu.memory_space<semaphore_mem>>) src(%dma_wait3A_97 : memref<80x125xi32, #tpu.memory_space<hbm>>) dst(%arg8 : memref<80x125xi32, #tpu.memory_space<vmem>>)
      tpu.yield
    }) : () -> ()
    %dma_start3A = arith.constant 0 : i32
    %dma_start3A_3 = arith.constant 0 : i32
    %dma_start3A_4 = tpu.memref_slice %arg9[%dma_start3A, %dma_start3A_3] : memref<4x125xi32, #tpu.memory_space<vmem>> -> memref<1x125xi32, #tpu.memory_space<vmem>>
    %dma_start3A_5 = tpu.memref_squeeze %dma_start3A_4 : memref<1x125xi32, #tpu.memory_space<vmem>> -> memref<125xi32, #tpu.memory_space<vmem>>
    %dma_start3A_6 = arith.constant 0 : i32
    %dma_start3A_7 = tpu.memref_slice %arg4[%mul3A_2, %dma_start3A_6] : memref<2560x125xi32, #tpu.memory_space<hbm>> -> memref<1x125xi32, #tpu.memory_space<hbm>>
    %dma_start3A_8 = tpu.memref_squeeze %dma_start3A_7 : memref<1x125xi32, #tpu.memory_space<hbm>> -> memref<125xi32, #tpu.memory_space<hbm>>
    %dma_start3A_9 = arith.constant 0 : i32
    %dma_start3A_10 = tpu.memref_slice %arg9[%dma_start3A, %dma_start3A_9] : memref<4x125xi32, #tpu.memory_space<vmem>> -> memref<1x125xi32, #tpu.memory_space<vmem>>
    %dma_start3A_11 = tpu.memref_squeeze %dma_start3A_10 : memref<1x125xi32, #tpu.memory_space<vmem>> -> memref<125xi32, #tpu.memory_space<vmem>>
    %dma_start3A_12 = arith.constant 0 : i32
    %dma_start3A_13 = tpu.memref_slice %arg4[%mul3A_2, %dma_start3A_12] : memref<2560x125xi32, #tpu.memory_space<hbm>> -> memref<1x125xi32, #tpu.memory_space<hbm>>
    %dma_start3A_14 = tpu.memref_squeeze %dma_start3A_13 : memref<1x125xi32, #tpu.memory_space<hbm>> -> memref<125xi32, #tpu.memory_space<hbm>>
    tpu.enqueue_dma source(%dma_start3A_14 : memref<125xi32, #tpu.memory_space<hbm>>) target(%dma_start3A_11 : memref<125xi32, #tpu.memory_space<vmem>>) target_semaphore(%arg15 : memref<!tpu.dma_semaphore, #tpu.memory_space<semaphore_mem>>)
    %add3A_15 = arith.constant 1 : i32
    %add3A_16 = arith.addi %mul3A_2, %add3A_15 : i32
    %dma_start3A_17 = arith.constant 1 : i32
    %dma_start3A_18 = arith.constant 0 : i32
    %dma_start3A_19 = tpu.memref_slice %arg9[%dma_start3A_17, %dma_start3A_18] : memref<4x125xi32, #tpu.memory_space<vmem>> -> memref<1x125xi32, #tpu.memory_space<vmem>>
    %dma_start3A_20 = tpu.memref_squeeze %dma_start3A_19 : memref<1x125xi32, #tpu.memory_space<vmem>> -> memref<125xi32, #tpu.memory_space<vmem>>
    %dma_start3A_21 = arith.constant 0 : i32
    %dma_start3A_22 = tpu.memref_slice %arg4[%add3A_16, %dma_start3A_21] : memref<2560x125xi32, #tpu.memory_space<hbm>> -> memref<1x125xi32, #tpu.memory_space<hbm>>
    %dma_start3A_23 = tpu.memref_squeeze %dma_start3A_22 : memref<1x125xi32, #tpu.memory_space<hbm>> -> memref<125xi32, #tpu.memory_space<hbm>>
    %dma_start3A_24 = arith.constant 0 : i32
    %dma_start3A_25 = tpu.memref_slice %arg9[%dma_start3A_17, %dma_start3A_24] : memref<4x125xi32, #tpu.memory_space<vmem>> -> memref<1x125xi32, #tpu.memory_space<vmem>>
    %dma_start3A_26 = tpu.memref_squeeze %dma_start3A_25 : memref<1x125xi32, #tpu.memory_space<vmem>> -> memref<125xi32, #tpu.memory_space<vmem>>
    %dma_start3A_27 = arith.constant 0 : i32
    %dma_start3A_28 = tpu.memref_slice %arg4[%add3A_16, %dma_start3A_27] : memref<2560x125xi32, #tpu.memory_space<hbm>> -> memref<1x125xi32, #tpu.memory_space<hbm>>
    %dma_start3A_29 = tpu.memref_squeeze %dma_start3A_28 : memref<1x125xi32, #tpu.memory_space<hbm>> -> memref<125xi32, #tpu.memory_space<hbm>>
    tpu.enqueue_dma source(%dma_start3A_29 : memref<125xi32, #tpu.memory_space<hbm>>) target(%dma_start3A_26 : memref<125xi32, #tpu.memory_space<vmem>>) target_semaphore(%arg16 : memref<!tpu.dma_semaphore, #tpu.memory_space<semaphore_mem>>)
    %dma_start3A_30 = arith.constant 0 : i32
    %dma_start3A_31 = arith.constant 0 : i32
    %dma_start3A_32 = arith.constant 0 : i32
    %dma_start3A_33 = arith.constant 0 : i32
    %dma_start3A_34 = tpu.memref_slice %arg10[%dma_start3A_31, %dma_start3A_32, %dma_start3A_33] : memref<2x125x128xf32, #tpu.memory_space<vmem>> -> memref<1x125x128xf32, #tpu.memory_space<vmem>>
    %dma_start3A_35 = tpu.memref_squeeze %dma_start3A_34 : memref<1x125x128xf32, #tpu.memory_space<vmem>> -> memref<125x128xf32, #tpu.memory_space<vmem>>
    %dma_start3A_36 = arith.constant 0 : i32
    %dma_start3A_37 = tpu.memref_slice %arg8[%dma_start3A_30, %dma_start3A_36] : memref<80x125xi32, #tpu.memory_space<vmem>> -> memref<1x125xi32, #tpu.memory_space<vmem>>
    %dma_start3A_38 = tpu.memref_squeeze %dma_start3A_37 : memref<1x125xi32, #tpu.memory_space<vmem>> -> memref<125xi32, #tpu.memory_space<vmem>>
    %dma_start3A_39 = arith.constant 0 : i32
    %dma_start3A_40 = arith.constant 0 : i32
    %dma_start3A_41 = tpu.memref_slice %arg2[%dma_start3A_39, %dma_start3A_40] : memref<10240x128xf32, #tpu.memory_space<hbm>> -> memref<10240x128xf32, #tpu.memory_space<hbm>>
    tpu.enqueue_indirect_dma source(%dma_start3A_41 : memref<10240x128xf32, #tpu.memory_space<hbm>>) target(%dma_start3A_35 : memref<125x128xf32, #tpu.memory_space<vmem>>) offsets(%dma_start3A_38 : memref<125xi32, #tpu.memory_space<vmem>>) semaphore(%arg11 : memref<!tpu.dma_semaphore, #tpu.memory_space<semaphore_mem>>)
    %mul3A_42 = arith.constant 640 : i32
    %mul3A_43 = arith.muli %arg1, %mul3A_42 : i32
    %scan3A = arith.constant 0 : i32
    %scan3A_44 = arith.constant 32 : i32
    %scan3A_45 = arith.addi %scan3A, %scan3A_44 : i32
    %scan3A_46 = arith.constant 1 : i32
    scf.for %scan3A_90 = %scan3A to %scan3A_45 step %scan3A_46  : i32 {
      %mul3A_91 = arith.constant 1 : i32
      %mul3A_92 = arith.muli %scan3A_90, %mul3A_91 : i32
      %add3A_93 = arith.constant 0 : i32
      %add3A_94 = arith.addi %add3A_93, %mul3A_92 : i32
      %broadcast_in_dim3A = arith.constant 0.000000e+00 : f32
      %broadcast_in_dim3A_95 = vector.broadcast %broadcast_in_dim3A : f32 to vector<16xf32>
      %swap3A = arith.index_cast %add3A_94 : i32 to index
      %swap3A_96 = arith.constant 0 : index
      %swap3A_97 = tpu.vector_load %arg7[%swap3A, %swap3A_96] {strides = array<i32>} : memref<32x128xf32, #tpu.memory_space<vmem>>, vector<1x16xf32>,
      %swap3A_98 = vector.shape_cast %swap3A_97 : vector<1x16xf32> to vector<16xf32>
      %swap3A_99 = vector.shape_cast %broadcast_in_dim3A_95 : vector<16xf32> to vector<1x16xf32>
      tpu.vector_store %arg7[%swap3A, %swap3A_96], %swap3A_99 {strides = array<i32>} : memref<32x128xf32, #tpu.memory_space<vmem>>, vector<1x16xf32>,
      %broadcast_in_dim3A_100 = arith.constant 0.000000e+00 : f32
      %broadcast_in_dim3A_101 = vector.broadcast %broadcast_in_dim3A_100 : f32 to vector<16xf32>
      %swap3A_102 = arith.index_cast %add3A_94 : i32 to index
      %swap3A_103 = arith.constant 16 : index
      %swap3A_104 = tpu.vector_load %arg7[%swap3A_102, %swap3A_103] {strides = array<i32>} : memref<32x128xf32, #tpu.memory_space<vmem>>, vector<1x16xf32>,
      %swap3A_105 = vector.shape_cast %swap3A_104 : vector<1x16xf32> to vector<16xf32>
      %swap3A_106 = vector.shape_cast %broadcast_in_dim3A_101 : vector<16xf32> to vector<1x16xf32>
      tpu.vector_store %arg7[%swap3A_102, %swap3A_103], %swap3A_106 {strides = array<i32>} : memref<32x128xf32, #tpu.memory_space<vmem>>, vector<1x16xf32>,
      %broadcast_in_dim3A_107 = arith.constant 0.000000e+00 : f32
      %broadcast_in_dim3A_108 = vector.broadcast %broadcast_in_dim3A_107 : f32 to vector<16xf32>
      %swap3A_109 = arith.index_cast %add3A_94 : i32 to index
      %swap3A_110 = arith.constant 32 : index
      %swap3A_111 = tpu.vector_load %arg7[%swap3A_109, %swap3A_110] {strides = array<i32>} : memref<32x128xf32, #tpu.memory_space<vmem>>, vector<1x16xf32>,
      %swap3A_112 = vector.shape_cast %swap3A_111 : vector<1x16xf32> to vector<16xf32>
      %swap3A_113 = vector.shape_cast %broadcast_in_dim3A_108 : vector<16xf32> to vector<1x16xf32>
      tpu.vector_store %arg7[%swap3A_109, %swap3A_110], %swap3A_113 {strides = array<i32>} : memref<32x128xf32, #tpu.memory_space<vmem>>, vector<1x16xf32>,
      %broadcast_in_dim3A_114 = arith.constant 0.000000e+00 : f32
      %broadcast_in_dim3A_115 = vector.broadcast %broadcast_in_dim3A_114 : f32 to vector<16xf32>
      %swap3A_116 = arith.index_cast %add3A_94 : i32 to index
      %swap3A_117 = arith.constant 48 : index
      %swap3A_118 = tpu.vector_load %arg7[%swap3A_116, %swap3A_117] {strides = array<i32>} : memref<32x128xf32, #tpu.memory_space<vmem>>, vector<1x16xf32>,
      %swap3A_119 = vector.shape_cast %swap3A_118 : vector<1x16xf32> to vector<16xf32>
      %swap3A_120 = vector.shape_cast %broadcast_in_dim3A_115 : vector<16xf32> to vector<1x16xf32>
      tpu.vector_store %arg7[%swap3A_116, %swap3A_117], %swap3A_120 {strides = array<i32>} : memref<32x128xf32, #tpu.memory_space<vmem>>, vector<1x16xf32>,
      %broadcast_in_dim3A_121 = arith.constant 0.000000e+00 : f32
      %broadcast_in_dim3A_122 = vector.broadcast %broadcast_in_dim3A_121 : f32 to vector<16xf32>
      %swap3A_123 = arith.index_cast %add3A_94 : i32 to index
      %swap3A_124 = arith.constant 64 : index
      %swap3A_125 = tpu.vector_load %arg7[%swap3A_123, %swap3A_124] {strides = array<i32>} : memref<32x128xf32, #tpu.memory_space<vmem>>, vector<1x16xf32>,
      %swap3A_126 = vector.shape_cast %swap3A_125 : vector<1x16xf32> to vector<16xf32>
      %swap3A_127 = vector.shape_cast %broadcast_in_dim3A_122 : vector<16xf32> to vector<1x16xf32>
      tpu.vector_store %arg7[%swap3A_123, %swap3A_124], %swap3A_127 {strides = array<i32>} : memref<32x128xf32, #tpu.memory_space<vmem>>, vector<1x16xf32>,
      %broadcast_in_dim3A_128 = arith.constant 0.000000e+00 : f32
      %broadcast_in_dim3A_129 = vector.broadcast %broadcast_in_dim3A_128 : f32 to vector<16xf32>
      %swap3A_130 = arith.index_cast %add3A_94 : i32 to index
      %swap3A_131 = arith.constant 80 : index
      %swap3A_132 = tpu.vector_load %arg7[%swap3A_130, %swap3A_131] {strides = array<i32>} : memref<32x128xf32, #tpu.memory_space<vmem>>, vector<1x16xf32>,
      %swap3A_133 = vector.shape_cast %swap3A_132 : vector<1x16xf32> to vector<16xf32>
      %swap3A_134 = vector.shape_cast %broadcast_in_dim3A_129 : vector<16xf32> to vector<1x16xf32>
      tpu.vector_store %arg7[%swap3A_130, %swap3A_131], %swap3A_134 {strides = array<i32>} : memref<32x128xf32, #tpu.memory_space<vmem>>, vector<1x16xf32>,
      %broadcast_in_dim3A_135 = arith.constant 0.000000e+00 : f32
      %broadcast_in_dim3A_136 = vector.broadcast %broadcast_in_dim3A_135 : f32 to vector<16xf32>
      %swap3A_137 = arith.index_cast %add3A_94 : i32 to index
      %swap3A_138 = arith.constant 96 : index
      %swap3A_139 = tpu.vector_load %arg7[%swap3A_137, %swap3A_138] {strides = array<i32>} : memref<32x128xf32, #tpu.memory_space<vmem>>, vector<1x16xf32>,
      %swap3A_140 = vector.shape_cast %swap3A_139 : vector<1x16xf32> to vector<16xf32>
      %swap3A_141 = vector.shape_cast %broadcast_in_dim3A_136 : vector<16xf32> to vector<1x16xf32>
      tpu.vector_store %arg7[%swap3A_137, %swap3A_138], %swap3A_141 {strides = array<i32>} : memref<32x128xf32, #tpu.memory_space<vmem>>, vector<1x16xf32>,
      %broadcast_in_dim3A_142 = arith.constant 0.000000e+00 : f32
      %broadcast_in_dim3A_143 = vector.broadcast %broadcast_in_dim3A_142 : f32 to vector<16xf32>
      %swap3A_144 = arith.index_cast %add3A_94 : i32 to index
      %swap3A_145 = arith.constant 112 : index
      %swap3A_146 = tpu.vector_load %arg7[%swap3A_144, %swap3A_145] {strides = array<i32>} : memref<32x128xf32, #tpu.memory_space<vmem>>, vector<1x16xf32>,
      %swap3A_147 = vector.shape_cast %swap3A_146 : vector<1x16xf32> to vector<16xf32>
      %swap3A_148 = vector.shape_cast %broadcast_in_dim3A_143 : vector<16xf32> to vector<1x16xf32>
      tpu.vector_store %arg7[%swap3A_144, %swap3A_145], %swap3A_148 {strides = array<i32>} : memref<32x128xf32, #tpu.memory_space<vmem>>, vector<1x16xf32>,
    }
    %scan3A_47 = arith.constant 32 : i32
    %dma_start3A_48 = arith.constant 0 : i32
    %dma_start3A_49 = tpu.memref_slice %arg6[%mul3A_43, %dma_start3A_48] : memref<10240x128xf32, #tpu.memory_space<vmem_shared>> -> memref<32x128xf32, #tpu.memory_space<vmem_shared>>
    %dma_start3A_50 = arith.constant 0 : i32
    %dma_start3A_51 = tpu.memref_slice %arg6[%mul3A_43, %dma_start3A_50] : memref<10240x128xf32, #tpu.memory_space<vmem_shared>> -> memref<32x128xf32, #tpu.memory_space<vmem_shared>>
    tpu.enqueue_dma source(%arg7 : memref<32x128xf32, #tpu.memory_space<vmem>>) target(%dma_start3A_51 : memref<32x128xf32, #tpu.memory_space<vmem_shared>>) target_semaphore(%arg17 : memref<!tpu.dma_semaphore, #tpu.memory_space<semaphore_mem>>)
    %add3A_52 = arith.constant 32 : i32
    %add3A_53 = arith.addi %mul3A_43, %add3A_52 : i32
    %dma_start3A_54 = arith.constant 0 : i32
    %dma_start3A_55 = tpu.memref_slice %arg6[%add3A_53, %dma_start3A_54] : memref<10240x128xf32, #tpu.memory_space<vmem_shared>> -> memref<32x128xf32, #tpu.memory_space<vmem_shared>>
    %dma_start3A_56 = arith.constant 0 : i32
    %dma_start3A_57 = tpu.memref_slice %arg6[%add3A_53, %dma_start3A_56] : memref<10240x128xf32, #tpu.memory_space<vmem_shared>> -> memref<32x128xf32, #tpu.memory_space<vmem_shared>>
    tpu.enqueue_dma source(%arg7 : memref<32x128xf32, #tpu.memory_space<vmem>>) target(%dma_start3A_57 : memref<32x128xf32, #tpu.memory_space<vmem_shared>>) target_semaphore(%arg17 : memref<!tpu.dma_semaphore, #tpu.memory_space<semaphore_mem>>)
    %scan3A_58 = arith.constant 0 : i32
    %scan3A_59 = arith.constant 18 : i32
    %scan3A_60 = arith.addi %scan3A_58, %scan3A_59 : i32
    %scan3A_61 = arith.constant 1 : i32
    scf.for %scan3A_90 = %scan3A_58 to %scan3A_60 step %scan3A_61  : i32 {
      %mul3A_91 = arith.constant 1 : i32
      %mul3A_92 = arith.muli %scan3A_90, %mul3A_91 : i32
      %add3A_93 = arith.constant 2 : i32
      %add3A_94 = arith.addi %add3A_93, %mul3A_92 : i32
      %dma_wait3A_95 = arith.constant 0 : i32
      %dma_wait3A_96 = tpu.memref_slice %arg6[%mul3A_43, %dma_wait3A_95] : memref<10240x128xf32, #tpu.memory_space<vmem_shared>> -> memref<32x128xf32, #tpu.memory_space<vmem_shared>>
      %dma_wait3A_97 = arith.constant 0 : i32
      %dma_wait3A_98 = tpu.memref_slice %arg6[%mul3A_43, %dma_wait3A_97] : memref<10240x128xf32, #tpu.memory_space<vmem_shared>> -> memref<32x128xf32, #tpu.memory_space<vmem_shared>>
      tpu.wait_dma2 semaphore(%arg17 : memref<!tpu.dma_semaphore, #tpu.memory_space<semaphore_mem>>) src(%arg7 : memref<32x128xf32, #tpu.memory_space<vmem>>) dst(%dma_wait3A_98 : memref<32x128xf32, #tpu.memory_space<vmem_shared>>)
      %mul3A_99 = arith.constant 32 : i32
      %mul3A_100 = arith.muli %add3A_94, %mul3A_99 : i32
      %add3A_101 = arith.addi %mul3A_43, %mul3A_100 : i32
      %dma_start3A_102 = arith.constant 0 : i32
      %dma_start3A_103 = tpu.memref_slice %arg6[%add3A_101, %dma_start3A_102] : memref<10240x128xf32, #tpu.memory_space<vmem_shared>> -> memref<32x128xf32, #tpu.memory_space<vmem_shared>>
      %dma_start3A_104 = arith.constant 0 : i32
      %dma_start3A_105 = tpu.memref_slice %arg6[%add3A_101, %dma_start3A_104] : memref<10240x128xf32, #tpu.memory_space<vmem_shared>> -> memref<32x128xf32, #tpu.memory_space<vmem_shared>>
      tpu.enqueue_dma source(%arg7 : memref<32x128xf32, #tpu.memory_space<vmem>>) target(%dma_start3A_105 : memref<32x128xf32, #tpu.memory_space<vmem_shared>>) target_semaphore(%arg17 : memref<!tpu.dma_semaphore, #tpu.memory_space<semaphore_mem>>)
    }
    %scan3A_62 = arith.constant 18 : i32
    %dma_wait3A = arith.constant 0 : i32
    %dma_wait3A_63 = tpu.memref_slice %arg6[%mul3A_43, %dma_wait3A] : memref<10240x128xf32, #tpu.memory_space<vmem_shared>> -> memref<32x128xf32, #tpu.memory_space<vmem_shared>>
    %dma_wait3A_64 = arith.constant 0 : i32
    %dma_wait3A_65 = tpu.memref_slice %arg6[%mul3A_43, %dma_wait3A_64] : memref<10240x128xf32, #tpu.memory_space<vmem_shared>> -> memref<32x128xf32, #tpu.memory_space<vmem_shared>>
    tpu.wait_dma2 semaphore(%arg17 : memref<!tpu.dma_semaphore, #tpu.memory_space<semaphore_mem>>) src(%arg7 : memref<32x128xf32, #tpu.memory_space<vmem>>) dst(%dma_wait3A_65 : memref<32x128xf32, #tpu.memory_space<vmem_shared>>)
    %dma_wait3A_66 = arith.constant 0 : i32
    %dma_wait3A_67 = tpu.memref_slice %arg6[%mul3A_43, %dma_wait3A_66] : memref<10240x128xf32, #tpu.memory_space<vmem_shared>> -> memref<32x128xf32, #tpu.memory_space<vmem_shared>>
    %dma_wait3A_68 = arith.constant 0 : i32
    %dma_wait3A_69 = tpu.memref_slice %arg6[%mul3A_43, %dma_wait3A_68] : memref<10240x128xf32, #tpu.memory_space<vmem_shared>> -> memref<32x128xf32, #tpu.memory_space<vmem_shared>>
    tpu.wait_dma2 semaphore(%arg17 : memref<!tpu.dma_semaphore, #tpu.memory_space<semaphore_mem>>) src(%arg7 : memref<32x128xf32, #tpu.memory_space<vmem>>) dst(%dma_wait3A_69 : memref<32x128xf32, #tpu.memory_space<vmem_shared>>)
    %barrier3A = arith.constant 0 : index
    tpu.barrier barrier_id(%barrier3A)
    %scan3A_70 = arith.constant 0 : i32
    %scan3A_71 = arith.constant 40 : i32
    %scan3A_72 = arith.addi %scan3A_70, %scan3A_71 : i32
    %scan3A_73 = arith.constant 1 : i32
    scf.for %scan3A_90 = %scan3A_70 to %scan3A_72 step %scan3A_73  : i32 {
      %mul3A_91 = arith.constant 1 : i32
      %mul3A_92 = arith.muli %scan3A_90, %mul3A_91 : i32
      %add3A_93 = arith.constant 0 : i32
      %add3A_94 = arith.addi %add3A_93, %mul3A_92 : i32
      %mul3A_95 = arith.constant 2 : i32
      %mul3A_96 = arith.muli %add3A_94, %mul3A_95 : i32
      %add3A_97 = arith.constant 0 : i32
      %add3A_98 = arith.addi %mul3A_96, %add3A_97 : i32
      %rem3A = arith.constant 4 : i32
      %rem3A_99 = arith.remsi %add3A_98, %rem3A : i32
      %dma_wait3A_100 = arith.constant 0 : i32
      %dma_wait3A_101 = tpu.memref_slice %arg9[%rem3A_99, %dma_wait3A_100] : memref<4x125xi32, #tpu.memory_space<vmem>> -> memref<1x125xi32, #tpu.memory_space<vmem>>
      %dma_wait3A_102 = tpu.memref_squeeze %dma_wait3A_101 : memref<1x125xi32, #tpu.memory_space<vmem>> -> memref<125xi32, #tpu.memory_space<vmem>>
      %dma_wait3A_103 = arith.constant 0 : i32
      %dma_wait3A_104 = tpu.memref_slice %arg4[%mul3A_2, %dma_wait3A_103] : memref<2560x125xi32, #tpu.memory_space<hbm>> -> memref<1x125xi32, #tpu.memory_space<hbm>>
      %dma_wait3A_105 = tpu.memref_squeeze %dma_wait3A_104 : memref<1x125xi32, #tpu.memory_space<hbm>> -> memref<125xi32, #tpu.memory_space<hbm>>
      %dma_wait3A_106 = arith.constant 0 : i32
      %dma_wait3A_107 = tpu.memref_slice %arg9[%rem3A_99, %dma_wait3A_106] : memref<4x125xi32, #tpu.memory_space<vmem>> -> memref<1x125xi32, #tpu.memory_space<vmem>>
      %dma_wait3A_108 = tpu.memref_squeeze %dma_wait3A_107 : memref<1x125xi32, #tpu.memory_space<vmem>> -> memref<125xi32, #tpu.memory_space<vmem>>
      %dma_wait3A_109 = arith.constant 0 : i32
      %dma_wait3A_110 = tpu.memref_slice %arg4[%mul3A_2, %dma_wait3A_109] : memref<2560x125xi32, #tpu.memory_space<hbm>> -> memref<1x125xi32, #tpu.memory_space<hbm>>
      %dma_wait3A_111 = tpu.memref_squeeze %dma_wait3A_110 : memref<1x125xi32, #tpu.memory_space<hbm>> -> memref<125xi32, #tpu.memory_space<hbm>>
      tpu.wait_dma2 semaphore(%arg15 : memref<!tpu.dma_semaphore, #tpu.memory_space<semaphore_mem>>) src(%dma_wait3A_111 : memref<125xi32, #tpu.memory_space<hbm>>) dst(%dma_wait3A_108 : memref<125xi32, #tpu.memory_space<vmem>>)
      %gt3A = arith.constant 0 : i32
      %gt3A_112 = arith.cmpi sgt, %add3A_94, %gt3A : i32
      %convert_element_type3A = arith.extui %gt3A_112 : i1 to i32
      %cond3A = arith.constant 0 : i32
      %cond3A_113 = arith.cmpi ne, %convert_element_type3A, %cond3A : i32
      scf.if %cond3A_113 {
        %dma_wait3A_214 = arith.constant 1 : i32
        %dma_wait3A_215 = arith.constant 0 : i32
        %dma_wait3A_216 = arith.constant 0 : i32
        %dma_wait3A_217 = tpu.memref_slice %arg10[%dma_wait3A_214, %dma_wait3A_215, %dma_wait3A_216] : memref<2x125x128xf32, #tpu.memory_space<vmem>> -> memref<1x125x128xf32, #tpu.memory_space<vmem>>
        %dma_wait3A_218 = tpu.memref_squeeze %dma_wait3A_217 : memref<1x125x128xf32, #tpu.memory_space<vmem>> -> memref<125x128xf32, #tpu.memory_space<vmem>>
        %dma_wait3A_219 = arith.constant 0 : i32
        %dma_wait3A_220 = tpu.memref_slice %arg9[%rem3A_99, %dma_wait3A_219] : memref<4x125xi32, #tpu.memory_space<vmem>> -> memref<1x125xi32, #tpu.memory_space<vmem>>
        %dma_wait3A_221 = tpu.memref_squeeze %dma_wait3A_220 : memref<1x125xi32, #tpu.memory_space<vmem>> -> memref<125xi32, #tpu.memory_space<vmem>>
        %dma_wait3A_222 = arith.constant 0 : i32
        %dma_wait3A_223 = arith.constant 0 : i32
        %dma_wait3A_224 = tpu.memref_slice %arg6[%dma_wait3A_222, %dma_wait3A_223] : memref<10240x128xf32, #tpu.memory_space<vmem_shared>> -> memref<10240x128xf32, #tpu.memory_space<vmem_shared>>
        tpu.wait_indirect_dma semaphore(%arg14 : memref<!tpu.dma_semaphore, #tpu.memory_space<semaphore_mem>>) src(%dma_wait3A_218 : memref<125x128xf32, #tpu.memory_space<vmem>>) dst(%dma_wait3A_224 : memref<10240x128xf32, #tpu.memory_space<vmem_shared>>)
      } else {
      }
      %add3A_114 = arith.constant 1 : i32
      %add3A_115 = arith.addi %add3A_98, %add3A_114 : i32
      %dma_start3A_116 = arith.constant 1 : i32
      %dma_start3A_117 = arith.constant 0 : i32
      %dma_start3A_118 = arith.constant 0 : i32
      %dma_start3A_119 = tpu.memref_slice %arg10[%dma_start3A_116, %dma_start3A_117, %dma_start3A_118] : memref<2x125x128xf32, #tpu.memory_space<vmem>> -> memref<1x125x128xf32, #tpu.memory_space<vmem>>
      %dma_start3A_120 = tpu.memref_squeeze %dma_start3A_119 : memref<1x125x128xf32, #tpu.memory_space<vmem>> -> memref<125x128xf32, #tpu.memory_space<vmem>>
      %dma_start3A_121 = arith.constant 0 : i32
      %dma_start3A_122 = tpu.memref_slice %arg8[%add3A_115, %dma_start3A_121] : memref<80x125xi32, #tpu.memory_space<vmem>> -> memref<1x125xi32, #tpu.memory_space<vmem>>
      %dma_start3A_123 = tpu.memref_squeeze %dma_start3A_122 : memref<1x125xi32, #tpu.memory_space<vmem>> -> memref<125xi32, #tpu.memory_space<vmem>>
      %dma_start3A_124 = arith.constant 0 : i32
      %dma_start3A_125 = arith.constant 0 : i32
      %dma_start3A_126 = tpu.memref_slice %arg2[%dma_start3A_124, %dma_start3A_125] : memref<10240x128xf32, #tpu.memory_space<hbm>> -> memref<10240x128xf32, #tpu.memory_space<hbm>>
      tpu.enqueue_indirect_dma source(%dma_start3A_126 : memref<10240x128xf32, #tpu.memory_space<hbm>>) target(%dma_start3A_120 : memref<125x128xf32, #tpu.memory_space<vmem>>) offsets(%dma_start3A_123 : memref<125xi32, #tpu.memory_space<vmem>>) semaphore(%arg12 : memref<!tpu.dma_semaphore, #tpu.memory_space<semaphore_mem>>)
      %dma_wait3A_127 = arith.constant 0 : i32
      %dma_wait3A_128 = arith.constant 0 : i32
      %dma_wait3A_129 = arith.constant 0 : i32
      %dma_wait3A_130 = tpu.memref_slice %arg10[%dma_wait3A_127, %dma_wait3A_128, %dma_wait3A_129] : memref<2x125x128xf32, #tpu.memory_space<vmem>> -> memref<1x125x128xf32, #tpu.memory_space<vmem>>
      %dma_wait3A_131 = tpu.memref_squeeze %dma_wait3A_130 : memref<1x125x128xf32, #tpu.memory_space<vmem>> -> memref<125x128xf32, #tpu.memory_space<vmem>>
      %dma_wait3A_132 = arith.constant 0 : i32
      %dma_wait3A_133 = tpu.memref_slice %arg8[%add3A_98, %dma_wait3A_132] : memref<80x125xi32, #tpu.memory_space<vmem>> -> memref<1x125xi32, #tpu.memory_space<vmem>>
      %dma_wait3A_134 = tpu.memref_squeeze %dma_wait3A_133 : memref<1x125xi32, #tpu.memory_space<vmem>> -> memref<125xi32, #tpu.memory_space<vmem>>
      %dma_wait3A_135 = arith.constant 0 : i32
      %dma_wait3A_136 = arith.constant 0 : i32
      %dma_wait3A_137 = tpu.memref_slice %arg2[%dma_wait3A_135, %dma_wait3A_136] : memref<10240x128xf32, #tpu.memory_space<hbm>> -> memref<10240x128xf32, #tpu.memory_space<hbm>>
      tpu.wait_indirect_dma semaphore(%arg11 : memref<!tpu.dma_semaphore, #tpu.memory_space<semaphore_mem>>) src(%dma_wait3A_137 : memref<10240x128xf32, #tpu.memory_space<hbm>>) dst(%dma_wait3A_131 : memref<125x128xf32, #tpu.memory_space<vmem>>)
      %dma_start3A_138 = arith.constant 0 : i32
      %dma_start3A_139 = arith.constant 0 : i32
      %dma_start3A_140 = arith.constant 0 : i32
      %dma_start3A_141 = tpu.memref_slice %arg10[%dma_start3A_138, %dma_start3A_139, %dma_start3A_140] : memref<2x125x128xf32, #tpu.memory_space<vmem>> -> memref<1x125x128xf32, #tpu.memory_space<vmem>>
      %dma_start3A_142 = tpu.memref_squeeze %dma_start3A_141 : memref<1x125x128xf32, #tpu.memory_space<vmem>> -> memref<125x128xf32, #tpu.memory_space<vmem>>
      %dma_start3A_143 = arith.constant 0 : i32
      %dma_start3A_144 = tpu.memref_slice %arg9[%rem3A_99, %dma_start3A_143] : memref<4x125xi32, #tpu.memory_space<vmem>> -> memref<1x125xi32, #tpu.memory_space<vmem>>
      %dma_start3A_145 = tpu.memref_squeeze %dma_start3A_144 : memref<1x125xi32, #tpu.memory_space<vmem>> -> memref<125xi32, #tpu.memory_space<vmem>>
      %dma_start3A_146 = arith.constant 0 : i32
      %dma_start3A_147 = arith.constant 0 : i32
      %dma_start3A_148 = tpu.memref_slice %arg6[%dma_start3A_146, %dma_start3A_147] : memref<10240x128xf32, #tpu.memory_space<vmem_shared>> -> memref<10240x128xf32, #tpu.memory_space<vmem_shared>>
      tpu.enqueue_indirect_dma source(%dma_start3A_142 : memref<125x128xf32, #tpu.memory_space<vmem>>) target(%dma_start3A_148 : memref<10240x128xf32, #tpu.memory_space<vmem_shared>>) offsets(%dma_start3A_145 : memref<125xi32, #tpu.memory_space<vmem>>) semaphore(%arg13 : memref<!tpu.dma_semaphore, #tpu.memory_space<semaphore_mem>>) {add = true}
      %lt3A = arith.constant 78 : i32
      %lt3A_149 = arith.cmpi slt, %add3A_98, %lt3A : i32
      %convert_element_type3A_150 = arith.extui %lt3A_149 : i1 to i32
      %cond3A_151 = arith.constant 0 : i32
      %cond3A_152 = arith.cmpi ne, %convert_element_type3A_150, %cond3A_151 : i32
      scf.if %cond3A_152 {
        %add3A_214 = arith.addi %mul3A_2, %add3A_98 : i32
        %add3A_215 = arith.constant 2 : i32
        %add3A_216 = arith.addi %add3A_214, %add3A_215 : i32
        %add3A_217 = arith.constant 2 : i32
        %add3A_218 = arith.addi %add3A_98, %add3A_217 : i32
        %rem3A_219 = arith.constant 4 : i32
        %rem3A_220 = arith.remsi %add3A_218, %rem3A_219 : i32
        %dma_start3A_221 = arith.constant 0 : i32
        %dma_start3A_222 = tpu.memref_slice %arg9[%rem3A_220, %dma_start3A_221] : memref<4x125xi32, #tpu.memory_space<vmem>> -> memref<1x125xi32, #tpu.memory_space<vmem>>
        %dma_start3A_223 = tpu.memref_squeeze %dma_start3A_222 : memref<1x125xi32, #tpu.memory_space<vmem>> -> memref<125xi32, #tpu.memory_space<vmem>>
        %dma_start3A_224 = arith.constant 0 : i32
        %dma_start3A_225 = tpu.memref_slice %arg4[%add3A_216, %dma_start3A_224] : memref<2560x125xi32, #tpu.memory_space<hbm>> -> memref<1x125xi32, #tpu.memory_space<hbm>>
        %dma_start3A_226 = tpu.memref_squeeze %dma_start3A_225 : memref<1x125xi32, #tpu.memory_space<hbm>> -> memref<125xi32, #tpu.memory_space<hbm>>
        %dma_start3A_227 = arith.constant 0 : i32
        %dma_start3A_228 = tpu.memref_slice %arg9[%rem3A_220, %dma_start3A_227] : memref<4x125xi32, #tpu.memory_space<vmem>> -> memref<1x125xi32, #tpu.memory_space<vmem>>
        %dma_start3A_229 = tpu.memref_squeeze %dma_start3A_228 : memref<1x125xi32, #tpu.memory_space<vmem>> -> memref<125xi32, #tpu.memory_space<vmem>>
        %dma_start3A_230 = arith.constant 0 : i32
        %dma_start3A_231 = tpu.memref_slice %arg4[%add3A_216, %dma_start3A_230] : memref<2560x125xi32, #tpu.memory_space<hbm>> -> memref<1x125xi32, #tpu.memory_space<hbm>>
        %dma_start3A_232 = tpu.memref_squeeze %dma_start3A_231 : memref<1x125xi32, #tpu.memory_space<hbm>> -> memref<125xi32, #tpu.memory_space<hbm>>
        tpu.enqueue_dma source(%dma_start3A_232 : memref<125xi32, #tpu.memory_space<hbm>>) target(%dma_start3A_229 : memref<125xi32, #tpu.memory_space<vmem>>) target_semaphore(%arg15 : memref<!tpu.dma_semaphore, #tpu.memory_space<semaphore_mem>>)
      } else {
      }
      %mul3A_153 = arith.constant 2 : i32
      %mul3A_154 = arith.muli %add3A_94, %mul3A_153 : i32
      %add3A_155 = arith.constant 1 : i32
      %add3A_156 = arith.addi %mul3A_154, %add3A_155 : i32
      %rem3A_157 = arith.constant 4 : i32
      %rem3A_158 = arith.remsi %add3A_156, %rem3A_157 : i32
      %dma_wait3A_159 = arith.constant 0 : i32
      %dma_wait3A_160 = tpu.memref_slice %arg9[%rem3A_158, %dma_wait3A_159] : memref<4x125xi32, #tpu.memory_space<vmem>> -> memref<1x125xi32, #tpu.memory_space<vmem>>
      %dma_wait3A_161 = tpu.memref_squeeze %dma_wait3A_160 : memref<1x125xi32, #tpu.memory_space<vmem>> -> memref<125xi32, #tpu.memory_space<vmem>>
      %dma_wait3A_162 = arith.constant 0 : i32
      %dma_wait3A_163 = tpu.memref_slice %arg4[%mul3A_2, %dma_wait3A_162] : memref<2560x125xi32, #tpu.memory_space<hbm>> -> memref<1x125xi32, #tpu.memory_space<hbm>>
      %dma_wait3A_164 = tpu.memref_squeeze %dma_wait3A_163 : memref<1x125xi32, #tpu.memory_space<hbm>> -> memref<125xi32, #tpu.memory_space<hbm>>
      %dma_wait3A_165 = arith.constant 0 : i32
      %dma_wait3A_166 = tpu.memref_slice %arg9[%rem3A_158, %dma_wait3A_165] : memref<4x125xi32, #tpu.memory_space<vmem>> -> memref<1x125xi32, #tpu.memory_space<vmem>>
      %dma_wait3A_167 = tpu.memref_squeeze %dma_wait3A_166 : memref<1x125xi32, #tpu.memory_space<vmem>> -> memref<125xi32, #tpu.memory_space<vmem>>
      %dma_wait3A_168 = arith.constant 0 : i32
      %dma_wait3A_169 = tpu.memref_slice %arg4[%mul3A_2, %dma_wait3A_168] : memref<2560x125xi32, #tpu.memory_space<hbm>> -> memref<1x125xi32, #tpu.memory_space<hbm>>
      %dma_wait3A_170 = tpu.memref_squeeze %dma_wait3A_169 : memref<1x125xi32, #tpu.memory_space<hbm>> -> memref<125xi32, #tpu.memory_space<hbm>>
      tpu.wait_dma2 semaphore(%arg16 : memref<!tpu.dma_semaphore, #tpu.memory_space<semaphore_mem>>) src(%dma_wait3A_170 : memref<125xi32, #tpu.memory_space<hbm>>) dst(%dma_wait3A_167 : memref<125xi32, #tpu.memory_space<vmem>>)
      %dma_wait3A_171 = arith.constant 0 : i32
      %dma_wait3A_172 = arith.constant 0 : i32
      %dma_wait3A_173 = arith.constant 0 : i32
      %dma_wait3A_174 = tpu.memref_slice %arg10[%dma_wait3A_171, %dma_wait3A_172, %dma_wait3A_173] : memref<2x125x128xf32, #tpu.memory_space<vmem>> -> memref<1x125x128xf32, #tpu.memory_space<vmem>>
      %dma_wait3A_175 = tpu.memref_squeeze %dma_wait3A_174 : memref<1x125x128xf32, #tpu.memory_space<vmem>> -> memref<125x128xf32, #tpu.memory_space<vmem>>
      %dma_wait3A_176 = arith.constant 0 : i32
      %dma_wait3A_177 = tpu.memref_slice %arg9[%rem3A_158, %dma_wait3A_176] : memref<4x125xi32, #tpu.memory_space<vmem>> -> memref<1x125xi32, #tpu.memory_space<vmem>>
      %dma_wait3A_178 = tpu.memref_squeeze %dma_wait3A_177 : memref<1x125xi32, #tpu.memory_space<vmem>> -> memref<125xi32, #tpu.memory_space<vmem>>
      %dma_wait3A_179 = arith.constant 0 : i32
      %dma_wait3A_180 = arith.constant 0 : i32
      %dma_wait3A_181 = tpu.memref_slice %arg6[%dma_wait3A_179, %dma_wait3A_180] : memref<10240x128xf32, #tpu.memory_space<vmem_shared>> -> memref<10240x128xf32, #tpu.memory_space<vmem_shared>>
      tpu.wait_indirect_dma semaphore(%arg13 : memref<!tpu.dma_semaphore, #tpu.memory_space<semaphore_mem>>) src(%dma_wait3A_175 : memref<125x128xf32, #tpu.memory_space<vmem>>) dst(%dma_wait3A_181 : memref<10240x128xf32, #tpu.memory_space<vmem_shared>>)
      %lt3A_182 = arith.constant 39 : i32
      %lt3A_183 = arith.cmpi slt, %add3A_94, %lt3A_182 : i32
      %convert_element_type3A_184 = arith.extui %lt3A_183 : i1 to i32
      %cond3A_185 = arith.constant 0 : i32
      %cond3A_186 = arith.cmpi ne, %convert_element_type3A_184, %cond3A_185 : i32
      scf.if %cond3A_186 {
        %add3A_214 = arith.constant 1 : i32
        %add3A_215 = arith.addi %add3A_156, %add3A_214 : i32
        %dma_start3A_216 = arith.constant 0 : i32
        %dma_start3A_217 = arith.constant 0 : i32
        %dma_start3A_218 = arith.constant 0 : i32
        %dma_start3A_219 = tpu.memref_slice %arg10[%dma_start3A_216, %dma_start3A_217, %dma_start3A_218] : memref<2x125x128xf32, #tpu.memory_space<vmem>> -> memref<1x125x128xf32, #tpu.memory_space<vmem>>
        %dma_start3A_220 = tpu.memref_squeeze %dma_start3A_219 : memref<1x125x128xf32, #tpu.memory_space<vmem>> -> memref<125x128xf32, #tpu.memory_space<vmem>>
        %dma_start3A_221 = arith.constant 0 : i32
        %dma_start3A_222 = tpu.memref_slice %arg8[%add3A_215, %dma_start3A_221] : memref<80x125xi32, #tpu.memory_space<vmem>> -> memref<1x125xi32, #tpu.memory_space<vmem>>
        %dma_start3A_223 = tpu.memref_squeeze %dma_start3A_222 : memref<1x125xi32, #tpu.memory_space<vmem>> -> memref<125xi32, #tpu.memory_space<vmem>>
        %dma_start3A_224 = arith.constant 0 : i32
        %dma_start3A_225 = arith.constant 0 : i32
        %dma_start3A_226 = tpu.memref_slice %arg2[%dma_start3A_224, %dma_start3A_225] : memref<10240x128xf32, #tpu.memory_space<hbm>> -> memref<10240x128xf32, #tpu.memory_space<hbm>>
        tpu.enqueue_indirect_dma source(%dma_start3A_226 : memref<10240x128xf32, #tpu.memory_space<hbm>>) target(%dma_start3A_220 : memref<125x128xf32, #tpu.memory_space<vmem>>) offsets(%dma_start3A_223 : memref<125xi32, #tpu.memory_space<vmem>>) semaphore(%arg11 : memref<!tpu.dma_semaphore, #tpu.memory_space<semaphore_mem>>)
      } else {
      }
      %dma_wait3A_187 = arith.constant 1 : i32
      %dma_wait3A_188 = arith.constant 0 : i32
      %dma_wait3A_189 = arith.constant 0 : i32
      %dma_wait3A_190 = tpu.memref_slice %arg10[%dma_wait3A_187, %dma_wait3A_188, %dma_wait3A_189] : memref<2x125x128xf32, #tpu.memory_space<vmem>> -> memref<1x125x128xf32, #tpu.memory_space<vmem>>
      %dma_wait3A_191 = tpu.memref_squeeze %dma_wait3A_190 : memref<1x125x128xf32, #tpu.memory_space<vmem>> -> memref<125x128xf32, #tpu.memory_space<vmem>>
      %dma_wait3A_192 = arith.constant 0 : i32
      %dma_wait3A_193 = tpu.memref_slice %arg8[%add3A_156, %dma_wait3A_192] : memref<80x125xi32, #tpu.memory_space<vmem>> -> memref<1x125xi32, #tpu.memory_space<vmem>>
      %dma_wait3A_194 = tpu.memref_squeeze %dma_wait3A_193 : memref<1x125xi32, #tpu.memory_space<vmem>> -> memref<125xi32, #tpu.memory_space<vmem>>
      %dma_wait3A_195 = arith.constant 0 : i32
      %dma_wait3A_196 = arith.constant 0 : i32
      %dma_wait3A_197 = tpu.memref_slice %arg2[%dma_wait3A_195, %dma_wait3A_196] : memref<10240x128xf32, #tpu.memory_space<hbm>> -> memref<10240x128xf32, #tpu.memory_space<hbm>>
      tpu.wait_indirect_dma semaphore(%arg12 : memref<!tpu.dma_semaphore, #tpu.memory_space<semaphore_mem>>) src(%dma_wait3A_197 : memref<10240x128xf32, #tpu.memory_space<hbm>>) dst(%dma_wait3A_191 : memref<125x128xf32, #tpu.memory_space<vmem>>)
      %dma_start3A_198 = arith.constant 1 : i32
      %dma_start3A_199 = arith.constant 0 : i32
      %dma_start3A_200 = arith.constant 0 : i32
      %dma_start3A_201 = tpu.memref_slice %arg10[%dma_start3A_198, %dma_start3A_199, %dma_start3A_200] : memref<2x125x128xf32, #tpu.memory_space<vmem>> -> memref<1x125x128xf32, #tpu.memory_space<vmem>>
      %dma_start3A_202 = tpu.memref_squeeze %dma_start3A_201 : memref<1x125x128xf32, #tpu.memory_space<vmem>> -> memref<125x128xf32, #tpu.memory_space<vmem>>
      %dma_start3A_203 = arith.constant 0 : i32
      %dma_start3A_204 = tpu.memref_slice %arg9[%rem3A_158, %dma_start3A_203] : memref<4x125xi32, #tpu.memory_space<vmem>> -> memref<1x125xi32, #tpu.memory_space<vmem>>
      %dma_start3A_205 = tpu.memref_squeeze %dma_start3A_204 : memref<1x125xi32, #tpu.memory_space<vmem>> -> memref<125xi32, #tpu.memory_space<vmem>>
      %dma_start3A_206 = arith.constant 0 : i32
      %dma_start3A_207 = arith.constant 0 : i32
      %dma_start3A_208 = tpu.memref_slice %arg6[%dma_start3A_206, %dma_start3A_207] : memref<10240x128xf32, #tpu.memory_space<vmem_shared>> -> memref<10240x128xf32, #tpu.memory_space<vmem_shared>>
      tpu.enqueue_indirect_dma source(%dma_start3A_202 : memref<125x128xf32, #tpu.memory_space<vmem>>) target(%dma_start3A_208 : memref<10240x128xf32, #tpu.memory_space<vmem_shared>>) offsets(%dma_start3A_205 : memref<125xi32, #tpu.memory_space<vmem>>) semaphore(%arg14 : memref<!tpu.dma_semaphore, #tpu.memory_space<semaphore_mem>>) {add = true}
      %lt3A_209 = arith.constant 78 : i32
      %lt3A_210 = arith.cmpi slt, %add3A_156, %lt3A_209 : i32
      %convert_element_type3A_211 = arith.extui %lt3A_210 : i1 to i32
      %cond3A_212 = arith.constant 0 : i32
      %cond3A_213 = arith.cmpi ne, %convert_element_type3A_211, %cond3A_212 : i32
      scf.if %cond3A_213 {
        %add3A_214 = arith.addi %mul3A_2, %add3A_156 : i32
        %add3A_215 = arith.constant 2 : i32
        %add3A_216 = arith.addi %add3A_214, %add3A_215 : i32
        %add3A_217 = arith.constant 2 : i32
        %add3A_218 = arith.addi %add3A_156, %add3A_217 : i32
        %rem3A_219 = arith.constant 4 : i32
        %rem3A_220 = arith.remsi %add3A_218, %rem3A_219 : i32
        %dma_start3A_221 = arith.constant 0 : i32
        %dma_start3A_222 = tpu.memref_slice %arg9[%rem3A_220, %dma_start3A_221] : memref<4x125xi32, #tpu.memory_space<vmem>> -> memref<1x125xi32, #tpu.memory_space<vmem>>
        %dma_start3A_223 = tpu.memref_squeeze %dma_start3A_222 : memref<1x125xi32, #tpu.memory_space<vmem>> -> memref<125xi32, #tpu.memory_space<vmem>>
        %dma_start3A_224 = arith.constant 0 : i32
        %dma_start3A_225 = tpu.memref_slice %arg4[%add3A_216, %dma_start3A_224] : memref<2560x125xi32, #tpu.memory_space<hbm>> -> memref<1x125xi32, #tpu.memory_space<hbm>>
        %dma_start3A_226 = tpu.memref_squeeze %dma_start3A_225 : memref<1x125xi32, #tpu.memory_space<hbm>> -> memref<125xi32, #tpu.memory_space<hbm>>
        %dma_start3A_227 = arith.constant 0 : i32
        %dma_start3A_228 = tpu.memref_slice %arg9[%rem3A_220, %dma_start3A_227] : memref<4x125xi32, #tpu.memory_space<vmem>> -> memref<1x125xi32, #tpu.memory_space<vmem>>
        %dma_start3A_229 = tpu.memref_squeeze %dma_start3A_228 : memref<1x125xi32, #tpu.memory_space<vmem>> -> memref<125xi32, #tpu.memory_space<vmem>>
        %dma_start3A_230 = arith.constant 0 : i32
        %dma_start3A_231 = tpu.memref_slice %arg4[%add3A_216, %dma_start3A_230] : memref<2560x125xi32, #tpu.memory_space<hbm>> -> memref<1x125xi32, #tpu.memory_space<hbm>>
        %dma_start3A_232 = tpu.memref_squeeze %dma_start3A_231 : memref<1x125xi32, #tpu.memory_space<hbm>> -> memref<125xi32, #tpu.memory_space<hbm>>
        tpu.enqueue_dma source(%dma_start3A_232 : memref<125xi32, #tpu.memory_space<hbm>>) target(%dma_start3A_229 : memref<125xi32, #tpu.memory_space<vmem>>) target_semaphore(%arg16 : memref<!tpu.dma_semaphore, #tpu.memory_space<semaphore_mem>>)
      } else {
      }
    }
    %scan3A_74 = arith.constant 40 : i32
    %dma_wait3A_75 = arith.constant 1 : i32
    %dma_wait3A_76 = arith.constant 0 : i32
    %dma_wait3A_77 = arith.constant 0 : i32
    %dma_wait3A_78 = arith.constant 0 : i32
    %dma_wait3A_79 = tpu.memref_slice %arg10[%dma_wait3A_75, %dma_wait3A_77, %dma_wait3A_78] : memref<2x125x128xf32, #tpu.memory_space<vmem>> -> memref<1x125x128xf32, #tpu.memory_space<vmem>>
    %dma_wait3A_80 = tpu.memref_squeeze %dma_wait3A_79 : memref<1x125x128xf32, #tpu.memory_space<vmem>> -> memref<125x128xf32, #tpu.memory_space<vmem>>
    %dma_wait3A_81 = arith.constant 0 : i32
    %dma_wait3A_82 = tpu.memref_slice %arg9[%dma_wait3A_76, %dma_wait3A_81] : memref<4x125xi32, #tpu.memory_space<vmem>> -> memref<1x125xi32, #tpu.memory_space<vmem>>
    %dma_wait3A_83 = tpu.memref_squeeze %dma_wait3A_82 : memref<1x125xi32, #tpu.memory_space<vmem>> -> memref<125xi32, #tpu.memory_space<vmem>>
    %dma_wait3A_84 = arith.constant 0 : i32
    %dma_wait3A_85 = arith.constant 0 : i32
    %dma_wait3A_86 = tpu.memref_slice %arg6[%dma_wait3A_84, %dma_wait3A_85] : memref<10240x128xf32, #tpu.memory_space<vmem_shared>> -> memref<10240x128xf32, #tpu.memory_space<vmem_shared>>
    tpu.wait_indirect_dma semaphore(%arg14 : memref<!tpu.dma_semaphore, #tpu.memory_space<semaphore_mem>>) src(%dma_wait3A_80 : memref<125x128xf32, #tpu.memory_space<vmem>>) dst(%dma_wait3A_86 : memref<10240x128xf32, #tpu.memory_space<vmem_shared>>)
    %barrier3A_87 = arith.constant 0 : index
    tpu.barrier barrier_id(%barrier3A_87)
    %mul3A_88 = arith.constant 640 : i32
    %mul3A_89 = arith.muli %arg1, %mul3A_88 : i32
    "tpu.region"() ({
      %run_scoped3A = tpu.sem_alloc : memref<!tpu.dma_semaphore, #tpu.memory_space<semaphore_mem>>
      %dma_start3A_90 = arith.constant 0 : i32
      %dma_start3A_91 = arith.constant 0 : i32
      %dma_start3A_92 = tpu.memref_slice %arg5[%arg0, %dma_start3A_90, %dma_start3A_91] : memref<2x10240x128xf32, #tpu.memory_space<hbm>> -> memref<1x10240x128xf32, #tpu.memory_space<hbm>>
      %dma_start3A_93 = tpu.memref_squeeze %dma_start3A_92 : memref<1x10240x128xf32, #tpu.memory_space<hbm>> -> memref<10240x128xf32, #tpu.memory_space<hbm>>
      %dma_start3A_94 = arith.constant 0 : i32
      %dma_start3A_95 = tpu.memref_slice %dma_start3A_93[%mul3A_89, %dma_start3A_94] : memref<10240x128xf32, #tpu.memory_space<hbm>> -> memref<640x128xf32, #tpu.memory_space<hbm>>
      %dma_start3A_96 = arith.constant 0 : i32
      %dma_start3A_97 = tpu.memref_slice %arg6[%mul3A_89, %dma_start3A_96] : memref<10240x128xf32, #tpu.memory_space<vmem_shared>> -> memref<640x128xf32, #tpu.memory_space<vmem_shared>>
      tpu.enqueue_dma source(%dma_start3A_97 : memref<640x128xf32, #tpu.memory_space<vmem_shared>>) target(%dma_start3A_95 : memref<640x128xf32, #tpu.memory_space<hbm>>) target_semaphore(%run_scoped3A : memref<!tpu.dma_semaphore, #tpu.memory_space<semaphore_mem>>)
      %dma_wait3A_98 = arith.constant 0 : i32
      %dma_wait3A_99 = arith.constant 0 : i32
      %dma_wait3A_100 = tpu.memref_slice %arg5[%arg0, %dma_wait3A_98, %dma_wait3A_99] : memref<2x10240x128xf32, #tpu.memory_space<hbm>> -> memref<1x10240x128xf32, #tpu.memory_space<hbm>>
      %dma_wait3A_101 = tpu.memref_squeeze %dma_wait3A_100 : memref<1x10240x128xf32, #tpu.memory_space<hbm>> -> memref<10240x128xf32, #tpu.memory_space<hbm>>
      %dma_wait3A_102 = arith.constant 0 : i32
      %dma_wait3A_103 = tpu.memref_slice %dma_wait3A_101[%mul3A_89, %dma_wait3A_102] : memref<10240x128xf32, #tpu.memory_space<hbm>> -> memref<640x128xf32, #tpu.memory_space<hbm>>
      %dma_wait3A_104 = arith.constant 0 : i32
      %dma_wait3A_105 = tpu.memref_slice %arg6[%mul3A_89, %dma_wait3A_104] : memref<10240x128xf32, #tpu.memory_space<vmem_shared>> -> memref<640x128xf32, #tpu.memory_space<vmem_shared>>
      tpu.wait_dma2 semaphore(%run_scoped3A : memref<!tpu.dma_semaphore, #tpu.memory_space<semaphore_mem>>) src(%dma_wait3A_105 : memref<640x128xf32, #tpu.memory_space<vmem_shared>>) dst(%dma_wait3A_103 : memref<640x128xf32, #tpu.memory_space<hbm>>)
      tpu.yield
    }) : () -> ()
    return
  }
}

#map = affine_map<(d0, d1) -> (0, 0)>
#map1 = affine_map<(d0, d1) -> (0, 0, 0)>
module attributes {stable_mosaic.version = 14 : i64} {
  func.func @_sc_agg_body(%arg0: i32, %arg1: i32, %arg2: memref<10240x128xf32, #tpu.memory_space<hbm>>, %arg3: memref<2560x125xi32, #tpu.memory_space<hbm>>, %arg4: memref<2560x125xi32, #tpu.memory_space<hbm>>, %arg5: memref<2x10240x128xf32, #tpu.memory_space<hbm>>, %arg6: memref<10240x128xf32, #tpu.memory_space<vmem_shared>>, %arg7: memref<32x128xf32, #tpu.memory_space<vmem>>, %arg8: memref<80x125xi32, #tpu.memory_space<vmem>>, %arg9: memref<4x125xi32, #tpu.memory_space<vmem>>, %arg10: memref<2x125x128xf32, #tpu.memory_space<vmem>>, %arg11: memref<!tpu.dma_semaphore, #tpu.memory_space<semaphore_mem>>, %arg12: memref<!tpu.dma_semaphore, #tpu.memory_space<semaphore_mem>>, %arg13: memref<!tpu.dma_semaphore, #tpu.memory_space<semaphore_mem>>, %arg14: memref<!tpu.dma_semaphore, #tpu.memory_space<semaphore_mem>>, %arg15: memref<!tpu.dma_semaphore, #tpu.memory_space<semaphore_mem>>, %arg16: memref<!tpu.dma_semaphore, #tpu.memory_space<semaphore_mem>>, %arg17: memref<!tpu.dma_semaphore, #tpu.memory_space<semaphore_mem>>) attributes {dimension_semantics = [#tpu.dimension_semantics<core_parallel>, #tpu.dimension_semantics<subcore_parallel>], iteration_bounds = array<i64: 2, 16>, scalar_prefetch = 0 : i64, scratch_operands = 12 : i64, tpu.core_type = #tpu.core_type<sc_vector_subcore>, window_params = [{transform_indices = #map}, {transform_indices = #map}, {transform_indices = #map}, {transform_indices = #map1}]} {
    %mul3A = arith.constant 2 : i32
    %mul3A_0 = arith.muli %arg1, %mul3A : i32
    %add3A = arith.addi %mul3A_0, %arg0 : i32
    %mul3A_1 = arith.constant 80 : i32
    %mul3A_2 = arith.muli %add3A, %mul3A_1 : i32
    "tpu.region"() ({
      %run_scoped3A = tpu.sem_alloc : memref<!tpu.dma_semaphore, #tpu.memory_space<semaphore_mem>>
      %dma_start3A_90 = arith.constant 0 : i32
      %dma_start3A_91 = tpu.memref_slice %arg3[%mul3A_2, %dma_start3A_90] : memref<2560x125xi32, #tpu.memory_space<hbm>> -> memref<80x125xi32, #tpu.memory_space<hbm>>
      %dma_start3A_92 = arith.constant 0 : i32
      %dma_start3A_93 = tpu.memref_slice %arg3[%mul3A_2, %dma_start3A_92] : memref<2560x125xi32, #tpu.memory_space<hbm>> -> memref<80x125xi32, #tpu.memory_space<hbm>>
      tpu.enqueue_dma source(%dma_start3A_93 : memref<80x125xi32, #tpu.memory_space<hbm>>) target(%arg8 : memref<80x125xi32, #tpu.memory_space<vmem>>) target_semaphore(%run_scoped3A : memref<!tpu.dma_semaphore, #tpu.memory_space<semaphore_mem>>)
      %dma_wait3A_94 = arith.constant 0 : i32
      %dma_wait3A_95 = tpu.memref_slice %arg3[%mul3A_2, %dma_wait3A_94] : memref<2560x125xi32, #tpu.memory_space<hbm>> -> memref<80x125xi32, #tpu.memory_space<hbm>>
      %dma_wait3A_96 = arith.constant 0 : i32
      %dma_wait3A_97 = tpu.memref_slice %arg3[%mul3A_2, %dma_wait3A_96] : memref<2560x125xi32, #tpu.memory_space<hbm>> -> memref<80x125xi32, #tpu.memory_space<hbm>>
      tpu.wait_dma2 semaphore(%run_scoped3A : memref<!tpu.dma_semaphore, #tpu.memory_space<semaphore_mem>>) src(%dma_wait3A_97 : memref<80x125xi32, #tpu.memory_space<hbm>>) dst(%arg8 : memref<80x125xi32, #tpu.memory_space<vmem>>)
      tpu.yield
    }) : () -> ()
    %dma_start3A = arith.constant 0 : i32
    %dma_start3A_3 = arith.constant 0 : i32
    %dma_start3A_4 = tpu.memref_slice %arg9[%dma_start3A, %dma_start3A_3] : memref<4x125xi32, #tpu.memory_space<vmem>> -> memref<1x125xi32, #tpu.memory_space<vmem>>
    %dma_start3A_5 = tpu.memref_squeeze %dma_start3A_4 : memref<1x125xi32, #tpu.memory_space<vmem>> -> memref<125xi32, #tpu.memory_space<vmem>>
    %dma_start3A_6 = arith.constant 0 : i32
    %dma_start3A_7 = tpu.memref_slice %arg4[%mul3A_2, %dma_start3A_6] : memref<2560x125xi32, #tpu.memory_space<hbm>> -> memref<1x125xi32, #tpu.memory_space<hbm>>
    %dma_start3A_8 = tpu.memref_squeeze %dma_start3A_7 : memref<1x125xi32, #tpu.memory_space<hbm>> -> memref<125xi32, #tpu.memory_space<hbm>>
    %dma_start3A_9 = arith.constant 0 : i32
    %dma_start3A_10 = tpu.memref_slice %arg9[%dma_start3A, %dma_start3A_9] : memref<4x125xi32, #tpu.memory_space<vmem>> -> memref<1x125xi32, #tpu.memory_space<vmem>>
    %dma_start3A_11 = tpu.memref_squeeze %dma_start3A_10 : memref<1x125xi32, #tpu.memory_space<vmem>> -> memref<125xi32, #tpu.memory_space<vmem>>
    %dma_start3A_12 = arith.constant 0 : i32
    %dma_start3A_13 = tpu.memref_slice %arg4[%mul3A_2, %dma_start3A_12] : memref<2560x125xi32, #tpu.memory_space<hbm>> -> memref<1x125xi32, #tpu.memory_space<hbm>>
    %dma_start3A_14 = tpu.memref_squeeze %dma_start3A_13 : memref<1x125xi32, #tpu.memory_space<hbm>> -> memref<125xi32, #tpu.memory_space<hbm>>
    tpu.enqueue_dma source(%dma_start3A_14 : memref<125xi32, #tpu.memory_space<hbm>>) target(%dma_start3A_11 : memref<125xi32, #tpu.memory_space<vmem>>) target_semaphore(%arg15 : memref<!tpu.dma_semaphore, #tpu.memory_space<semaphore_mem>>)
    %add3A_15 = arith.constant 1 : i32
    %add3A_16 = arith.addi %mul3A_2, %add3A_15 : i32
    %dma_start3A_17 = arith.constant 1 : i32
    %dma_start3A_18 = arith.constant 0 : i32
    %dma_start3A_19 = tpu.memref_slice %arg9[%dma_start3A_17, %dma_start3A_18] : memref<4x125xi32, #tpu.memory_space<vmem>> -> memref<1x125xi32, #tpu.memory_space<vmem>>
    %dma_start3A_20 = tpu.memref_squeeze %dma_start3A_19 : memref<1x125xi32, #tpu.memory_space<vmem>> -> memref<125xi32, #tpu.memory_space<vmem>>
    %dma_start3A_21 = arith.constant 0 : i32
    %dma_start3A_22 = tpu.memref_slice %arg4[%add3A_16, %dma_start3A_21] : memref<2560x125xi32, #tpu.memory_space<hbm>> -> memref<1x125xi32, #tpu.memory_space<hbm>>
    %dma_start3A_23 = tpu.memref_squeeze %dma_start3A_22 : memref<1x125xi32, #tpu.memory_space<hbm>> -> memref<125xi32, #tpu.memory_space<hbm>>
    %dma_start3A_24 = arith.constant 0 : i32
    %dma_start3A_25 = tpu.memref_slice %arg9[%dma_start3A_17, %dma_start3A_24] : memref<4x125xi32, #tpu.memory_space<vmem>> -> memref<1x125xi32, #tpu.memory_space<vmem>>
    %dma_start3A_26 = tpu.memref_squeeze %dma_start3A_25 : memref<1x125xi32, #tpu.memory_space<vmem>> -> memref<125xi32, #tpu.memory_space<vmem>>
    %dma_start3A_27 = arith.constant 0 : i32
    %dma_start3A_28 = tpu.memref_slice %arg4[%add3A_16, %dma_start3A_27] : memref<2560x125xi32, #tpu.memory_space<hbm>> -> memref<1x125xi32, #tpu.memory_space<hbm>>
    %dma_start3A_29 = tpu.memref_squeeze %dma_start3A_28 : memref<1x125xi32, #tpu.memory_space<hbm>> -> memref<125xi32, #tpu.memory_space<hbm>>
    tpu.enqueue_dma source(%dma_start3A_29 : memref<125xi32, #tpu.memory_space<hbm>>) target(%dma_start3A_26 : memref<125xi32, #tpu.memory_space<vmem>>) target_semaphore(%arg16 : memref<!tpu.dma_semaphore, #tpu.memory_space<semaphore_mem>>)
    %dma_start3A_30 = arith.constant 0 : i32
    %dma_start3A_31 = arith.constant 0 : i32
    %dma_start3A_32 = arith.constant 0 : i32
    %dma_start3A_33 = arith.constant 0 : i32
    %dma_start3A_34 = tpu.memref_slice %arg10[%dma_start3A_31, %dma_start3A_32, %dma_start3A_33] : memref<2x125x128xf32, #tpu.memory_space<vmem>> -> memref<1x125x128xf32, #tpu.memory_space<vmem>>
    %dma_start3A_35 = tpu.memref_squeeze %dma_start3A_34 : memref<1x125x128xf32, #tpu.memory_space<vmem>> -> memref<125x128xf32, #tpu.memory_space<vmem>>
    %dma_start3A_36 = arith.constant 0 : i32
    %dma_start3A_37 = tpu.memref_slice %arg8[%dma_start3A_30, %dma_start3A_36] : memref<80x125xi32, #tpu.memory_space<vmem>> -> memref<1x125xi32, #tpu.memory_space<vmem>>
    %dma_start3A_38 = tpu.memref_squeeze %dma_start3A_37 : memref<1x125xi32, #tpu.memory_space<vmem>> -> memref<125xi32, #tpu.memory_space<vmem>>
    %dma_start3A_39 = arith.constant 0 : i32
    %dma_start3A_40 = arith.constant 0 : i32
    %dma_start3A_41 = tpu.memref_slice %arg2[%dma_start3A_39, %dma_start3A_40] : memref<10240x128xf32, #tpu.memory_space<hbm>> -> memref<10240x128xf32, #tpu.memory_space<hbm>>
    tpu.enqueue_indirect_dma source(%dma_start3A_41 : memref<10240x128xf32, #tpu.memory_space<hbm>>) target(%dma_start3A_35 : memref<125x128xf32, #tpu.memory_space<vmem>>) offsets(%dma_start3A_38 : memref<125xi32, #tpu.memory_space<vmem>>) semaphore(%arg11 : memref<!tpu.dma_semaphore, #tpu.memory_space<semaphore_mem>>)
    %mul3A_42 = arith.constant 640 : i32
    %mul3A_43 = arith.muli %arg1, %mul3A_42 : i32
    %scan3A = arith.constant 0 : i32
    %scan3A_44 = arith.constant 32 : i32
    %scan3A_45 = arith.addi %scan3A, %scan3A_44 : i32
    %scan3A_46 = arith.constant 1 : i32
    scf.for %scan3A_90 = %scan3A to %scan3A_45 step %scan3A_46  : i32 {
      %mul3A_91 = arith.constant 1 : i32
      %mul3A_92 = arith.muli %scan3A_90, %mul3A_91 : i32
      %add3A_93 = arith.constant 0 : i32
      %add3A_94 = arith.addi %add3A_93, %mul3A_92 : i32
      %broadcast_in_dim3A = arith.constant 0.000000e+00 : f32
      %broadcast_in_dim3A_95 = vector.broadcast %broadcast_in_dim3A : f32 to vector<16xf32>
      %swap3A = arith.index_cast %add3A_94 : i32 to index
      %swap3A_96 = arith.constant 0 : index
      %swap3A_97 = tpu.vector_load %arg7[%swap3A, %swap3A_96] {strides = array<i32>} : memref<32x128xf32, #tpu.memory_space<vmem>>, vector<1x16xf32>,
      %swap3A_98 = vector.shape_cast %swap3A_97 : vector<1x16xf32> to vector<16xf32>
      %swap3A_99 = vector.shape_cast %broadcast_in_dim3A_95 : vector<16xf32> to vector<1x16xf32>
      tpu.vector_store %arg7[%swap3A, %swap3A_96], %swap3A_99 {strides = array<i32>} : memref<32x128xf32, #tpu.memory_space<vmem>>, vector<1x16xf32>,
      %broadcast_in_dim3A_100 = arith.constant 0.000000e+00 : f32
      %broadcast_in_dim3A_101 = vector.broadcast %broadcast_in_dim3A_100 : f32 to vector<16xf32>
      %swap3A_102 = arith.index_cast %add3A_94 : i32 to index
      %swap3A_103 = arith.constant 16 : index
      %swap3A_104 = tpu.vector_load %arg7[%swap3A_102, %swap3A_103] {strides = array<i32>} : memref<32x128xf32, #tpu.memory_space<vmem>>, vector<1x16xf32>,
      %swap3A_105 = vector.shape_cast %swap3A_104 : vector<1x16xf32> to vector<16xf32>
      %swap3A_106 = vector.shape_cast %broadcast_in_dim3A_101 : vector<16xf32> to vector<1x16xf32>
      tpu.vector_store %arg7[%swap3A_102, %swap3A_103], %swap3A_106 {strides = array<i32>} : memref<32x128xf32, #tpu.memory_space<vmem>>, vector<1x16xf32>,
      %broadcast_in_dim3A_107 = arith.constant 0.000000e+00 : f32
      %broadcast_in_dim3A_108 = vector.broadcast %broadcast_in_dim3A_107 : f32 to vector<16xf32>
      %swap3A_109 = arith.index_cast %add3A_94 : i32 to index
      %swap3A_110 = arith.constant 32 : index
      %swap3A_111 = tpu.vector_load %arg7[%swap3A_109, %swap3A_110] {strides = array<i32>} : memref<32x128xf32, #tpu.memory_space<vmem>>, vector<1x16xf32>,
      %swap3A_112 = vector.shape_cast %swap3A_111 : vector<1x16xf32> to vector<16xf32>
      %swap3A_113 = vector.shape_cast %broadcast_in_dim3A_108 : vector<16xf32> to vector<1x16xf32>
      tpu.vector_store %arg7[%swap3A_109, %swap3A_110], %swap3A_113 {strides = array<i32>} : memref<32x128xf32, #tpu.memory_space<vmem>>, vector<1x16xf32>,
      %broadcast_in_dim3A_114 = arith.constant 0.000000e+00 : f32
      %broadcast_in_dim3A_115 = vector.broadcast %broadcast_in_dim3A_114 : f32 to vector<16xf32>
      %swap3A_116 = arith.index_cast %add3A_94 : i32 to index
      %swap3A_117 = arith.constant 48 : index
      %swap3A_118 = tpu.vector_load %arg7[%swap3A_116, %swap3A_117] {strides = array<i32>} : memref<32x128xf32, #tpu.memory_space<vmem>>, vector<1x16xf32>,
      %swap3A_119 = vector.shape_cast %swap3A_118 : vector<1x16xf32> to vector<16xf32>
      %swap3A_120 = vector.shape_cast %broadcast_in_dim3A_115 : vector<16xf32> to vector<1x16xf32>
      tpu.vector_store %arg7[%swap3A_116, %swap3A_117], %swap3A_120 {strides = array<i32>} : memref<32x128xf32, #tpu.memory_space<vmem>>, vector<1x16xf32>,
      %broadcast_in_dim3A_121 = arith.constant 0.000000e+00 : f32
      %broadcast_in_dim3A_122 = vector.broadcast %broadcast_in_dim3A_121 : f32 to vector<16xf32>
      %swap3A_123 = arith.index_cast %add3A_94 : i32 to index
      %swap3A_124 = arith.constant 64 : index
      %swap3A_125 = tpu.vector_load %arg7[%swap3A_123, %swap3A_124] {strides = array<i32>} : memref<32x128xf32, #tpu.memory_space<vmem>>, vector<1x16xf32>,
      %swap3A_126 = vector.shape_cast %swap3A_125 : vector<1x16xf32> to vector<16xf32>
      %swap3A_127 = vector.shape_cast %broadcast_in_dim3A_122 : vector<16xf32> to vector<1x16xf32>
      tpu.vector_store %arg7[%swap3A_123, %swap3A_124], %swap3A_127 {strides = array<i32>} : memref<32x128xf32, #tpu.memory_space<vmem>>, vector<1x16xf32>,
      %broadcast_in_dim3A_128 = arith.constant 0.000000e+00 : f32
      %broadcast_in_dim3A_129 = vector.broadcast %broadcast_in_dim3A_128 : f32 to vector<16xf32>
      %swap3A_130 = arith.index_cast %add3A_94 : i32 to index
      %swap3A_131 = arith.constant 80 : index
      %swap3A_132 = tpu.vector_load %arg7[%swap3A_130, %swap3A_131] {strides = array<i32>} : memref<32x128xf32, #tpu.memory_space<vmem>>, vector<1x16xf32>,
      %swap3A_133 = vector.shape_cast %swap3A_132 : vector<1x16xf32> to vector<16xf32>
      %swap3A_134 = vector.shape_cast %broadcast_in_dim3A_129 : vector<16xf32> to vector<1x16xf32>
      tpu.vector_store %arg7[%swap3A_130, %swap3A_131], %swap3A_134 {strides = array<i32>} : memref<32x128xf32, #tpu.memory_space<vmem>>, vector<1x16xf32>,
      %broadcast_in_dim3A_135 = arith.constant 0.000000e+00 : f32
      %broadcast_in_dim3A_136 = vector.broadcast %broadcast_in_dim3A_135 : f32 to vector<16xf32>
      %swap3A_137 = arith.index_cast %add3A_94 : i32 to index
      %swap3A_138 = arith.constant 96 : index
      %swap3A_139 = tpu.vector_load %arg7[%swap3A_137, %swap3A_138] {strides = array<i32>} : memref<32x128xf32, #tpu.memory_space<vmem>>, vector<1x16xf32>,
      %swap3A_140 = vector.shape_cast %swap3A_139 : vector<1x16xf32> to vector<16xf32>
      %swap3A_141 = vector.shape_cast %broadcast_in_dim3A_136 : vector<16xf32> to vector<1x16xf32>
      tpu.vector_store %arg7[%swap3A_137, %swap3A_138], %swap3A_141 {strides = array<i32>} : memref<32x128xf32, #tpu.memory_space<vmem>>, vector<1x16xf32>,
      %broadcast_in_dim3A_142 = arith.constant 0.000000e+00 : f32
      %broadcast_in_dim3A_143 = vector.broadcast %broadcast_in_dim3A_142 : f32 to vector<16xf32>
      %swap3A_144 = arith.index_cast %add3A_94 : i32 to index
      %swap3A_145 = arith.constant 112 : index
      %swap3A_146 = tpu.vector_load %arg7[%swap3A_144, %swap3A_145] {strides = array<i32>} : memref<32x128xf32, #tpu.memory_space<vmem>>, vector<1x16xf32>,
      %swap3A_147 = vector.shape_cast %swap3A_146 : vector<1x16xf32> to vector<16xf32>
      %swap3A_148 = vector.shape_cast %broadcast_in_dim3A_143 : vector<16xf32> to vector<1x16xf32>
      tpu.vector_store %arg7[%swap3A_144, %swap3A_145], %swap3A_148 {strides = array<i32>} : memref<32x128xf32, #tpu.memory_space<vmem>>, vector<1x16xf32>,
    }
    %scan3A_47 = arith.constant 32 : i32
    %dma_start3A_48 = arith.constant 0 : i32
    %dma_start3A_49 = tpu.memref_slice %arg6[%mul3A_43, %dma_start3A_48] : memref<10240x128xf32, #tpu.memory_space<vmem_shared>> -> memref<32x128xf32, #tpu.memory_space<vmem_shared>>
    %dma_start3A_50 = arith.constant 0 : i32
    %dma_start3A_51 = tpu.memref_slice %arg6[%mul3A_43, %dma_start3A_50] : memref<10240x128xf32, #tpu.memory_space<vmem_shared>> -> memref<32x128xf32, #tpu.memory_space<vmem_shared>>
    tpu.enqueue_dma source(%arg7 : memref<32x128xf32, #tpu.memory_space<vmem>>) target(%dma_start3A_51 : memref<32x128xf32, #tpu.memory_space<vmem_shared>>) target_semaphore(%arg17 : memref<!tpu.dma_semaphore, #tpu.memory_space<semaphore_mem>>)
    %add3A_52 = arith.constant 32 : i32
    %add3A_53 = arith.addi %mul3A_43, %add3A_52 : i32
    %dma_start3A_54 = arith.constant 0 : i32
    %dma_start3A_55 = tpu.memref_slice %arg6[%add3A_53, %dma_start3A_54] : memref<10240x128xf32, #tpu.memory_space<vmem_shared>> -> memref<32x128xf32, #tpu.memory_space<vmem_shared>>
    %dma_start3A_56 = arith.constant 0 : i32
    %dma_start3A_57 = tpu.memref_slice %arg6[%add3A_53, %dma_start3A_56] : memref<10240x128xf32, #tpu.memory_space<vmem_shared>> -> memref<32x128xf32, #tpu.memory_space<vmem_shared>>
    tpu.enqueue_dma source(%arg7 : memref<32x128xf32, #tpu.memory_space<vmem>>) target(%dma_start3A_57 : memref<32x128xf32, #tpu.memory_space<vmem_shared>>) target_semaphore(%arg17 : memref<!tpu.dma_semaphore, #tpu.memory_space<semaphore_mem>>)
    %scan3A_58 = arith.constant 0 : i32
    %scan3A_59 = arith.constant 18 : i32
    %scan3A_60 = arith.addi %scan3A_58, %scan3A_59 : i32
    %scan3A_61 = arith.constant 1 : i32
    scf.for %scan3A_90 = %scan3A_58 to %scan3A_60 step %scan3A_61  : i32 {
      %mul3A_91 = arith.constant 1 : i32
      %mul3A_92 = arith.muli %scan3A_90, %mul3A_91 : i32
      %add3A_93 = arith.constant 2 : i32
      %add3A_94 = arith.addi %add3A_93, %mul3A_92 : i32
      %dma_wait3A_95 = arith.constant 0 : i32
      %dma_wait3A_96 = tpu.memref_slice %arg6[%mul3A_43, %dma_wait3A_95] : memref<10240x128xf32, #tpu.memory_space<vmem_shared>> -> memref<32x128xf32, #tpu.memory_space<vmem_shared>>
      %dma_wait3A_97 = arith.constant 0 : i32
      %dma_wait3A_98 = tpu.memref_slice %arg6[%mul3A_43, %dma_wait3A_97] : memref<10240x128xf32, #tpu.memory_space<vmem_shared>> -> memref<32x128xf32, #tpu.memory_space<vmem_shared>>
      tpu.wait_dma2 semaphore(%arg17 : memref<!tpu.dma_semaphore, #tpu.memory_space<semaphore_mem>>) src(%arg7 : memref<32x128xf32, #tpu.memory_space<vmem>>) dst(%dma_wait3A_98 : memref<32x128xf32, #tpu.memory_space<vmem_shared>>)
      %mul3A_99 = arith.constant 32 : i32
      %mul3A_100 = arith.muli %add3A_94, %mul3A_99 : i32
      %add3A_101 = arith.addi %mul3A_43, %mul3A_100 : i32
      %dma_start3A_102 = arith.constant 0 : i32
      %dma_start3A_103 = tpu.memref_slice %arg6[%add3A_101, %dma_start3A_102] : memref<10240x128xf32, #tpu.memory_space<vmem_shared>> -> memref<32x128xf32, #tpu.memory_space<vmem_shared>>
      %dma_start3A_104 = arith.constant 0 : i32
      %dma_start3A_105 = tpu.memref_slice %arg6[%add3A_101, %dma_start3A_104] : memref<10240x128xf32, #tpu.memory_space<vmem_shared>> -> memref<32x128xf32, #tpu.memory_space<vmem_shared>>
      tpu.enqueue_dma source(%arg7 : memref<32x128xf32, #tpu.memory_space<vmem>>) target(%dma_start3A_105 : memref<32x128xf32, #tpu.memory_space<vmem_shared>>) target_semaphore(%arg17 : memref<!tpu.dma_semaphore, #tpu.memory_space<semaphore_mem>>)
    }
    %scan3A_62 = arith.constant 18 : i32
    %dma_wait3A = arith.constant 0 : i32
    %dma_wait3A_63 = tpu.memref_slice %arg6[%mul3A_43, %dma_wait3A] : memref<10240x128xf32, #tpu.memory_space<vmem_shared>> -> memref<32x128xf32, #tpu.memory_space<vmem_shared>>
    %dma_wait3A_64 = arith.constant 0 : i32
    %dma_wait3A_65 = tpu.memref_slice %arg6[%mul3A_43, %dma_wait3A_64] : memref<10240x128xf32, #tpu.memory_space<vmem_shared>> -> memref<32x128xf32, #tpu.memory_space<vmem_shared>>
    tpu.wait_dma2 semaphore(%arg17 : memref<!tpu.dma_semaphore, #tpu.memory_space<semaphore_mem>>) src(%arg7 : memref<32x128xf32, #tpu.memory_space<vmem>>) dst(%dma_wait3A_65 : memref<32x128xf32, #tpu.memory_space<vmem_shared>>)
    %dma_wait3A_66 = arith.constant 0 : i32
    %dma_wait3A_67 = tpu.memref_slice %arg6[%mul3A_43, %dma_wait3A_66] : memref<10240x128xf32, #tpu.memory_space<vmem_shared>> -> memref<32x128xf32, #tpu.memory_space<vmem_shared>>
    %dma_wait3A_68 = arith.constant 0 : i32
    %dma_wait3A_69 = tpu.memref_slice %arg6[%mul3A_43, %dma_wait3A_68] : memref<10240x128xf32, #tpu.memory_space<vmem_shared>> -> memref<32x128xf32, #tpu.memory_space<vmem_shared>>
    tpu.wait_dma2 semaphore(%arg17 : memref<!tpu.dma_semaphore, #tpu.memory_space<semaphore_mem>>) src(%arg7 : memref<32x128xf32, #tpu.memory_space<vmem>>) dst(%dma_wait3A_69 : memref<32x128xf32, #tpu.memory_space<vmem_shared>>)
    %barrier3A = arith.constant 0 : index
    tpu.barrier barrier_id(%barrier3A)
    %scan3A_70 = arith.constant 0 : i32
    %scan3A_71 = arith.constant 40 : i32
    %scan3A_72 = arith.addi %scan3A_70, %scan3A_71 : i32
    %scan3A_73 = arith.constant 1 : i32
    scf.for %scan3A_90 = %scan3A_70 to %scan3A_72 step %scan3A_73  : i32 {
      %mul3A_91 = arith.constant 1 : i32
      %mul3A_92 = arith.muli %scan3A_90, %mul3A_91 : i32
      %add3A_93 = arith.constant 0 : i32
      %add3A_94 = arith.addi %add3A_93, %mul3A_92 : i32
      %mul3A_95 = arith.constant 2 : i32
      %mul3A_96 = arith.muli %add3A_94, %mul3A_95 : i32
      %add3A_97 = arith.constant 0 : i32
      %add3A_98 = arith.addi %mul3A_96, %add3A_97 : i32
      %rem3A = arith.constant 4 : i32
      %rem3A_99 = arith.remsi %add3A_98, %rem3A : i32
      %dma_wait3A_100 = arith.constant 0 : i32
      %dma_wait3A_101 = tpu.memref_slice %arg9[%rem3A_99, %dma_wait3A_100] : memref<4x125xi32, #tpu.memory_space<vmem>> -> memref<1x125xi32, #tpu.memory_space<vmem>>
      %dma_wait3A_102 = tpu.memref_squeeze %dma_wait3A_101 : memref<1x125xi32, #tpu.memory_space<vmem>> -> memref<125xi32, #tpu.memory_space<vmem>>
      %dma_wait3A_103 = arith.constant 0 : i32
      %dma_wait3A_104 = tpu.memref_slice %arg4[%mul3A_2, %dma_wait3A_103] : memref<2560x125xi32, #tpu.memory_space<hbm>> -> memref<1x125xi32, #tpu.memory_space<hbm>>
      %dma_wait3A_105 = tpu.memref_squeeze %dma_wait3A_104 : memref<1x125xi32, #tpu.memory_space<hbm>> -> memref<125xi32, #tpu.memory_space<hbm>>
      %dma_wait3A_106 = arith.constant 0 : i32
      %dma_wait3A_107 = tpu.memref_slice %arg9[%rem3A_99, %dma_wait3A_106] : memref<4x125xi32, #tpu.memory_space<vmem>> -> memref<1x125xi32, #tpu.memory_space<vmem>>
      %dma_wait3A_108 = tpu.memref_squeeze %dma_wait3A_107 : memref<1x125xi32, #tpu.memory_space<vmem>> -> memref<125xi32, #tpu.memory_space<vmem>>
      %dma_wait3A_109 = arith.constant 0 : i32
      %dma_wait3A_110 = tpu.memref_slice %arg4[%mul3A_2, %dma_wait3A_109] : memref<2560x125xi32, #tpu.memory_space<hbm>> -> memref<1x125xi32, #tpu.memory_space<hbm>>
      %dma_wait3A_111 = tpu.memref_squeeze %dma_wait3A_110 : memref<1x125xi32, #tpu.memory_space<hbm>> -> memref<125xi32, #tpu.memory_space<hbm>>
      tpu.wait_dma2 semaphore(%arg15 : memref<!tpu.dma_semaphore, #tpu.memory_space<semaphore_mem>>) src(%dma_wait3A_111 : memref<125xi32, #tpu.memory_space<hbm>>) dst(%dma_wait3A_108 : memref<125xi32, #tpu.memory_space<vmem>>)
      %gt3A = arith.constant 0 : i32
      %gt3A_112 = arith.cmpi sgt, %add3A_94, %gt3A : i32
      %convert_element_type3A = arith.extui %gt3A_112 : i1 to i32
      %cond3A = arith.constant 0 : i32
      %cond3A_113 = arith.cmpi ne, %convert_element_type3A, %cond3A : i32
      scf.if %cond3A_113 {
        %dma_wait3A_214 = arith.constant 1 : i32
        %dma_wait3A_215 = arith.constant 0 : i32
        %dma_wait3A_216 = arith.constant 0 : i32
        %dma_wait3A_217 = tpu.memref_slice %arg10[%dma_wait3A_214, %dma_wait3A_215, %dma_wait3A_216] : memref<2x125x128xf32, #tpu.memory_space<vmem>> -> memref<1x125x128xf32, #tpu.memory_space<vmem>>
        %dma_wait3A_218 = tpu.memref_squeeze %dma_wait3A_217 : memref<1x125x128xf32, #tpu.memory_space<vmem>> -> memref<125x128xf32, #tpu.memory_space<vmem>>
        %dma_wait3A_219 = arith.constant 0 : i32
        %dma_wait3A_220 = tpu.memref_slice %arg9[%rem3A_99, %dma_wait3A_219] : memref<4x125xi32, #tpu.memory_space<vmem>> -> memref<1x125xi32, #tpu.memory_space<vmem>>
        %dma_wait3A_221 = tpu.memref_squeeze %dma_wait3A_220 : memref<1x125xi32, #tpu.memory_space<vmem>> -> memref<125xi32, #tpu.memory_space<vmem>>
        %dma_wait3A_222 = arith.constant 0 : i32
        %dma_wait3A_223 = arith.constant 0 : i32
        %dma_wait3A_224 = tpu.memref_slice %arg6[%dma_wait3A_222, %dma_wait3A_223] : memref<10240x128xf32, #tpu.memory_space<vmem_shared>> -> memref<10240x128xf32, #tpu.memory_space<vmem_shared>>
        tpu.wait_indirect_dma semaphore(%arg14 : memref<!tpu.dma_semaphore, #tpu.memory_space<semaphore_mem>>) src(%dma_wait3A_218 : memref<125x128xf32, #tpu.memory_space<vmem>>) dst(%dma_wait3A_224 : memref<10240x128xf32, #tpu.memory_space<vmem_shared>>)
      } else {
      }
      %add3A_114 = arith.constant 1 : i32
      %add3A_115 = arith.addi %add3A_98, %add3A_114 : i32
      %dma_start3A_116 = arith.constant 1 : i32
      %dma_start3A_117 = arith.constant 0 : i32
      %dma_start3A_118 = arith.constant 0 : i32
      %dma_start3A_119 = tpu.memref_slice %arg10[%dma_start3A_116, %dma_start3A_117, %dma_start3A_118] : memref<2x125x128xf32, #tpu.memory_space<vmem>> -> memref<1x125x128xf32, #tpu.memory_space<vmem>>
      %dma_start3A_120 = tpu.memref_squeeze %dma_start3A_119 : memref<1x125x128xf32, #tpu.memory_space<vmem>> -> memref<125x128xf32, #tpu.memory_space<vmem>>
      %dma_start3A_121 = arith.constant 0 : i32
      %dma_start3A_122 = tpu.memref_slice %arg8[%add3A_115, %dma_start3A_121] : memref<80x125xi32, #tpu.memory_space<vmem>> -> memref<1x125xi32, #tpu.memory_space<vmem>>
      %dma_start3A_123 = tpu.memref_squeeze %dma_start3A_122 : memref<1x125xi32, #tpu.memory_space<vmem>> -> memref<125xi32, #tpu.memory_space<vmem>>
      %dma_start3A_124 = arith.constant 0 : i32
      %dma_start3A_125 = arith.constant 0 : i32
      %dma_start3A_126 = tpu.memref_slice %arg2[%dma_start3A_124, %dma_start3A_125] : memref<10240x128xf32, #tpu.memory_space<hbm>> -> memref<10240x128xf32, #tpu.memory_space<hbm>>
      tpu.enqueue_indirect_dma source(%dma_start3A_126 : memref<10240x128xf32, #tpu.memory_space<hbm>>) target(%dma_start3A_120 : memref<125x128xf32, #tpu.memory_space<vmem>>) offsets(%dma_start3A_123 : memref<125xi32, #tpu.memory_space<vmem>>) semaphore(%arg12 : memref<!tpu.dma_semaphore, #tpu.memory_space<semaphore_mem>>)
      %dma_wait3A_127 = arith.constant 0 : i32
      %dma_wait3A_128 = arith.constant 0 : i32
      %dma_wait3A_129 = arith.constant 0 : i32
      %dma_wait3A_130 = tpu.memref_slice %arg10[%dma_wait3A_127, %dma_wait3A_128, %dma_wait3A_129] : memref<2x125x128xf32, #tpu.memory_space<vmem>> -> memref<1x125x128xf32, #tpu.memory_space<vmem>>
      %dma_wait3A_131 = tpu.memref_squeeze %dma_wait3A_130 : memref<1x125x128xf32, #tpu.memory_space<vmem>> -> memref<125x128xf32, #tpu.memory_space<vmem>>
      %dma_wait3A_132 = arith.constant 0 : i32
      %dma_wait3A_133 = tpu.memref_slice %arg8[%add3A_98, %dma_wait3A_132] : memref<80x125xi32, #tpu.memory_space<vmem>> -> memref<1x125xi32, #tpu.memory_space<vmem>>
      %dma_wait3A_134 = tpu.memref_squeeze %dma_wait3A_133 : memref<1x125xi32, #tpu.memory_space<vmem>> -> memref<125xi32, #tpu.memory_space<vmem>>
      %dma_wait3A_135 = arith.constant 0 : i32
      %dma_wait3A_136 = arith.constant 0 : i32
      %dma_wait3A_137 = tpu.memref_slice %arg2[%dma_wait3A_135, %dma_wait3A_136] : memref<10240x128xf32, #tpu.memory_space<hbm>> -> memref<10240x128xf32, #tpu.memory_space<hbm>>
      tpu.wait_indirect_dma semaphore(%arg11 : memref<!tpu.dma_semaphore, #tpu.memory_space<semaphore_mem>>) src(%dma_wait3A_137 : memref<10240x128xf32, #tpu.memory_space<hbm>>) dst(%dma_wait3A_131 : memref<125x128xf32, #tpu.memory_space<vmem>>)
      %dma_start3A_138 = arith.constant 0 : i32
      %dma_start3A_139 = arith.constant 0 : i32
      %dma_start3A_140 = arith.constant 0 : i32
      %dma_start3A_141 = tpu.memref_slice %arg10[%dma_start3A_138, %dma_start3A_139, %dma_start3A_140] : memref<2x125x128xf32, #tpu.memory_space<vmem>> -> memref<1x125x128xf32, #tpu.memory_space<vmem>>
      %dma_start3A_142 = tpu.memref_squeeze %dma_start3A_141 : memref<1x125x128xf32, #tpu.memory_space<vmem>> -> memref<125x128xf32, #tpu.memory_space<vmem>>
      %dma_start3A_143 = arith.constant 0 : i32
      %dma_start3A_144 = tpu.memref_slice %arg9[%rem3A_99, %dma_start3A_143] : memref<4x125xi32, #tpu.memory_space<vmem>> -> memref<1x125xi32, #tpu.memory_space<vmem>>
      %dma_start3A_145 = tpu.memref_squeeze %dma_start3A_144 : memref<1x125xi32, #tpu.memory_space<vmem>> -> memref<125xi32, #tpu.memory_space<vmem>>
      %dma_start3A_146 = arith.constant 0 : i32
      %dma_start3A_147 = arith.constant 0 : i32
      %dma_start3A_148 = tpu.memref_slice %arg6[%dma_start3A_146, %dma_start3A_147] : memref<10240x128xf32, #tpu.memory_space<vmem_shared>> -> memref<10240x128xf32, #tpu.memory_space<vmem_shared>>
      tpu.enqueue_indirect_dma source(%dma_start3A_142 : memref<125x128xf32, #tpu.memory_space<vmem>>) target(%dma_start3A_148 : memref<10240x128xf32, #tpu.memory_space<vmem_shared>>) offsets(%dma_start3A_145 : memref<125xi32, #tpu.memory_space<vmem>>) semaphore(%arg13 : memref<!tpu.dma_semaphore, #tpu.memory_space<semaphore_mem>>) {add = true}
      %lt3A = arith.constant 78 : i32
      %lt3A_149 = arith.cmpi slt, %add3A_98, %lt3A : i32
      %convert_element_type3A_150 = arith.extui %lt3A_149 : i1 to i32
      %cond3A_151 = arith.constant 0 : i32
      %cond3A_152 = arith.cmpi ne, %convert_element_type3A_150, %cond3A_151 : i32
      scf.if %cond3A_152 {
        %add3A_214 = arith.addi %mul3A_2, %add3A_98 : i32
        %add3A_215 = arith.constant 2 : i32
        %add3A_216 = arith.addi %add3A_214, %add3A_215 : i32
        %add3A_217 = arith.constant 2 : i32
        %add3A_218 = arith.addi %add3A_98, %add3A_217 : i32
        %rem3A_219 = arith.constant 4 : i32
        %rem3A_220 = arith.remsi %add3A_218, %rem3A_219 : i32
        %dma_start3A_221 = arith.constant 0 : i32
        %dma_start3A_222 = tpu.memref_slice %arg9[%rem3A_220, %dma_start3A_221] : memref<4x125xi32, #tpu.memory_space<vmem>> -> memref<1x125xi32, #tpu.memory_space<vmem>>
        %dma_start3A_223 = tpu.memref_squeeze %dma_start3A_222 : memref<1x125xi32, #tpu.memory_space<vmem>> -> memref<125xi32, #tpu.memory_space<vmem>>
        %dma_start3A_224 = arith.constant 0 : i32
        %dma_start3A_225 = tpu.memref_slice %arg4[%add3A_216, %dma_start3A_224] : memref<2560x125xi32, #tpu.memory_space<hbm>> -> memref<1x125xi32, #tpu.memory_space<hbm>>
        %dma_start3A_226 = tpu.memref_squeeze %dma_start3A_225 : memref<1x125xi32, #tpu.memory_space<hbm>> -> memref<125xi32, #tpu.memory_space<hbm>>
        %dma_start3A_227 = arith.constant 0 : i32
        %dma_start3A_228 = tpu.memref_slice %arg9[%rem3A_220, %dma_start3A_227] : memref<4x125xi32, #tpu.memory_space<vmem>> -> memref<1x125xi32, #tpu.memory_space<vmem>>
        %dma_start3A_229 = tpu.memref_squeeze %dma_start3A_228 : memref<1x125xi32, #tpu.memory_space<vmem>> -> memref<125xi32, #tpu.memory_space<vmem>>
        %dma_start3A_230 = arith.constant 0 : i32
        %dma_start3A_231 = tpu.memref_slice %arg4[%add3A_216, %dma_start3A_230] : memref<2560x125xi32, #tpu.memory_space<hbm>> -> memref<1x125xi32, #tpu.memory_space<hbm>>
        %dma_start3A_232 = tpu.memref_squeeze %dma_start3A_231 : memref<1x125xi32, #tpu.memory_space<hbm>> -> memref<125xi32, #tpu.memory_space<hbm>>
        tpu.enqueue_dma source(%dma_start3A_232 : memref<125xi32, #tpu.memory_space<hbm>>) target(%dma_start3A_229 : memref<125xi32, #tpu.memory_space<vmem>>) target_semaphore(%arg15 : memref<!tpu.dma_semaphore, #tpu.memory_space<semaphore_mem>>)
      } else {
      }
      %mul3A_153 = arith.constant 2 : i32
      %mul3A_154 = arith.muli %add3A_94, %mul3A_153 : i32
      %add3A_155 = arith.constant 1 : i32
      %add3A_156 = arith.addi %mul3A_154, %add3A_155 : i32
      %rem3A_157 = arith.constant 4 : i32
      %rem3A_158 = arith.remsi %add3A_156, %rem3A_157 : i32
      %dma_wait3A_159 = arith.constant 0 : i32
      %dma_wait3A_160 = tpu.memref_slice %arg9[%rem3A_158, %dma_wait3A_159] : memref<4x125xi32, #tpu.memory_space<vmem>> -> memref<1x125xi32, #tpu.memory_space<vmem>>
      %dma_wait3A_161 = tpu.memref_squeeze %dma_wait3A_160 : memref<1x125xi32, #tpu.memory_space<vmem>> -> memref<125xi32, #tpu.memory_space<vmem>>
      %dma_wait3A_162 = arith.constant 0 : i32
      %dma_wait3A_163 = tpu.memref_slice %arg4[%mul3A_2, %dma_wait3A_162] : memref<2560x125xi32, #tpu.memory_space<hbm>> -> memref<1x125xi32, #tpu.memory_space<hbm>>
      %dma_wait3A_164 = tpu.memref_squeeze %dma_wait3A_163 : memref<1x125xi32, #tpu.memory_space<hbm>> -> memref<125xi32, #tpu.memory_space<hbm>>
      %dma_wait3A_165 = arith.constant 0 : i32
      %dma_wait3A_166 = tpu.memref_slice %arg9[%rem3A_158, %dma_wait3A_165] : memref<4x125xi32, #tpu.memory_space<vmem>> -> memref<1x125xi32, #tpu.memory_space<vmem>>
      %dma_wait3A_167 = tpu.memref_squeeze %dma_wait3A_166 : memref<1x125xi32, #tpu.memory_space<vmem>> -> memref<125xi32, #tpu.memory_space<vmem>>
      %dma_wait3A_168 = arith.constant 0 : i32
      %dma_wait3A_169 = tpu.memref_slice %arg4[%mul3A_2, %dma_wait3A_168] : memref<2560x125xi32, #tpu.memory_space<hbm>> -> memref<1x125xi32, #tpu.memory_space<hbm>>
      %dma_wait3A_170 = tpu.memref_squeeze %dma_wait3A_169 : memref<1x125xi32, #tpu.memory_space<hbm>> -> memref<125xi32, #tpu.memory_space<hbm>>
      tpu.wait_dma2 semaphore(%arg16 : memref<!tpu.dma_semaphore, #tpu.memory_space<semaphore_mem>>) src(%dma_wait3A_170 : memref<125xi32, #tpu.memory_space<hbm>>) dst(%dma_wait3A_167 : memref<125xi32, #tpu.memory_space<vmem>>)
      %dma_wait3A_171 = arith.constant 0 : i32
      %dma_wait3A_172 = arith.constant 0 : i32
      %dma_wait3A_173 = arith.constant 0 : i32
      %dma_wait3A_174 = tpu.memref_slice %arg10[%dma_wait3A_171, %dma_wait3A_172, %dma_wait3A_173] : memref<2x125x128xf32, #tpu.memory_space<vmem>> -> memref<1x125x128xf32, #tpu.memory_space<vmem>>
      %dma_wait3A_175 = tpu.memref_squeeze %dma_wait3A_174 : memref<1x125x128xf32, #tpu.memory_space<vmem>> -> memref<125x128xf32, #tpu.memory_space<vmem>>
      %dma_wait3A_176 = arith.constant 0 : i32
      %dma_wait3A_177 = tpu.memref_slice %arg9[%rem3A_158, %dma_wait3A_176] : memref<4x125xi32, #tpu.memory_space<vmem>> -> memref<1x125xi32, #tpu.memory_space<vmem>>
      %dma_wait3A_178 = tpu.memref_squeeze %dma_wait3A_177 : memref<1x125xi32, #tpu.memory_space<vmem>> -> memref<125xi32, #tpu.memory_space<vmem>>
      %dma_wait3A_179 = arith.constant 0 : i32
      %dma_wait3A_180 = arith.constant 0 : i32
      %dma_wait3A_181 = tpu.memref_slice %arg6[%dma_wait3A_179, %dma_wait3A_180] : memref<10240x128xf32, #tpu.memory_space<vmem_shared>> -> memref<10240x128xf32, #tpu.memory_space<vmem_shared>>
      tpu.wait_indirect_dma semaphore(%arg13 : memref<!tpu.dma_semaphore, #tpu.memory_space<semaphore_mem>>) src(%dma_wait3A_175 : memref<125x128xf32, #tpu.memory_space<vmem>>) dst(%dma_wait3A_181 : memref<10240x128xf32, #tpu.memory_space<vmem_shared>>)
      %lt3A_182 = arith.constant 39 : i32
      %lt3A_183 = arith.cmpi slt, %add3A_94, %lt3A_182 : i32
      %convert_element_type3A_184 = arith.extui %lt3A_183 : i1 to i32
      %cond3A_185 = arith.constant 0 : i32
      %cond3A_186 = arith.cmpi ne, %convert_element_type3A_184, %cond3A_185 : i32
      scf.if %cond3A_186 {
        %add3A_214 = arith.constant 1 : i32
        %add3A_215 = arith.addi %add3A_156, %add3A_214 : i32
        %dma_start3A_216 = arith.constant 0 : i32
        %dma_start3A_217 = arith.constant 0 : i32
        %dma_start3A_218 = arith.constant 0 : i32
        %dma_start3A_219 = tpu.memref_slice %arg10[%dma_start3A_216, %dma_start3A_217, %dma_start3A_218] : memref<2x125x128xf32, #tpu.memory_space<vmem>> -> memref<1x125x128xf32, #tpu.memory_space<vmem>>
        %dma_start3A_220 = tpu.memref_squeeze %dma_start3A_219 : memref<1x125x128xf32, #tpu.memory_space<vmem>> -> memref<125x128xf32, #tpu.memory_space<vmem>>
        %dma_start3A_221 = arith.constant 0 : i32
        %dma_start3A_222 = tpu.memref_slice %arg8[%add3A_215, %dma_start3A_221] : memref<80x125xi32, #tpu.memory_space<vmem>> -> memref<1x125xi32, #tpu.memory_space<vmem>>
        %dma_start3A_223 = tpu.memref_squeeze %dma_start3A_222 : memref<1x125xi32, #tpu.memory_space<vmem>> -> memref<125xi32, #tpu.memory_space<vmem>>
        %dma_start3A_224 = arith.constant 0 : i32
        %dma_start3A_225 = arith.constant 0 : i32
        %dma_start3A_226 = tpu.memref_slice %arg2[%dma_start3A_224, %dma_start3A_225] : memref<10240x128xf32, #tpu.memory_space<hbm>> -> memref<10240x128xf32, #tpu.memory_space<hbm>>
        tpu.enqueue_indirect_dma source(%dma_start3A_226 : memref<10240x128xf32, #tpu.memory_space<hbm>>) target(%dma_start3A_220 : memref<125x128xf32, #tpu.memory_space<vmem>>) offsets(%dma_start3A_223 : memref<125xi32, #tpu.memory_space<vmem>>) semaphore(%arg11 : memref<!tpu.dma_semaphore, #tpu.memory_space<semaphore_mem>>)
      } else {
      }
      %dma_wait3A_187 = arith.constant 1 : i32
      %dma_wait3A_188 = arith.constant 0 : i32
      %dma_wait3A_189 = arith.constant 0 : i32
      %dma_wait3A_190 = tpu.memref_slice %arg10[%dma_wait3A_187, %dma_wait3A_188, %dma_wait3A_189] : memref<2x125x128xf32, #tpu.memory_space<vmem>> -> memref<1x125x128xf32, #tpu.memory_space<vmem>>
      %dma_wait3A_191 = tpu.memref_squeeze %dma_wait3A_190 : memref<1x125x128xf32, #tpu.memory_space<vmem>> -> memref<125x128xf32, #tpu.memory_space<vmem>>
      %dma_wait3A_192 = arith.constant 0 : i32
      %dma_wait3A_193 = tpu.memref_slice %arg8[%add3A_156, %dma_wait3A_192] : memref<80x125xi32, #tpu.memory_space<vmem>> -> memref<1x125xi32, #tpu.memory_space<vmem>>
      %dma_wait3A_194 = tpu.memref_squeeze %dma_wait3A_193 : memref<1x125xi32, #tpu.memory_space<vmem>> -> memref<125xi32, #tpu.memory_space<vmem>>
      %dma_wait3A_195 = arith.constant 0 : i32
      %dma_wait3A_196 = arith.constant 0 : i32
      %dma_wait3A_197 = tpu.memref_slice %arg2[%dma_wait3A_195, %dma_wait3A_196] : memref<10240x128xf32, #tpu.memory_space<hbm>> -> memref<10240x128xf32, #tpu.memory_space<hbm>>
      tpu.wait_indirect_dma semaphore(%arg12 : memref<!tpu.dma_semaphore, #tpu.memory_space<semaphore_mem>>) src(%dma_wait3A_197 : memref<10240x128xf32, #tpu.memory_space<hbm>>) dst(%dma_wait3A_191 : memref<125x128xf32, #tpu.memory_space<vmem>>)
      %dma_start3A_198 = arith.constant 1 : i32
      %dma_start3A_199 = arith.constant 0 : i32
      %dma_start3A_200 = arith.constant 0 : i32
      %dma_start3A_201 = tpu.memref_slice %arg10[%dma_start3A_198, %dma_start3A_199, %dma_start3A_200] : memref<2x125x128xf32, #tpu.memory_space<vmem>> -> memref<1x125x128xf32, #tpu.memory_space<vmem>>
      %dma_start3A_202 = tpu.memref_squeeze %dma_start3A_201 : memref<1x125x128xf32, #tpu.memory_space<vmem>> -> memref<125x128xf32, #tpu.memory_space<vmem>>
      %dma_start3A_203 = arith.constant 0 : i32
      %dma_start3A_204 = tpu.memref_slice %arg9[%rem3A_158, %dma_start3A_203] : memref<4x125xi32, #tpu.memory_space<vmem>> -> memref<1x125xi32, #tpu.memory_space<vmem>>
      %dma_start3A_205 = tpu.memref_squeeze %dma_start3A_204 : memref<1x125xi32, #tpu.memory_space<vmem>> -> memref<125xi32, #tpu.memory_space<vmem>>
      %dma_start3A_206 = arith.constant 0 : i32
      %dma_start3A_207 = arith.constant 0 : i32
      %dma_start3A_208 = tpu.memref_slice %arg6[%dma_start3A_206, %dma_start3A_207] : memref<10240x128xf32, #tpu.memory_space<vmem_shared>> -> memref<10240x128xf32, #tpu.memory_space<vmem_shared>>
      tpu.enqueue_indirect_dma source(%dma_start3A_202 : memref<125x128xf32, #tpu.memory_space<vmem>>) target(%dma_start3A_208 : memref<10240x128xf32, #tpu.memory_space<vmem_shared>>) offsets(%dma_start3A_205 : memref<125xi32, #tpu.memory_space<vmem>>) semaphore(%arg14 : memref<!tpu.dma_semaphore, #tpu.memory_space<semaphore_mem>>) {add = true}
      %lt3A_209 = arith.constant 78 : i32
      %lt3A_210 = arith.cmpi slt, %add3A_156, %lt3A_209 : i32
      %convert_element_type3A_211 = arith.extui %lt3A_210 : i1 to i32
      %cond3A_212 = arith.constant 0 : i32
      %cond3A_213 = arith.cmpi ne, %convert_element_type3A_211, %cond3A_212 : i32
      scf.if %cond3A_213 {
        %add3A_214 = arith.addi %mul3A_2, %add3A_156 : i32
        %add3A_215 = arith.constant 2 : i32
        %add3A_216 = arith.addi %add3A_214, %add3A_215 : i32
        %add3A_217 = arith.constant 2 : i32
        %add3A_218 = arith.addi %add3A_156, %add3A_217 : i32
        %rem3A_219 = arith.constant 4 : i32
        %rem3A_220 = arith.remsi %add3A_218, %rem3A_219 : i32
        %dma_start3A_221 = arith.constant 0 : i32
        %dma_start3A_222 = tpu.memref_slice %arg9[%rem3A_220, %dma_start3A_221] : memref<4x125xi32, #tpu.memory_space<vmem>> -> memref<1x125xi32, #tpu.memory_space<vmem>>
        %dma_start3A_223 = tpu.memref_squeeze %dma_start3A_222 : memref<1x125xi32, #tpu.memory_space<vmem>> -> memref<125xi32, #tpu.memory_space<vmem>>
        %dma_start3A_224 = arith.constant 0 : i32
        %dma_start3A_225 = tpu.memref_slice %arg4[%add3A_216, %dma_start3A_224] : memref<2560x125xi32, #tpu.memory_space<hbm>> -> memref<1x125xi32, #tpu.memory_space<hbm>>
        %dma_start3A_226 = tpu.memref_squeeze %dma_start3A_225 : memref<1x125xi32, #tpu.memory_space<hbm>> -> memref<125xi32, #tpu.memory_space<hbm>>
        %dma_start3A_227 = arith.constant 0 : i32
        %dma_start3A_228 = tpu.memref_slice %arg9[%rem3A_220, %dma_start3A_227] : memref<4x125xi32, #tpu.memory_space<vmem>> -> memref<1x125xi32, #tpu.memory_space<vmem>>
        %dma_start3A_229 = tpu.memref_squeeze %dma_start3A_228 : memref<1x125xi32, #tpu.memory_space<vmem>> -> memref<125xi32, #tpu.memory_space<vmem>>
        %dma_start3A_230 = arith.constant 0 : i32
        %dma_start3A_231 = tpu.memref_slice %arg4[%add3A_216, %dma_start3A_230] : memref<2560x125xi32, #tpu.memory_space<hbm>> -> memref<1x125xi32, #tpu.memory_space<hbm>>
        %dma_start3A_232 = tpu.memref_squeeze %dma_start3A_231 : memref<1x125xi32, #tpu.memory_space<hbm>> -> memref<125xi32, #tpu.memory_space<hbm>>
        tpu.enqueue_dma source(%dma_start3A_232 : memref<125xi32, #tpu.memory_space<hbm>>) target(%dma_start3A_229 : memref<125xi32, #tpu.memory_space<vmem>>) target_semaphore(%arg16 : memref<!tpu.dma_semaphore, #tpu.memory_space<semaphore_mem>>)
      } else {
      }
    }
    %scan3A_74 = arith.constant 40 : i32
    %dma_wait3A_75 = arith.constant 1 : i32
    %dma_wait3A_76 = arith.constant 0 : i32
    %dma_wait3A_77 = arith.constant 0 : i32
    %dma_wait3A_78 = arith.constant 0 : i32
    %dma_wait3A_79 = tpu.memref_slice %arg10[%dma_wait3A_75, %dma_wait3A_77, %dma_wait3A_78] : memref<2x125x128xf32, #tpu.memory_space<vmem>> -> memref<1x125x128xf32, #tpu.memory_space<vmem>>
    %dma_wait3A_80 = tpu.memref_squeeze %dma_wait3A_79 : memref<1x125x128xf32, #tpu.memory_space<vmem>> -> memref<125x128xf32, #tpu.memory_space<vmem>>
    %dma_wait3A_81 = arith.constant 0 : i32
    %dma_wait3A_82 = tpu.memref_slice %arg9[%dma_wait3A_76, %dma_wait3A_81] : memref<4x125xi32, #tpu.memory_space<vmem>> -> memref<1x125xi32, #tpu.memory_space<vmem>>
    %dma_wait3A_83 = tpu.memref_squeeze %dma_wait3A_82 : memref<1x125xi32, #tpu.memory_space<vmem>> -> memref<125xi32, #tpu.memory_space<vmem>>
    %dma_wait3A_84 = arith.constant 0 : i32
    %dma_wait3A_85 = arith.constant 0 : i32
    %dma_wait3A_86 = tpu.memref_slice %arg6[%dma_wait3A_84, %dma_wait3A_85] : memref<10240x128xf32, #tpu.memory_space<vmem_shared>> -> memref<10240x128xf32, #tpu.memory_space<vmem_shared>>
    tpu.wait_indirect_dma semaphore(%arg14 : memref<!tpu.dma_semaphore, #tpu.memory_space<semaphore_mem>>) src(%dma_wait3A_80 : memref<125x128xf32, #tpu.memory_space<vmem>>) dst(%dma_wait3A_86 : memref<10240x128xf32, #tpu.memory_space<vmem_shared>>)
    %barrier3A_87 = arith.constant 0 : index
    tpu.barrier barrier_id(%barrier3A_87)
    %mul3A_88 = arith.constant 640 : i32
    %mul3A_89 = arith.muli %arg1, %mul3A_88 : i32
    "tpu.region"() ({
      %run_scoped3A = tpu.sem_alloc : memref<!tpu.dma_semaphore, #tpu.memory_space<semaphore_mem>>
      %dma_start3A_90 = arith.constant 0 : i32
      %dma_start3A_91 = arith.constant 0 : i32
      %dma_start3A_92 = tpu.memref_slice %arg5[%arg0, %dma_start3A_90, %dma_start3A_91] : memref<2x10240x128xf32, #tpu.memory_space<hbm>> -> memref<1x10240x128xf32, #tpu.memory_space<hbm>>
      %dma_start3A_93 = tpu.memref_squeeze %dma_start3A_92 : memref<1x10240x128xf32, #tpu.memory_space<hbm>> -> memref<10240x128xf32, #tpu.memory_space<hbm>>
      %dma_start3A_94 = arith.constant 0 : i32
      %dma_start3A_95 = tpu.memref_slice %dma_start3A_93[%mul3A_89, %dma_start3A_94] : memref<10240x128xf32, #tpu.memory_space<hbm>> -> memref<640x128xf32, #tpu.memory_space<hbm>>
      %dma_start3A_96 = arith.constant 0 : i32
      %dma_start3A_97 = tpu.memref_slice %arg6[%mul3A_89, %dma_start3A_96] : memref<10240x128xf32, #tpu.memory_space<vmem_shared>> -> memref<640x128xf32, #tpu.memory_space<vmem_shared>>
      tpu.enqueue_dma source(%dma_start3A_97 : memref<640x128xf32, #tpu.memory_space<vmem_shared>>) target(%dma_start3A_95 : memref<640x128xf32, #tpu.memory_space<hbm>>) target_semaphore(%run_scoped3A : memref<!tpu.dma_semaphore, #tpu.memory_space<semaphore_mem>>)
      %dma_wait3A_98 = arith.constant 0 : i32
      %dma_wait3A_99 = arith.constant 0 : i32
      %dma_wait3A_100 = tpu.memref_slice %arg5[%arg0, %dma_wait3A_98, %dma_wait3A_99] : memref<2x10240x128xf32, #tpu.memory_space<hbm>> -> memref<1x10240x128xf32, #tpu.memory_space<hbm>>
      %dma_wait3A_101 = tpu.memref_squeeze %dma_wait3A_100 : memref<1x10240x128xf32, #tpu.memory_space<hbm>> -> memref<10240x128xf32, #tpu.memory_space<hbm>>
      %dma_wait3A_102 = arith.constant 0 : i32
      %dma_wait3A_103 = tpu.memref_slice %dma_wait3A_101[%mul3A_89, %dma_wait3A_102] : memref<10240x128xf32, #tpu.memory_space<hbm>> -> memref<640x128xf32, #tpu.memory_space<hbm>>
      %dma_wait3A_104 = arith.constant 0 : i32
      %dma_wait3A_105 = tpu.memref_slice %arg6[%mul3A_89, %dma_wait3A_104] : memref<10240x128xf32, #tpu.memory_space<vmem_shared>> -> memref<640x128xf32, #tpu.memory_space<vmem_shared>>
      tpu.wait_dma2 semaphore(%run_scoped3A : memref<!tpu.dma_semaphore, #tpu.memory_space<semaphore_mem>>) src(%dma_wait3A_105 : memref<640x128xf32, #tpu.memory_space<vmem_shared>>) dst(%dma_wait3A_103 : memref<640x128xf32, #tpu.memory_space<hbm>>)
      tpu.yield
    }) : () -> ()
    return
  }
}

#map = affine_map<(d0, d1) -> (0)>
#map1 = affine_map<(d0, d1) -> (0, 0)>
module attributes {stable_mosaic.version = 14 : i64} {
  func.func @_sc_deg_body(%arg0: i32, %arg1: i32, %arg2: memref<320000xi32, #tpu.memory_space<hbm>>, %arg3: memref<32x10240xf32, #tpu.memory_space<hbm>>, %arg4: memref<10240xf32, #tpu.memory_space<vmem>>, %arg5: memref<10000xi32, #tpu.memory_space<vmem>>) attributes {dimension_semantics = [#tpu.dimension_semantics<core_parallel>, #tpu.dimension_semantics<subcore_parallel>], iteration_bounds = array<i64: 2, 16>, scalar_prefetch = 0 : i64, scratch_operands = 2 : i64, tpu.core_type = #tpu.core_type<sc_vector_subcore>, window_params = [{transform_indices = #map}, {transform_indices = #map1}]} {
    %mul3A = arith.constant 2 : i32
    %mul3A_0 = arith.muli %arg1, %mul3A : i32
    %add3A = arith.addi %mul3A_0, %arg0 : i32
    %mul3A_1 = arith.constant 10000 : i32
    %mul3A_2 = arith.muli %add3A, %mul3A_1 : i32
    "tpu.region"() ({
      %run_scoped3A = tpu.sem_alloc : memref<!tpu.dma_semaphore, #tpu.memory_space<semaphore_mem>>
      %dma_start3A = tpu.memref_slice %arg2[%mul3A_2] : memref<320000xi32, #tpu.memory_space<hbm>> -> memref<10000xi32, #tpu.memory_space<hbm>>
      %dma_start3A_13 = tpu.memref_slice %arg2[%mul3A_2] : memref<320000xi32, #tpu.memory_space<hbm>> -> memref<10000xi32, #tpu.memory_space<hbm>>
      tpu.enqueue_dma source(%dma_start3A_13 : memref<10000xi32, #tpu.memory_space<hbm>>) target(%arg5 : memref<10000xi32, #tpu.memory_space<vmem>>) target_semaphore(%run_scoped3A : memref<!tpu.dma_semaphore, #tpu.memory_space<semaphore_mem>>)
      %dma_wait3A = tpu.memref_slice %arg2[%mul3A_2] : memref<320000xi32, #tpu.memory_space<hbm>> -> memref<10000xi32, #tpu.memory_space<hbm>>
      %dma_wait3A_14 = tpu.memref_slice %arg2[%mul3A_2] : memref<320000xi32, #tpu.memory_space<hbm>> -> memref<10000xi32, #tpu.memory_space<hbm>>
      tpu.wait_dma2 semaphore(%run_scoped3A : memref<!tpu.dma_semaphore, #tpu.memory_space<semaphore_mem>>) src(%dma_wait3A_14 : memref<10000xi32, #tpu.memory_space<hbm>>) dst(%arg5 : memref<10000xi32, #tpu.memory_space<vmem>>)
      tpu.yield
    }) : () -> ()
    %scan3A = arith.constant 0 : i32
    %scan3A_3 = arith.constant 80 : i32
    %scan3A_4 = arith.addi %scan3A, %scan3A_3 : i32
    %scan3A_5 = arith.constant 1 : i32
    scf.for %scan3A_13 = %scan3A to %scan3A_4 step %scan3A_5  : i32 {
      %mul3A_14 = arith.constant 1 : i32
      %mul3A_15 = arith.muli %scan3A_13, %mul3A_14 : i32
      %add3A_16 = arith.constant 0 : i32
      %add3A_17 = arith.addi %add3A_16, %mul3A_15 : i32
      %broadcast_in_dim3A_18 = arith.constant 0.000000e+00 : f32
      %broadcast_in_dim3A_19 = vector.broadcast %broadcast_in_dim3A_18 : f32 to vector<16xf32>
      %mul3A_20 = arith.constant 128 : i32
      %mul3A_21 = arith.muli %add3A_17, %mul3A_20 : i32
      %add3A_22 = arith.constant 0 : i32
      %add3A_23 = arith.addi %mul3A_21, %add3A_22 : i32
      %swap3A = arith.index_cast %add3A_23 : i32 to index
      %swap3A_24 = tpu.vector_load %arg4[%swap3A] {strides = array<i32>} : memref<10240xf32, #tpu.memory_space<vmem>>, vector<16xf32>,
      tpu.vector_store %arg4[%swap3A], %broadcast_in_dim3A_19 {strides = array<i32>} : memref<10240xf32, #tpu.memory_space<vmem>>, vector<16xf32>,
      %broadcast_in_dim3A_25 = arith.constant 0.000000e+00 : f32
      %broadcast_in_dim3A_26 = vector.broadcast %broadcast_in_dim3A_25 : f32 to vector<16xf32>
      %mul3A_27 = arith.constant 128 : i32
      %mul3A_28 = arith.muli %add3A_17, %mul3A_27 : i32
      %add3A_29 = arith.constant 16 : i32
      %add3A_30 = arith.addi %mul3A_28, %add3A_29 : i32
      %swap3A_31 = arith.index_cast %add3A_30 : i32 to index
      %swap3A_32 = tpu.vector_load %arg4[%swap3A_31] {strides = array<i32>} : memref<10240xf32, #tpu.memory_space<vmem>>, vector<16xf32>,
      tpu.vector_store %arg4[%swap3A_31], %broadcast_in_dim3A_26 {strides = array<i32>} : memref<10240xf32, #tpu.memory_space<vmem>>, vector<16xf32>,
      %broadcast_in_dim3A_33 = arith.constant 0.000000e+00 : f32
      %broadcast_in_dim3A_34 = vector.broadcast %broadcast_in_dim3A_33 : f32 to vector<16xf32>
      %mul3A_35 = arith.constant 128 : i32
      %mul3A_36 = arith.muli %add3A_17, %mul3A_35 : i32
      %add3A_37 = arith.constant 32 : i32
      %add3A_38 = arith.addi %mul3A_36, %add3A_37 : i32
      %swap3A_39 = arith.index_cast %add3A_38 : i32 to index
      %swap3A_40 = tpu.vector_load %arg4[%swap3A_39] {strides = array<i32>} : memref<10240xf32, #tpu.memory_space<vmem>>, vector<16xf32>,
      tpu.vector_store %arg4[%swap3A_39], %broadcast_in_dim3A_34 {strides = array<i32>} : memref<10240xf32, #tpu.memory_space<vmem>>, vector<16xf32>,
      %broadcast_in_dim3A_41 = arith.constant 0.000000e+00 : f32
      %broadcast_in_dim3A_42 = vector.broadcast %broadcast_in_dim3A_41 : f32 to vector<16xf32>
      %mul3A_43 = arith.constant 128 : i32
      %mul3A_44 = arith.muli %add3A_17, %mul3A_43 : i32
      %add3A_45 = arith.constant 48 : i32
      %add3A_46 = arith.addi %mul3A_44, %add3A_45 : i32
      %swap3A_47 = arith.index_cast %add3A_46 : i32 to index
      %swap3A_48 = tpu.vector_load %arg4[%swap3A_47] {strides = array<i32>} : memref<10240xf32, #tpu.memory_space<vmem>>, vector<16xf32>,
      tpu.vector_store %arg4[%swap3A_47], %broadcast_in_dim3A_42 {strides = array<i32>} : memref<10240xf32, #tpu.memory_space<vmem>>, vector<16xf32>,
      %broadcast_in_dim3A_49 = arith.constant 0.000000e+00 : f32
      %broadcast_in_dim3A_50 = vector.broadcast %broadcast_in_dim3A_49 : f32 to vector<16xf32>
      %mul3A_51 = arith.constant 128 : i32
      %mul3A_52 = arith.muli %add3A_17, %mul3A_51 : i32
      %add3A_53 = arith.constant 64 : i32
      %add3A_54 = arith.addi %mul3A_52, %add3A_53 : i32
      %swap3A_55 = arith.index_cast %add3A_54 : i32 to index
      %swap3A_56 = tpu.vector_load %arg4[%swap3A_55] {strides = array<i32>} : memref<10240xf32, #tpu.memory_space<vmem>>, vector<16xf32>,
      tpu.vector_store %arg4[%swap3A_55], %broadcast_in_dim3A_50 {strides = array<i32>} : memref<10240xf32, #tpu.memory_space<vmem>>, vector<16xf32>,
      %broadcast_in_dim3A_57 = arith.constant 0.000000e+00 : f32
      %broadcast_in_dim3A_58 = vector.broadcast %broadcast_in_dim3A_57 : f32 to vector<16xf32>
      %mul3A_59 = arith.constant 128 : i32
      %mul3A_60 = arith.muli %add3A_17, %mul3A_59 : i32
      %add3A_61 = arith.constant 80 : i32
      %add3A_62 = arith.addi %mul3A_60, %add3A_61 : i32
      %swap3A_63 = arith.index_cast %add3A_62 : i32 to index
      %swap3A_64 = tpu.vector_load %arg4[%swap3A_63] {strides = array<i32>} : memref<10240xf32, #tpu.memory_space<vmem>>, vector<16xf32>,
      tpu.vector_store %arg4[%swap3A_63], %broadcast_in_dim3A_58 {strides = array<i32>} : memref<10240xf32, #tpu.memory_space<vmem>>, vector<16xf32>,
      %broadcast_in_dim3A_65 = arith.constant 0.000000e+00 : f32
      %broadcast_in_dim3A_66 = vector.broadcast %broadcast_in_dim3A_65 : f32 to vector<16xf32>
      %mul3A_67 = arith.constant 128 : i32
      %mul3A_68 = arith.muli %add3A_17, %mul3A_67 : i32
      %add3A_69 = arith.constant 96 : i32
      %add3A_70 = arith.addi %mul3A_68, %add3A_69 : i32
      %swap3A_71 = arith.index_cast %add3A_70 : i32 to index
      %swap3A_72 = tpu.vector_load %arg4[%swap3A_71] {strides = array<i32>} : memref<10240xf32, #tpu.memory_space<vmem>>, vector<16xf32>,
      tpu.vector_store %arg4[%swap3A_71], %broadcast_in_dim3A_66 {strides = array<i32>} : memref<10240xf32, #tpu.memory_space<vmem>>, vector<16xf32>,
      %broadcast_in_dim3A_73 = arith.constant 0.000000e+00 : f32
      %broadcast_in_dim3A_74 = vector.broadcast %broadcast_in_dim3A_73 : f32 to vector<16xf32>
      %mul3A_75 = arith.constant 128 : i32
      %mul3A_76 = arith.muli %add3A_17, %mul3A_75 : i32
      %add3A_77 = arith.constant 112 : i32
      %add3A_78 = arith.addi %mul3A_76, %add3A_77 : i32
      %swap3A_79 = arith.index_cast %add3A_78 : i32 to index
      %swap3A_80 = tpu.vector_load %arg4[%swap3A_79] {strides = array<i32>} : memref<10240xf32, #tpu.memory_space<vmem>>, vector<16xf32>,
      tpu.vector_store %arg4[%swap3A_79], %broadcast_in_dim3A_74 {strides = array<i32>} : memref<10240xf32, #tpu.memory_space<vmem>>, vector<16xf32>,
    }
    %scan3A_6 = arith.constant 80 : i32
    %broadcast_in_dim3A = arith.constant 1.000000e+00 : f32
    %broadcast_in_dim3A_7 = vector.broadcast %broadcast_in_dim3A : f32 to vector<16xf32>
    %scan3A_8 = arith.constant 0 : i32
    %scan3A_9 = arith.constant 125 : i32
    %scan3A_10 = arith.addi %scan3A_8, %scan3A_9 : i32
    %scan3A_11 = arith.constant 1 : i32
    scf.for %scan3A_13 = %scan3A_8 to %scan3A_10 step %scan3A_11  : i32 {
      %mul3A_14 = arith.constant 1 : i32
      %mul3A_15 = arith.muli %scan3A_13, %mul3A_14 : i32
      %add3A_16 = arith.constant 0 : i32
      %add3A_17 = arith.addi %add3A_16, %mul3A_15 : i32
      %mul3A_18 = arith.constant 80 : i32
      %mul3A_19 = arith.muli %add3A_17, %mul3A_18 : i32
      %add3A_20 = arith.constant 0 : i32
      %add3A_21 = arith.addi %mul3A_19, %add3A_20 : i32
      %get3A = arith.index_cast %add3A_21 : i32 to index
      %get3A_22 = tpu.vector_load %arg5[%get3A] {strides = array<i32>} : memref<10000xi32, #tpu.memory_space<vmem>>, vector<16xi32>,
      tpu.vector_store_idx %arg4[%get3A_22], %broadcast_in_dim3A_7 {add = true} : memref<10240xf32, #tpu.memory_space<vmem>>[vector<16xi32>], vector<16xf32>,
      %mul3A_23 = arith.constant 80 : i32
      %mul3A_24 = arith.muli %add3A_17, %mul3A_23 : i32
      %add3A_25 = arith.constant 16 : i32
      %add3A_26 = arith.addi %mul3A_24, %add3A_25 : i32
      %get3A_27 = arith.index_cast %add3A_26 : i32 to index
      %get3A_28 = tpu.vector_load %arg5[%get3A_27] {strides = array<i32>} : memref<10000xi32, #tpu.memory_space<vmem>>, vector<16xi32>,
      tpu.vector_store_idx %arg4[%get3A_28], %broadcast_in_dim3A_7 {add = true} : memref<10240xf32, #tpu.memory_space<vmem>>[vector<16xi32>], vector<16xf32>,
      %mul3A_29 = arith.constant 80 : i32
      %mul3A_30 = arith.muli %add3A_17, %mul3A_29 : i32
      %add3A_31 = arith.constant 32 : i32
      %add3A_32 = arith.addi %mul3A_30, %add3A_31 : i32
      %get3A_33 = arith.index_cast %add3A_32 : i32 to index
      %get3A_34 = tpu.vector_load %arg5[%get3A_33] {strides = array<i32>} : memref<10000xi32, #tpu.memory_space<vmem>>, vector<16xi32>,
      tpu.vector_store_idx %arg4[%get3A_34], %broadcast_in_dim3A_7 {add = true} : memref<10240xf32, #tpu.memory_space<vmem>>[vector<16xi32>], vector<16xf32>,
      %mul3A_35 = arith.constant 80 : i32
      %mul3A_36 = arith.muli %add3A_17, %mul3A_35 : i32
      %add3A_37 = arith.constant 48 : i32
      %add3A_38 = arith.addi %mul3A_36, %add3A_37 : i32
      %get3A_39 = arith.index_cast %add3A_38 : i32 to index
      %get3A_40 = tpu.vector_load %arg5[%get3A_39] {strides = array<i32>} : memref<10000xi32, #tpu.memory_space<vmem>>, vector<16xi32>,
      tpu.vector_store_idx %arg4[%get3A_40], %broadcast_in_dim3A_7 {add = true} : memref<10240xf32, #tpu.memory_space<vmem>>[vector<16xi32>], vector<16xf32>,
      %mul3A_41 = arith.constant 80 : i32
      %mul3A_42 = arith.muli %add3A_17, %mul3A_41 : i32
      %add3A_43 = arith.constant 64 : i32
      %add3A_44 = arith.addi %mul3A_42, %add3A_43 : i32
      %get3A_45 = arith.index_cast %add3A_44 : i32 to index
      %get3A_46 = tpu.vector_load %arg5[%get3A_45] {strides = array<i32>} : memref<10000xi32, #tpu.memory_space<vmem>>, vector<16xi32>,
      tpu.vector_store_idx %arg4[%get3A_46], %broadcast_in_dim3A_7 {add = true} : memref<10240xf32, #tpu.memory_space<vmem>>[vector<16xi32>], vector<16xf32>,
    }
    %scan3A_12 = arith.constant 125 : i32
    "tpu.region"() ({
      %run_scoped3A = tpu.sem_alloc : memref<!tpu.dma_semaphore, #tpu.memory_space<semaphore_mem>>
      %dma_start3A = arith.constant 0 : i32
      %dma_start3A_13 = tpu.memref_slice %arg3[%add3A, %dma_start3A] : memref<32x10240xf32, #tpu.memory_space<hbm>> -> memref<1x10240xf32, #tpu.memory_space<hbm>>
      %dma_start3A_14 = tpu.memref_squeeze %dma_start3A_13 : memref<1x10240xf32, #tpu.memory_space<hbm>> -> memref<10240xf32, #tpu.memory_space<hbm>>
      %dma_start3A_15 = arith.constant 0 : i32
      %dma_start3A_16 = tpu.memref_slice %arg3[%add3A, %dma_start3A_15] : memref<32x10240xf32, #tpu.memory_space<hbm>> -> memref<1x10240xf32, #tpu.memory_space<hbm>>
      %dma_start3A_17 = tpu.memref_squeeze %dma_start3A_16 : memref<1x10240xf32, #tpu.memory_space<hbm>> -> memref<10240xf32, #tpu.memory_space<hbm>>
      tpu.enqueue_dma source(%arg4 : memref<10240xf32, #tpu.memory_space<vmem>>) target(%dma_start3A_17 : memref<10240xf32, #tpu.memory_space<hbm>>) target_semaphore(%run_scoped3A : memref<!tpu.dma_semaphore, #tpu.memory_space<semaphore_mem>>)
      %dma_wait3A = arith.constant 0 : i32
      %dma_wait3A_18 = tpu.memref_slice %arg3[%add3A, %dma_wait3A] : memref<32x10240xf32, #tpu.memory_space<hbm>> -> memref<1x10240xf32, #tpu.memory_space<hbm>>
      %dma_wait3A_19 = tpu.memref_squeeze %dma_wait3A_18 : memref<1x10240xf32, #tpu.memory_space<hbm>> -> memref<10240xf32, #tpu.memory_space<hbm>>
      %dma_wait3A_20 = arith.constant 0 : i32
      %dma_wait3A_21 = tpu.memref_slice %arg3[%add3A, %dma_wait3A_20] : memref<32x10240xf32, #tpu.memory_space<hbm>> -> memref<1x10240xf32, #tpu.memory_space<hbm>>
      %dma_wait3A_22 = tpu.memref_squeeze %dma_wait3A_21 : memref<1x10240xf32, #tpu.memory_space<hbm>> -> memref<10240xf32, #tpu.memory_space<hbm>>
      tpu.wait_dma2 semaphore(%run_scoped3A : memref<!tpu.dma_semaphore, #tpu.memory_space<semaphore_mem>>) src(%arg4 : memref<10240xf32, #tpu.memory_space<vmem>>) dst(%dma_wait3A_22 : memref<10240xf32, #tpu.memory_space<hbm>>)
      tpu.yield
    }) : () -> ()
    return
  }
}

#map = affine_map<(d0, d1) -> (0, 0)>
#map1 = affine_map<(d0, d1) -> (0, 0, 0)>
module attributes {stable_mosaic.version = 14 : i64} {
  func.func @_sc_agg_body(%arg0: i32, %arg1: i32, %arg2: memref<10240x128xf32, #tpu.memory_space<hbm>>, %arg3: memref<2560x125xi32, #tpu.memory_space<hbm>>, %arg4: memref<2560x125xi32, #tpu.memory_space<hbm>>, %arg5: memref<2x10240x128xf32, #tpu.memory_space<hbm>>, %arg6: memref<10240x128xf32, #tpu.memory_space<vmem_shared>>, %arg7: memref<32x128xf32, #tpu.memory_space<vmem>>, %arg8: memref<80x125xi32, #tpu.memory_space<vmem>>, %arg9: memref<4x125xi32, #tpu.memory_space<vmem>>, %arg10: memref<2x125x128xf32, #tpu.memory_space<vmem>>, %arg11: memref<!tpu.dma_semaphore, #tpu.memory_space<semaphore_mem>>, %arg12: memref<!tpu.dma_semaphore, #tpu.memory_space<semaphore_mem>>, %arg13: memref<!tpu.dma_semaphore, #tpu.memory_space<semaphore_mem>>, %arg14: memref<!tpu.dma_semaphore, #tpu.memory_space<semaphore_mem>>, %arg15: memref<!tpu.dma_semaphore, #tpu.memory_space<semaphore_mem>>, %arg16: memref<!tpu.dma_semaphore, #tpu.memory_space<semaphore_mem>>, %arg17: memref<!tpu.dma_semaphore, #tpu.memory_space<semaphore_mem>>) attributes {dimension_semantics = [#tpu.dimension_semantics<core_parallel>, #tpu.dimension_semantics<subcore_parallel>], iteration_bounds = array<i64: 2, 16>, scalar_prefetch = 0 : i64, scratch_operands = 12 : i64, tpu.core_type = #tpu.core_type<sc_vector_subcore>, window_params = [{transform_indices = #map}, {transform_indices = #map}, {transform_indices = #map}, {transform_indices = #map1}]} {
    %mul3A = arith.constant 2 : i32
    %mul3A_0 = arith.muli %arg1, %mul3A : i32
    %add3A = arith.addi %mul3A_0, %arg0 : i32
    %mul3A_1 = arith.constant 80 : i32
    %mul3A_2 = arith.muli %add3A, %mul3A_1 : i32
    "tpu.region"() ({
      %run_scoped3A = tpu.sem_alloc : memref<!tpu.dma_semaphore, #tpu.memory_space<semaphore_mem>>
      %dma_start3A_90 = arith.constant 0 : i32
      %dma_start3A_91 = tpu.memref_slice %arg3[%mul3A_2, %dma_start3A_90] : memref<2560x125xi32, #tpu.memory_space<hbm>> -> memref<80x125xi32, #tpu.memory_space<hbm>>
      %dma_start3A_92 = arith.constant 0 : i32
      %dma_start3A_93 = tpu.memref_slice %arg3[%mul3A_2, %dma_start3A_92] : memref<2560x125xi32, #tpu.memory_space<hbm>> -> memref<80x125xi32, #tpu.memory_space<hbm>>
      tpu.enqueue_dma source(%dma_start3A_93 : memref<80x125xi32, #tpu.memory_space<hbm>>) target(%arg8 : memref<80x125xi32, #tpu.memory_space<vmem>>) target_semaphore(%run_scoped3A : memref<!tpu.dma_semaphore, #tpu.memory_space<semaphore_mem>>)
      %dma_wait3A_94 = arith.constant 0 : i32
      %dma_wait3A_95 = tpu.memref_slice %arg3[%mul3A_2, %dma_wait3A_94] : memref<2560x125xi32, #tpu.memory_space<hbm>> -> memref<80x125xi32, #tpu.memory_space<hbm>>
      %dma_wait3A_96 = arith.constant 0 : i32
      %dma_wait3A_97 = tpu.memref_slice %arg3[%mul3A_2, %dma_wait3A_96] : memref<2560x125xi32, #tpu.memory_space<hbm>> -> memref<80x125xi32, #tpu.memory_space<hbm>>
      tpu.wait_dma2 semaphore(%run_scoped3A : memref<!tpu.dma_semaphore, #tpu.memory_space<semaphore_mem>>) src(%dma_wait3A_97 : memref<80x125xi32, #tpu.memory_space<hbm>>) dst(%arg8 : memref<80x125xi32, #tpu.memory_space<vmem>>)
      tpu.yield
    }) : () -> ()
    %dma_start3A = arith.constant 0 : i32
    %dma_start3A_3 = arith.constant 0 : i32
    %dma_start3A_4 = tpu.memref_slice %arg9[%dma_start3A, %dma_start3A_3] : memref<4x125xi32, #tpu.memory_space<vmem>> -> memref<1x125xi32, #tpu.memory_space<vmem>>
    %dma_start3A_5 = tpu.memref_squeeze %dma_start3A_4 : memref<1x125xi32, #tpu.memory_space<vmem>> -> memref<125xi32, #tpu.memory_space<vmem>>
    %dma_start3A_6 = arith.constant 0 : i32
    %dma_start3A_7 = tpu.memref_slice %arg4[%mul3A_2, %dma_start3A_6] : memref<2560x125xi32, #tpu.memory_space<hbm>> -> memref<1x125xi32, #tpu.memory_space<hbm>>
    %dma_start3A_8 = tpu.memref_squeeze %dma_start3A_7 : memref<1x125xi32, #tpu.memory_space<hbm>> -> memref<125xi32, #tpu.memory_space<hbm>>
    %dma_start3A_9 = arith.constant 0 : i32
    %dma_start3A_10 = tpu.memref_slice %arg9[%dma_start3A, %dma_start3A_9] : memref<4x125xi32, #tpu.memory_space<vmem>> -> memref<1x125xi32, #tpu.memory_space<vmem>>
    %dma_start3A_11 = tpu.memref_squeeze %dma_start3A_10 : memref<1x125xi32, #tpu.memory_space<vmem>> -> memref<125xi32, #tpu.memory_space<vmem>>
    %dma_start3A_12 = arith.constant 0 : i32
    %dma_start3A_13 = tpu.memref_slice %arg4[%mul3A_2, %dma_start3A_12] : memref<2560x125xi32, #tpu.memory_space<hbm>> -> memref<1x125xi32, #tpu.memory_space<hbm>>
    %dma_start3A_14 = tpu.memref_squeeze %dma_start3A_13 : memref<1x125xi32, #tpu.memory_space<hbm>> -> memref<125xi32, #tpu.memory_space<hbm>>
    tpu.enqueue_dma source(%dma_start3A_14 : memref<125xi32, #tpu.memory_space<hbm>>) target(%dma_start3A_11 : memref<125xi32, #tpu.memory_space<vmem>>) target_semaphore(%arg15 : memref<!tpu.dma_semaphore, #tpu.memory_space<semaphore_mem>>)
    %add3A_15 = arith.constant 1 : i32
    %add3A_16 = arith.addi %mul3A_2, %add3A_15 : i32
    %dma_start3A_17 = arith.constant 1 : i32
    %dma_start3A_18 = arith.constant 0 : i32
    %dma_start3A_19 = tpu.memref_slice %arg9[%dma_start3A_17, %dma_start3A_18] : memref<4x125xi32, #tpu.memory_space<vmem>> -> memref<1x125xi32, #tpu.memory_space<vmem>>
    %dma_start3A_20 = tpu.memref_squeeze %dma_start3A_19 : memref<1x125xi32, #tpu.memory_space<vmem>> -> memref<125xi32, #tpu.memory_space<vmem>>
    %dma_start3A_21 = arith.constant 0 : i32
    %dma_start3A_22 = tpu.memref_slice %arg4[%add3A_16, %dma_start3A_21] : memref<2560x125xi32, #tpu.memory_space<hbm>> -> memref<1x125xi32, #tpu.memory_space<hbm>>
    %dma_start3A_23 = tpu.memref_squeeze %dma_start3A_22 : memref<1x125xi32, #tpu.memory_space<hbm>> -> memref<125xi32, #tpu.memory_space<hbm>>
    %dma_start3A_24 = arith.constant 0 : i32
    %dma_start3A_25 = tpu.memref_slice %arg9[%dma_start3A_17, %dma_start3A_24] : memref<4x125xi32, #tpu.memory_space<vmem>> -> memref<1x125xi32, #tpu.memory_space<vmem>>
    %dma_start3A_26 = tpu.memref_squeeze %dma_start3A_25 : memref<1x125xi32, #tpu.memory_space<vmem>> -> memref<125xi32, #tpu.memory_space<vmem>>
    %dma_start3A_27 = arith.constant 0 : i32
    %dma_start3A_28 = tpu.memref_slice %arg4[%add3A_16, %dma_start3A_27] : memref<2560x125xi32, #tpu.memory_space<hbm>> -> memref<1x125xi32, #tpu.memory_space<hbm>>
    %dma_start3A_29 = tpu.memref_squeeze %dma_start3A_28 : memref<1x125xi32, #tpu.memory_space<hbm>> -> memref<125xi32, #tpu.memory_space<hbm>>
    tpu.enqueue_dma source(%dma_start3A_29 : memref<125xi32, #tpu.memory_space<hbm>>) target(%dma_start3A_26 : memref<125xi32, #tpu.memory_space<vmem>>) target_semaphore(%arg16 : memref<!tpu.dma_semaphore, #tpu.memory_space<semaphore_mem>>)
    %dma_start3A_30 = arith.constant 0 : i32
    %dma_start3A_31 = arith.constant 0 : i32
    %dma_start3A_32 = arith.constant 0 : i32
    %dma_start3A_33 = arith.constant 0 : i32
    %dma_start3A_34 = tpu.memref_slice %arg10[%dma_start3A_31, %dma_start3A_32, %dma_start3A_33] : memref<2x125x128xf32, #tpu.memory_space<vmem>> -> memref<1x125x128xf32, #tpu.memory_space<vmem>>
    %dma_start3A_35 = tpu.memref_squeeze %dma_start3A_34 : memref<1x125x128xf32, #tpu.memory_space<vmem>> -> memref<125x128xf32, #tpu.memory_space<vmem>>
    %dma_start3A_36 = arith.constant 0 : i32
    %dma_start3A_37 = tpu.memref_slice %arg8[%dma_start3A_30, %dma_start3A_36] : memref<80x125xi32, #tpu.memory_space<vmem>> -> memref<1x125xi32, #tpu.memory_space<vmem>>
    %dma_start3A_38 = tpu.memref_squeeze %dma_start3A_37 : memref<1x125xi32, #tpu.memory_space<vmem>> -> memref<125xi32, #tpu.memory_space<vmem>>
    %dma_start3A_39 = arith.constant 0 : i32
    %dma_start3A_40 = arith.constant 0 : i32
    %dma_start3A_41 = tpu.memref_slice %arg2[%dma_start3A_39, %dma_start3A_40] : memref<10240x128xf32, #tpu.memory_space<hbm>> -> memref<10240x128xf32, #tpu.memory_space<hbm>>
    tpu.enqueue_indirect_dma source(%dma_start3A_41 : memref<10240x128xf32, #tpu.memory_space<hbm>>) target(%dma_start3A_35 : memref<125x128xf32, #tpu.memory_space<vmem>>) offsets(%dma_start3A_38 : memref<125xi32, #tpu.memory_space<vmem>>) semaphore(%arg11 : memref<!tpu.dma_semaphore, #tpu.memory_space<semaphore_mem>>)
    %mul3A_42 = arith.constant 640 : i32
    %mul3A_43 = arith.muli %arg1, %mul3A_42 : i32
    %scan3A = arith.constant 0 : i32
    %scan3A_44 = arith.constant 32 : i32
    %scan3A_45 = arith.addi %scan3A, %scan3A_44 : i32
    %scan3A_46 = arith.constant 1 : i32
    scf.for %scan3A_90 = %scan3A to %scan3A_45 step %scan3A_46  : i32 {
      %mul3A_91 = arith.constant 1 : i32
      %mul3A_92 = arith.muli %scan3A_90, %mul3A_91 : i32
      %add3A_93 = arith.constant 0 : i32
      %add3A_94 = arith.addi %add3A_93, %mul3A_92 : i32
      %broadcast_in_dim3A = arith.constant 0.000000e+00 : f32
      %broadcast_in_dim3A_95 = vector.broadcast %broadcast_in_dim3A : f32 to vector<16xf32>
      %swap3A = arith.index_cast %add3A_94 : i32 to index
      %swap3A_96 = arith.constant 0 : index
      %swap3A_97 = tpu.vector_load %arg7[%swap3A, %swap3A_96] {strides = array<i32>} : memref<32x128xf32, #tpu.memory_space<vmem>>, vector<1x16xf32>,
      %swap3A_98 = vector.shape_cast %swap3A_97 : vector<1x16xf32> to vector<16xf32>
      %swap3A_99 = vector.shape_cast %broadcast_in_dim3A_95 : vector<16xf32> to vector<1x16xf32>
      tpu.vector_store %arg7[%swap3A, %swap3A_96], %swap3A_99 {strides = array<i32>} : memref<32x128xf32, #tpu.memory_space<vmem>>, vector<1x16xf32>,
      %broadcast_in_dim3A_100 = arith.constant 0.000000e+00 : f32
      %broadcast_in_dim3A_101 = vector.broadcast %broadcast_in_dim3A_100 : f32 to vector<16xf32>
      %swap3A_102 = arith.index_cast %add3A_94 : i32 to index
      %swap3A_103 = arith.constant 16 : index
      %swap3A_104 = tpu.vector_load %arg7[%swap3A_102, %swap3A_103] {strides = array<i32>} : memref<32x128xf32, #tpu.memory_space<vmem>>, vector<1x16xf32>,
      %swap3A_105 = vector.shape_cast %swap3A_104 : vector<1x16xf32> to vector<16xf32>
      %swap3A_106 = vector.shape_cast %broadcast_in_dim3A_101 : vector<16xf32> to vector<1x16xf32>
      tpu.vector_store %arg7[%swap3A_102, %swap3A_103], %swap3A_106 {strides = array<i32>} : memref<32x128xf32, #tpu.memory_space<vmem>>, vector<1x16xf32>,
      %broadcast_in_dim3A_107 = arith.constant 0.000000e+00 : f32
      %broadcast_in_dim3A_108 = vector.broadcast %broadcast_in_dim3A_107 : f32 to vector<16xf32>
      %swap3A_109 = arith.index_cast %add3A_94 : i32 to index
      %swap3A_110 = arith.constant 32 : index
      %swap3A_111 = tpu.vector_load %arg7[%swap3A_109, %swap3A_110] {strides = array<i32>} : memref<32x128xf32, #tpu.memory_space<vmem>>, vector<1x16xf32>,
      %swap3A_112 = vector.shape_cast %swap3A_111 : vector<1x16xf32> to vector<16xf32>
      %swap3A_113 = vector.shape_cast %broadcast_in_dim3A_108 : vector<16xf32> to vector<1x16xf32>
      tpu.vector_store %arg7[%swap3A_109, %swap3A_110], %swap3A_113 {strides = array<i32>} : memref<32x128xf32, #tpu.memory_space<vmem>>, vector<1x16xf32>,
      %broadcast_in_dim3A_114 = arith.constant 0.000000e+00 : f32
      %broadcast_in_dim3A_115 = vector.broadcast %broadcast_in_dim3A_114 : f32 to vector<16xf32>
      %swap3A_116 = arith.index_cast %add3A_94 : i32 to index
      %swap3A_117 = arith.constant 48 : index
      %swap3A_118 = tpu.vector_load %arg7[%swap3A_116, %swap3A_117] {strides = array<i32>} : memref<32x128xf32, #tpu.memory_space<vmem>>, vector<1x16xf32>,
      %swap3A_119 = vector.shape_cast %swap3A_118 : vector<1x16xf32> to vector<16xf32>
      %swap3A_120 = vector.shape_cast %broadcast_in_dim3A_115 : vector<16xf32> to vector<1x16xf32>
      tpu.vector_store %arg7[%swap3A_116, %swap3A_117], %swap3A_120 {strides = array<i32>} : memref<32x128xf32, #tpu.memory_space<vmem>>, vector<1x16xf32>,
      %broadcast_in_dim3A_121 = arith.constant 0.000000e+00 : f32
      %broadcast_in_dim3A_122 = vector.broadcast %broadcast_in_dim3A_121 : f32 to vector<16xf32>
      %swap3A_123 = arith.index_cast %add3A_94 : i32 to index
      %swap3A_124 = arith.constant 64 : index
      %swap3A_125 = tpu.vector_load %arg7[%swap3A_123, %swap3A_124] {strides = array<i32>} : memref<32x128xf32, #tpu.memory_space<vmem>>, vector<1x16xf32>,
      %swap3A_126 = vector.shape_cast %swap3A_125 : vector<1x16xf32> to vector<16xf32>
      %swap3A_127 = vector.shape_cast %broadcast_in_dim3A_122 : vector<16xf32> to vector<1x16xf32>
      tpu.vector_store %arg7[%swap3A_123, %swap3A_124], %swap3A_127 {strides = array<i32>} : memref<32x128xf32, #tpu.memory_space<vmem>>, vector<1x16xf32>,
      %broadcast_in_dim3A_128 = arith.constant 0.000000e+00 : f32
      %broadcast_in_dim3A_129 = vector.broadcast %broadcast_in_dim3A_128 : f32 to vector<16xf32>
      %swap3A_130 = arith.index_cast %add3A_94 : i32 to index
      %swap3A_131 = arith.constant 80 : index
      %swap3A_132 = tpu.vector_load %arg7[%swap3A_130, %swap3A_131] {strides = array<i32>} : memref<32x128xf32, #tpu.memory_space<vmem>>, vector<1x16xf32>,
      %swap3A_133 = vector.shape_cast %swap3A_132 : vector<1x16xf32> to vector<16xf32>
      %swap3A_134 = vector.shape_cast %broadcast_in_dim3A_129 : vector<16xf32> to vector<1x16xf32>
      tpu.vector_store %arg7[%swap3A_130, %swap3A_131], %swap3A_134 {strides = array<i32>} : memref<32x128xf32, #tpu.memory_space<vmem>>, vector<1x16xf32>,
      %broadcast_in_dim3A_135 = arith.constant 0.000000e+00 : f32
      %broadcast_in_dim3A_136 = vector.broadcast %broadcast_in_dim3A_135 : f32 to vector<16xf32>
      %swap3A_137 = arith.index_cast %add3A_94 : i32 to index
      %swap3A_138 = arith.constant 96 : index
      %swap3A_139 = tpu.vector_load %arg7[%swap3A_137, %swap3A_138] {strides = array<i32>} : memref<32x128xf32, #tpu.memory_space<vmem>>, vector<1x16xf32>,
      %swap3A_140 = vector.shape_cast %swap3A_139 : vector<1x16xf32> to vector<16xf32>
      %swap3A_141 = vector.shape_cast %broadcast_in_dim3A_136 : vector<16xf32> to vector<1x16xf32>
      tpu.vector_store %arg7[%swap3A_137, %swap3A_138], %swap3A_141 {strides = array<i32>} : memref<32x128xf32, #tpu.memory_space<vmem>>, vector<1x16xf32>,
      %broadcast_in_dim3A_142 = arith.constant 0.000000e+00 : f32
      %broadcast_in_dim3A_143 = vector.broadcast %broadcast_in_dim3A_142 : f32 to vector<16xf32>
      %swap3A_144 = arith.index_cast %add3A_94 : i32 to index
      %swap3A_145 = arith.constant 112 : index
      %swap3A_146 = tpu.vector_load %arg7[%swap3A_144, %swap3A_145] {strides = array<i32>} : memref<32x128xf32, #tpu.memory_space<vmem>>, vector<1x16xf32>,
      %swap3A_147 = vector.shape_cast %swap3A_146 : vector<1x16xf32> to vector<16xf32>
      %swap3A_148 = vector.shape_cast %broadcast_in_dim3A_143 : vector<16xf32> to vector<1x16xf32>
      tpu.vector_store %arg7[%swap3A_144, %swap3A_145], %swap3A_148 {strides = array<i32>} : memref<32x128xf32, #tpu.memory_space<vmem>>, vector<1x16xf32>,
    }
    %scan3A_47 = arith.constant 32 : i32
    %dma_start3A_48 = arith.constant 0 : i32
    %dma_start3A_49 = tpu.memref_slice %arg6[%mul3A_43, %dma_start3A_48] : memref<10240x128xf32, #tpu.memory_space<vmem_shared>> -> memref<32x128xf32, #tpu.memory_space<vmem_shared>>
    %dma_start3A_50 = arith.constant 0 : i32
    %dma_start3A_51 = tpu.memref_slice %arg6[%mul3A_43, %dma_start3A_50] : memref<10240x128xf32, #tpu.memory_space<vmem_shared>> -> memref<32x128xf32, #tpu.memory_space<vmem_shared>>
    tpu.enqueue_dma source(%arg7 : memref<32x128xf32, #tpu.memory_space<vmem>>) target(%dma_start3A_51 : memref<32x128xf32, #tpu.memory_space<vmem_shared>>) target_semaphore(%arg17 : memref<!tpu.dma_semaphore, #tpu.memory_space<semaphore_mem>>)
    %add3A_52 = arith.constant 32 : i32
    %add3A_53 = arith.addi %mul3A_43, %add3A_52 : i32
    %dma_start3A_54 = arith.constant 0 : i32
    %dma_start3A_55 = tpu.memref_slice %arg6[%add3A_53, %dma_start3A_54] : memref<10240x128xf32, #tpu.memory_space<vmem_shared>> -> memref<32x128xf32, #tpu.memory_space<vmem_shared>>
    %dma_start3A_56 = arith.constant 0 : i32
    %dma_start3A_57 = tpu.memref_slice %arg6[%add3A_53, %dma_start3A_56] : memref<10240x128xf32, #tpu.memory_space<vmem_shared>> -> memref<32x128xf32, #tpu.memory_space<vmem_shared>>
    tpu.enqueue_dma source(%arg7 : memref<32x128xf32, #tpu.memory_space<vmem>>) target(%dma_start3A_57 : memref<32x128xf32, #tpu.memory_space<vmem_shared>>) target_semaphore(%arg17 : memref<!tpu.dma_semaphore, #tpu.memory_space<semaphore_mem>>)
    %scan3A_58 = arith.constant 0 : i32
    %scan3A_59 = arith.constant 18 : i32
    %scan3A_60 = arith.addi %scan3A_58, %scan3A_59 : i32
    %scan3A_61 = arith.constant 1 : i32
    scf.for %scan3A_90 = %scan3A_58 to %scan3A_60 step %scan3A_61  : i32 {
      %mul3A_91 = arith.constant 1 : i32
      %mul3A_92 = arith.muli %scan3A_90, %mul3A_91 : i32
      %add3A_93 = arith.constant 2 : i32
      %add3A_94 = arith.addi %add3A_93, %mul3A_92 : i32
      %dma_wait3A_95 = arith.constant 0 : i32
      %dma_wait3A_96 = tpu.memref_slice %arg6[%mul3A_43, %dma_wait3A_95] : memref<10240x128xf32, #tpu.memory_space<vmem_shared>> -> memref<32x128xf32, #tpu.memory_space<vmem_shared>>
      %dma_wait3A_97 = arith.constant 0 : i32
      %dma_wait3A_98 = tpu.memref_slice %arg6[%mul3A_43, %dma_wait3A_97] : memref<10240x128xf32, #tpu.memory_space<vmem_shared>> -> memref<32x128xf32, #tpu.memory_space<vmem_shared>>
      tpu.wait_dma2 semaphore(%arg17 : memref<!tpu.dma_semaphore, #tpu.memory_space<semaphore_mem>>) src(%arg7 : memref<32x128xf32, #tpu.memory_space<vmem>>) dst(%dma_wait3A_98 : memref<32x128xf32, #tpu.memory_space<vmem_shared>>)
      %mul3A_99 = arith.constant 32 : i32
      %mul3A_100 = arith.muli %add3A_94, %mul3A_99 : i32
      %add3A_101 = arith.addi %mul3A_43, %mul3A_100 : i32
      %dma_start3A_102 = arith.constant 0 : i32
      %dma_start3A_103 = tpu.memref_slice %arg6[%add3A_101, %dma_start3A_102] : memref<10240x128xf32, #tpu.memory_space<vmem_shared>> -> memref<32x128xf32, #tpu.memory_space<vmem_shared>>
      %dma_start3A_104 = arith.constant 0 : i32
      %dma_start3A_105 = tpu.memref_slice %arg6[%add3A_101, %dma_start3A_104] : memref<10240x128xf32, #tpu.memory_space<vmem_shared>> -> memref<32x128xf32, #tpu.memory_space<vmem_shared>>
      tpu.enqueue_dma source(%arg7 : memref<32x128xf32, #tpu.memory_space<vmem>>) target(%dma_start3A_105 : memref<32x128xf32, #tpu.memory_space<vmem_shared>>) target_semaphore(%arg17 : memref<!tpu.dma_semaphore, #tpu.memory_space<semaphore_mem>>)
    }
    %scan3A_62 = arith.constant 18 : i32
    %dma_wait3A = arith.constant 0 : i32
    %dma_wait3A_63 = tpu.memref_slice %arg6[%mul3A_43, %dma_wait3A] : memref<10240x128xf32, #tpu.memory_space<vmem_shared>> -> memref<32x128xf32, #tpu.memory_space<vmem_shared>>
    %dma_wait3A_64 = arith.constant 0 : i32
    %dma_wait3A_65 = tpu.memref_slice %arg6[%mul3A_43, %dma_wait3A_64] : memref<10240x128xf32, #tpu.memory_space<vmem_shared>> -> memref<32x128xf32, #tpu.memory_space<vmem_shared>>
    tpu.wait_dma2 semaphore(%arg17 : memref<!tpu.dma_semaphore, #tpu.memory_space<semaphore_mem>>) src(%arg7 : memref<32x128xf32, #tpu.memory_space<vmem>>) dst(%dma_wait3A_65 : memref<32x128xf32, #tpu.memory_space<vmem_shared>>)
    %dma_wait3A_66 = arith.constant 0 : i32
    %dma_wait3A_67 = tpu.memref_slice %arg6[%mul3A_43, %dma_wait3A_66] : memref<10240x128xf32, #tpu.memory_space<vmem_shared>> -> memref<32x128xf32, #tpu.memory_space<vmem_shared>>
    %dma_wait3A_68 = arith.constant 0 : i32
    %dma_wait3A_69 = tpu.memref_slice %arg6[%mul3A_43, %dma_wait3A_68] : memref<10240x128xf32, #tpu.memory_space<vmem_shared>> -> memref<32x128xf32, #tpu.memory_space<vmem_shared>>
    tpu.wait_dma2 semaphore(%arg17 : memref<!tpu.dma_semaphore, #tpu.memory_space<semaphore_mem>>) src(%arg7 : memref<32x128xf32, #tpu.memory_space<vmem>>) dst(%dma_wait3A_69 : memref<32x128xf32, #tpu.memory_space<vmem_shared>>)
    %barrier3A = arith.constant 0 : index
    tpu.barrier barrier_id(%barrier3A)
    %scan3A_70 = arith.constant 0 : i32
    %scan3A_71 = arith.constant 40 : i32
    %scan3A_72 = arith.addi %scan3A_70, %scan3A_71 : i32
    %scan3A_73 = arith.constant 1 : i32
    scf.for %scan3A_90 = %scan3A_70 to %scan3A_72 step %scan3A_73  : i32 {
      %mul3A_91 = arith.constant 1 : i32
      %mul3A_92 = arith.muli %scan3A_90, %mul3A_91 : i32
      %add3A_93 = arith.constant 0 : i32
      %add3A_94 = arith.addi %add3A_93, %mul3A_92 : i32
      %mul3A_95 = arith.constant 2 : i32
      %mul3A_96 = arith.muli %add3A_94, %mul3A_95 : i32
      %add3A_97 = arith.constant 0 : i32
      %add3A_98 = arith.addi %mul3A_96, %add3A_97 : i32
      %rem3A = arith.constant 4 : i32
      %rem3A_99 = arith.remsi %add3A_98, %rem3A : i32
      %dma_wait3A_100 = arith.constant 0 : i32
      %dma_wait3A_101 = tpu.memref_slice %arg9[%rem3A_99, %dma_wait3A_100] : memref<4x125xi32, #tpu.memory_space<vmem>> -> memref<1x125xi32, #tpu.memory_space<vmem>>
      %dma_wait3A_102 = tpu.memref_squeeze %dma_wait3A_101 : memref<1x125xi32, #tpu.memory_space<vmem>> -> memref<125xi32, #tpu.memory_space<vmem>>
      %dma_wait3A_103 = arith.constant 0 : i32
      %dma_wait3A_104 = tpu.memref_slice %arg4[%mul3A_2, %dma_wait3A_103] : memref<2560x125xi32, #tpu.memory_space<hbm>> -> memref<1x125xi32, #tpu.memory_space<hbm>>
      %dma_wait3A_105 = tpu.memref_squeeze %dma_wait3A_104 : memref<1x125xi32, #tpu.memory_space<hbm>> -> memref<125xi32, #tpu.memory_space<hbm>>
      %dma_wait3A_106 = arith.constant 0 : i32
      %dma_wait3A_107 = tpu.memref_slice %arg9[%rem3A_99, %dma_wait3A_106] : memref<4x125xi32, #tpu.memory_space<vmem>> -> memref<1x125xi32, #tpu.memory_space<vmem>>
      %dma_wait3A_108 = tpu.memref_squeeze %dma_wait3A_107 : memref<1x125xi32, #tpu.memory_space<vmem>> -> memref<125xi32, #tpu.memory_space<vmem>>
      %dma_wait3A_109 = arith.constant 0 : i32
      %dma_wait3A_110 = tpu.memref_slice %arg4[%mul3A_2, %dma_wait3A_109] : memref<2560x125xi32, #tpu.memory_space<hbm>> -> memref<1x125xi32, #tpu.memory_space<hbm>>
      %dma_wait3A_111 = tpu.memref_squeeze %dma_wait3A_110 : memref<1x125xi32, #tpu.memory_space<hbm>> -> memref<125xi32, #tpu.memory_space<hbm>>
      tpu.wait_dma2 semaphore(%arg15 : memref<!tpu.dma_semaphore, #tpu.memory_space<semaphore_mem>>) src(%dma_wait3A_111 : memref<125xi32, #tpu.memory_space<hbm>>) dst(%dma_wait3A_108 : memref<125xi32, #tpu.memory_space<vmem>>)
      %gt3A = arith.constant 0 : i32
      %gt3A_112 = arith.cmpi sgt, %add3A_94, %gt3A : i32
      %convert_element_type3A = arith.extui %gt3A_112 : i1 to i32
      %cond3A = arith.constant 0 : i32
      %cond3A_113 = arith.cmpi ne, %convert_element_type3A, %cond3A : i32
      scf.if %cond3A_113 {
        %dma_wait3A_214 = arith.constant 1 : i32
        %dma_wait3A_215 = arith.constant 0 : i32
        %dma_wait3A_216 = arith.constant 0 : i32
        %dma_wait3A_217 = tpu.memref_slice %arg10[%dma_wait3A_214, %dma_wait3A_215, %dma_wait3A_216] : memref<2x125x128xf32, #tpu.memory_space<vmem>> -> memref<1x125x128xf32, #tpu.memory_space<vmem>>
        %dma_wait3A_218 = tpu.memref_squeeze %dma_wait3A_217 : memref<1x125x128xf32, #tpu.memory_space<vmem>> -> memref<125x128xf32, #tpu.memory_space<vmem>>
        %dma_wait3A_219 = arith.constant 0 : i32
        %dma_wait3A_220 = tpu.memref_slice %arg9[%rem3A_99, %dma_wait3A_219] : memref<4x125xi32, #tpu.memory_space<vmem>> -> memref<1x125xi32, #tpu.memory_space<vmem>>
        %dma_wait3A_221 = tpu.memref_squeeze %dma_wait3A_220 : memref<1x125xi32, #tpu.memory_space<vmem>> -> memref<125xi32, #tpu.memory_space<vmem>>
        %dma_wait3A_222 = arith.constant 0 : i32
        %dma_wait3A_223 = arith.constant 0 : i32
        %dma_wait3A_224 = tpu.memref_slice %arg6[%dma_wait3A_222, %dma_wait3A_223] : memref<10240x128xf32, #tpu.memory_space<vmem_shared>> -> memref<10240x128xf32, #tpu.memory_space<vmem_shared>>
        tpu.wait_indirect_dma semaphore(%arg14 : memref<!tpu.dma_semaphore, #tpu.memory_space<semaphore_mem>>) src(%dma_wait3A_218 : memref<125x128xf32, #tpu.memory_space<vmem>>) dst(%dma_wait3A_224 : memref<10240x128xf32, #tpu.memory_space<vmem_shared>>)
      } else {
      }
      %add3A_114 = arith.constant 1 : i32
      %add3A_115 = arith.addi %add3A_98, %add3A_114 : i32
      %dma_start3A_116 = arith.constant 1 : i32
      %dma_start3A_117 = arith.constant 0 : i32
      %dma_start3A_118 = arith.constant 0 : i32
      %dma_start3A_119 = tpu.memref_slice %arg10[%dma_start3A_116, %dma_start3A_117, %dma_start3A_118] : memref<2x125x128xf32, #tpu.memory_space<vmem>> -> memref<1x125x128xf32, #tpu.memory_space<vmem>>
      %dma_start3A_120 = tpu.memref_squeeze %dma_start3A_119 : memref<1x125x128xf32, #tpu.memory_space<vmem>> -> memref<125x128xf32, #tpu.memory_space<vmem>>
      %dma_start3A_121 = arith.constant 0 : i32
      %dma_start3A_122 = tpu.memref_slice %arg8[%add3A_115, %dma_start3A_121] : memref<80x125xi32, #tpu.memory_space<vmem>> -> memref<1x125xi32, #tpu.memory_space<vmem>>
      %dma_start3A_123 = tpu.memref_squeeze %dma_start3A_122 : memref<1x125xi32, #tpu.memory_space<vmem>> -> memref<125xi32, #tpu.memory_space<vmem>>
      %dma_start3A_124 = arith.constant 0 : i32
      %dma_start3A_125 = arith.constant 0 : i32
      %dma_start3A_126 = tpu.memref_slice %arg2[%dma_start3A_124, %dma_start3A_125] : memref<10240x128xf32, #tpu.memory_space<hbm>> -> memref<10240x128xf32, #tpu.memory_space<hbm>>
      tpu.enqueue_indirect_dma source(%dma_start3A_126 : memref<10240x128xf32, #tpu.memory_space<hbm>>) target(%dma_start3A_120 : memref<125x128xf32, #tpu.memory_space<vmem>>) offsets(%dma_start3A_123 : memref<125xi32, #tpu.memory_space<vmem>>) semaphore(%arg12 : memref<!tpu.dma_semaphore, #tpu.memory_space<semaphore_mem>>)
      %dma_wait3A_127 = arith.constant 0 : i32
      %dma_wait3A_128 = arith.constant 0 : i32
      %dma_wait3A_129 = arith.constant 0 : i32
      %dma_wait3A_130 = tpu.memref_slice %arg10[%dma_wait3A_127, %dma_wait3A_128, %dma_wait3A_129] : memref<2x125x128xf32, #tpu.memory_space<vmem>> -> memref<1x125x128xf32, #tpu.memory_space<vmem>>
      %dma_wait3A_131 = tpu.memref_squeeze %dma_wait3A_130 : memref<1x125x128xf32, #tpu.memory_space<vmem>> -> memref<125x128xf32, #tpu.memory_space<vmem>>
      %dma_wait3A_132 = arith.constant 0 : i32
      %dma_wait3A_133 = tpu.memref_slice %arg8[%add3A_98, %dma_wait3A_132] : memref<80x125xi32, #tpu.memory_space<vmem>> -> memref<1x125xi32, #tpu.memory_space<vmem>>
      %dma_wait3A_134 = tpu.memref_squeeze %dma_wait3A_133 : memref<1x125xi32, #tpu.memory_space<vmem>> -> memref<125xi32, #tpu.memory_space<vmem>>
      %dma_wait3A_135 = arith.constant 0 : i32
      %dma_wait3A_136 = arith.constant 0 : i32
      %dma_wait3A_137 = tpu.memref_slice %arg2[%dma_wait3A_135, %dma_wait3A_136] : memref<10240x128xf32, #tpu.memory_space<hbm>> -> memref<10240x128xf32, #tpu.memory_space<hbm>>
      tpu.wait_indirect_dma semaphore(%arg11 : memref<!tpu.dma_semaphore, #tpu.memory_space<semaphore_mem>>) src(%dma_wait3A_137 : memref<10240x128xf32, #tpu.memory_space<hbm>>) dst(%dma_wait3A_131 : memref<125x128xf32, #tpu.memory_space<vmem>>)
      %dma_start3A_138 = arith.constant 0 : i32
      %dma_start3A_139 = arith.constant 0 : i32
      %dma_start3A_140 = arith.constant 0 : i32
      %dma_start3A_141 = tpu.memref_slice %arg10[%dma_start3A_138, %dma_start3A_139, %dma_start3A_140] : memref<2x125x128xf32, #tpu.memory_space<vmem>> -> memref<1x125x128xf32, #tpu.memory_space<vmem>>
      %dma_start3A_142 = tpu.memref_squeeze %dma_start3A_141 : memref<1x125x128xf32, #tpu.memory_space<vmem>> -> memref<125x128xf32, #tpu.memory_space<vmem>>
      %dma_start3A_143 = arith.constant 0 : i32
      %dma_start3A_144 = tpu.memref_slice %arg9[%rem3A_99, %dma_start3A_143] : memref<4x125xi32, #tpu.memory_space<vmem>> -> memref<1x125xi32, #tpu.memory_space<vmem>>
      %dma_start3A_145 = tpu.memref_squeeze %dma_start3A_144 : memref<1x125xi32, #tpu.memory_space<vmem>> -> memref<125xi32, #tpu.memory_space<vmem>>
      %dma_start3A_146 = arith.constant 0 : i32
      %dma_start3A_147 = arith.constant 0 : i32
      %dma_start3A_148 = tpu.memref_slice %arg6[%dma_start3A_146, %dma_start3A_147] : memref<10240x128xf32, #tpu.memory_space<vmem_shared>> -> memref<10240x128xf32, #tpu.memory_space<vmem_shared>>
      tpu.enqueue_indirect_dma source(%dma_start3A_142 : memref<125x128xf32, #tpu.memory_space<vmem>>) target(%dma_start3A_148 : memref<10240x128xf32, #tpu.memory_space<vmem_shared>>) offsets(%dma_start3A_145 : memref<125xi32, #tpu.memory_space<vmem>>) semaphore(%arg13 : memref<!tpu.dma_semaphore, #tpu.memory_space<semaphore_mem>>) {add = true}
      %lt3A = arith.constant 78 : i32
      %lt3A_149 = arith.cmpi slt, %add3A_98, %lt3A : i32
      %convert_element_type3A_150 = arith.extui %lt3A_149 : i1 to i32
      %cond3A_151 = arith.constant 0 : i32
      %cond3A_152 = arith.cmpi ne, %convert_element_type3A_150, %cond3A_151 : i32
      scf.if %cond3A_152 {
        %add3A_214 = arith.addi %mul3A_2, %add3A_98 : i32
        %add3A_215 = arith.constant 2 : i32
        %add3A_216 = arith.addi %add3A_214, %add3A_215 : i32
        %add3A_217 = arith.constant 2 : i32
        %add3A_218 = arith.addi %add3A_98, %add3A_217 : i32
        %rem3A_219 = arith.constant 4 : i32
        %rem3A_220 = arith.remsi %add3A_218, %rem3A_219 : i32
        %dma_start3A_221 = arith.constant 0 : i32
        %dma_start3A_222 = tpu.memref_slice %arg9[%rem3A_220, %dma_start3A_221] : memref<4x125xi32, #tpu.memory_space<vmem>> -> memref<1x125xi32, #tpu.memory_space<vmem>>
        %dma_start3A_223 = tpu.memref_squeeze %dma_start3A_222 : memref<1x125xi32, #tpu.memory_space<vmem>> -> memref<125xi32, #tpu.memory_space<vmem>>
        %dma_start3A_224 = arith.constant 0 : i32
        %dma_start3A_225 = tpu.memref_slice %arg4[%add3A_216, %dma_start3A_224] : memref<2560x125xi32, #tpu.memory_space<hbm>> -> memref<1x125xi32, #tpu.memory_space<hbm>>
        %dma_start3A_226 = tpu.memref_squeeze %dma_start3A_225 : memref<1x125xi32, #tpu.memory_space<hbm>> -> memref<125xi32, #tpu.memory_space<hbm>>
        %dma_start3A_227 = arith.constant 0 : i32
        %dma_start3A_228 = tpu.memref_slice %arg9[%rem3A_220, %dma_start3A_227] : memref<4x125xi32, #tpu.memory_space<vmem>> -> memref<1x125xi32, #tpu.memory_space<vmem>>
        %dma_start3A_229 = tpu.memref_squeeze %dma_start3A_228 : memref<1x125xi32, #tpu.memory_space<vmem>> -> memref<125xi32, #tpu.memory_space<vmem>>
        %dma_start3A_230 = arith.constant 0 : i32
        %dma_start3A_231 = tpu.memref_slice %arg4[%add3A_216, %dma_start3A_230] : memref<2560x125xi32, #tpu.memory_space<hbm>> -> memref<1x125xi32, #tpu.memory_space<hbm>>
        %dma_start3A_232 = tpu.memref_squeeze %dma_start3A_231 : memref<1x125xi32, #tpu.memory_space<hbm>> -> memref<125xi32, #tpu.memory_space<hbm>>
        tpu.enqueue_dma source(%dma_start3A_232 : memref<125xi32, #tpu.memory_space<hbm>>) target(%dma_start3A_229 : memref<125xi32, #tpu.memory_space<vmem>>) target_semaphore(%arg15 : memref<!tpu.dma_semaphore, #tpu.memory_space<semaphore_mem>>)
      } else {
      }
      %mul3A_153 = arith.constant 2 : i32
      %mul3A_154 = arith.muli %add3A_94, %mul3A_153 : i32
      %add3A_155 = arith.constant 1 : i32
      %add3A_156 = arith.addi %mul3A_154, %add3A_155 : i32
      %rem3A_157 = arith.constant 4 : i32
      %rem3A_158 = arith.remsi %add3A_156, %rem3A_157 : i32
      %dma_wait3A_159 = arith.constant 0 : i32
      %dma_wait3A_160 = tpu.memref_slice %arg9[%rem3A_158, %dma_wait3A_159] : memref<4x125xi32, #tpu.memory_space<vmem>> -> memref<1x125xi32, #tpu.memory_space<vmem>>
      %dma_wait3A_161 = tpu.memref_squeeze %dma_wait3A_160 : memref<1x125xi32, #tpu.memory_space<vmem>> -> memref<125xi32, #tpu.memory_space<vmem>>
      %dma_wait3A_162 = arith.constant 0 : i32
      %dma_wait3A_163 = tpu.memref_slice %arg4[%mul3A_2, %dma_wait3A_162] : memref<2560x125xi32, #tpu.memory_space<hbm>> -> memref<1x125xi32, #tpu.memory_space<hbm>>
      %dma_wait3A_164 = tpu.memref_squeeze %dma_wait3A_163 : memref<1x125xi32, #tpu.memory_space<hbm>> -> memref<125xi32, #tpu.memory_space<hbm>>
      %dma_wait3A_165 = arith.constant 0 : i32
      %dma_wait3A_166 = tpu.memref_slice %arg9[%rem3A_158, %dma_wait3A_165] : memref<4x125xi32, #tpu.memory_space<vmem>> -> memref<1x125xi32, #tpu.memory_space<vmem>>
      %dma_wait3A_167 = tpu.memref_squeeze %dma_wait3A_166 : memref<1x125xi32, #tpu.memory_space<vmem>> -> memref<125xi32, #tpu.memory_space<vmem>>
      %dma_wait3A_168 = arith.constant 0 : i32
      %dma_wait3A_169 = tpu.memref_slice %arg4[%mul3A_2, %dma_wait3A_168] : memref<2560x125xi32, #tpu.memory_space<hbm>> -> memref<1x125xi32, #tpu.memory_space<hbm>>
      %dma_wait3A_170 = tpu.memref_squeeze %dma_wait3A_169 : memref<1x125xi32, #tpu.memory_space<hbm>> -> memref<125xi32, #tpu.memory_space<hbm>>
      tpu.wait_dma2 semaphore(%arg16 : memref<!tpu.dma_semaphore, #tpu.memory_space<semaphore_mem>>) src(%dma_wait3A_170 : memref<125xi32, #tpu.memory_space<hbm>>) dst(%dma_wait3A_167 : memref<125xi32, #tpu.memory_space<vmem>>)
      %dma_wait3A_171 = arith.constant 0 : i32
      %dma_wait3A_172 = arith.constant 0 : i32
      %dma_wait3A_173 = arith.constant 0 : i32
      %dma_wait3A_174 = tpu.memref_slice %arg10[%dma_wait3A_171, %dma_wait3A_172, %dma_wait3A_173] : memref<2x125x128xf32, #tpu.memory_space<vmem>> -> memref<1x125x128xf32, #tpu.memory_space<vmem>>
      %dma_wait3A_175 = tpu.memref_squeeze %dma_wait3A_174 : memref<1x125x128xf32, #tpu.memory_space<vmem>> -> memref<125x128xf32, #tpu.memory_space<vmem>>
      %dma_wait3A_176 = arith.constant 0 : i32
      %dma_wait3A_177 = tpu.memref_slice %arg9[%rem3A_158, %dma_wait3A_176] : memref<4x125xi32, #tpu.memory_space<vmem>> -> memref<1x125xi32, #tpu.memory_space<vmem>>
      %dma_wait3A_178 = tpu.memref_squeeze %dma_wait3A_177 : memref<1x125xi32, #tpu.memory_space<vmem>> -> memref<125xi32, #tpu.memory_space<vmem>>
      %dma_wait3A_179 = arith.constant 0 : i32
      %dma_wait3A_180 = arith.constant 0 : i32
      %dma_wait3A_181 = tpu.memref_slice %arg6[%dma_wait3A_179, %dma_wait3A_180] : memref<10240x128xf32, #tpu.memory_space<vmem_shared>> -> memref<10240x128xf32, #tpu.memory_space<vmem_shared>>
      tpu.wait_indirect_dma semaphore(%arg13 : memref<!tpu.dma_semaphore, #tpu.memory_space<semaphore_mem>>) src(%dma_wait3A_175 : memref<125x128xf32, #tpu.memory_space<vmem>>) dst(%dma_wait3A_181 : memref<10240x128xf32, #tpu.memory_space<vmem_shared>>)
      %lt3A_182 = arith.constant 39 : i32
      %lt3A_183 = arith.cmpi slt, %add3A_94, %lt3A_182 : i32
      %convert_element_type3A_184 = arith.extui %lt3A_183 : i1 to i32
      %cond3A_185 = arith.constant 0 : i32
      %cond3A_186 = arith.cmpi ne, %convert_element_type3A_184, %cond3A_185 : i32
      scf.if %cond3A_186 {
        %add3A_214 = arith.constant 1 : i32
        %add3A_215 = arith.addi %add3A_156, %add3A_214 : i32
        %dma_start3A_216 = arith.constant 0 : i32
        %dma_start3A_217 = arith.constant 0 : i32
        %dma_start3A_218 = arith.constant 0 : i32
        %dma_start3A_219 = tpu.memref_slice %arg10[%dma_start3A_216, %dma_start3A_217, %dma_start3A_218] : memref<2x125x128xf32, #tpu.memory_space<vmem>> -> memref<1x125x128xf32, #tpu.memory_space<vmem>>
        %dma_start3A_220 = tpu.memref_squeeze %dma_start3A_219 : memref<1x125x128xf32, #tpu.memory_space<vmem>> -> memref<125x128xf32, #tpu.memory_space<vmem>>
        %dma_start3A_221 = arith.constant 0 : i32
        %dma_start3A_222 = tpu.memref_slice %arg8[%add3A_215, %dma_start3A_221] : memref<80x125xi32, #tpu.memory_space<vmem>> -> memref<1x125xi32, #tpu.memory_space<vmem>>
        %dma_start3A_223 = tpu.memref_squeeze %dma_start3A_222 : memref<1x125xi32, #tpu.memory_space<vmem>> -> memref<125xi32, #tpu.memory_space<vmem>>
        %dma_start3A_224 = arith.constant 0 : i32
        %dma_start3A_225 = arith.constant 0 : i32
        %dma_start3A_226 = tpu.memref_slice %arg2[%dma_start3A_224, %dma_start3A_225] : memref<10240x128xf32, #tpu.memory_space<hbm>> -> memref<10240x128xf32, #tpu.memory_space<hbm>>
        tpu.enqueue_indirect_dma source(%dma_start3A_226 : memref<10240x128xf32, #tpu.memory_space<hbm>>) target(%dma_start3A_220 : memref<125x128xf32, #tpu.memory_space<vmem>>) offsets(%dma_start3A_223 : memref<125xi32, #tpu.memory_space<vmem>>) semaphore(%arg11 : memref<!tpu.dma_semaphore, #tpu.memory_space<semaphore_mem>>)
      } else {
      }
      %dma_wait3A_187 = arith.constant 1 : i32
      %dma_wait3A_188 = arith.constant 0 : i32
      %dma_wait3A_189 = arith.constant 0 : i32
      %dma_wait3A_190 = tpu.memref_slice %arg10[%dma_wait3A_187, %dma_wait3A_188, %dma_wait3A_189] : memref<2x125x128xf32, #tpu.memory_space<vmem>> -> memref<1x125x128xf32, #tpu.memory_space<vmem>>
      %dma_wait3A_191 = tpu.memref_squeeze %dma_wait3A_190 : memref<1x125x128xf32, #tpu.memory_space<vmem>> -> memref<125x128xf32, #tpu.memory_space<vmem>>
      %dma_wait3A_192 = arith.constant 0 : i32
      %dma_wait3A_193 = tpu.memref_slice %arg8[%add3A_156, %dma_wait3A_192] : memref<80x125xi32, #tpu.memory_space<vmem>> -> memref<1x125xi32, #tpu.memory_space<vmem>>
      %dma_wait3A_194 = tpu.memref_squeeze %dma_wait3A_193 : memref<1x125xi32, #tpu.memory_space<vmem>> -> memref<125xi32, #tpu.memory_space<vmem>>
      %dma_wait3A_195 = arith.constant 0 : i32
      %dma_wait3A_196 = arith.constant 0 : i32
      %dma_wait3A_197 = tpu.memref_slice %arg2[%dma_wait3A_195, %dma_wait3A_196] : memref<10240x128xf32, #tpu.memory_space<hbm>> -> memref<10240x128xf32, #tpu.memory_space<hbm>>
      tpu.wait_indirect_dma semaphore(%arg12 : memref<!tpu.dma_semaphore, #tpu.memory_space<semaphore_mem>>) src(%dma_wait3A_197 : memref<10240x128xf32, #tpu.memory_space<hbm>>) dst(%dma_wait3A_191 : memref<125x128xf32, #tpu.memory_space<vmem>>)
      %dma_start3A_198 = arith.constant 1 : i32
      %dma_start3A_199 = arith.constant 0 : i32
      %dma_start3A_200 = arith.constant 0 : i32
      %dma_start3A_201 = tpu.memref_slice %arg10[%dma_start3A_198, %dma_start3A_199, %dma_start3A_200] : memref<2x125x128xf32, #tpu.memory_space<vmem>> -> memref<1x125x128xf32, #tpu.memory_space<vmem>>
      %dma_start3A_202 = tpu.memref_squeeze %dma_start3A_201 : memref<1x125x128xf32, #tpu.memory_space<vmem>> -> memref<125x128xf32, #tpu.memory_space<vmem>>
      %dma_start3A_203 = arith.constant 0 : i32
      %dma_start3A_204 = tpu.memref_slice %arg9[%rem3A_158, %dma_start3A_203] : memref<4x125xi32, #tpu.memory_space<vmem>> -> memref<1x125xi32, #tpu.memory_space<vmem>>
      %dma_start3A_205 = tpu.memref_squeeze %dma_start3A_204 : memref<1x125xi32, #tpu.memory_space<vmem>> -> memref<125xi32, #tpu.memory_space<vmem>>
      %dma_start3A_206 = arith.constant 0 : i32
      %dma_start3A_207 = arith.constant 0 : i32
      %dma_start3A_208 = tpu.memref_slice %arg6[%dma_start3A_206, %dma_start3A_207] : memref<10240x128xf32, #tpu.memory_space<vmem_shared>> -> memref<10240x128xf32, #tpu.memory_space<vmem_shared>>
      tpu.enqueue_indirect_dma source(%dma_start3A_202 : memref<125x128xf32, #tpu.memory_space<vmem>>) target(%dma_start3A_208 : memref<10240x128xf32, #tpu.memory_space<vmem_shared>>) offsets(%dma_start3A_205 : memref<125xi32, #tpu.memory_space<vmem>>) semaphore(%arg14 : memref<!tpu.dma_semaphore, #tpu.memory_space<semaphore_mem>>) {add = true}
      %lt3A_209 = arith.constant 78 : i32
      %lt3A_210 = arith.cmpi slt, %add3A_156, %lt3A_209 : i32
      %convert_element_type3A_211 = arith.extui %lt3A_210 : i1 to i32
      %cond3A_212 = arith.constant 0 : i32
      %cond3A_213 = arith.cmpi ne, %convert_element_type3A_211, %cond3A_212 : i32
      scf.if %cond3A_213 {
        %add3A_214 = arith.addi %mul3A_2, %add3A_156 : i32
        %add3A_215 = arith.constant 2 : i32
        %add3A_216 = arith.addi %add3A_214, %add3A_215 : i32
        %add3A_217 = arith.constant 2 : i32
        %add3A_218 = arith.addi %add3A_156, %add3A_217 : i32
        %rem3A_219 = arith.constant 4 : i32
        %rem3A_220 = arith.remsi %add3A_218, %rem3A_219 : i32
        %dma_start3A_221 = arith.constant 0 : i32
        %dma_start3A_222 = tpu.memref_slice %arg9[%rem3A_220, %dma_start3A_221] : memref<4x125xi32, #tpu.memory_space<vmem>> -> memref<1x125xi32, #tpu.memory_space<vmem>>
        %dma_start3A_223 = tpu.memref_squeeze %dma_start3A_222 : memref<1x125xi32, #tpu.memory_space<vmem>> -> memref<125xi32, #tpu.memory_space<vmem>>
        %dma_start3A_224 = arith.constant 0 : i32
        %dma_start3A_225 = tpu.memref_slice %arg4[%add3A_216, %dma_start3A_224] : memref<2560x125xi32, #tpu.memory_space<hbm>> -> memref<1x125xi32, #tpu.memory_space<hbm>>
        %dma_start3A_226 = tpu.memref_squeeze %dma_start3A_225 : memref<1x125xi32, #tpu.memory_space<hbm>> -> memref<125xi32, #tpu.memory_space<hbm>>
        %dma_start3A_227 = arith.constant 0 : i32
        %dma_start3A_228 = tpu.memref_slice %arg9[%rem3A_220, %dma_start3A_227] : memref<4x125xi32, #tpu.memory_space<vmem>> -> memref<1x125xi32, #tpu.memory_space<vmem>>
        %dma_start3A_229 = tpu.memref_squeeze %dma_start3A_228 : memref<1x125xi32, #tpu.memory_space<vmem>> -> memref<125xi32, #tpu.memory_space<vmem>>
        %dma_start3A_230 = arith.constant 0 : i32
        %dma_start3A_231 = tpu.memref_slice %arg4[%add3A_216, %dma_start3A_230] : memref<2560x125xi32, #tpu.memory_space<hbm>> -> memref<1x125xi32, #tpu.memory_space<hbm>>
        %dma_start3A_232 = tpu.memref_squeeze %dma_start3A_231 : memref<1x125xi32, #tpu.memory_space<hbm>> -> memref<125xi32, #tpu.memory_space<hbm>>
        tpu.enqueue_dma source(%dma_start3A_232 : memref<125xi32, #tpu.memory_space<hbm>>) target(%dma_start3A_229 : memref<125xi32, #tpu.memory_space<vmem>>) target_semaphore(%arg16 : memref<!tpu.dma_semaphore, #tpu.memory_space<semaphore_mem>>)
      } else {
      }
    }
    %scan3A_74 = arith.constant 40 : i32
    %dma_wait3A_75 = arith.constant 1 : i32
    %dma_wait3A_76 = arith.constant 0 : i32
    %dma_wait3A_77 = arith.constant 0 : i32
    %dma_wait3A_78 = arith.constant 0 : i32
    %dma_wait3A_79 = tpu.memref_slice %arg10[%dma_wait3A_75, %dma_wait3A_77, %dma_wait3A_78] : memref<2x125x128xf32, #tpu.memory_space<vmem>> -> memref<1x125x128xf32, #tpu.memory_space<vmem>>
    %dma_wait3A_80 = tpu.memref_squeeze %dma_wait3A_79 : memref<1x125x128xf32, #tpu.memory_space<vmem>> -> memref<125x128xf32, #tpu.memory_space<vmem>>
    %dma_wait3A_81 = arith.constant 0 : i32
    %dma_wait3A_82 = tpu.memref_slice %arg9[%dma_wait3A_76, %dma_wait3A_81] : memref<4x125xi32, #tpu.memory_space<vmem>> -> memref<1x125xi32, #tpu.memory_space<vmem>>
    %dma_wait3A_83 = tpu.memref_squeeze %dma_wait3A_82 : memref<1x125xi32, #tpu.memory_space<vmem>> -> memref<125xi32, #tpu.memory_space<vmem>>
    %dma_wait3A_84 = arith.constant 0 : i32
    %dma_wait3A_85 = arith.constant 0 : i32
    %dma_wait3A_86 = tpu.memref_slice %arg6[%dma_wait3A_84, %dma_wait3A_85] : memref<10240x128xf32, #tpu.memory_space<vmem_shared>> -> memref<10240x128xf32, #tpu.memory_space<vmem_shared>>
    tpu.wait_indirect_dma semaphore(%arg14 : memref<!tpu.dma_semaphore, #tpu.memory_space<semaphore_mem>>) src(%dma_wait3A_80 : memref<125x128xf32, #tpu.memory_space<vmem>>) dst(%dma_wait3A_86 : memref<10240x128xf32, #tpu.memory_space<vmem_shared>>)
    %barrier3A_87 = arith.constant 0 : index
    tpu.barrier barrier_id(%barrier3A_87)
    %mul3A_88 = arith.constant 640 : i32
    %mul3A_89 = arith.muli %arg1, %mul3A_88 : i32
    "tpu.region"() ({
      %run_scoped3A = tpu.sem_alloc : memref<!tpu.dma_semaphore, #tpu.memory_space<semaphore_mem>>
      %dma_start3A_90 = arith.constant 0 : i32
      %dma_start3A_91 = arith.constant 0 : i32
      %dma_start3A_92 = tpu.memref_slice %arg5[%arg0, %dma_start3A_90, %dma_start3A_91] : memref<2x10240x128xf32, #tpu.memory_space<hbm>> -> memref<1x10240x128xf32, #tpu.memory_space<hbm>>
      %dma_start3A_93 = tpu.memref_squeeze %dma_start3A_92 : memref<1x10240x128xf32, #tpu.memory_space<hbm>> -> memref<10240x128xf32, #tpu.memory_space<hbm>>
      %dma_start3A_94 = arith.constant 0 : i32
      %dma_start3A_95 = tpu.memref_slice %dma_start3A_93[%mul3A_89, %dma_start3A_94] : memref<10240x128xf32, #tpu.memory_space<hbm>> -> memref<640x128xf32, #tpu.memory_space<hbm>>
      %dma_start3A_96 = arith.constant 0 : i32
      %dma_start3A_97 = tpu.memref_slice %arg6[%mul3A_89, %dma_start3A_96] : memref<10240x128xf32, #tpu.memory_space<vmem_shared>> -> memref<640x128xf32, #tpu.memory_space<vmem_shared>>
      tpu.enqueue_dma source(%dma_start3A_97 : memref<640x128xf32, #tpu.memory_space<vmem_shared>>) target(%dma_start3A_95 : memref<640x128xf32, #tpu.memory_space<hbm>>) target_semaphore(%run_scoped3A : memref<!tpu.dma_semaphore, #tpu.memory_space<semaphore_mem>>)
      %dma_wait3A_98 = arith.constant 0 : i32
      %dma_wait3A_99 = arith.constant 0 : i32
      %dma_wait3A_100 = tpu.memref_slice %arg5[%arg0, %dma_wait3A_98, %dma_wait3A_99] : memref<2x10240x128xf32, #tpu.memory_space<hbm>> -> memref<1x10240x128xf32, #tpu.memory_space<hbm>>
      %dma_wait3A_101 = tpu.memref_squeeze %dma_wait3A_100 : memref<1x10240x128xf32, #tpu.memory_space<hbm>> -> memref<10240x128xf32, #tpu.memory_space<hbm>>
      %dma_wait3A_102 = arith.constant 0 : i32
      %dma_wait3A_103 = tpu.memref_slice %dma_wait3A_101[%mul3A_89, %dma_wait3A_102] : memref<10240x128xf32, #tpu.memory_space<hbm>> -> memref<640x128xf32, #tpu.memory_space<hbm>>
      %dma_wait3A_104 = arith.constant 0 : i32
      %dma_wait3A_105 = tpu.memref_slice %arg6[%mul3A_89, %dma_wait3A_104] : memref<10240x128xf32, #tpu.memory_space<vmem_shared>> -> memref<640x128xf32, #tpu.memory_space<vmem_shared>>
      tpu.wait_dma2 semaphore(%run_scoped3A : memref<!tpu.dma_semaphore, #tpu.memory_space<semaphore_mem>>) src(%dma_wait3A_105 : memref<640x128xf32, #tpu.memory_space<vmem_shared>>) dst(%dma_wait3A_103 : memref<640x128xf32, #tpu.memory_space<hbm>>)
      tpu.yield
    }) : () -> ()
    return
  }
}

module attributes {stable_mosaic.version = 14 : i64} {
  func.func @_tc_r_body(%arg0: i32, %arg1: memref<1024x128xf32, #tpu.memory_space<vmem>>, %arg2: memref<128x128xf32, #tpu.memory_space<vmem>>, %arg3: memref<1x128xf32, #tpu.memory_space<vmem>>, %arg4: memref<1024x128xf32, #tpu.memory_space<vmem>>) attributes {dimension_semantics = [#tpu.dimension_semantics<arbitrary>], iteration_bounds = array<i64: 10>, scalar_prefetch = 0 : i64, scratch_operands = 0 : i64, tpu.core_type = #tpu.core_type<tc>, window_params = [{transform_indices = @transform_0, window_bounds = array<i64: 1024, 128>}, {pipeline_mode = #tpu.pipeline_mode<synchronous>, transform_indices = @transform_1, window_bounds = array<i64: 128, 128>}, {pipeline_mode = #tpu.pipeline_mode<synchronous>, transform_indices = @transform_2, window_bounds = array<i64: 1, 128>}, {transform_indices = @transform_3, window_bounds = array<i64: 1024, 128>}]} {
    %get3A = arith.constant 0 : index
    %get3A_0 = arith.constant 0 : index
    %get3A_1 = vector.load %arg1[%get3A, %get3A_0] : memref<1024x128xf32, #tpu.memory_space<vmem>>, vector<1024x128xf32>
    %get3A_2 = arith.constant 0 : index
    %get3A_3 = arith.constant 0 : index
    %get3A_4 = vector.load %arg2[%get3A_2, %get3A_3] : memref<128x128xf32, #tpu.memory_space<vmem>>, vector<128x128xf32>
    %dot_general3A = arith.constant dense<0.000000e+00> : vector<1024x128xf32>
    %dot_general3A_5 = tpu.matmul %get3A_1, %get3A_4, %dot_general3A {dimension_numbers = #tpu.dot_dimension_numbers<[1], [0], [0], [1], [0, 0, 1, 1], [], []>, precision = #tpu.contract_precision<fp32>, transpose_lhs_hint = false} : vector<1024x128xf32>, vector<128x128xf32>, vector<1024x128xf32> -> vector<1024x128xf32>
    %get3A_6 = arith.constant 0 : index
    %get3A_7 = arith.constant 0 : index
    %get3A_8 = vector.load %arg3[%get3A_6, %get3A_7] : memref<1x128xf32, #tpu.memory_space<vmem>>, vector<1x128xf32>
    %add3A = vector.broadcast %get3A_8 : vector<1x128xf32> to vector<1024x128xf32>
    %add3A_9 = arith.addf %dot_general3A_5, %add3A : vector<1024x128xf32>
    %swap3A = arith.constant 0 : index
    %swap3A_10 = arith.constant 0 : index
    %swap3A_11 = vector.load %arg4[%swap3A, %swap3A_10] : memref<1024x128xf32, #tpu.memory_space<vmem>>, vector<1024x128xf32>
    tpu.vector_store %arg4[%swap3A, %swap3A_10], %add3A_9 {strides = array<i32>} : memref<1024x128xf32, #tpu.memory_space<vmem>>, vector<1024x128xf32>,
    return
  }
  func.func @transform_0(%arg0: i32) -> (i32, i32) {
    %c0_i32 = arith.constant 0 : i32
    %c0_i32_0 = arith.constant 0 : i32
    return %arg0, %c0_i32 : i32, i32
  }
  func.func @transform_1(%arg0: i32) -> (i32, i32) {
    %c0_i32 = arith.constant 0 : i32
    %c0_i32_0 = arith.constant 0 : i32
    %c0_i32_1 = arith.constant 0 : i32
    return %c0_i32, %c0_i32_0 : i32, i32
  }
  func.func @transform_2(%arg0: i32) -> (i32, i32) {
    %c0_i32 = arith.constant 0 : i32
    %c0_i32_0 = arith.constant 0 : i32
    %c0_i32_1 = arith.constant 0 : i32
    return %c0_i32, %c0_i32_0 : i32, i32
  }
  func.func @transform_3(%arg0: i32) -> (i32, i32) {
    %c0_i32 = arith.constant 0 : i32
    %c0_i32_0 = arith.constant 0 : i32
    return %arg0, %c0_i32 : i32, i32
  }
}

module attributes {stable_mosaic.version = 14 : i64} {
  func.func @_tc_combine_body(%arg0: i32, %arg1: memref<2x1024x128xf32, #tpu.memory_space<vmem>>, %arg2: memref<32x1024xf32, #tpu.memory_space<vmem>>, %arg3: memref<1024x128xf32, #tpu.memory_space<vmem>>, %arg4: memref<128x128xf32, #tpu.memory_space<vmem>>, %arg5: memref<1024x128xf32, #tpu.memory_space<vmem>>) attributes {dimension_semantics = [#tpu.dimension_semantics<arbitrary>], iteration_bounds = array<i64: 10>, scalar_prefetch = 0 : i64, scratch_operands = 0 : i64, tpu.core_type = #tpu.core_type<tc>, window_params = [{transform_indices = @transform_0, window_bounds = array<i64: 2, 1024, 128>}, {transform_indices = @transform_1, window_bounds = array<i64: 32, 1024>}, {transform_indices = @transform_2, window_bounds = array<i64: 1024, 128>}, {pipeline_mode = #tpu.pipeline_mode<synchronous>, transform_indices = @transform_3, window_bounds = array<i64: 128, 128>}, {transform_indices = @transform_4, window_bounds = array<i64: 1024, 128>}]} {
    %get3A = arith.constant 0 : index
    %get3A_0 = arith.constant 0 : index
    %get3A_1 = arith.constant 0 : index
    %get3A_2 = vector.load %arg1[%get3A, %get3A_0, %get3A_1] : memref<2x1024x128xf32, #tpu.memory_space<vmem>>, vector<1x1024x128xf32>
    %get3A_3 = vector.shape_cast %get3A_2 : vector<1x1024x128xf32> to vector<1024x128xf32>
    %get3A_4 = arith.constant 1 : index
    %get3A_5 = arith.constant 0 : index
    %get3A_6 = arith.constant 0 : index
    %get3A_7 = vector.load %arg1[%get3A_4, %get3A_5, %get3A_6] : memref<2x1024x128xf32, #tpu.memory_space<vmem>>, vector<1x1024x128xf32>
    %get3A_8 = vector.shape_cast %get3A_7 : vector<1x1024x128xf32> to vector<1024x128xf32>
    %add3A = arith.addf %get3A_3, %get3A_8 : vector<1024x128xf32>
    %get3A_9 = arith.constant 0 : index
    %get3A_10 = arith.constant 0 : index
    %get3A_11 = vector.load %arg2[%get3A_9, %get3A_10] : memref<32x1024xf32, #tpu.memory_space<vmem>>, vector<32x1024xf32>
    %broadcast_in_dim3A = arith.constant 1.000000e+00 : f32
    %broadcast_in_dim3A_12 = vector.broadcast %broadcast_in_dim3A : f32 to vector<32x1xf32>
    %dot_general3A = arith.constant dense<0.000000e+00> : vector<1024x1xf32>
    %dot_general3A_13 = tpu.matmul %get3A_11, %broadcast_in_dim3A_12, %dot_general3A {dimension_numbers = #tpu.dot_dimension_numbers<[0], [0], [1], [1], [0, 1, 1, 1], [], []>, precision = #tpu.contract_precision<fp32>, transpose_lhs_hint = false} : vector<32x1024xf32>, vector<32x1xf32>, vector<1024x1xf32> -> vector<1024x1xf32>
    %max3A = arith.constant 1.000000e+00 : f32
    %max3A_14 = vector.broadcast %max3A : f32 to vector<1024x1xf32>
    %max3A_15 = arith.maximumf %dot_general3A_13, %max3A_14 : vector<1024x1xf32>
    %div3A = arith.constant 1.000000e+00 : f32
    %div3A_16 = vector.broadcast %div3A : f32 to vector<1024x1xf32>
    %div3A_17 = arith.divf %div3A_16, %max3A_15 : vector<1024x1xf32>
    %mul3A = vector.broadcast %div3A_17 : vector<1024x1xf32> to vector<1024x128xf32>
    %mul3A_18 = arith.mulf %add3A, %mul3A : vector<1024x128xf32>
    %get3A_19 = arith.constant 0 : index
    %get3A_20 = arith.constant 0 : index
    %get3A_21 = vector.load %arg4[%get3A_19, %get3A_20] : memref<128x128xf32, #tpu.memory_space<vmem>>, vector<128x128xf32>
    %dot_general3A_22 = arith.constant dense<0.000000e+00> : vector<1024x128xf32>
    %dot_general3A_23 = tpu.matmul %mul3A_18, %get3A_21, %dot_general3A_22 {dimension_numbers = #tpu.dot_dimension_numbers<[1], [0], [0], [1], [0, 0, 1, 1], [], []>, precision = #tpu.contract_precision<fp32>, transpose_lhs_hint = false} : vector<1024x128xf32>, vector<128x128xf32>, vector<1024x128xf32> -> vector<1024x128xf32>
    %get3A_24 = arith.constant 0 : index
    %get3A_25 = arith.constant 0 : index
    %get3A_26 = vector.load %arg3[%get3A_24, %get3A_25] : memref<1024x128xf32, #tpu.memory_space<vmem>>, vector<1024x128xf32>
    %add3A_27 = arith.addf %dot_general3A_23, %get3A_26 : vector<1024x128xf32>
    %max3A_28 = arith.constant 0.000000e+00 : f32
    %max3A_29 = vector.broadcast %max3A_28 : f32 to vector<1024x128xf32>
    %max3A_30 = arith.maximumf %add3A_27, %max3A_29 : vector<1024x128xf32>
    %swap3A = arith.constant 0 : index
    %swap3A_31 = arith.constant 0 : index
    %swap3A_32 = vector.load %arg5[%swap3A, %swap3A_31] : memref<1024x128xf32, #tpu.memory_space<vmem>>, vector<1024x128xf32>
    tpu.vector_store %arg5[%swap3A, %swap3A_31], %max3A_30 {strides = array<i32>} : memref<1024x128xf32, #tpu.memory_space<vmem>>, vector<1024x128xf32>,
    return
  }
  func.func @transform_0(%arg0: i32) -> (i32, i32, i32) {
    %c0_i32 = arith.constant 0 : i32
    %c0_i32_0 = arith.constant 0 : i32
    %c0_i32_1 = arith.constant 0 : i32
    return %c0_i32, %arg0, %c0_i32_0 : i32, i32, i32
  }
  func.func @transform_1(%arg0: i32) -> (i32, i32) {
    %c0_i32 = arith.constant 0 : i32
    %c0_i32_0 = arith.constant 0 : i32
    return %c0_i32, %arg0 : i32, i32
  }
  func.func @transform_2(%arg0: i32) -> (i32, i32) {
    %c0_i32 = arith.constant 0 : i32
    %c0_i32_0 = arith.constant 0 : i32
    return %arg0, %c0_i32 : i32, i32
  }
  func.func @transform_3(%arg0: i32) -> (i32, i32) {
    %c0_i32 = arith.constant 0 : i32
    %c0_i32_0 = arith.constant 0 : i32
    %c0_i32_1 = arith.constant 0 : i32
    return %c0_i32, %c0_i32_0 : i32, i32
  }
  func.func @transform_4(%arg0: i32) -> (i32, i32) {
    %c0_i32 = arith.constant 0 : i32
    %c0_i32_0 = arith.constant 0 : i32
    return %arg0, %c0_i32 : i32, i32
  }
}

module attributes {stable_mosaic.version = 14 : i64} {
  func.func @_tc_combine_pool_body(%arg0: i32, %arg1: memref<2x1024x128xf32, #tpu.memory_space<vmem>>, %arg2: memref<32x1024xf32, #tpu.memory_space<vmem>>, %arg3: memref<1024x128xf32, #tpu.memory_space<vmem>>, %arg4: memref<128x128xf32, #tpu.memory_space<vmem>>, %arg5: memref<1x1x1024xi32, #tpu.memory_space<vmem>>, %arg6: memref<64x128xf32, #tpu.memory_space<vmem>>, %arg7: memref<64x128xf32, #tpu.memory_space<vmem>>, %arg8: memref<64x128xf32, #tpu.memory_space<vmem>>) attributes {dimension_semantics = [#tpu.dimension_semantics<arbitrary>], iteration_bounds = array<i64: 10>, scalar_prefetch = 0 : i64, scratch_operands = 2 : i64, tpu.core_type = #tpu.core_type<tc>, window_params = [{transform_indices = @transform_0, window_bounds = array<i64: 2, 1024, 128>}, {transform_indices = @transform_1, window_bounds = array<i64: 32, 1024>}, {transform_indices = @transform_2, window_bounds = array<i64: 1024, 128>}, {pipeline_mode = #tpu.pipeline_mode<synchronous>, transform_indices = @transform_3, window_bounds = array<i64: 128, 128>}, {transform_indices = @transform_4, window_bounds = array<i64: 1, 1, 1024>}, {pipeline_mode = #tpu.pipeline_mode<synchronous>, transform_indices = @transform_5, window_bounds = array<i64: 64, 128>}]} {
    %eq3A = arith.constant 0 : i32
    %eq3A_0 = arith.cmpi eq, %arg0, %eq3A : i32
    %convert_element_type3A = arith.extui %eq3A_0 : i1 to i32
    %cond3A = arith.constant 0 : i32
    %cond3A_1 = arith.cmpi ne, %convert_element_type3A, %cond3A : i32
    scf.if %cond3A_1 {
      %broadcast_in_dim3A_64 = arith.constant 0.000000e+00 : f32
      %broadcast_in_dim3A_65 = vector.broadcast %broadcast_in_dim3A_64 : f32 to vector<64x128xf32>
      %swap3A_66 = arith.constant 0 : index
      %swap3A_67 = arith.constant 0 : index
      %swap3A_68 = vector.load %arg7[%swap3A_66, %swap3A_67] : memref<64x128xf32, #tpu.memory_space<vmem>>, vector<64x128xf32>
      tpu.vector_store %arg7[%swap3A_66, %swap3A_67], %broadcast_in_dim3A_65 {strides = array<i32>} : memref<64x128xf32, #tpu.memory_space<vmem>>, vector<64x128xf32>,
      %broadcast_in_dim3A_69 = arith.constant 0.000000e+00 : f32
      %broadcast_in_dim3A_70 = vector.broadcast %broadcast_in_dim3A_69 : f32 to vector<64x128xf32>
      %swap3A_71 = arith.constant 0 : index
      %swap3A_72 = arith.constant 0 : index
      %swap3A_73 = vector.load %arg8[%swap3A_71, %swap3A_72] : memref<64x128xf32, #tpu.memory_space<vmem>>, vector<64x128xf32>
      tpu.vector_store %arg8[%swap3A_71, %swap3A_72], %broadcast_in_dim3A_70 {strides = array<i32>} : memref<64x128xf32, #tpu.memory_space<vmem>>, vector<64x128xf32>,
    } else {
    }
    %get3A = arith.constant 0 : index
    %get3A_2 = arith.constant 0 : index
    %get3A_3 = arith.constant 0 : index
    %get3A_4 = vector.load %arg1[%get3A, %get3A_2, %get3A_3] : memref<2x1024x128xf32, #tpu.memory_space<vmem>>, vector<1x1024x128xf32>
    %get3A_5 = vector.shape_cast %get3A_4 : vector<1x1024x128xf32> to vector<1024x128xf32>
    %get3A_6 = arith.constant 1 : index
    %get3A_7 = arith.constant 0 : index
    %get3A_8 = arith.constant 0 : index
    %get3A_9 = vector.load %arg1[%get3A_6, %get3A_7, %get3A_8] : memref<2x1024x128xf32, #tpu.memory_space<vmem>>, vector<1x1024x128xf32>
    %get3A_10 = vector.shape_cast %get3A_9 : vector<1x1024x128xf32> to vector<1024x128xf32>
    %add3A = arith.addf %get3A_5, %get3A_10 : vector<1024x128xf32>
    %get3A_11 = arith.constant 0 : index
    %get3A_12 = arith.constant 0 : index
    %get3A_13 = vector.load %arg2[%get3A_11, %get3A_12] : memref<32x1024xf32, #tpu.memory_space<vmem>>, vector<32x1024xf32>
    %broadcast_in_dim3A = arith.constant 1.000000e+00 : f32
    %broadcast_in_dim3A_14 = vector.broadcast %broadcast_in_dim3A : f32 to vector<32x1xf32>
    %dot_general3A = arith.constant dense<0.000000e+00> : vector<1024x1xf32>
    %dot_general3A_15 = tpu.matmul %get3A_13, %broadcast_in_dim3A_14, %dot_general3A {dimension_numbers = #tpu.dot_dimension_numbers<[0], [0], [1], [1], [0, 1, 1, 1], [], []>, precision = #tpu.contract_precision<fp32>, transpose_lhs_hint = false} : vector<32x1024xf32>, vector<32x1xf32>, vector<1024x1xf32> -> vector<1024x1xf32>
    %max3A = arith.constant 1.000000e+00 : f32
    %max3A_16 = vector.broadcast %max3A : f32 to vector<1024x1xf32>
    %max3A_17 = arith.maximumf %dot_general3A_15, %max3A_16 : vector<1024x1xf32>
    %div3A = arith.constant 1.000000e+00 : f32
    %div3A_18 = vector.broadcast %div3A : f32 to vector<1024x1xf32>
    %div3A_19 = arith.divf %div3A_18, %max3A_17 : vector<1024x1xf32>
    %mul3A = vector.broadcast %div3A_19 : vector<1024x1xf32> to vector<1024x128xf32>
    %mul3A_20 = arith.mulf %add3A, %mul3A : vector<1024x128xf32>
    %get3A_21 = arith.constant 0 : index
    %get3A_22 = arith.constant 0 : index
    %get3A_23 = vector.load %arg4[%get3A_21, %get3A_22] : memref<128x128xf32, #tpu.memory_space<vmem>>, vector<128x128xf32>
    %dot_general3A_24 = arith.constant dense<0.000000e+00> : vector<1024x128xf32>
    %dot_general3A_25 = tpu.matmul %mul3A_20, %get3A_23, %dot_general3A_24 {dimension_numbers = #tpu.dot_dimension_numbers<[1], [0], [0], [1], [0, 0, 1, 1], [], []>, precision = #tpu.contract_precision<fp32>, transpose_lhs_hint = false} : vector<1024x128xf32>, vector<128x128xf32>, vector<1024x128xf32> -> vector<1024x128xf32>
    %get3A_26 = arith.constant 0 : index
    %get3A_27 = arith.constant 0 : index
    %get3A_28 = vector.load %arg3[%get3A_26, %get3A_27] : memref<1024x128xf32, #tpu.memory_space<vmem>>, vector<1024x128xf32>
    %add3A_29 = arith.addf %dot_general3A_25, %get3A_28 : vector<1024x128xf32>
    %get3A_30 = arith.constant 0 : index
    %get3A_31 = arith.constant 0 : index
    %get3A_32 = arith.constant 0 : index
    %get3A_33 = vector.load %arg5[%get3A_30, %get3A_31, %get3A_32] : memref<1x1x1024xi32, #tpu.memory_space<vmem>>, vector<1x1x1024xi32>
    %get3A_34 = vector.shape_cast %get3A_33 : vector<1x1x1024xi32> to vector<1024xi32>
    %iota3A = tpu.iota {dimensions = array<i32: 0>} : vector<64x1024xi32>
    %broadcast_in_dim3A_35 = vector.shape_cast %get3A_34 : vector<1024xi32> to vector<1x1024xi32>
    %eq3A_36 = vector.broadcast %broadcast_in_dim3A_35 : vector<1x1024xi32> to vector<64x1024xi32>
    %eq3A_37 = arith.cmpi eq, %iota3A, %eq3A_36 : vector<64x1024xi32>
    %convert_element_type3A_38 = arith.extui %eq3A_37 : vector<64x1024xi1> to vector<64x1024xi32>
    %convert_element_type3A_39 = arith.sitofp %convert_element_type3A_38 : vector<64x1024xi32> to vector<64x1024xf32>
    %get3A_40 = arith.constant 0 : index
    %get3A_41 = arith.constant 0 : index
    %get3A_42 = vector.load %arg7[%get3A_40, %get3A_41] : memref<64x128xf32, #tpu.memory_space<vmem>>, vector<64x128xf32>
    %dot_general3A_43 = arith.constant dense<0.000000e+00> : vector<64x128xf32>
    %dot_general3A_44 = tpu.matmul %convert_element_type3A_39, %add3A_29, %dot_general3A_43 {dimension_numbers = #tpu.dot_dimension_numbers<[1], [0], [0], [1], [0, 0, 1, 1], [], []>, precision = #tpu.contract_precision<fp32>, transpose_lhs_hint = false} : vector<64x1024xf32>, vector<1024x128xf32>, vector<64x128xf32> -> vector<64x128xf32>
    %add3A_45 = arith.addf %get3A_42, %dot_general3A_44 : vector<64x128xf32>
    %swap3A = arith.constant 0 : index
    %swap3A_46 = arith.constant 0 : index
    %swap3A_47 = vector.load %arg7[%swap3A, %swap3A_46] : memref<64x128xf32, #tpu.memory_space<vmem>>, vector<64x128xf32>
    tpu.vector_store %arg7[%swap3A, %swap3A_46], %add3A_45 {strides = array<i32>} : memref<64x128xf32, #tpu.memory_space<vmem>>, vector<64x128xf32>,
    %reduce_sum3A = arith.constant dense<0.000000e+00> : vector<64xf32>
    %reduce_sum3A_48 = vector.multi_reduction <add>, %convert_element_type3A_39, %reduce_sum3A [1] : vector<64x1024xf32> to vector<64xf32>
    %broadcast_in_dim3A_49 = vector.shape_cast %reduce_sum3A_48 : vector<64xf32> to vector<64x1xf32>
    %get3A_50 = arith.constant 0 : index
    %get3A_51 = arith.constant 0 : index
    %get3A_52 = vector.load %arg8[%get3A_50, %get3A_51] : memref<64x128xf32, #tpu.memory_space<vmem>>, vector<64x128xf32>
    %broadcast_in_dim3A_53 = vector.shape_cast %broadcast_in_dim3A_49 : vector<64x1xf32> to vector<64x1xf32>
    %broadcast_in_dim3A_54 = vector.broadcast %broadcast_in_dim3A_53 : vector<64x1xf32> to vector<64x128xf32>
    %add3A_55 = arith.addf %get3A_52, %broadcast_in_dim3A_54 : vector<64x128xf32>
    %swap3A_56 = arith.constant 0 : index
    %swap3A_57 = arith.constant 0 : index
    %swap3A_58 = vector.load %arg8[%swap3A_56, %swap3A_57] : memref<64x128xf32, #tpu.memory_space<vmem>>, vector<64x128xf32>
    tpu.vector_store %arg8[%swap3A_56, %swap3A_57], %add3A_55 {strides = array<i32>} : memref<64x128xf32, #tpu.memory_space<vmem>>, vector<64x128xf32>,
    %eq3A_59 = arith.constant 9 : i32
    %eq3A_60 = arith.cmpi eq, %arg0, %eq3A_59 : i32
    %convert_element_type3A_61 = arith.extui %eq3A_60 : i1 to i32
    %cond3A_62 = arith.constant 0 : i32
    %cond3A_63 = arith.cmpi ne, %convert_element_type3A_61, %cond3A_62 : i32
    scf.if %cond3A_63 {
      %get3A_64 = arith.constant 0 : index
      %get3A_65 = arith.constant 0 : index
      %get3A_66 = vector.load %arg7[%get3A_64, %get3A_65] : memref<64x128xf32, #tpu.memory_space<vmem>>, vector<64x128xf32>
      %get3A_67 = arith.constant 0 : index
      %get3A_68 = arith.constant 0 : index
      %get3A_69 = vector.load %arg8[%get3A_67, %get3A_68] : memref<64x128xf32, #tpu.memory_space<vmem>>, vector<64x128xf32>
      %max3A_70 = arith.constant 1.000000e+00 : f32
      %max3A_71 = vector.broadcast %max3A_70 : f32 to vector<64x128xf32>
      %max3A_72 = arith.maximumf %get3A_69, %max3A_71 : vector<64x128xf32>
      %div3A_73 = arith.divf %get3A_66, %max3A_72 : vector<64x128xf32>
      %swap3A_74 = arith.constant 0 : index
      %swap3A_75 = arith.constant 0 : index
      %swap3A_76 = vector.load %arg6[%swap3A_74, %swap3A_75] : memref<64x128xf32, #tpu.memory_space<vmem>>, vector<64x128xf32>
      tpu.vector_store %arg6[%swap3A_74, %swap3A_75], %div3A_73 {strides = array<i32>} : memref<64x128xf32, #tpu.memory_space<vmem>>, vector<64x128xf32>,
    } else {
    }
    return
  }
  func.func @transform_0(%arg0: i32) -> (i32, i32, i32) {
    %c0_i32 = arith.constant 0 : i32
    %c0_i32_0 = arith.constant 0 : i32
    %c0_i32_1 = arith.constant 0 : i32
    return %c0_i32, %arg0, %c0_i32_0 : i32, i32, i32
  }
  func.func @transform_1(%arg0: i32) -> (i32, i32) {
    %c0_i32 = arith.constant 0 : i32
    %c0_i32_0 = arith.constant 0 : i32
    return %c0_i32, %arg0 : i32, i32
  }
  func.func @transform_2(%arg0: i32) -> (i32, i32) {
    %c0_i32 = arith.constant 0 : i32
    %c0_i32_0 = arith.constant 0 : i32
    return %arg0, %c0_i32 : i32, i32
  }
  func.func @transform_3(%arg0: i32) -> (i32, i32) {
    %c0_i32 = arith.constant 0 : i32
    %c0_i32_0 = arith.constant 0 : i32
    %c0_i32_1 = arith.constant 0 : i32
    return %c0_i32, %c0_i32_0 : i32, i32
  }
  func.func @transform_4(%arg0: i32) -> (i32, i32, i32) {
    %c0_i32 = arith.constant 0 : i32
    %c0_i32_0 = arith.constant 0 : i32
    %c0_i32_1 = arith.constant 0 : i32
    return %arg0, %c0_i32, %c0_i32_0 : i32, i32, i32
  }
  func.func @transform_5(%arg0: i32) -> (i32, i32) {
    %c0_i32 = arith.constant 0 : i32
    %c0_i32_0 = arith.constant 0 : i32
    %c0_i32_1 = arith.constant 0 : i32
    return %c0_i32, %c0_i32_0 : i32, i32
  }
}

</mosaic_0001>

<sc_bundles>
// kernel: kernel.15.cloned.1.call-start
scs
__scs_entry_jumppad:
0x0: {  	(pc) =	sbr.rel $0x88, $3  }
0x1: {  	(tag) =	ssettag $0x0;
	lr =	simm.s32 $0x1  }
0x2: {  	[smem:$0x3F92] =	sst lr;
	_ =	strace $0xD0000000  }
0x3: {  	_ = 	snop  }
0x4: {  	_ = 	snop  }
0x5: {  	_ = 	snop  }
0x6: {  	_ = 	snop  }
0x7: {  	_ = 	snop  }
__scs_overlays_trampoline_lowered:
0x8: {  	[smem:$0x3FA1] =	sst s0  }
0x9: {  	[smem:$0x3FA2] =	sst s1  }
0xa: {  	[smem:$0x3FA3] =	sst s2  }
0xb: {  	[smem:$0x3FA4] =	sst s3  }
0xc: {  	[smem:$0x3FA5] =	sst s4  }
0xd: {  	[smem:$0x3FA6] =	sst s5  }
0xe: {  	[smem:$0x3FA7] =	sst s6  }
0xf: {  	[smem:$0x3FA8] =	sst s7  }
0x10: {  	[smem:$0x3FA9] =	sst s8  }
0x11: {  	[smem:$0x3FAA] =	sst s9;
	s0 =	simm.s32 @!p0 $0x0  }
0x12: {  	s1 =	sld [smem:$0x3F90];
	s0 =	simm.s32 @p0 $0x1  }
0x13: {  	[smem:$0x3FAB] =	sst s0;
	s0 =	simm.s32 @!p1 $0x0  }
0x14: {  	s2 =	sld [smem:$0x3F8F];
	s0 =	simm.s32 @p1 $0x1  }
0x15: {  	[smem:$0x3FAC] =	sst s0;
	s0 =	simm.s32 @!p2 $0x0  }
0x16: {  	s3 =	sld [smem:$0x3FDB];
	s0 =	simm.s32 @p2 $0x1  }
0x17: {  	s4 =	simm.s32 $0x1BF5;
	[smem:$0x3FAE] =	sst s0  }
0x18: {  	s0 =	sld [smem:$0x3F91];
	_ =	swait.ge [sflag:s4], $0x0  }
0x19: {  	s7 =	sld [smem:$0x3F92]  }
0x1a: {  	s8 =	sadd.s32 $0xFFFFE003, lr  }
0x1b: {  	s9 =	sadd.s32 $0xFFFFFEF7, lr;
	s5 =	simm.s32 $0xFFFFFFFF;
	p2 =	slt.u32 s8, $0xFFFFF086  }
0x1c: {  	p1 =	slt.u32 s9, $0xF7A;
	s5 =	simm.s32 @!p2 $0x0  }
0x1d: {  	s5 =	simm.s32 @p1 $0x1;
	p0 =	seq.s32 s7, s2  }
0x1e: {  	s7 =	smul.u32 @!p0 $0xF7A, s2;
	p2 =	seq.s32 @!p0 s5, $0x0  }
0x1f: {  	s9 =	smul.u32 $0xF7A, s1;
	s8 =	simm.s32 @!p0 $0x1BF5;
	p2 =	por !p2, p0  }
0x20: {  	[sflag:s8] =	ssyncset.s32 @!p0 $0xFFFFF086;
	s6 =	sadd.s32 @!p0 s3, s7;
	s7 =	simm.s32 @!p0 $0x108  }
0x21: {  	s3 =	sadd.s32 s3, s9;
	s6 =	sadd.s32 @!p0 $0x88, s6;
	s7 =	simm.s32 @p2 $0x1082  }
0x22: {  	[simem:s7], [sflag:s8] =	dma.local @!p0 [hbm:s6], $0xF7A  }
0x23: {  	s9 =	sor.u32 $0xD0000000, s2;
	s6 =	simm.s32 $0x108;
	_ =	swait.ge @!p0 [sflag:s8], $0x0  }
0x24: {  	s3 =	sadd.s32 $0x88, s3;
	s6 =	simm.s32 @!p1 $0x1082;
	[sflag:s4] =	ssyncset.s32 $0xFFFFF086  }
0x25: {  	[simem:s6], [sflag:s4] =	dma.local [hbm:s3], $0xF7A  }
0x26: {  	[smem:$0x3F92] =	sst s1;
	(tag) =	ssettag s2;
	_ =	strace s9  }
0x27: {  	s1 =	sld [smem:$0x3FA2]  }
0x28: {  	s2 =	sld [smem:$0x3FA3]  }
0x29: {  	s4 =	sld [smem:$0x3FA5]  }
0x2a: {  	p0 =	seq.s32 s5, $0x0;
	s5 =	sld [smem:$0x3FA6]  }
0x2b: {  	s6 =	sld [smem:$0x3FA7]  }
0x2c: {  	s7 =	sld [smem:$0x3FA8]  }
0x2d: {  	s3 =	simm.s32 $0x108;
	s8 =	sld [smem:$0x3FA9]  }
0x2e: {  	s3 =	simm.s32 @!p0 $0x1082;
	s9 =	sld [smem:$0x3FAA]  }
0x2f: {  	lr =	sadd.s32 s0, s3;
	s0 =	sld [smem:$0x3FA1]  }
0x30: {  	s3 =	sld [smem:$0x3FA4]  }
0x31: {  	[smem:$0x3FAD] =	sst s10  }
0x32: {  	s10 =	sld [smem:$0x3FAB];
	_ =	sdelay $0x3  }
0x33: {  	p0 =	seq.s32 s10, $0x1;
	s10 =	sld [smem:$0x3FAD];
	_ =	sdelay $0x3  }
0x34: {  	[smem:$0x3FAD] =	sst s10  }
0x35: {  	s10 =	sld [smem:$0x3FAC];
	_ =	sdelay $0x3  }
0x36: {  	p1 =	seq.s32 s10, $0x1;
	s10 =	sld [smem:$0x3FAD];
	_ =	sdelay $0x3  }
0x37: {  	[smem:$0x3FAD] =	sst s10  }
0x38: {  	s10 =	sld [smem:$0x3FAE]  }
0x39: {  	_ = 	snop;
	(pc) =	sbr.ind lr, $3  }
0x3a: {  	_ = 	snop  }
0x3b: {  	_ = 	snop  }
0x3c: {  	p2 =	seq.s32 s10, $0x1;
	s10 =	sld [smem:$0x3FAD]  }
0x3d: {  	_ =	shalt  }
0x3e: {  	_ =	shalt  }
0x3f: {  	_ =	shalt  }
0x40: {  	_ =	shalt  }
0x41: {  	_ =	shalt  }
0x42: {  	_ =	shalt  }
0x43: {  	_ =	shalt  }
0x44: {  	_ =	shalt  }
0x45: {  	_ =	shalt  }
0x46: {  	_ =	shalt  }
0x47: {  	_ =	shalt  }
0x48: {  	_ =	shalt  }
0x49: {  	_ =	shalt  }
0x4a: {  	_ =	shalt  }
0x4b: {  	_ =	shalt  }
0x4c: {  	_ =	shalt  }
0x4d: {  	_ =	shalt  }
0x4e: {  	_ =	shalt  }
0x4f: {  	_ =	shalt  }
0x50: {  	_ =	shalt  }
0x51: {  	_ =	shalt  }
0x52: {  	_ =	shalt  }
0x53: {  	_ =	shalt  }
0x54: {  	_ =	shalt  }
0x55: {  	_ =	shalt  }
0x56: {  	_ =	shalt  }
0x57: {  	_ =	shalt  }
0x58: {  	_ =	shalt  }
0x59: {  	_ =	shalt  }
0x5a: {  	_ =	shalt  }
0x5b: {  	_ =	shalt  }
0x5c: {  	_ =	shalt  }
0x5d: {  	_ =	shalt  }
0x5e: {  	_ =	shalt  }
0x5f: {  	_ =	shalt  }
0x60: {  	_ =	shalt  }
0x61: {  	_ =	shalt  }
0x62: {  	_ =	shalt  }
0x63: {  	_ =	shalt  }
0x64: {  	_ =	shalt  }
0x65: {  	_ =	shalt  }
0x66: {  	_ =	shalt  }
0x67: {  	_ =	shalt  }
0x68: {  	_ =	shalt  }
0x69: {  	_ =	shalt  }
0x6a: {  	_ =	shalt  }
0x6b: {  	_ =	shalt  }
0x6c: {  	_ =	shalt  }
0x6d: {  	_ =	shalt  }
0x6e: {  	_ =	shalt  }
0x6f: {  	_ =	shalt  }
0x70: {  	_ =	shalt  }
0x71: {  	_ =	shalt  }
0x72: {  	_ =	shalt  }
0x73: {  	_ =	shalt  }
0x74: {  	_ =	shalt  }
0x75: {  	_ =	shalt  }
0x76: {  	_ =	shalt  }
0x77: {  	_ =	shalt  }
0x78: {  	_ =	shalt  }
0x79: {  	_ =	shalt  }
0x7a: {  	_ =	shalt  }
0x7b: {  	_ =	shalt  }
0x7c: {  	_ =	shalt  }
0x7d: {  	_ =	shalt  }
0x7e: {  	_ =	shalt  }
0x7f: {  	_ =	shalt  }
0x80: {  	_ =	shalt  }
0x81: {  	_ =	shalt  }
0x82: {  	_ =	shalt  }
0x83: {  	_ =	shalt  }
0x84: {  	_ =	shalt  }
0x85: {  	_ =	shalt  }
0x86: {  	_ =	shalt  }
0x87: {  	_ =	shalt  }
.Lfunc_end0:
.L_simem_size_0:
called_computation_lowered:
.L_overlay_start_0:
0x88: {  	s2 =	sld [smem:$0x3FD9]  }
0x89: {  	s3 =	sld [smem:$0x3FFE];
	_ =	sdelay $0x1  }
0x8a: {  	s1 =	srdreg.scid  }
0x8b: {  	s0 =	sand.u32 $0x1, s1  }
0x8c: {  	s17 =	sshll.u32 s0, $0xA;
	s2 =	sadd.s32 s3, s2  }
0x8d: {  	s2 =	sadd.s32 s2, s17  }
0x8e: {  	[smem:$0x3FB9] =	sst s2  }
0x8f: {  	_ = 	snop  }
0x90: {  	(tm) =	ssettm $0x1  }
0x91: {  	s18 =	sld [smem:$0x3FFB];
	_ =	sdelay $0x3  }
0x92: {  	_ =	strace s18  }
0x93: {  	s2 =	sld [smem:$0x3FFC];
	_ =	sdelay $0x3  }
0x94: {  	_ =	strace s2  }
0x95: {  	s2 =	sld [smem:$0x3FFD];
	_ =	sdelay $0x3  }
0x96: {  	_ =	strace s2  }
0x97: {  	_ =	strace $0x8FFFFFFF  }
0x98: {  	s19 =	sld [smem:$0x3FDB];
	_ =	sdelay $0x1  }
0x99: {  	s20 =	simm.s32 $_scs_section_size  }
0x9a: {  	s4 =	simm.s32 $_size__tile_overlayer_lowered;
	s5 =	simm.s32 $_tile_overlayer_lowered  }
0x9b: {  	s6 =	simm.s32 $0x1BFF;
	s21 =	sshll.u32 s5, $0x1;
	s3 =	sadd.s32 s20, s19  }
0x9c: {  	s22 =	simm.s32 $0x0;
	s4 =	sshll.u32 s4, $0x1;
	s5 =	sadd.s32 s21, s3  }
0x9d: {  	[timem:s22], [sflag:s6] =	dma.local [hbm:s5], s4  }
0x9e: {  	_ =	swait.ge [sflag:s6], s4  }
0x9f: {  	s4 =	ssub.s32 $0x0, s4;
	[sflag:s6] =	ssyncset.done $0x0  }
0xa0: {  	[sflag:s6] =	ssyncadd.s32 s4;
	_ =	sdelay $0x1  }
0xa1: {  	s23 =	simm.s32 $0x1B8B  }
0xa2: {  	_ =	swait.ge [sflag:s23], $0x1  }
0xa3: {  	[sflag:s23] =	ssyncset.done $0x0  }
0xa4: {  	[sflag:s23] =	ssyncadd.s32 $0xFFFFFFFF  }
0xa5: {  	s4 =	sld [smem:$0x0]  }
0xa6: {  	s5 =	sand.u32 $0xFFFFFFFE, s1  }
0xa7: {  	p0 =	sne.s32 s1, s5  }
0xa8: {  	s5 =	sshll.u32 @p0 s5, $0xE  }
0xa9: {  	s5 =	sadd.s32 @p0 $0x11B8D, s5;
	s6 =	sshll.u32 @p0 s4, $0x11  }
0xaa: {  	s5 =	sor.u32 @p0 s6, s5  }
0xab: {  	[sflag:s5] =	ssyncadd.remote.s32 @p0 $0x1;
	_ =	sdelay $0x1  }
0xac: {  	s5 =	simm.s32 @p0 $0x1B8D  }
0xad: {  	_ =	swait.eq @p0 [sflag:s5], $0x1  }
0xae: {  	[sflag:s5] =	ssyncadd.s32 @p0 $0xFFFFFFFF  }
0xaf: {  	s6 =	sshll.u32 @!p0 s1, $0xE  }
0xb0: {  	s6 =	sor.u32 @!p0 $0x4000, s6;
	s5 =	simm.s32 @!p0 $0x1B8D  }
0xb1: {  	s4 =	sshll.u32 @!p0 s4, $0x11;
	s6 =	sadd.s32 @!p0 $0x11B8D, s6;
	_ =	swait.eq @!p0 [sflag:s5], $0x1  }
0xb2: {  	s4 =	sor.u32 @!p0 s4, s6;
	[sflag:s5] =	ssyncadd.s32 @!p0 $0xFFFFFFFF  }
0xb3: {  	s25 =	simm.s32 $0x1B8E;
	s24 =	sld [smem:$0x3FFE];
	[sflag:s4] =	ssyncadd.remote.s32 @!p0 $0x1  }
0xb4: {  	s26 =	simm.s32 $execute0_lowered;
	[smem:$0x3FD2] =	sst s25  }
0xb5: {  	s5 =	sshll.u32 s26, $0x1;
	_ =	strace $0x80000049;
	[dreg:$0x1] =	wrdreg $0xFFFFFFFF  }
0xb6: {  	s28 =	simm.s32 $_size_execute0_lowered;
	s3 =	sadd.s32 s3, s5;
	[dreg:$0x0] =	wrdreg $0x0  }
0xb7: {  	s5 =	sshll.u32 s28, $0x1;
	[dreg:$0x2] =	wrdreg s3  }
0xb8: {  	[dreg:$0x3] =	wrdreg s5  }
0xb9: {  	[dreg:$0x4] =	wrdreg $0xC0  }
0xba: {  	_ =	task [dreg:s22], $0x5FFFF  }
0xbb: {  	[dreg:$0x1] =	wrdreg $0xFFFFFFFF  }
0xbc: {  	[dreg:$0x0] =	wrdreg $0x60  }
0xbd: {  	[dreg:$0x2] =	wrdreg s24  }
0xbe: {  	[dreg:$0x3] =	wrdreg $0x9  }
0xbf: {  	_ =	task.clear_ibuf [dreg:s22], $0x4FFFF;
	_ =	strace $0x90000049  }
0xc0: {  	s29 =	simm.s32 $0x9;
	_ =	strace $0x8000004B  }
0xc1: {  	_ =	swait.ge [sflag:s29], $0x1  }
0xc2: {  	[sflag:s29] =	ssyncadd.s32 $0xFFFFFFFF  }
0xc3: {  	_ =	strace $0x9000004B  }
0xc4: {  	_ =	sfence  }
0xc5: {  	s30 =	sld [smem:$0x0];
	_ =	sdelay $0x2  }
0xc6: {  	s31 =	sshll.u32 s1, $0xD;
	s1 =	sshrl.u32 s1, $0x2  }
0xc7: {  	s4 =	sand.u32 $0x4000, s31;
	s1 =	sadd.s32 s1, s30  }
0xc8: {  	s0 =	sor.u32 s4, s0;
	s1 =	sshll.u32 s1, $0x11  }
0xc9: {  	s0 =	sor.u32 s1, s0  }
0xca: {  	s0 =	sadd.s32 $0x8F2B, s0  }
0xcb: {  	[sflag:s0] =	ssyncadd.remote.s32 $0x1  }
0xcc: {  	_ =	sfence.sel $0xFFFF  }
0xcd: {  	[dreg:$0x0] =	wrdreg $0xFFFFFFFF;
	(pc) =	sbr.abs _section_cstart, $3  }
0xce: {  	[dreg:$0x1] =	wrdreg $0xFFFFFFFF  }
0xcf: {  	_ =	task.clear_ibuf [dreg:s22], $0x2FFFF;
	_ =	strace $0x9FFFFFFF  }
0xd0: {  	(tm) =	ssettm $0x7FFFFFFF  }
0xd1: {  	_ =	shalt  }
tec
execute0_lowered:
.L_overlay_start_1:
0x0: {  	(tag) =	ssettag $0x1  }
0x1: {  	s1 =	srdreg.scid  }
0x2: {  	s0 =	stileid.u32;
	s5 =	rddreg [dreg:$0x0]  }
0x3: {  	s2 =	simm.s32 $0x0;
	s8 =	simm.s32 $0x80;
	s9 =	simm.s32 $0x400  }
0x4: {  	s10 =	simm.s32 $0x0;
	s3 =	sand.u32 $0x1, s1;
	s29 =	sshll.u32 s0, $0x1  }
0x5: {  	s30 =	sshrl.u32 s0, $0x2;
	s1 =	rddreg [dreg:$0x1];
	s4 =	sor.u32 s3, s29  }
0x6: {  	[smem:$0x7FF] =	sst s2;
	s6 =	smul.u32 $0x14000, s30;
	s7 =	sshll.u32 s4, $0x7  }
0x7: {  	s3 =	ssub.s32 $0x2, s3;
	s4 =	smul.u32 $0x4E2, s4;
	s7 =	sand.u32 $0x380, s7  }
0x8: {  	_ =	strace $0x8000004A;
	s31 =	sshrl.u32 s3, $0x1;
	s6 =	sor.u32 s6, s7  }
0x9: {  	s4 =	sadd.s32 s4, s5;
	s7 =	simm.s32 $0x1;
	s6 =	sshrl.u32 s6, $0x3  }
0xa: {  	s5 =	sadd.s32 s6, s5;
	s6 =	ssub.s32 s3, s31;
	s3 =	sadd.s32 $0x4A00, s4  }
0xb: {  	v0 =	vimm.f32 $0.0e+00;
	v1 =	vimm.f32 $1.000000000e+00;
	s4 =	sadd.s32 $0x9A800, s5;
	s5 =	smax.u32 s6, $0x1;
	s6 =	simm.s32 $0x2800  }
.LBB2_1:
0xc: {  	[tilespmem:s6], [sflag:$0x1] =	stream.linear.gather [hbm4b:s3+s2], $0x2710, $0x38;
	[tilespmem:$0x4F80] =	vst v63  }
0xd: {  	_ =	swait.ge [sflag:s7], $0x2710  }
0xe: {  	[sflag:s7] =	ssyncset.done $0x0  }
0xf: {  	s11 =	simm.s32 $0x0;
	s12 =	simm.s32 $0x200;
	[sflag:s7] =	ssyncadd.s32 $0xFFFFD8F0  }
.LBB2_2:
0x10: {  	p0 =	sne.s32 s12, $0x9E00;
	[tilespmem:s11+$0x70] =	vst v0  }
0x11: {  	[tilespmem:s11+$0x0] =	vst v0  }
0x12: {  	[tilespmem:s11+$0x10] =	vst v0  }
.Ltmp0:
0x13: {  	[tilespmem:s11+$0x20] =	vst v0;
	(pc) =	sbr.rel @p0 .LBB2_2-.Ltmp0, $4  }
0x14: {  	[tilespmem:s11+$0x30] =	vst v0  }
0x15: {  	[tilespmem:s11+$0x40] =	vst v0  }
0x16: {  	[tilespmem:s11+$0x50] =	vst v0  }
0x17: {  	[tilespmem:s11+$0x60] =	vst v0;
	s11 =	sshra.s32 s12, $0x2;
	s12 =	sadd.s32 $0x200, s12  }
0x18: {  	[tilespmem:s11+$0x70] =	vst v0  }
0x19: {  	[tilespmem:s11+$0x0] =	vst v0  }
0x1a: {  	[tilespmem:s11+$0x10] =	vst v0  }
0x1b: {  	[tilespmem:s11+$0x20] =	vst v0  }
0x1c: {  	[tilespmem:s11+$0x30] =	vst v0  }
0x1d: {  	[tilespmem:s11+$0x40] =	vst v0  }
0x1e: {  	[tilespmem:s11+$0x50] =	vst v0  }
0x1f: {  	[tilespmem:s11+$0x60] =	vst v0;
	s11 =	simm.s32 $0x0  }
.LBB2_4:
0x20: {  	s12 =	sshra.s32 s11, $0x2  }
0x21: {  	v2 =	vld [tilespmem:s12+$0x2800];
	_ =	sdelay $0x7  }
0x22: {  	[tilespmem:v2+s2+$0x0] =	vst.idx.add.f32.msk $0xffff, v1  }
0x23: {  	v2 =	vld [tilespmem:s12+$0x2810];
	_ =	sdelay $0x7  }
0x24: {  	[tilespmem:v2+s2+$0x0] =	vst.idx.add.f32.msk $0xffff, v1  }
0x25: {  	v2 =	vld [tilespmem:s12+$0x2820];
	_ =	sdelay $0x7  }
0x26: {  	[tilespmem:v2+s2+$0x0] =	vst.idx.add.f32.msk $0xffff, v1  }
0x27: {  	v2 =	vld [tilespmem:s12+$0x2830];
	_ =	sdelay $0x7  }
0x28: {  	[tilespmem:v2+s2+$0x0] =	vst.idx.add.f32.msk $0xffff, v1  }
0x29: {  	v2 =	vld [tilespmem:s12+$0x2840];
	_ =	sdelay $0x2  }
0x2a: {  	p0 =	sne.s32 s11, $0x9B00  }
.Ltmp1:
0x2b: {  	_ = 	snop;
	(pc) =	sbr.rel @p0 .LBB2_4-.Ltmp1, $2  }
0x2c: {  	_ =	sdelay $0x2  }
0x2d: {  	s11 =	sadd.s32 $0x140, s11;
	[tilespmem:v2+s2+$0x0] =	vst.idx.add.f32.msk $0xffff, v1  }
0x2e: {  	s10 =	sadd.s32 $0x1, s10  }
0x2f: {  	p0 =	sne.s32 s10, s5  }
.Ltmp2:
0x30: {  	_ = 	snop;
	(pc) =	sbr.rel @p0 .LBB2_1-.Ltmp2, $4  }
0x31: {  	[hbm4b:s4+s8] =	stream.strided.scatter [tilespmem:s2], [sflag:$0x1], $0x2800, s9, s8, $0x38;
	[tilespmem:$0x4F80] =	vst v63  }
0x32: {  	_ =	swait.ge [sflag:s7], $0x2800  }
0x33: {  	[sflag:s7] =	ssyncset.done $0x0  }
0x34: {  	[sflag:s7] =	ssyncadd.s32 $0xFFFFD800  }
0x35: {  	_ =	sfence.sel $0x180000  }
0x36: {  	[bflag:$0x0] =	sbarrier.arrive $0xFFFF  }
0x37: {  	p0 =	sne.s32 s0, $0x0;
	_ =	strace $0x9000004A  }
0x38: {  	s0 =	sadd.s32 @!p0 $0x100000, s1;
	[bflag:$0x2] =	sbarrier.arrive $0xFFFF  }
0x39: {  	[sflag:s0] =	ssyncadd.tile.s32 @!p0 $0x1;
	_ =	shalt  }
.Lfunc_end2:
_tile_overlayer_lowered:
.L_overlay_start_2:
0x3a: {  	(tag) =	ssettag $0x2  }
0x3b: {  	s0 =	rddreg [dreg:$0x0];
	s2 =	stileid.u32  }
0x3c: {  	s1 =	rddreg [dreg:$0x1];
	p0 =	sne.s32 s2, $0x0  }
0x3d: {  	s3 =	rddreg [dreg:$0x2];
	[bflag:$0x3] =	sbarrier.arrive $0xFFFF;
	s2 =	simm.s32 @!p0 $0x1C01  }
0x3e: {  	[timem:s3], [sflag:s2] =	dma.local @!p0 [hbm:s0], s1  }
0x3f: {  	s0 =	simm.s32 @!p0 $0x1  }
0x40: {  	_ =	swait.ge @!p0 [sflag:s0], s1  }
0x41: {  	s1 =	ssub.s32 @!p0 $0x0, s1;
	[sflag:s0] =	ssyncset.done @!p0 $0x0  }
0x42: {  	[sflag:s0] =	ssyncadd.s32 @!p0 s1  }
0x43: {  	[bflag:$0x3] =	sbarrier.arrive $0xFFFF  }
0x44: {  	_ =	shalt  }

// kernel: kernel.18.cloned.1.call-start
scs
__scs_entry_jumppad:
0x0: {  	(pc) =	sbr.rel $0x88, $3  }
0x1: {  	(tag) =	ssettag $0x0;
	lr =	simm.s32 $0x1  }
0x2: {  	[smem:$0x3F92] =	sst lr;
	_ =	strace $0xD0000000  }
0x3: {  	_ = 	snop  }
0x4: {  	_ = 	snop  }
0x5: {  	_ = 	snop  }
0x6: {  	_ = 	snop  }
0x7: {  	_ = 	snop  }
__scs_overlays_trampoline_lowered:
0x8: {  	[smem:$0x3FA1] =	sst s0  }
0x9: {  	[smem:$0x3FA2] =	sst s1  }
0xa: {  	[smem:$0x3FA3] =	sst s2  }
0xb: {  	[smem:$0x3FA4] =	sst s3  }
0xc: {  	[smem:$0x3FA5] =	sst s4  }
0xd: {  	[smem:$0x3FA6] =	sst s5  }
0xe: {  	[smem:$0x3FA7] =	sst s6  }
0xf: {  	[smem:$0x3FA8] =	sst s7  }
0x10: {  	[smem:$0x3FA9] =	sst s8  }
0x11: {  	[smem:$0x3FAA] =	sst s9;
	s0 =	simm.s32 @!p0 $0x0  }
0x12: {  	s1 =	sld [smem:$0x3F90];
	s0 =	simm.s32 @p0 $0x1  }
0x13: {  	[smem:$0x3FAB] =	sst s0;
	s0 =	simm.s32 @!p1 $0x0  }
0x14: {  	s2 =	sld [smem:$0x3F8F];
	s0 =	simm.s32 @p1 $0x1  }
0x15: {  	[smem:$0x3FAC] =	sst s0;
	s0 =	simm.s32 @!p2 $0x0  }
0x16: {  	s3 =	sld [smem:$0x3FDB];
	s0 =	simm.s32 @p2 $0x1  }
0x17: {  	s4 =	simm.s32 $0x1BF5;
	[smem:$0x3FAE] =	sst s0  }
0x18: {  	s0 =	sld [smem:$0x3F91];
	_ =	swait.ge [sflag:s4], $0x0  }
0x19: {  	s7 =	sld [smem:$0x3F92]  }
0x1a: {  	s8 =	sadd.s32 $0xFFFFE003, lr  }
0x1b: {  	s9 =	sadd.s32 $0xFFFFFEF7, lr;
	s5 =	simm.s32 $0xFFFFFFFF;
	p2 =	slt.u32 s8, $0xFFFFF086  }
0x1c: {  	p1 =	slt.u32 s9, $0xF7A;
	s5 =	simm.s32 @!p2 $0x0  }
0x1d: {  	s5 =	simm.s32 @p1 $0x1;
	p0 =	seq.s32 s7, s2  }
0x1e: {  	s7 =	smul.u32 @!p0 $0xF7A, s2;
	p2 =	seq.s32 @!p0 s5, $0x0  }
0x1f: {  	s9 =	smul.u32 $0xF7A, s1;
	s8 =	simm.s32 @!p0 $0x1BF5;
	p2 =	por !p2, p0  }
0x20: {  	[sflag:s8] =	ssyncset.s32 @!p0 $0xFFFFF086;
	s6 =	sadd.s32 @!p0 s3, s7;
	s7 =	simm.s32 @!p0 $0x108  }
0x21: {  	s3 =	sadd.s32 s3, s9;
	s6 =	sadd.s32 @!p0 $0x88, s6;
	s7 =	simm.s32 @p2 $0x1082  }
0x22: {  	[simem:s7], [sflag:s8] =	dma.local @!p0 [hbm:s6], $0xF7A  }
0x23: {  	s9 =	sor.u32 $0xD0000000, s2;
	s6 =	simm.s32 $0x108;
	_ =	swait.ge @!p0 [sflag:s8], $0x0  }
0x24: {  	s3 =	sadd.s32 $0x88, s3;
	s6 =	simm.s32 @!p1 $0x1082;
	[sflag:s4] =	ssyncset.s32 $0xFFFFF086  }
0x25: {  	[simem:s6], [sflag:s4] =	dma.local [hbm:s3], $0xF7A  }
0x26: {  	[smem:$0x3F92] =	sst s1;
	(tag) =	ssettag s2;
	_ =	strace s9  }
0x27: {  	s1 =	sld [smem:$0x3FA2]  }
0x28: {  	s2 =	sld [smem:$0x3FA3]  }
0x29: {  	s4 =	sld [smem:$0x3FA5]  }
0x2a: {  	p0 =	seq.s32 s5, $0x0;
	s5 =	sld [smem:$0x3FA6]  }
0x2b: {  	s6 =	sld [smem:$0x3FA7]  }
0x2c: {  	s7 =	sld [smem:$0x3FA8]  }
0x2d: {  	s3 =	simm.s32 $0x108;
	s8 =	sld [smem:$0x3FA9]  }
0x2e: {  	s3 =	simm.s32 @!p0 $0x1082;
	s9 =	sld [smem:$0x3FAA]  }
0x2f: {  	lr =	sadd.s32 s0, s3;
	s0 =	sld [smem:$0x3FA1]  }
0x30: {  	s3 =	sld [smem:$0x3FA4]  }
0x31: {  	[smem:$0x3FAD] =	sst s10  }
0x32: {  	s10 =	sld [smem:$0x3FAB];
	_ =	sdelay $0x3  }
0x33: {  	p0 =	seq.s32 s10, $0x1;
	s10 =	sld [smem:$0x3FAD];
	_ =	sdelay $0x3  }
0x34: {  	[smem:$0x3FAD] =	sst s10  }
0x35: {  	s10 =	sld [smem:$0x3FAC];
	_ =	sdelay $0x3  }
0x36: {  	p1 =	seq.s32 s10, $0x1;
	s10 =	sld [smem:$0x3FAD];
	_ =	sdelay $0x3  }
0x37: {  	[smem:$0x3FAD] =	sst s10  }
0x38: {  	s10 =	sld [smem:$0x3FAE]  }
0x39: {  	_ = 	snop;
	(pc) =	sbr.ind lr, $3  }
0x3a: {  	_ = 	snop  }
0x3b: {  	_ = 	snop  }
0x3c: {  	p2 =	seq.s32 s10, $0x1;
	s10 =	sld [smem:$0x3FAD]  }
0x3d: {  	_ =	shalt  }
0x3e: {  	_ =	shalt  }
0x3f: {  	_ =	shalt  }
0x40: {  	_ =	shalt  }
0x41: {  	_ =	shalt  }
0x42: {  	_ =	shalt  }
0x43: {  	_ =	shalt  }
0x44: {  	_ =	shalt  }
0x45: {  	_ =	shalt  }
0x46: {  	_ =	shalt  }
0x47: {  	_ =	shalt  }
0x48: {  	_ =	shalt  }
0x49: {  	_ =	shalt  }
0x4a: {  	_ =	shalt  }
0x4b: {  	_ =	shalt  }
0x4c: {  	_ =	shalt  }
0x4d: {  	_ =	shalt  }
0x4e: {  	_ =	shalt  }
0x4f: {  	_ =	shalt  }
0x50: {  	_ =	shalt  }
0x51: {  	_ =	shalt  }
0x52: {  	_ =	shalt  }
0x53: {  	_ =	shalt  }
0x54: {  	_ =	shalt  }
0x55: {  	_ =	shalt  }
0x56: {  	_ =	shalt  }
0x57: {  	_ =	shalt  }
0x58: {  	_ =	shalt  }
0x59: {  	_ =	shalt  }
0x5a: {  	_ =	shalt  }
0x5b: {  	_ =	shalt  }
0x5c: {  	_ =	shalt  }
0x5d: {  	_ =	shalt  }
0x5e: {  	_ =	shalt  }
0x5f: {  	_ =	shalt  }
0x60: {  	_ =	shalt  }
0x61: {  	_ =	shalt  }
0x62: {  	_ =	shalt  }
0x63: {  	_ =	shalt  }
0x64: {  	_ =	shalt  }
0x65: {  	_ =	shalt  }
0x66: {  	_ =	shalt  }
0x67: {  	_ =	shalt  }
0x68: {  	_ =	shalt  }
0x69: {  	_ =	shalt  }
0x6a: {  	_ =	shalt  }
0x6b: {  	_ =	shalt  }
0x6c: {  	_ =	shalt  }
0x6d: {  	_ =	shalt  }
0x6e: {  	_ =	shalt  }
0x6f: {  	_ =	shalt  }
0x70: {  	_ =	shalt  }
0x71: {  	_ =	shalt  }
0x72: {  	_ =	shalt  }
0x73: {  	_ =	shalt  }
0x74: {  	_ =	shalt  }
0x75: {  	_ =	shalt  }
0x76: {  	_ =	shalt  }
0x77: {  	_ =	shalt  }
0x78: {  	_ =	shalt  }
0x79: {  	_ =	shalt  }
0x7a: {  	_ =	shalt  }
0x7b: {  	_ =	shalt  }
0x7c: {  	_ =	shalt  }
0x7d: {  	_ =	shalt  }
0x7e: {  	_ =	shalt  }
0x7f: {  	_ =	shalt  }
0x80: {  	_ =	shalt  }
0x81: {  	_ =	shalt  }
0x82: {  	_ =	shalt  }
0x83: {  	_ =	shalt  }
0x84: {  	_ =	shalt  }
0x85: {  	_ =	shalt  }
0x86: {  	_ =	shalt  }
0x87: {  	_ =	shalt  }
.Lfunc_end0:
.L_simem_size_0:
called_computation.1_lowered:
.L_overlay_start_0:
0x88: {  	s2 =	sld [smem:$0x3FD9]  }
0x89: {  	s3 =	sld [smem:$0x3FFE];
	_ =	sdelay $0x1  }
0x8a: {  	s1 =	srdreg.scid  }
0x8b: {  	s0 =	sand.u32 $0x1, s1  }
0x8c: {  	s16 =	sshll.u32 s0, $0xA;
	s2 =	sadd.s32 s3, s2  }
0x8d: {  	s2 =	sadd.s32 s2, s16  }
0x8e: {  	[smem:$0x3FB9] =	sst s2  }
0x8f: {  	_ = 	snop  }
0x90: {  	(tm) =	ssettm $0x1  }
0x91: {  	s17 =	sld [smem:$0x3FFB];
	_ =	sdelay $0x3  }
0x92: {  	_ =	strace s17  }
0x93: {  	s2 =	sld [smem:$0x3FFC];
	_ =	sdelay $0x3  }
0x94: {  	_ =	strace s2  }
0x95: {  	s2 =	sld [smem:$0x3FFD];
	_ =	sdelay $0x3  }
0x96: {  	_ =	strace s2  }
0x97: {  	_ =	strace $0x8FFFFFFF  }
0x98: {  	s18 =	sld [smem:$0x3FDB];
	_ =	sdelay $0x1  }
0x99: {  	s19 =	simm.s32 $_scs_section_size  }
0x9a: {  	s4 =	simm.s32 $_size__tile_overlayer_lowered;
	s5 =	simm.s32 $_tile_overlayer_lowered  }
0x9b: {  	s22 =	simm.s32 $0x1BFF;
	s21 =	sshll.u32 s5, $0x1;
	s2 =	sadd.s32 s19, s18  }
0x9c: {  	s6 =	simm.s32 $0x0;
	s20 =	sshll.u32 s4, $0x1;
	s4 =	sadd.s32 s21, s2  }
0x9d: {  	[timem:s6], [sflag:s22] =	dma.local [hbm:s4], s20  }
0x9e: {  	_ =	swait.ge [sflag:s22], s20  }
0x9f: {  	s3 =	ssub.s32 $0x0, s20;
	[sflag:s22] =	ssyncset.done $0x0  }
0xa0: {  	[sflag:s22] =	ssyncadd.s32 s3;
	_ =	sdelay $0x1  }
0xa1: {  	s23 =	simm.s32 $0x1B8B  }
0xa2: {  	_ =	swait.ge [sflag:s23], $0x1  }
0xa3: {  	[sflag:s23] =	ssyncset.done $0x0  }
0xa4: {  	s25 =	simm.s32 $0x1B8E;
	s24 =	sld [smem:$0x3FFE];
	[sflag:s23] =	ssyncadd.s32 $0xFFFFFFFF  }
0xa5: {  	s26 =	simm.s32 $execute0_lowered;
	[smem:$0x3FD2] =	sst s25  }
0xa6: {  	s4 =	sshll.u32 s26, $0x1;
	_ =	strace $0x80000046;
	[dreg:$0x1] =	wrdreg $0xFFFFFFFF  }
0xa7: {  	s28 =	simm.s32 $_size_execute0_lowered;
	s2 =	sadd.s32 s2, s4;
	[dreg:$0x0] =	wrdreg $0x0  }
0xa8: {  	s4 =	sshll.u32 s28, $0x1;
	[dreg:$0x2] =	wrdreg s2  }
0xa9: {  	[dreg:$0x3] =	wrdreg s4  }
0xaa: {  	[dreg:$0x4] =	wrdreg $0xC0  }
0xab: {  	_ =	task [dreg:s6], $0x5FFFF  }
0xac: {  	[dreg:$0x1] =	wrdreg $0xFFFFFFFF  }
0xad: {  	[dreg:$0x0] =	wrdreg $0x60  }
0xae: {  	[dreg:$0x2] =	wrdreg s24  }
0xaf: {  	[dreg:$0x3] =	wrdreg $0x0  }
0xb0: {  	[dreg:$0x4] =	wrdreg $0xA  }
0xb1: {  	_ =	task.clear_ibuf [dreg:s6], $0x5FFFF;
	_ =	strace $0x90000046  }
0xb2: {  	s29 =	simm.s32 $0xA;
	_ =	strace $0x80000048  }
0xb3: {  	_ =	swait.ge [sflag:s29], $0x1  }
0xb4: {  	[sflag:s29] =	ssyncadd.s32 $0xFFFFFFFF  }
0xb5: {  	_ =	strace $0x90000048  }
0xb6: {  	_ =	sfence  }
0xb7: {  	s30 =	sld [smem:$0x0];
	_ =	sdelay $0x2  }
0xb8: {  	s31 =	sshll.u32 s1, $0xD;
	s1 =	sshrl.u32 s1, $0x2  }
0xb9: {  	s3 =	sand.u32 $0x4000, s31;
	s1 =	sadd.s32 s1, s30  }
0xba: {  	s0 =	sor.u32 s3, s0;
	s1 =	sshll.u32 s1, $0x11  }
0xbb: {  	s0 =	sor.u32 s1, s0  }
0xbc: {  	s0 =	sadd.s32 $0x8F2B, s0  }
0xbd: {  	[sflag:s0] =	ssyncadd.remote.s32 $0x1  }
0xbe: {  	_ =	sfence.sel $0xFFFF  }
0xbf: {  	[dreg:$0x0] =	wrdreg $0xFFFFFFFF;
	(pc) =	sbr.abs _section_cstart, $3  }
0xc0: {  	[dreg:$0x1] =	wrdreg $0xFFFFFFFF  }
0xc1: {  	_ =	task.clear_ibuf [dreg:s6], $0x2FFFF;
	_ =	strace $0x9FFFFFFF  }
0xc2: {  	(tm) =	ssettm $0x7FFFFFFF  }
0xc3: {  	_ =	shalt  }
tec
execute0_lowered:
.L_overlay_start_1:
0x0: {  	(tag) =	ssettag $0x1  }
0x1: {  	s0 =	rddreg [dreg:$0x0];
	s1 =	srdreg.scid  }
0x2: {  	s12 =	stileid.u32;
	s2 =	rddreg [dreg:$0x1]  }
0x3: {  	s3 =	simm.s32 $0x0;
	s1 =	sand.u32 $0x1, s1;
	s4 =	sshll.u32 s12, $0x1  }
0x4: {  	[smem:$0x7FF] =	sst s3;
	s8 =	smul.u32 $0x50000, s12;
	s10 =	sadd.s32 $0x18800, s0  }
0x5: {  	s4 =	sor.u32 s1, s4;
	_ =	strace $0x80000047;
	s7 =	ssub.s32 $0x2, s1  }
0x6: {  	s5 =	smul.u32 $0x500, s4;
	s11 =	sshrl.u32 s7, $0x1;
	s24 =	sshrl.u32 s8, $0x2  }
0x7: {  	s6 =	smul.u32 $0x28000, s1;
	s23 =	ssub.s32 s7, s11;
	s7 =	sadd.s32 s24, s2  }
0x8: {  	s4 =	sadd.s32 $0x22800, s0;
	s9 =	sadd.s32 s5, s0;
	s26 =	sadd.s32 $0x1000, s7  }
0x9: {  	s0 =	sadd.s32 s6, s0;
	s6 =	smax.u32 s23, $0x1;
	[dreg:$0x5] =	wrdreg s26  }
0xa: {  	s28 =	smul.u32 $0x2800, s12;
	s11 =	sadd.s32 $0x3000, s7;
	[dreg:$0x6] =	wrdreg s6  }
0xb: {  	s17 =	smul.u32 $0xA00, s12;
	s13 =	sadd.s32 $0x4000, s7;
	[dreg:$0x8] =	wrdreg s11  }
0xc: {  	s12 =	simm.s32 $0x17A00;
	s14 =	sadd.s32 $0x5000, s7;
	[dreg:$0x9] =	wrdreg s13  }
0xd: {  	s1 =	smul.u32 $0x500, s1;
	s15 =	sadd.s32 $0x6000, s7;
	[dreg:$0xa] =	wrdreg s14  }
0xe: {  	s8 =	sadd.s32 s10, s5;
	s16 =	sadd.s32 $0x7000, s7;
	[dreg:$0xb] =	wrdreg s15  }
0xf: {  	s18 =	sadd.s32 $0x8000, s7;
	s19 =	sadd.s32 $0x9000, s7;
	[dreg:$0xc] =	wrdreg s16  }
0x10: {  	s20 =	sadd.s32 $0xA000, s7;
	s21 =	sadd.s32 $0xB000, s7;
	[dreg:$0xd] =	wrdreg s18  }
0x11: {  	s22 =	sadd.s32 $0xC000, s7;
	s23 =	sadd.s32 $0xD000, s7;
	[dreg:$0xe] =	wrdreg s19  }
0x12: {  	s24 =	sadd.s32 $0xE000, s7;
	s29 =	sadd.s32 $0x11000, s7;
	[dreg:$0xf] =	wrdreg s20  }
0x13: {  	s30 =	sadd.s32 $0x12000, s7;
	s31 =	sadd.s32 $0x13000, s7;
	[dreg:$0x10] =	wrdreg s21  }
0x14: {  	s25 =	sadd.s32 $0xE800, s9;
	s5 =	sadd.s32 $0x10, s8;
	[dreg:$0x11] =	wrdreg s22  }
0x15: {  	s0 =	sadd.s32 $0x4A800, s0;
	s9 =	sadd.s32 $0x2000, s7;
	[dreg:$0x12] =	wrdreg s23  }
0x16: {  	s6 =	sadd.s32 s17, s10;
	[dreg:$0x14] =	wrdreg s24;
	s26 =	sadd.s32 $0xF000, s7  }
0x17: {  	s24 =	smov.u32 s8;
	s10 =	simm.s32 $0x17880;
	s11 =	simm.s32 $0x7D  }
0x18: {  	s13 =	simm.s32 $0x14000;
	s14 =	simm.s32 $0x7;
	s15 =	simm.s32 $0x5  }
0x19: {  	s16 =	simm.s32 $0x1BA00;
	s17 =	simm.s32 $0x1;
	s18 =	simm.s32 $0x6  }
0x1a: {  	s19 =	simm.s32 $0x3;
	s20 =	simm.s32 $0x2;
	[dreg:$0x3] =	wrdreg s25  }
0x1b: {  	s21 =	simm.s32 $0x4;
	s22 =	simm.s32 $0x0;
	[dreg:$0x4] =	wrdreg s5  }
.Ltmp0:
0x1c: {  	[dreg:$0x7] =	wrdreg s9;
	s1 =	sadd.s32 s1, s6;
	(pc) =	sbr.rel .LBB2_1-.Ltmp0, $4  }
0x1d: {  	s0 =	sadd.s32 s28, s0;
	[dreg:$0x16] =	wrdreg s26;
	s28 =	sadd.s32 $0x10000, s7  }
0x1e: {  	s5 =	simm.s32 $0x15000;
	s9 =	simm.s32 $0x17800;
	[dreg:$0x13] =	wrdreg s0  }
0x1f: {  	s25 =	sadd.s32 $0x40, s1;
	[dreg:$0x17] =	wrdreg s28;
	s1 =	sadd.s32 $0x20, s8  }
0x20: {  	v0 =	vimm.f32 $0.0e+00;
	s0 =	sadd.s32 $0x30, s8;
	s8 =	simm.s32 $0x8;
	[dreg:$0x15] =	wrdreg s25  }
.LBB2_6:
0x21: {  	_ =	swait.ge [sflag:s20], $0x3E80  }
0x22: {  	[sflag:s20] =	ssyncset.done $0x0  }
0x23: {  	[sflag:s20] =	ssyncadd.s32 $0xFFFFC180  }
0x24: {  	[spmem:s2] =	stream.indirect.scatter.add.f32 [tilespmem:s16], [sflag:$0x4], $0x80, s26, s11, $0xb8;
	[tilespmem:$0x1FA00] =	vst v63  }
0x25: {  	_ =	swait.ge [sflag:s21], $0x3E80  }
0x26: {  	[sflag:s21] =	ssyncset.done $0x0  }
0x27: {  	s6 =	stileid.u32;
	[sflag:s21] =	ssyncadd.s32 $0xFFFFC180  }
0x28: {  	s6 =	sshll.u32 s6, $0x6;
	[bflag:$0x0] =	sbarrier.arrive $0xFFFF  }
0x29: {  	s23 =	sshrl.u32 s7, $0x3;
	s6 =	sor.u32 $0x1C08, s6;
	s25 =	rddreg [dreg:$0x13]  }
0x2a: {  	[hbm:s25], [sflag:s6] =	dma.local [spmem:s23], $0x2800  }
0x2b: {  	_ =	swait.ge [sflag:s8], $0x2800  }
0x2c: {  	s22 =	sadd.s32 $0x1, s22;
	s28 =	rddreg [dreg:$0x6]  }
0x2d: {  	p0 =	sne.s32 s22, s28  }
.Ltmp1:
0x2e: {  	_ = 	snop;
	(pc) =	sbr.rel @!p0 .LBB2_7-.Ltmp1, $3  }
0x2f: {  	_ =	sdelay $0x1  }
0x30: {  	[sflag:s8] =	ssyncset.done $0x0  }
0x31: {  	[sflag:s8] =	ssyncadd.s32 $0xFFFFD800  }
.LBB2_1:
0x32: {  	s6 =	rddreg [dreg:$0x3]  }
0x33: {  	[tilespmem:s5], [sflag:$0x8] =	stream.linear.gather [hbm4b:s6+s3], $0x2800, $0x38;
	[tilespmem:$0x1FA00] =	vst v63  }
0x34: {  	_ =	swait.ge [sflag:s8], $0x2800  }
0x35: {  	[sflag:s8] =	ssyncset.done $0x0  }
0x36: {  	[sflag:s8] =	ssyncadd.s32 $0xFFFFD800  }
0x37: {  	[tilespmem:s9], [sflag:$0x5] =	stream.linear.gather [hbm4b:s24+s3], $0x80, $0x38;
	[tilespmem:$0x1FA00] =	vst v63  }
0x38: {  	s28 =	rddreg [dreg:$0x4]  }
0x39: {  	[tilespmem:s10], [sflag:$0x6] =	stream.linear.gather [hbm4b:s28+s3], $0x80, $0x38;
	[tilespmem:$0x1FA00] =	vst v63  }
0x3a: {  	s23 =	simm.s32 $0x200;
	s6 =	simm.s32 $0x0  }
0x3b: {  	[tilespmem:s12], [sflag:$0x1] =	stream.indirect.gather [hbm4b:s4+s11], $0x80, s5, s11, $0xb8;
	[tilespmem:$0x1FA00] =	vst v63  }
.LBB2_2:
0x3c: {  	p0 =	sne.s32 s23, $0x3E00;
	[tilespmem:s6+$0x14070] =	vst v0  }
0x3d: {  	[tilespmem:s6+$0x14000] =	vst v0  }
0x3e: {  	[tilespmem:s6+$0x14010] =	vst v0  }
.Ltmp2:
0x3f: {  	[tilespmem:s6+$0x14020] =	vst v0;
	(pc) =	sbr.rel @p0 .LBB2_2-.Ltmp2, $4  }
0x40: {  	[tilespmem:s6+$0x14030] =	vst v0  }
0x41: {  	[tilespmem:s6+$0x14040] =	vst v0  }
0x42: {  	[tilespmem:s6+$0x14050] =	vst v0  }
0x43: {  	[tilespmem:s6+$0x14060] =	vst v0;
	s6 =	sshra.s32 s23, $0x2;
	s23 =	sadd.s32 $0x200, s23  }
0x44: {  	[tilespmem:s6+$0x14070] =	vst v0  }
0x45: {  	[tilespmem:s6+$0x14000] =	vst v0  }
0x46: {  	[tilespmem:s6+$0x14010] =	vst v0  }
0x47: {  	[tilespmem:s6+$0x14020] =	vst v0  }
0x48: {  	[tilespmem:s6+$0x14030] =	vst v0  }
0x49: {  	[tilespmem:s6+$0x14040] =	vst v0  }
0x4a: {  	[tilespmem:s6+$0x14050] =	vst v0  }
0x4b: {  	[tilespmem:s6+$0x14060] =	vst v0  }
0x4c: {  	[spmem:s7] =	stream.linear.scatter [tilespmem:s13], [sflag:$0x7], $0x1000, $0x38;
	[tilespmem:$0x1FA00] =	vst v63  }
0x4d: {  	s23 =	rddreg [dreg:$0x5]  }
0x4e: {  	[spmem:s23] =	stream.linear.scatter [tilespmem:s13], [sflag:$0x7], $0x1000, $0x38;
	[tilespmem:$0x1FA00] =	vst v63  }
0x4f: {  	_ =	swait.ge [sflag:s14], $0x1000  }
0x50: {  	[sflag:s14] =	ssyncset.done $0x0  }
0x51: {  	s25 =	rddreg [dreg:$0x7];
	[sflag:s14] =	ssyncadd.s32 $0xFFFFF000  }
0x52: {  	[spmem:s25] =	stream.linear.scatter [tilespmem:s13], [sflag:$0x7], $0x1000, $0x38;
	[tilespmem:$0x1FA00] =	vst v63  }
0x53: {  	_ =	swait.ge [sflag:s14], $0x1000  }
0x54: {  	[sflag:s14] =	ssyncset.done $0x0  }
0x55: {  	s26 =	rddreg [dreg:$0x8];
	[sflag:s14] =	ssyncadd.s32 $0xFFFFF000  }
0x56: {  	[spmem:s26] =	stream.linear.scatter [tilespmem:s13], [sflag:$0x7], $0x1000, $0x38;
	[tilespmem:$0x1FA00] =	vst v63  }
0x57: {  	_ =	swait.ge [sflag:s14], $0x1000  }
0x58: {  	[sflag:s14] =	ssyncset.done $0x0  }
0x59: {  	s28 =	rddreg [dreg:$0x9];
	[sflag:s14] =	ssyncadd.s32 $0xFFFFF000  }
0x5a: {  	[spmem:s28] =	stream.linear.scatter [tilespmem:s13], [sflag:$0x7], $0x1000, $0x38;
	[tilespmem:$0x1FA00] =	vst v63  }
0x5b: {  	_ =	swait.ge [sflag:s14], $0x1000  }
0x5c: {  	[sflag:s14] =	ssyncset.done $0x0  }
0x5d: {  	s23 =	rddreg [dreg:$0xa];
	[sflag:s14] =	ssyncadd.s32 $0xFFFFF000  }
0x5e: {  	[spmem:s23] =	stream.linear.scatter [tilespmem:s13], [sflag:$0x7], $0x1000, $0x38;
	[tilespmem:$0x1FA00] =	vst v63  }
0x5f: {  	_ =	swait.ge [sflag:s14], $0x1000  }
0x60: {  	[sflag:s14] =	ssyncset.done $0x0  }
0x61: {  	s25 =	rddreg [dreg:$0xb];
	[sflag:s14] =	ssyncadd.s32 $0xFFFFF000  }
0x62: {  	[spmem:s25] =	stream.linear.scatter [tilespmem:s13], [sflag:$0x7], $0x1000, $0x38;
	[tilespmem:$0x1FA00] =	vst v63  }
0x63: {  	_ =	swait.ge [sflag:s14], $0x1000  }
0x64: {  	[sflag:s14] =	ssyncset.done $0x0  }
0x65: {  	s26 =	rddreg [dreg:$0xc];
	[sflag:s14] =	ssyncadd.s32 $0xFFFFF000  }
0x66: {  	[spmem:s26] =	stream.linear.scatter [tilespmem:s13], [sflag:$0x7], $0x1000, $0x38;
	[tilespmem:$0x1FA00] =	vst v63  }
0x67: {  	_ =	swait.ge [sflag:s14], $0x1000  }
0x68: {  	[sflag:s14] =	ssyncset.done $0x0  }
0x69: {  	s28 =	rddreg [dreg:$0xd];
	[sflag:s14] =	ssyncadd.s32 $0xFFFFF000  }
0x6a: {  	[spmem:s28] =	stream.linear.scatter [tilespmem:s13], [sflag:$0x7], $0x1000, $0x38;
	[tilespmem:$0x1FA00] =	vst v63  }
0x6b: {  	_ =	swait.ge [sflag:s14], $0x1000  }
0x6c: {  	[sflag:s14] =	ssyncset.done $0x0  }
0x6d: {  	s23 =	rddreg [dreg:$0xe];
	[sflag:s14] =	ssyncadd.s32 $0xFFFFF000  }
0x6e: {  	[spmem:s23] =	stream.linear.scatter [tilespmem:s13], [sflag:$0x7], $0x1000, $0x38;
	[tilespmem:$0x1FA00] =	vst v63  }
0x6f: {  	_ =	swait.ge [sflag:s14], $0x1000  }
0x70: {  	[sflag:s14] =	ssyncset.done $0x0  }
0x71: {  	s25 =	rddreg [dreg:$0xf];
	[sflag:s14] =	ssyncadd.s32 $0xFFFFF000  }
0x72: {  	[spmem:s25] =	stream.linear.scatter [tilespmem:s13], [sflag:$0x7], $0x1000, $0x38;
	[tilespmem:$0x1FA00] =	vst v63  }
0x73: {  	_ =	swait.ge [sflag:s14], $0x1000  }
0x74: {  	[sflag:s14] =	ssyncset.done $0x0  }
0x75: {  	s26 =	rddreg [dreg:$0x10];
	[sflag:s14] =	ssyncadd.s32 $0xFFFFF000  }
0x76: {  	[spmem:s26] =	stream.linear.scatter [tilespmem:s13], [sflag:$0x7], $0x1000, $0x38;
	[tilespmem:$0x1FA00] =	vst v63  }
0x77: {  	_ =	swait.ge [sflag:s14], $0x1000  }
0x78: {  	[sflag:s14] =	ssyncset.done $0x0  }
0x79: {  	s28 =	rddreg [dreg:$0x11];
	[sflag:s14] =	ssyncadd.s32 $0xFFFFF000  }
0x7a: {  	[spmem:s28] =	stream.linear.scatter [tilespmem:s13], [sflag:$0x7], $0x1000, $0x38;
	[tilespmem:$0x1FA00] =	vst v63  }
0x7b: {  	_ =	swait.ge [sflag:s14], $0x1000  }
0x7c: {  	[sflag:s14] =	ssyncset.done $0x0  }
0x7d: {  	s23 =	rddreg [dreg:$0x12];
	[sflag:s14] =	ssyncadd.s32 $0xFFFFF000  }
0x7e: {  	[spmem:s23] =	stream.linear.scatter [tilespmem:s13], [sflag:$0x7], $0x1000, $0x38;
	[tilespmem:$0x1FA00] =	vst v63  }
0x7f: {  	_ =	swait.ge [sflag:s14], $0x1000  }
0x80: {  	[sflag:s14] =	ssyncset.done $0x0  }
0x81: {  	s25 =	rddreg [dreg:$0x14];
	[sflag:s14] =	ssyncadd.s32 $0xFFFFF000  }
0x82: {  	[spmem:s25] =	stream.linear.scatter [tilespmem:s13], [sflag:$0x7], $0x1000, $0x38;
	[tilespmem:$0x1FA00] =	vst v63  }
0x83: {  	_ =	swait.ge [sflag:s14], $0x1000  }
0x84: {  	[sflag:s14] =	ssyncset.done $0x0  }
0x85: {  	s26 =	rddreg [dreg:$0x16];
	[sflag:s14] =	ssyncadd.s32 $0xFFFFF000  }
0x86: {  	[spmem:s26] =	stream.linear.scatter [tilespmem:s13], [sflag:$0x7], $0x1000, $0x38;
	[tilespmem:$0x1FA00] =	vst v63  }
0x87: {  	_ =	swait.ge [sflag:s14], $0x1000  }
0x88: {  	[sflag:s14] =	ssyncset.done $0x0  }
0x89: {  	s28 =	rddreg [dreg:$0x17];
	[sflag:s14] =	ssyncadd.s32 $0xFFFFF000  }
0x8a: {  	[spmem:s28] =	stream.linear.scatter [tilespmem:s13], [sflag:$0x7], $0x1000, $0x38;
	[tilespmem:$0x1FA00] =	vst v63  }
0x8b: {  	_ =	swait.ge [sflag:s14], $0x1000  }
0x8c: {  	[sflag:s14] =	ssyncset.done $0x0  }
0x8d: {  	[sflag:s14] =	ssyncadd.s32 $0xFFFFF000  }
0x8e: {  	[spmem:s29] =	stream.linear.scatter [tilespmem:s13], [sflag:$0x7], $0x1000, $0x38;
	[tilespmem:$0x1FA00] =	vst v63  }
0x8f: {  	_ =	swait.ge [sflag:s14], $0x1000  }
0x90: {  	[sflag:s14] =	ssyncset.done $0x0  }
0x91: {  	[sflag:s14] =	ssyncadd.s32 $0xFFFFF000  }
0x92: {  	[spmem:s30] =	stream.linear.scatter [tilespmem:s13], [sflag:$0x7], $0x1000, $0x38;
	[tilespmem:$0x1FA00] =	vst v63  }
0x93: {  	_ =	swait.ge [sflag:s14], $0x1000  }
0x94: {  	[sflag:s14] =	ssyncset.done $0x0  }
0x95: {  	[sflag:s14] =	ssyncadd.s32 $0xFFFFF000  }
0x96: {  	[spmem:s31] =	stream.linear.scatter [tilespmem:s13], [sflag:$0x7], $0x1000, $0x38;
	[tilespmem:$0x1FA00] =	vst v63  }
0x97: {  	_ =	swait.ge [sflag:s14], $0x1000  }
0x98: {  	[sflag:s14] =	ssyncset.done $0x0  }
0x99: {  	[sflag:s14] =	ssyncadd.s32 $0xFFFFF000  }
0x9a: {  	_ =	swait.ge [sflag:s14], $0x1000  }
0x9b: {  	[sflag:s14] =	ssyncset.done $0x0  }
0x9c: {  	[sflag:s14] =	ssyncadd.s32 $0xFFFFF000  }
0x9d: {  	[bflag:$0x0] =	sbarrier.arrive $0xFFFF  }
0x9e: {  	_ =	swait.ge [sflag:s15], $0x80  }
0x9f: {  	[sflag:s15] =	ssyncset.done $0x0  }
0xa0: {  	s23 =	simm.s32 $0x15080;
	[sflag:s15] =	ssyncadd.s32 $0xFFFFFF80  }
0xa1: {  	[tilespmem:s16], [sflag:$0x2] =	stream.indirect.gather [hbm4b:s4+s11], $0x80, s23, s11, $0xb8;
	[tilespmem:$0x1FA00] =	vst v63  }
0xa2: {  	_ =	swait.ge [sflag:s17], $0x3E80  }
0xa3: {  	[sflag:s17] =	ssyncset.done $0x0  }
0xa4: {  	[sflag:s17] =	ssyncadd.s32 $0xFFFFC180  }
0xa5: {  	[spmem:s2] =	stream.indirect.scatter.add.f32 [tilespmem:s12], [sflag:$0x3], $0x80, s9, s11, $0xb8;
	[tilespmem:$0x1FA00] =	vst v63  }
0xa6: {  	s25 =	simm.s32 $0x17900  }
0xa7: {  	[tilespmem:s25], [sflag:$0x5] =	stream.linear.gather [hbm4b:s1+s3], $0x80, $0x38;
	[tilespmem:$0x1FA00] =	vst v63  }
0xa8: {  	_ =	swait.ge [sflag:s18], $0x80  }
0xa9: {  	[sflag:s18] =	ssyncset.done $0x0  }
0xaa: {  	[sflag:s18] =	ssyncadd.s32 $0xFFFFFF80  }
0xab: {  	_ =	swait.ge [sflag:s19], $0x3E80  }
0xac: {  	[sflag:s19] =	ssyncset.done $0x0  }
0xad: {  	s26 =	simm.s32 $0x15100;
	[sflag:s19] =	ssyncadd.s32 $0xFFFFC180  }
0xae: {  	[tilespmem:s12], [sflag:$0x1] =	stream.indirect.gather [hbm4b:s4+s11], $0x80, s26, s11, $0xb8;
	[tilespmem:$0x1FA00] =	vst v63  }
0xaf: {  	_ =	swait.ge [sflag:s20], $0x3E80  }
0xb0: {  	[sflag:s20] =	ssyncset.done $0x0  }
0xb1: {  	[sflag:s20] =	ssyncadd.s32 $0xFFFFC180  }
0xb2: {  	[spmem:s2] =	stream.indirect.scatter.add.f32 [tilespmem:s16], [sflag:$0x4], $0x80, s10, s11, $0xb8;
	[tilespmem:$0x1FA00] =	vst v63  }
0xb3: {  	s28 =	simm.s32 $0x17980;
	s23 =	simm.s32 $0xA00;
	s25 =	rddreg [dreg:$0x15]  }
0xb4: {  	[tilespmem:s28], [sflag:$0x6] =	stream.linear.gather [hbm4b:s0+s3], $0x80, $0x38;
	[tilespmem:$0x1FA00] =	vst v63  }
.LBB2_4:
0xb5: {  	_ =	swait.ge [sflag:s15], $0x80  }
0xb6: {  	[sflag:s15] =	ssyncset.done $0x0  }
0xb7: {  	[sflag:s15] =	ssyncadd.s32 $0xFFFFFF80  }
0xb8: {  	_ =	swait.ge [sflag:s21], $0x3E80  }
0xb9: {  	s6 =	sshra.s32 s23, $0x2;
	[sflag:s21] =	ssyncset.done $0x0  }
0xba: {  	s26 =	sadd.s32 $0xFFFFFA00, s23;
	s28 =	sadd.s32 $0x14F00, s6;
	[sflag:s21] =	ssyncadd.s32 $0xFFFFC180  }
0xbb: {  	[tilespmem:s16], [sflag:$0x2] =	stream.indirect.gather [hbm4b:s4+s11], $0x80, s28, s11, $0xb8;
	[tilespmem:$0x1FA00] =	vst v63  }
0xbc: {  	p0 =	seq.s32 s23, $0xA200;
	s26 =	sand.u32 $0x400, s26;
	_ =	swait.ge [sflag:s17], $0x3E80  }
0xbd: {  	s28 =	sshrl.u32 s26, $0x2;
	s26 =	sxor.u32 @!p0 $0x400, s26;
	[sflag:s17] =	ssyncset.done $0x0  }
0xbe: {  	s28 =	sor.u32 $0x17800, s28;
	s26 =	sshrl.u32 @!p0 s26, $0x2;
	[sflag:s17] =	ssyncadd.s32 $0xFFFFC180  }
0xbf: {  	[spmem:s2] =	stream.indirect.scatter.add.f32 [tilespmem:s12], [sflag:$0x3], $0x80, s28, s11, $0xb8;
	[tilespmem:$0x1FA00] =	vst v63  }
0xc0: {  	s26 =	sor.u32 @!p0 $0x17800, s26;
	s28 =	simm.s32 @!p0 $0x0  }
0xc1: {  	[tilespmem:s26], [sflag:$0x5] =	stream.linear.gather @!p0 [hbm4b:s25+s28], $0x80, $0x38;
	[tilespmem:$0x1FA00] =	vst v63  }
0xc2: {  	_ =	swait.ge [sflag:s18], $0x80  }
.Ltmp3:
0xc3: {  	[sflag:s18] =	ssyncset.done $0x0;
	(pc) =	sbr.rel @p0 .LBB2_6-.Ltmp3, $4  }
0xc4: {  	s28 =	sadd.s32 $0xFFFFFC00, s23;
	[sflag:s18] =	ssyncadd.s32 $0xFFFFFF80  }
0xc5: {  	s26 =	sand.u32 $0x600, s28;
	_ =	swait.ge [sflag:s19], $0x3E80  }
0xc6: {  	s26 =	sshrl.u32 s26, $0x2;
	[sflag:s19] =	ssyncset.done $0x0  }
0xc7: {  	s26 =	sor.u32 $0x17800, s26;
	[sflag:s19] =	ssyncadd.s32 $0xFFFFC180  }
0xc8: {  	s6 =	sadd.s32 $0x14F80, s6  }
0xc9: {  	[tilespmem:s12], [sflag:$0x1] =	stream.indirect.gather [hbm4b:s4+s11], $0x80, s6, s11, $0xb8;
	[tilespmem:$0x1FA00] =	vst v63  }
0xca: {  	_ =	swait.ge [sflag:s20], $0x3E80  }
0xcb: {  	[sflag:s20] =	ssyncset.done $0x0  }
0xcc: {  	[sflag:s20] =	ssyncadd.s32 $0xFFFFC180  }
0xcd: {  	[spmem:s2] =	stream.indirect.scatter.add.f32 [tilespmem:s16], [sflag:$0x4], $0x80, s26, s11, $0xb8;
	[tilespmem:$0x1FA00] =	vst v63  }
.Ltmp4:
0xce: {  	_ = 	snop;
	(pc) =	sbr.rel .LBB2_4-.Ltmp4, $4  }
0xcf: {  	s26 =	sand.u32 $0x600, s23  }
0xd0: {  	s28 =	sadd.s32 $0x10, s25;
	s6 =	sshrl.u32 s26, $0x2  }
0xd1: {  	s25 =	sadd.s32 $0x20, s25;
	s23 =	sadd.s32 $0x400, s23;
	s6 =	sor.u32 $0x17800, s6  }
0xd2: {  	[tilespmem:s6], [sflag:$0x6] =	stream.linear.gather [hbm4b:s28+s3], $0x80, $0x38;
	[tilespmem:$0x1FA00] =	vst v63  }
.LBB2_7:
0xd3: {  	_ =	sfence.sel $0x180000  }
0xd4: {  	[bflag:$0x0] =	sbarrier.arrive $0xFFFF  }
0xd5: {  	_ =	strace $0x90000047  }
0xd6: {  	s0 =	stileid.u32;
	[bflag:$0x2] =	sbarrier.arrive $0xFFFF  }
0xd7: {  	p0 =	sne.s32 s0, $0x0;
	s0 =	rddreg [dreg:$0x2]  }
0xd8: {  	s0 =	sadd.s32 @!p0 $0x100000, s0  }
0xd9: {  	[sflag:s0] =	ssyncadd.tile.s32 @!p0 $0x1;
	_ =	shalt  }
.Lfunc_end2:
_tile_overlayer_lowered:
.L_overlay_start_2:
0xda: {  	(tag) =	ssettag $0x2  }
0xdb: {  	s0 =	rddreg [dreg:$0x0];
	s2 =	stileid.u32  }
0xdc: {  	s1 =	rddreg [dreg:$0x1];
	p0 =	sne.s32 s2, $0x0  }
0xdd: {  	s3 =	rddreg [dreg:$0x2];
	[bflag:$0x3] =	sbarrier.arrive $0xFFFF;
	s2 =	simm.s32 @!p0 $0x1C08  }
0xde: {  	[timem:s3], [sflag:s2] =	dma.local @!p0 [hbm:s0], s1  }
0xdf: {  	s0 =	simm.s32 @!p0 $0x8  }
0xe0: {  	_ =	swait.ge @!p0 [sflag:s0], s1  }
0xe1: {  	s1 =	ssub.s32 @!p0 $0x0, s1;
	[sflag:s0] =	ssyncset.done @!p0 $0x0  }
0xe2: {  	[sflag:s0] =	ssyncadd.s32 @!p0 s1  }
0xe3: {  	[bflag:$0x3] =	sbarrier.arrive $0xFFFF  }
0xe4: {  	_ =	shalt  }

// kernel: kernel.21.cloned.1.call-start
scs
__scs_entry_jumppad:
0x0: {  	(pc) =	sbr.rel $0x88, $3  }
0x1: {  	(tag) =	ssettag $0x0;
	lr =	simm.s32 $0x1  }
0x2: {  	[smem:$0x3F92] =	sst lr;
	_ =	strace $0xD0000000  }
0x3: {  	_ = 	snop  }
0x4: {  	_ = 	snop  }
0x5: {  	_ = 	snop  }
0x6: {  	_ = 	snop  }
0x7: {  	_ = 	snop  }
__scs_overlays_trampoline_lowered:
0x8: {  	[smem:$0x3FA1] =	sst s0  }
0x9: {  	[smem:$0x3FA2] =	sst s1  }
0xa: {  	[smem:$0x3FA3] =	sst s2  }
0xb: {  	[smem:$0x3FA4] =	sst s3  }
0xc: {  	[smem:$0x3FA5] =	sst s4  }
0xd: {  	[smem:$0x3FA6] =	sst s5  }
0xe: {  	[smem:$0x3FA7] =	sst s6  }
0xf: {  	[smem:$0x3FA8] =	sst s7  }
0x10: {  	[smem:$0x3FA9] =	sst s8  }
0x11: {  	[smem:$0x3FAA] =	sst s9;
	s0 =	simm.s32 @!p0 $0x0  }
0x12: {  	s1 =	sld [smem:$0x3F90];
	s0 =	simm.s32 @p0 $0x1  }
0x13: {  	[smem:$0x3FAB] =	sst s0;
	s0 =	simm.s32 @!p1 $0x0  }
0x14: {  	s2 =	sld [smem:$0x3F8F];
	s0 =	simm.s32 @p1 $0x1  }
0x15: {  	[smem:$0x3FAC] =	sst s0;
	s0 =	simm.s32 @!p2 $0x0  }
0x16: {  	s3 =	sld [smem:$0x3FDB];
	s0 =	simm.s32 @p2 $0x1  }
0x17: {  	s4 =	simm.s32 $0x1BF5;
	[smem:$0x3FAE] =	sst s0  }
0x18: {  	s0 =	sld [smem:$0x3F91];
	_ =	swait.ge [sflag:s4], $0x0  }
0x19: {  	s7 =	sld [smem:$0x3F92]  }
0x1a: {  	s8 =	sadd.s32 $0xFFFFE003, lr  }
0x1b: {  	s9 =	sadd.s32 $0xFFFFFEF7, lr;
	s5 =	simm.s32 $0xFFFFFFFF;
	p2 =	slt.u32 s8, $0xFFFFF086  }
0x1c: {  	p1 =	slt.u32 s9, $0xF7A;
	s5 =	simm.s32 @!p2 $0x0  }
0x1d: {  	s5 =	simm.s32 @p1 $0x1;
	p0 =	seq.s32 s7, s2  }
0x1e: {  	s7 =	smul.u32 @!p0 $0xF7A, s2;
	p2 =	seq.s32 @!p0 s5, $0x0  }
0x1f: {  	s9 =	smul.u32 $0xF7A, s1;
	s8 =	simm.s32 @!p0 $0x1BF5;
	p2 =	por !p2, p0  }
0x20: {  	[sflag:s8] =	ssyncset.s32 @!p0 $0xFFFFF086;
	s6 =	sadd.s32 @!p0 s3, s7;
	s7 =	simm.s32 @!p0 $0x108  }
0x21: {  	s3 =	sadd.s32 s3, s9;
	s6 =	sadd.s32 @!p0 $0x88, s6;
	s7 =	simm.s32 @p2 $0x1082  }
0x22: {  	[simem:s7], [sflag:s8] =	dma.local @!p0 [hbm:s6], $0xF7A  }
0x23: {  	s9 =	sor.u32 $0xD0000000, s2;
	s6 =	simm.s32 $0x108;
	_ =	swait.ge @!p0 [sflag:s8], $0x0  }
0x24: {  	s3 =	sadd.s32 $0x88, s3;
	s6 =	simm.s32 @!p1 $0x1082;
	[sflag:s4] =	ssyncset.s32 $0xFFFFF086  }
0x25: {  	[simem:s6], [sflag:s4] =	dma.local [hbm:s3], $0xF7A  }
0x26: {  	[smem:$0x3F92] =	sst s1;
	(tag) =	ssettag s2;
	_ =	strace s9  }
0x27: {  	s1 =	sld [smem:$0x3FA2]  }
0x28: {  	s2 =	sld [smem:$0x3FA3]  }
0x29: {  	s4 =	sld [smem:$0x3FA5]  }
0x2a: {  	p0 =	seq.s32 s5, $0x0;
	s5 =	sld [smem:$0x3FA6]  }
0x2b: {  	s6 =	sld [smem:$0x3FA7]  }
0x2c: {  	s7 =	sld [smem:$0x3FA8]  }
0x2d: {  	s3 =	simm.s32 $0x108;
	s8 =	sld [smem:$0x3FA9]  }
0x2e: {  	s3 =	simm.s32 @!p0 $0x1082;
	s9 =	sld [smem:$0x3FAA]  }
0x2f: {  	lr =	sadd.s32 s0, s3;
	s0 =	sld [smem:$0x3FA1]  }
0x30: {  	s3 =	sld [smem:$0x3FA4]  }
0x31: {  	[smem:$0x3FAD] =	sst s10  }
0x32: {  	s10 =	sld [smem:$0x3FAB];
	_ =	sdelay $0x3  }
0x33: {  	p0 =	seq.s32 s10, $0x1;
	s10 =	sld [smem:$0x3FAD];
	_ =	sdelay $0x3  }
0x34: {  	[smem:$0x3FAD] =	sst s10  }
0x35: {  	s10 =	sld [smem:$0x3FAC];
	_ =	sdelay $0x3  }
0x36: {  	p1 =	seq.s32 s10, $0x1;
	s10 =	sld [smem:$0x3FAD];
	_ =	sdelay $0x3  }
0x37: {  	[smem:$0x3FAD] =	sst s10  }
0x38: {  	s10 =	sld [smem:$0x3FAE]  }
0x39: {  	_ = 	snop;
	(pc) =	sbr.ind lr, $3  }
0x3a: {  	_ = 	snop  }
0x3b: {  	_ = 	snop  }
0x3c: {  	p2 =	seq.s32 s10, $0x1;
	s10 =	sld [smem:$0x3FAD]  }
0x3d: {  	_ =	shalt  }
0x3e: {  	_ =	shalt  }
0x3f: {  	_ =	shalt  }
0x40: {  	_ =	shalt  }
0x41: {  	_ =	shalt  }
0x42: {  	_ =	shalt  }
0x43: {  	_ =	shalt  }
0x44: {  	_ =	shalt  }
0x45: {  	_ =	shalt  }
0x46: {  	_ =	shalt  }
0x47: {  	_ =	shalt  }
0x48: {  	_ =	shalt  }
0x49: {  	_ =	shalt  }
0x4a: {  	_ =	shalt  }
0x4b: {  	_ =	shalt  }
0x4c: {  	_ =	shalt  }
0x4d: {  	_ =	shalt  }
0x4e: {  	_ =	shalt  }
0x4f: {  	_ =	shalt  }
0x50: {  	_ =	shalt  }
0x51: {  	_ =	shalt  }
0x52: {  	_ =	shalt  }
0x53: {  	_ =	shalt  }
0x54: {  	_ =	shalt  }
0x55: {  	_ =	shalt  }
0x56: {  	_ =	shalt  }
0x57: {  	_ =	shalt  }
0x58: {  	_ =	shalt  }
0x59: {  	_ =	shalt  }
0x5a: {  	_ =	shalt  }
0x5b: {  	_ =	shalt  }
0x5c: {  	_ =	shalt  }
0x5d: {  	_ =	shalt  }
0x5e: {  	_ =	shalt  }
0x5f: {  	_ =	shalt  }
0x60: {  	_ =	shalt  }
0x61: {  	_ =	shalt  }
0x62: {  	_ =	shalt  }
0x63: {  	_ =	shalt  }
0x64: {  	_ =	shalt  }
0x65: {  	_ =	shalt  }
0x66: {  	_ =	shalt  }
0x67: {  	_ =	shalt  }
0x68: {  	_ =	shalt  }
0x69: {  	_ =	shalt  }
0x6a: {  	_ =	shalt  }
0x6b: {  	_ =	shalt  }
0x6c: {  	_ =	shalt  }
0x6d: {  	_ =	shalt  }
0x6e: {  	_ =	shalt  }
0x6f: {  	_ =	shalt  }
0x70: {  	_ =	shalt  }
0x71: {  	_ =	shalt  }
0x72: {  	_ =	shalt  }
0x73: {  	_ =	shalt  }
0x74: {  	_ =	shalt  }
0x75: {  	_ =	shalt  }
0x76: {  	_ =	shalt  }
0x77: {  	_ =	shalt  }
0x78: {  	_ =	shalt  }
0x79: {  	_ =	shalt  }
0x7a: {  	_ =	shalt  }
0x7b: {  	_ =	shalt  }
0x7c: {  	_ =	shalt  }
0x7d: {  	_ =	shalt  }
0x7e: {  	_ =	shalt  }
0x7f: {  	_ =	shalt  }
0x80: {  	_ =	shalt  }
0x81: {  	_ =	shalt  }
0x82: {  	_ =	shalt  }
0x83: {  	_ =	shalt  }
0x84: {  	_ =	shalt  }
0x85: {  	_ =	shalt  }
0x86: {  	_ =	shalt  }
0x87: {  	_ =	shalt  }
.Lfunc_end0:
.L_simem_size_0:
called_computation.2_lowered:
.L_overlay_start_0:
0x88: {  	s2 =	sld [smem:$0x3FD9]  }
0x89: {  	s3 =	sld [smem:$0x3FFE];
	_ =	sdelay $0x1  }
0x8a: {  	s1 =	srdreg.scid  }
0x8b: {  	s0 =	sand.u32 $0x1, s1  }
0x8c: {  	s16 =	sshll.u32 s0, $0xA;
	s2 =	sadd.s32 s3, s2  }
0x8d: {  	s2 =	sadd.s32 s2, s16  }
0x8e: {  	[smem:$0x3FB9] =	sst s2  }
0x8f: {  	_ = 	snop  }
0x90: {  	(tm) =	ssettm $0x1  }
0x91: {  	s17 =	sld [smem:$0x3FFB];
	_ =	sdelay $0x3  }
0x92: {  	_ =	strace s17  }
0x93: {  	s2 =	sld [smem:$0x3FFC];
	_ =	sdelay $0x3  }
0x94: {  	_ =	strace s2  }
0x95: {  	s2 =	sld [smem:$0x3FFD];
	_ =	sdelay $0x3  }
0x96: {  	_ =	strace s2  }
0x97: {  	_ =	strace $0x8FFFFFFF  }
0x98: {  	s18 =	sld [smem:$0x3FDB];
	_ =	sdelay $0x1  }
0x99: {  	s19 =	simm.s32 $_scs_section_size  }
0x9a: {  	s4 =	simm.s32 $_size__tile_overlayer_lowered;
	s5 =	simm.s32 $_tile_overlayer_lowered  }
0x9b: {  	s22 =	simm.s32 $0x1BFF;
	s21 =	sshll.u32 s5, $0x1;
	s2 =	sadd.s32 s19, s18  }
0x9c: {  	s6 =	simm.s32 $0x0;
	s20 =	sshll.u32 s4, $0x1;
	s4 =	sadd.s32 s21, s2  }
0x9d: {  	[timem:s6], [sflag:s22] =	dma.local [hbm:s4], s20  }
0x9e: {  	_ =	swait.ge [sflag:s22], s20  }
0x9f: {  	s3 =	ssub.s32 $0x0, s20;
	[sflag:s22] =	ssyncset.done $0x0  }
0xa0: {  	[sflag:s22] =	ssyncadd.s32 s3;
	_ =	sdelay $0x1  }
0xa1: {  	s23 =	simm.s32 $0x1B8B  }
0xa2: {  	_ =	swait.ge [sflag:s23], $0x1  }
0xa3: {  	[sflag:s23] =	ssyncset.done $0x0  }
0xa4: {  	s25 =	simm.s32 $0x1B8E;
	s24 =	sld [smem:$0x3FFE];
	[sflag:s23] =	ssyncadd.s32 $0xFFFFFFFF  }
0xa5: {  	s26 =	simm.s32 $execute0_lowered;
	[smem:$0x3FD2] =	sst s25  }
0xa6: {  	s4 =	sshll.u32 s26, $0x1;
	_ =	strace $0x8000004C;
	[dreg:$0x1] =	wrdreg $0xFFFFFFFF  }
0xa7: {  	s28 =	simm.s32 $_size_execute0_lowered;
	s2 =	sadd.s32 s2, s4;
	[dreg:$0x0] =	wrdreg $0x0  }
0xa8: {  	s4 =	sshll.u32 s28, $0x1;
	[dreg:$0x2] =	wrdreg s2  }
0xa9: {  	[dreg:$0x3] =	wrdreg s4  }
0xaa: {  	[dreg:$0x4] =	wrdreg $0xC0  }
0xab: {  	_ =	task [dreg:s6], $0x5FFFF  }
0xac: {  	[dreg:$0x1] =	wrdreg $0xFFFFFFFF  }
0xad: {  	[dreg:$0x0] =	wrdreg $0x60  }
0xae: {  	[dreg:$0x2] =	wrdreg s24  }
0xaf: {  	[dreg:$0x3] =	wrdreg $0x0  }
0xb0: {  	[dreg:$0x4] =	wrdreg $0x9  }
0xb1: {  	_ =	task.clear_ibuf [dreg:s6], $0x5FFFF;
	_ =	strace $0x9000004C  }
0xb2: {  	s29 =	simm.s32 $0x9;
	_ =	strace $0x8000004E  }
0xb3: {  	_ =	swait.ge [sflag:s29], $0x1  }
0xb4: {  	[sflag:s29] =	ssyncadd.s32 $0xFFFFFFFF  }
0xb5: {  	_ =	strace $0x9000004E  }
0xb6: {  	_ =	sfence  }
0xb7: {  	s30 =	sld [smem:$0x0];
	_ =	sdelay $0x2  }
0xb8: {  	s31 =	sshll.u32 s1, $0xD;
	s1 =	sshrl.u32 s1, $0x2  }
0xb9: {  	s3 =	sand.u32 $0x4000, s31;
	s1 =	sadd.s32 s1, s30  }
0xba: {  	s0 =	sor.u32 s3, s0;
	s1 =	sshll.u32 s1, $0x11  }
0xbb: {  	s0 =	sor.u32 s1, s0  }
0xbc: {  	s0 =	sadd.s32 $0x8F2B, s0  }
0xbd: {  	[sflag:s0] =	ssyncadd.remote.s32 $0x1  }
0xbe: {  	_ =	sfence.sel $0xFFFF  }
0xbf: {  	[dreg:$0x0] =	wrdreg $0xFFFFFFFF;
	(pc) =	sbr.abs _section_cstart, $3  }
0xc0: {  	[dreg:$0x1] =	wrdreg $0xFFFFFFFF  }
0xc1: {  	_ =	task.clear_ibuf [dreg:s6], $0x2FFFF;
	_ =	strace $0x9FFFFFFF  }
0xc2: {  	(tm) =	ssettm $0x7FFFFFFF  }
0xc3: {  	_ =	shalt  }
tec
execute0_lowered:
.L_overlay_start_1:
0x0: {  	(tag) =	ssettag $0x1  }
0x1: {  	s0 =	rddreg [dreg:$0x0];
	s1 =	srdreg.scid  }
0x2: {  	s12 =	stileid.u32;
	s2 =	rddreg [dreg:$0x1]  }
0x3: {  	s3 =	simm.s32 $0x0;
	s1 =	sand.u32 $0x1, s1;
	s4 =	sshll.u32 s12, $0x1  }
0x4: {  	[smem:$0x7FF] =	sst s3;
	s8 =	smul.u32 $0x50000, s12;
	s10 =	sadd.s32 $0x18800, s0  }
0x5: {  	s4 =	sor.u32 s1, s4;
	_ =	strace $0x8000004D;
	s7 =	ssub.s32 $0x2, s1  }
0x6: {  	s5 =	smul.u32 $0x500, s4;
	s11 =	sshrl.u32 s7, $0x1;
	s24 =	sshrl.u32 s8, $0x2  }
0x7: {  	s6 =	smul.u32 $0x28000, s1;
	s23 =	ssub.s32 s7, s11;
	s7 =	sadd.s32 s24, s2  }
0x8: {  	s4 =	sadd.s32 $0x22800, s0;
	s9 =	sadd.s32 s5, s0;
	s26 =	sadd.s32 $0x1000, s7  }
0x9: {  	s0 =	sadd.s32 s6, s0;
	s6 =	smax.u32 s23, $0x1;
	[dreg:$0x5] =	wrdreg s26  }
0xa: {  	s28 =	smul.u32 $0x2800, s12;
	s11 =	sadd.s32 $0x3000, s7;
	[dreg:$0x6] =	wrdreg s6  }
0xb: {  	s17 =	smul.u32 $0xA00, s12;
	s13 =	sadd.s32 $0x4000, s7;
	[dreg:$0x8] =	wrdreg s11  }
0xc: {  	s12 =	simm.s32 $0x17A00;
	s14 =	sadd.s32 $0x5000, s7;
	[dreg:$0x9] =	wrdreg s13  }
0xd: {  	s1 =	smul.u32 $0x500, s1;
	s15 =	sadd.s32 $0x6000, s7;
	[dreg:$0xa] =	wrdreg s14  }
0xe: {  	s8 =	sadd.s32 s10, s5;
	s16 =	sadd.s32 $0x7000, s7;
	[dreg:$0xb] =	wrdreg s15  }
0xf: {  	s18 =	sadd.s32 $0x8000, s7;
	s19 =	sadd.s32 $0x9000, s7;
	[dreg:$0xc] =	wrdreg s16  }
0x10: {  	s20 =	sadd.s32 $0xA000, s7;
	s21 =	sadd.s32 $0xB000, s7;
	[dreg:$0xd] =	wrdreg s18  }
0x11: {  	s22 =	sadd.s32 $0xC000, s7;
	s23 =	sadd.s32 $0xD000, s7;
	[dreg:$0xe] =	wrdreg s19  }
0x12: {  	s24 =	sadd.s32 $0xE000, s7;
	s29 =	sadd.s32 $0x11000, s7;
	[dreg:$0xf] =	wrdreg s20  }
0x13: {  	s30 =	sadd.s32 $0x12000, s7;
	s31 =	sadd.s32 $0x13000, s7;
	[dreg:$0x10] =	wrdreg s21  }
0x14: {  	s25 =	sadd.s32 $0xE800, s9;
	s5 =	sadd.s32 $0x10, s8;
	[dreg:$0x11] =	wrdreg s22  }
0x15: {  	s0 =	sadd.s32 $0x4A800, s0;
	s9 =	sadd.s32 $0x2000, s7;
	[dreg:$0x12] =	wrdreg s23  }
0x16: {  	s6 =	sadd.s32 s17, s10;
	[dreg:$0x14] =	wrdreg s24;
	s26 =	sadd.s32 $0xF000, s7  }
0x17: {  	s24 =	smov.u32 s8;
	s10 =	simm.s32 $0x17880;
	s11 =	simm.s32 $0x7D  }
0x18: {  	s13 =	simm.s32 $0x14000;
	s14 =	simm.s32 $0x7;
	s15 =	simm.s32 $0x5  }
0x19: {  	s16 =	simm.s32 $0x1BA00;
	s17 =	simm.s32 $0x1;
	s18 =	simm.s32 $0x6  }
0x1a: {  	s19 =	simm.s32 $0x3;
	s20 =	simm.s32 $0x2;
	[dreg:$0x3] =	wrdreg s25  }
0x1b: {  	s21 =	simm.s32 $0x4;
	s22 =	simm.s32 $0x0;
	[dreg:$0x4] =	wrdreg s5  }
.Ltmp0:
0x1c: {  	[dreg:$0x7] =	wrdreg s9;
	s1 =	sadd.s32 s1, s6;
	(pc) =	sbr.rel .LBB2_1-.Ltmp0, $4  }
0x1d: {  	s0 =	sadd.s32 s28, s0;
	[dreg:$0x16] =	wrdreg s26;
	s28 =	sadd.s32 $0x10000, s7  }
0x1e: {  	s5 =	simm.s32 $0x15000;
	s9 =	simm.s32 $0x17800;
	[dreg:$0x13] =	wrdreg s0  }
0x1f: {  	s25 =	sadd.s32 $0x40, s1;
	[dreg:$0x17] =	wrdreg s28;
	s1 =	sadd.s32 $0x20, s8  }
0x20: {  	v0 =	vimm.f32 $0.0e+00;
	s0 =	sadd.s32 $0x30, s8;
	s8 =	simm.s32 $0x8;
	[dreg:$0x15] =	wrdreg s25  }
.LBB2_6:
0x21: {  	_ =	swait.ge [sflag:s20], $0x3E80  }
0x22: {  	[sflag:s20] =	ssyncset.done $0x0  }
0x23: {  	[sflag:s20] =	ssyncadd.s32 $0xFFFFC180  }
0x24: {  	[spmem:s2] =	stream.indirect.scatter.add.f32 [tilespmem:s16], [sflag:$0x4], $0x80, s26, s11, $0xb8;
	[tilespmem:$0x1FA00] =	vst v63  }
0x25: {  	_ =	swait.ge [sflag:s21], $0x3E80  }
0x26: {  	[sflag:s21] =	ssyncset.done $0x0  }
0x27: {  	s6 =	stileid.u32;
	[sflag:s21] =	ssyncadd.s32 $0xFFFFC180  }
0x28: {  	s6 =	sshll.u32 s6, $0x6;
	[bflag:$0x0] =	sbarrier.arrive $0xFFFF  }
0x29: {  	s23 =	sshrl.u32 s7, $0x3;
	s6 =	sor.u32 $0x1C08, s6;
	s25 =	rddreg [dreg:$0x13]  }
0x2a: {  	[hbm:s25], [sflag:s6] =	dma.local [spmem:s23], $0x2800  }
0x2b: {  	_ =	swait.ge [sflag:s8], $0x2800  }
0x2c: {  	s22 =	sadd.s32 $0x1, s22;
	s28 =	rddreg [dreg:$0x6]  }
0x2d: {  	p0 =	sne.s32 s22, s28  }
.Ltmp1:
0x2e: {  	_ = 	snop;
	(pc) =	sbr.rel @!p0 .LBB2_7-.Ltmp1, $3  }
0x2f: {  	_ =	sdelay $0x1  }
0x30: {  	[sflag:s8] =	ssyncset.done $0x0  }
0x31: {  	[sflag:s8] =	ssyncadd.s32 $0xFFFFD800  }
.LBB2_1:
0x32: {  	s6 =	rddreg [dreg:$0x3]  }
0x33: {  	[tilespmem:s5], [sflag:$0x8] =	stream.linear.gather [hbm4b:s6+s3], $0x2800, $0x38;
	[tilespmem:$0x1FA00] =	vst v63  }
0x34: {  	_ =	swait.ge [sflag:s8], $0x2800  }
0x35: {  	[sflag:s8] =	ssyncset.done $0x0  }
0x36: {  	[sflag:s8] =	ssyncadd.s32 $0xFFFFD800  }
0x37: {  	[tilespmem:s9], [sflag:$0x5] =	stream.linear.gather [hbm4b:s24+s3], $0x80, $0x38;
	[tilespmem:$0x1FA00] =	vst v63  }
0x38: {  	s28 =	rddreg [dreg:$0x4]  }
0x39: {  	[tilespmem:s10], [sflag:$0x6] =	stream.linear.gather [hbm4b:s28+s3], $0x80, $0x38;
	[tilespmem:$0x1FA00] =	vst v63  }
0x3a: {  	s23 =	simm.s32 $0x200;
	s6 =	simm.s32 $0x0  }
0x3b: {  	[tilespmem:s12], [sflag:$0x1] =	stream.indirect.gather [hbm4b:s4+s11], $0x80, s5, s11, $0xb8;
	[tilespmem:$0x1FA00] =	vst v63  }
.LBB2_2:
0x3c: {  	p0 =	sne.s32 s23, $0x3E00;
	[tilespmem:s6+$0x14070] =	vst v0  }
0x3d: {  	[tilespmem:s6+$0x14000] =	vst v0  }
0x3e: {  	[tilespmem:s6+$0x14010] =	vst v0  }
.Ltmp2:
0x3f: {  	[tilespmem:s6+$0x14020] =	vst v0;
	(pc) =	sbr.rel @p0 .LBB2_2-.Ltmp2, $4  }
0x40: {  	[tilespmem:s6+$0x14030] =	vst v0  }
0x41: {  	[tilespmem:s6+$0x14040] =	vst v0  }
0x42: {  	[tilespmem:s6+$0x14050] =	vst v0  }
0x43: {  	[tilespmem:s6+$0x14060] =	vst v0;
	s6 =	sshra.s32 s23, $0x2;
	s23 =	sadd.s32 $0x200, s23  }
0x44: {  	[tilespmem:s6+$0x14070] =	vst v0  }
0x45: {  	[tilespmem:s6+$0x14000] =	vst v0  }
0x46: {  	[tilespmem:s6+$0x14010] =	vst v0  }
0x47: {  	[tilespmem:s6+$0x14020] =	vst v0  }
0x48: {  	[tilespmem:s6+$0x14030] =	vst v0  }
0x49: {  	[tilespmem:s6+$0x14040] =	vst v0  }
0x4a: {  	[tilespmem:s6+$0x14050] =	vst v0  }
0x4b: {  	[tilespmem:s6+$0x14060] =	vst v0  }
0x4c: {  	[spmem:s7] =	stream.linear.scatter [tilespmem:s13], [sflag:$0x7], $0x1000, $0x38;
	[tilespmem:$0x1FA00] =	vst v63  }
0x4d: {  	s23 =	rddreg [dreg:$0x5]  }
0x4e: {  	[spmem:s23] =	stream.linear.scatter [tilespmem:s13], [sflag:$0x7], $0x1000, $0x38;
	[tilespmem:$0x1FA00] =	vst v63  }
0x4f: {  	_ =	swait.ge [sflag:s14], $0x1000  }
0x50: {  	[sflag:s14] =	ssyncset.done $0x0  }
0x51: {  	s25 =	rddreg [dreg:$0x7];
	[sflag:s14] =	ssyncadd.s32 $0xFFFFF000  }
0x52: {  	[spmem:s25] =	stream.linear.scatter [tilespmem:s13], [sflag:$0x7], $0x1000, $0x38;
	[tilespmem:$0x1FA00] =	vst v63  }
0x53: {  	_ =	swait.ge [sflag:s14], $0x1000  }
0x54: {  	[sflag:s14] =	ssyncset.done $0x0  }
0x55: {  	s26 =	rddreg [dreg:$0x8];
	[sflag:s14] =	ssyncadd.s32 $0xFFFFF000  }
0x56: {  	[spmem:s26] =	stream.linear.scatter [tilespmem:s13], [sflag:$0x7], $0x1000, $0x38;
	[tilespmem:$0x1FA00] =	vst v63  }
0x57: {  	_ =	swait.ge [sflag:s14], $0x1000  }
0x58: {  	[sflag:s14] =	ssyncset.done $0x0  }
0x59: {  	s28 =	rddreg [dreg:$0x9];
	[sflag:s14] =	ssyncadd.s32 $0xFFFFF000  }
0x5a: {  	[spmem:s28] =	stream.linear.scatter [tilespmem:s13], [sflag:$0x7], $0x1000, $0x38;
	[tilespmem:$0x1FA00] =	vst v63  }
0x5b: {  	_ =	swait.ge [sflag:s14], $0x1000  }
0x5c: {  	[sflag:s14] =	ssyncset.done $0x0  }
0x5d: {  	s23 =	rddreg [dreg:$0xa];
	[sflag:s14] =	ssyncadd.s32 $0xFFFFF000  }
0x5e: {  	[spmem:s23] =	stream.linear.scatter [tilespmem:s13], [sflag:$0x7], $0x1000, $0x38;
	[tilespmem:$0x1FA00] =	vst v63  }
0x5f: {  	_ =	swait.ge [sflag:s14], $0x1000  }
0x60: {  	[sflag:s14] =	ssyncset.done $0x0  }
0x61: {  	s25 =	rddreg [dreg:$0xb];
	[sflag:s14] =	ssyncadd.s32 $0xFFFFF000  }
0x62: {  	[spmem:s25] =	stream.linear.scatter [tilespmem:s13], [sflag:$0x7], $0x1000, $0x38;
	[tilespmem:$0x1FA00] =	vst v63  }
0x63: {  	_ =	swait.ge [sflag:s14], $0x1000  }
0x64: {  	[sflag:s14] =	ssyncset.done $0x0  }
0x65: {  	s26 =	rddreg [dreg:$0xc];
	[sflag:s14] =	ssyncadd.s32 $0xFFFFF000  }
0x66: {  	[spmem:s26] =	stream.linear.scatter [tilespmem:s13], [sflag:$0x7], $0x1000, $0x38;
	[tilespmem:$0x1FA00] =	vst v63  }
0x67: {  	_ =	swait.ge [sflag:s14], $0x1000  }
0x68: {  	[sflag:s14] =	ssyncset.done $0x0  }
0x69: {  	s28 =	rddreg [dreg:$0xd];
	[sflag:s14] =	ssyncadd.s32 $0xFFFFF000  }
0x6a: {  	[spmem:s28] =	stream.linear.scatter [tilespmem:s13], [sflag:$0x7], $0x1000, $0x38;
	[tilespmem:$0x1FA00] =	vst v63  }
0x6b: {  	_ =	swait.ge [sflag:s14], $0x1000  }
0x6c: {  	[sflag:s14] =	ssyncset.done $0x0  }
0x6d: {  	s23 =	rddreg [dreg:$0xe];
	[sflag:s14] =	ssyncadd.s32 $0xFFFFF000  }
0x6e: {  	[spmem:s23] =	stream.linear.scatter [tilespmem:s13], [sflag:$0x7], $0x1000, $0x38;
	[tilespmem:$0x1FA00] =	vst v63  }
0x6f: {  	_ =	swait.ge [sflag:s14], $0x1000  }
0x70: {  	[sflag:s14] =	ssyncset.done $0x0  }
0x71: {  	s25 =	rddreg [dreg:$0xf];
	[sflag:s14] =	ssyncadd.s32 $0xFFFFF000  }
0x72: {  	[spmem:s25] =	stream.linear.scatter [tilespmem:s13], [sflag:$0x7], $0x1000, $0x38;
	[tilespmem:$0x1FA00] =	vst v63  }
0x73: {  	_ =	swait.ge [sflag:s14], $0x1000  }
0x74: {  	[sflag:s14] =	ssyncset.done $0x0  }
0x75: {  	s26 =	rddreg [dreg:$0x10];
	[sflag:s14] =	ssyncadd.s32 $0xFFFFF000  }
0x76: {  	[spmem:s26] =	stream.linear.scatter [tilespmem:s13], [sflag:$0x7], $0x1000, $0x38;
	[tilespmem:$0x1FA00] =	vst v63  }
0x77: {  	_ =	swait.ge [sflag:s14], $0x1000  }
0x78: {  	[sflag:s14] =	ssyncset.done $0x0  }
0x79: {  	s28 =	rddreg [dreg:$0x11];
	[sflag:s14] =	ssyncadd.s32 $0xFFFFF000  }
0x7a: {  	[spmem:s28] =	stream.linear.scatter [tilespmem:s13], [sflag:$0x7], $0x1000, $0x38;
	[tilespmem:$0x1FA00] =	vst v63  }
0x7b: {  	_ =	swait.ge [sflag:s14], $0x1000  }
0x7c: {  	[sflag:s14] =	ssyncset.done $0x0  }
0x7d: {  	s23 =	rddreg [dreg:$0x12];
	[sflag:s14] =	ssyncadd.s32 $0xFFFFF000  }
0x7e: {  	[spmem:s23] =	stream.linear.scatter [tilespmem:s13], [sflag:$0x7], $0x1000, $0x38;
	[tilespmem:$0x1FA00] =	vst v63  }
0x7f: {  	_ =	swait.ge [sflag:s14], $0x1000  }
0x80: {  	[sflag:s14] =	ssyncset.done $0x0  }
0x81: {  	s25 =	rddreg [dreg:$0x14];
	[sflag:s14] =	ssyncadd.s32 $0xFFFFF000  }
0x82: {  	[spmem:s25] =	stream.linear.scatter [tilespmem:s13], [sflag:$0x7], $0x1000, $0x38;
	[tilespmem:$0x1FA00] =	vst v63  }
0x83: {  	_ =	swait.ge [sflag:s14], $0x1000  }
0x84: {  	[sflag:s14] =	ssyncset.done $0x0  }
0x85: {  	s26 =	rddreg [dreg:$0x16];
	[sflag:s14] =	ssyncadd.s32 $0xFFFFF000  }
0x86: {  	[spmem:s26] =	stream.linear.scatter [tilespmem:s13], [sflag:$0x7], $0x1000, $0x38;
	[tilespmem:$0x1FA00] =	vst v63  }
0x87: {  	_ =	swait.ge [sflag:s14], $0x1000  }
0x88: {  	[sflag:s14] =	ssyncset.done $0x0  }
0x89: {  	s28 =	rddreg [dreg:$0x17];
	[sflag:s14] =	ssyncadd.s32 $0xFFFFF000  }
0x8a: {  	[spmem:s28] =	stream.linear.scatter [tilespmem:s13], [sflag:$0x7], $0x1000, $0x38;
	[tilespmem:$0x1FA00] =	vst v63  }
0x8b: {  	_ =	swait.ge [sflag:s14], $0x1000  }
0x8c: {  	[sflag:s14] =	ssyncset.done $0x0  }
0x8d: {  	[sflag:s14] =	ssyncadd.s32 $0xFFFFF000  }
0x8e: {  	[spmem:s29] =	stream.linear.scatter [tilespmem:s13], [sflag:$0x7], $0x1000, $0x38;
	[tilespmem:$0x1FA00] =	vst v63  }
0x8f: {  	_ =	swait.ge [sflag:s14], $0x1000  }
0x90: {  	[sflag:s14] =	ssyncset.done $0x0  }
0x91: {  	[sflag:s14] =	ssyncadd.s32 $0xFFFFF000  }
0x92: {  	[spmem:s30] =	stream.linear.scatter [tilespmem:s13], [sflag:$0x7], $0x1000, $0x38;
	[tilespmem:$0x1FA00] =	vst v63  }
0x93: {  	_ =	swait.ge [sflag:s14], $0x1000  }
0x94: {  	[sflag:s14] =	ssyncset.done $0x0  }
0x95: {  	[sflag:s14] =	ssyncadd.s32 $0xFFFFF000  }
0x96: {  	[spmem:s31] =	stream.linear.scatter [tilespmem:s13], [sflag:$0x7], $0x1000, $0x38;
	[tilespmem:$0x1FA00] =	vst v63  }
0x97: {  	_ =	swait.ge [sflag:s14], $0x1000  }
0x98: {  	[sflag:s14] =	ssyncset.done $0x0  }
0x99: {  	[sflag:s14] =	ssyncadd.s32 $0xFFFFF000  }
0x9a: {  	_ =	swait.ge [sflag:s14], $0x1000  }
0x9b: {  	[sflag:s14] =	ssyncset.done $0x0  }
0x9c: {  	[sflag:s14] =	ssyncadd.s32 $0xFFFFF000  }
0x9d: {  	[bflag:$0x0] =	sbarrier.arrive $0xFFFF  }
0x9e: {  	_ =	swait.ge [sflag:s15], $0x80  }
0x9f: {  	[sflag:s15] =	ssyncset.done $0x0  }
0xa0: {  	s23 =	simm.s32 $0x15080;
	[sflag:s15] =	ssyncadd.s32 $0xFFFFFF80  }
0xa1: {  	[tilespmem:s16], [sflag:$0x2] =	stream.indirect.gather [hbm4b:s4+s11], $0x80, s23, s11, $0xb8;
	[tilespmem:$0x1FA00] =	vst v63  }
0xa2: {  	_ =	swait.ge [sflag:s17], $0x3E80  }
0xa3: {  	[sflag:s17] =	ssyncset.done $0x0  }
0xa4: {  	[sflag:s17] =	ssyncadd.s32 $0xFFFFC180  }
0xa5: {  	[spmem:s2] =	stream.indirect.scatter.add.f32 [tilespmem:s12], [sflag:$0x3], $0x80, s9, s11, $0xb8;
	[tilespmem:$0x1FA00] =	vst v63  }
0xa6: {  	s25 =	simm.s32 $0x17900  }
0xa7: {  	[tilespmem:s25], [sflag:$0x5] =	stream.linear.gather [hbm4b:s1+s3], $0x80, $0x38;
	[tilespmem:$0x1FA00] =	vst v63  }
0xa8: {  	_ =	swait.ge [sflag:s18], $0x80  }
0xa9: {  	[sflag:s18] =	ssyncset.done $0x0  }
0xaa: {  	[sflag:s18] =	ssyncadd.s32 $0xFFFFFF80  }
0xab: {  	_ =	swait.ge [sflag:s19], $0x3E80  }
0xac: {  	[sflag:s19] =	ssyncset.done $0x0  }
0xad: {  	s26 =	simm.s32 $0x15100;
	[sflag:s19] =	ssyncadd.s32 $0xFFFFC180  }
0xae: {  	[tilespmem:s12], [sflag:$0x1] =	stream.indirect.gather [hbm4b:s4+s11], $0x80, s26, s11, $0xb8;
	[tilespmem:$0x1FA00] =	vst v63  }
0xaf: {  	_ =	swait.ge [sflag:s20], $0x3E80  }
0xb0: {  	[sflag:s20] =	ssyncset.done $0x0  }
0xb1: {  	[sflag:s20] =	ssyncadd.s32 $0xFFFFC180  }
0xb2: {  	[spmem:s2] =	stream.indirect.scatter.add.f32 [tilespmem:s16], [sflag:$0x4], $0x80, s10, s11, $0xb8;
	[tilespmem:$0x1FA00] =	vst v63  }
0xb3: {  	s28 =	simm.s32 $0x17980;
	s23 =	simm.s32 $0xA00;
	s25 =	rddreg [dreg:$0x15]  }
0xb4: {  	[tilespmem:s28], [sflag:$0x6] =	stream.linear.gather [hbm4b:s0+s3], $0x80, $0x38;
	[tilespmem:$0x1FA00] =	vst v63  }
.LBB2_4:
0xb5: {  	_ =	swait.ge [sflag:s15], $0x80  }
0xb6: {  	[sflag:s15] =	ssyncset.done $0x0  }
0xb7: {  	[sflag:s15] =	ssyncadd.s32 $0xFFFFFF80  }
0xb8: {  	_ =	swait.ge [sflag:s21], $0x3E80  }
0xb9: {  	s6 =	sshra.s32 s23, $0x2;
	[sflag:s21] =	ssyncset.done $0x0  }
0xba: {  	s26 =	sadd.s32 $0xFFFFFA00, s23;
	s28 =	sadd.s32 $0x14F00, s6;
	[sflag:s21] =	ssyncadd.s32 $0xFFFFC180  }
0xbb: {  	[tilespmem:s16], [sflag:$0x2] =	stream.indirect.gather [hbm4b:s4+s11], $0x80, s28, s11, $0xb8;
	[tilespmem:$0x1FA00] =	vst v63  }
0xbc: {  	p0 =	seq.s32 s23, $0xA200;
	s26 =	sand.u32 $0x400, s26;
	_ =	swait.ge [sflag:s17], $0x3E80  }
0xbd: {  	s28 =	sshrl.u32 s26, $0x2;
	s26 =	sxor.u32 @!p0 $0x400, s26;
	[sflag:s17] =	ssyncset.done $0x0  }
0xbe: {  	s28 =	sor.u32 $0x17800, s28;
	s26 =	sshrl.u32 @!p0 s26, $0x2;
	[sflag:s17] =	ssyncadd.s32 $0xFFFFC180  }
0xbf: {  	[spmem:s2] =	stream.indirect.scatter.add.f32 [tilespmem:s12], [sflag:$0x3], $0x80, s28, s11, $0xb8;
	[tilespmem:$0x1FA00] =	vst v63  }
0xc0: {  	s26 =	sor.u32 @!p0 $0x17800, s26;
	s28 =	simm.s32 @!p0 $0x0  }
0xc1: {  	[tilespmem:s26], [sflag:$0x5] =	stream.linear.gather @!p0 [hbm4b:s25+s28], $0x80, $0x38;
	[tilespmem:$0x1FA00] =	vst v63  }
0xc2: {  	_ =	swait.ge [sflag:s18], $0x80  }
.Ltmp3:
0xc3: {  	[sflag:s18] =	ssyncset.done $0x0;
	(pc) =	sbr.rel @p0 .LBB2_6-.Ltmp3, $4  }
0xc4: {  	s28 =	sadd.s32 $0xFFFFFC00, s23;
	[sflag:s18] =	ssyncadd.s32 $0xFFFFFF80  }
0xc5: {  	s26 =	sand.u32 $0x600, s28;
	_ =	swait.ge [sflag:s19], $0x3E80  }
0xc6: {  	s26 =	sshrl.u32 s26, $0x2;
	[sflag:s19] =	ssyncset.done $0x0  }
0xc7: {  	s26 =	sor.u32 $0x17800, s26;
	[sflag:s19] =	ssyncadd.s32 $0xFFFFC180  }
0xc8: {  	s6 =	sadd.s32 $0x14F80, s6  }
0xc9: {  	[tilespmem:s12], [sflag:$0x1] =	stream.indirect.gather [hbm4b:s4+s11], $0x80, s6, s11, $0xb8;
	[tilespmem:$0x1FA00] =	vst v63  }
0xca: {  	_ =	swait.ge [sflag:s20], $0x3E80  }
0xcb: {  	[sflag:s20] =	ssyncset.done $0x0  }
0xcc: {  	[sflag:s20] =	ssyncadd.s32 $0xFFFFC180  }
0xcd: {  	[spmem:s2] =	stream.indirect.scatter.add.f32 [tilespmem:s16], [sflag:$0x4], $0x80, s26, s11, $0xb8;
	[tilespmem:$0x1FA00] =	vst v63  }
.Ltmp4:
0xce: {  	_ = 	snop;
	(pc) =	sbr.rel .LBB2_4-.Ltmp4, $4  }
0xcf: {  	s26 =	sand.u32 $0x600, s23  }
0xd0: {  	s28 =	sadd.s32 $0x10, s25;
	s6 =	sshrl.u32 s26, $0x2  }
0xd1: {  	s25 =	sadd.s32 $0x20, s25;
	s23 =	sadd.s32 $0x400, s23;
	s6 =	sor.u32 $0x17800, s6  }
0xd2: {  	[tilespmem:s6], [sflag:$0x6] =	stream.linear.gather [hbm4b:s28+s3], $0x80, $0x38;
	[tilespmem:$0x1FA00] =	vst v63  }
.LBB2_7:
0xd3: {  	_ =	sfence.sel $0x180000  }
0xd4: {  	[bflag:$0x0] =	sbarrier.arrive $0xFFFF  }
0xd5: {  	_ =	strace $0x9000004D  }
0xd6: {  	s0 =	stileid.u32;
	[bflag:$0x2] =	sbarrier.arrive $0xFFFF  }
0xd7: {  	p0 =	sne.s32 s0, $0x0;
	s0 =	rddreg [dreg:$0x2]  }
0xd8: {  	s0 =	sadd.s32 @!p0 $0x100000, s0  }
0xd9: {  	[sflag:s0] =	ssyncadd.tile.s32 @!p0 $0x1;
	_ =	shalt  }
.Lfunc_end2:
_tile_overlayer_lowered:
.L_overlay_start_2:
0xda: {  	(tag) =	ssettag $0x2  }
0xdb: {  	s0 =	rddreg [dreg:$0x0];
	s2 =	stileid.u32  }
0xdc: {  	s1 =	rddreg [dreg:$0x1];
	p0 =	sne.s32 s2, $0x0  }
0xdd: {  	s3 =	rddreg [dreg:$0x2];
	[bflag:$0x3] =	sbarrier.arrive $0xFFFF;
	s2 =	simm.s32 @!p0 $0x1C08  }
0xde: {  	[timem:s3], [sflag:s2] =	dma.local @!p0 [hbm:s0], s1  }
0xdf: {  	s0 =	simm.s32 @!p0 $0x8  }
0xe0: {  	_ =	swait.ge @!p0 [sflag:s0], s1  }
0xe1: {  	s1 =	ssub.s32 @!p0 $0x0, s1;
	[sflag:s0] =	ssyncset.done @!p0 $0x0  }
0xe2: {  	[sflag:s0] =	ssyncadd.s32 @!p0 s1  }
0xe3: {  	[bflag:$0x3] =	sbarrier.arrive $0xFFFF  }
0xe4: {  	_ =	shalt  }

// kernel: kernel.24.cloned.1.call-start
scs
__scs_entry_jumppad:
0x0: {  	(pc) =	sbr.rel $0x88, $3  }
0x1: {  	(tag) =	ssettag $0x0;
	lr =	simm.s32 $0x1  }
0x2: {  	[smem:$0x3F92] =	sst lr;
	_ =	strace $0xD0000000  }
0x3: {  	_ = 	snop  }
0x4: {  	_ = 	snop  }
0x5: {  	_ = 	snop  }
0x6: {  	_ = 	snop  }
0x7: {  	_ = 	snop  }
__scs_overlays_trampoline_lowered:
0x8: {  	[smem:$0x3FA1] =	sst s0  }
0x9: {  	[smem:$0x3FA2] =	sst s1  }
0xa: {  	[smem:$0x3FA3] =	sst s2  }
0xb: {  	[smem:$0x3FA4] =	sst s3  }
0xc: {  	[smem:$0x3FA5] =	sst s4  }
0xd: {  	[smem:$0x3FA6] =	sst s5  }
0xe: {  	[smem:$0x3FA7] =	sst s6  }
0xf: {  	[smem:$0x3FA8] =	sst s7  }
0x10: {  	[smem:$0x3FA9] =	sst s8  }
0x11: {  	[smem:$0x3FAA] =	sst s9;
	s0 =	simm.s32 @!p0 $0x0  }
0x12: {  	s1 =	sld [smem:$0x3F90];
	s0 =	simm.s32 @p0 $0x1  }
0x13: {  	[smem:$0x3FAB] =	sst s0;
	s0 =	simm.s32 @!p1 $0x0  }
0x14: {  	s2 =	sld [smem:$0x3F8F];
	s0 =	simm.s32 @p1 $0x1  }
0x15: {  	[smem:$0x3FAC] =	sst s0;
	s0 =	simm.s32 @!p2 $0x0  }
0x16: {  	s3 =	sld [smem:$0x3FDB];
	s0 =	simm.s32 @p2 $0x1  }
0x17: {  	s4 =	simm.s32 $0x1BF5;
	[smem:$0x3FAE] =	sst s0  }
0x18: {  	s0 =	sld [smem:$0x3F91];
	_ =	swait.ge [sflag:s4], $0x0  }
0x19: {  	s7 =	sld [smem:$0x3F92]  }
0x1a: {  	s8 =	sadd.s32 $0xFFFFE003, lr  }
0x1b: {  	s9 =	sadd.s32 $0xFFFFFEF7, lr;
	s5 =	simm.s32 $0xFFFFFFFF;
	p2 =	slt.u32 s8, $0xFFFFF086  }
0x1c: {  	p1 =	slt.u32 s9, $0xF7A;
	s5 =	simm.s32 @!p2 $0x0  }
0x1d: {  	s5 =	simm.s32 @p1 $0x1;
	p0 =	seq.s32 s7, s2  }
0x1e: {  	s7 =	smul.u32 @!p0 $0xF7A, s2;
	p2 =	seq.s32 @!p0 s5, $0x0  }
0x1f: {  	s9 =	smul.u32 $0xF7A, s1;
	s8 =	simm.s32 @!p0 $0x1BF5;
	p2 =	por !p2, p0  }
0x20: {  	[sflag:s8] =	ssyncset.s32 @!p0 $0xFFFFF086;
	s6 =	sadd.s32 @!p0 s3, s7;
	s7 =	simm.s32 @!p0 $0x108  }
0x21: {  	s3 =	sadd.s32 s3, s9;
	s6 =	sadd.s32 @!p0 $0x88, s6;
	s7 =	simm.s32 @p2 $0x1082  }
0x22: {  	[simem:s7], [sflag:s8] =	dma.local @!p0 [hbm:s6], $0xF7A  }
0x23: {  	s9 =	sor.u32 $0xD0000000, s2;
	s6 =	simm.s32 $0x108;
	_ =	swait.ge @!p0 [sflag:s8], $0x0  }
0x24: {  	s3 =	sadd.s32 $0x88, s3;
	s6 =	simm.s32 @!p1 $0x1082;
	[sflag:s4] =	ssyncset.s32 $0xFFFFF086  }
0x25: {  	[simem:s6], [sflag:s4] =	dma.local [hbm:s3], $0xF7A  }
0x26: {  	[smem:$0x3F92] =	sst s1;
	(tag) =	ssettag s2;
	_ =	strace s9  }
0x27: {  	s1 =	sld [smem:$0x3FA2]  }
0x28: {  	s2 =	sld [smem:$0x3FA3]  }
0x29: {  	s4 =	sld [smem:$0x3FA5]  }
0x2a: {  	p0 =	seq.s32 s5, $0x0;
	s5 =	sld [smem:$0x3FA6]  }
0x2b: {  	s6 =	sld [smem:$0x3FA7]  }
0x2c: {  	s7 =	sld [smem:$0x3FA8]  }
0x2d: {  	s3 =	simm.s32 $0x108;
	s8 =	sld [smem:$0x3FA9]  }
0x2e: {  	s3 =	simm.s32 @!p0 $0x1082;
	s9 =	sld [smem:$0x3FAA]  }
0x2f: {  	lr =	sadd.s32 s0, s3;
	s0 =	sld [smem:$0x3FA1]  }
0x30: {  	s3 =	sld [smem:$0x3FA4]  }
0x31: {  	[smem:$0x3FAD] =	sst s10  }
0x32: {  	s10 =	sld [smem:$0x3FAB];
	_ =	sdelay $0x3  }
0x33: {  	p0 =	seq.s32 s10, $0x1;
	s10 =	sld [smem:$0x3FAD];
	_ =	sdelay $0x3  }
0x34: {  	[smem:$0x3FAD] =	sst s10  }
0x35: {  	s10 =	sld [smem:$0x3FAC];
	_ =	sdelay $0x3  }
0x36: {  	p1 =	seq.s32 s10, $0x1;
	s10 =	sld [smem:$0x3FAD];
	_ =	sdelay $0x3  }
0x37: {  	[smem:$0x3FAD] =	sst s10  }
0x38: {  	s10 =	sld [smem:$0x3FAE]  }
0x39: {  	_ = 	snop;
	(pc) =	sbr.ind lr, $3  }
0x3a: {  	_ = 	snop  }
0x3b: {  	_ = 	snop  }
0x3c: {  	p2 =	seq.s32 s10, $0x1;
	s10 =	sld [smem:$0x3FAD]  }
0x3d: {  	_ =	shalt  }
0x3e: {  	_ =	shalt  }
0x3f: {  	_ =	shalt  }
0x40: {  	_ =	shalt  }
0x41: {  	_ =	shalt  }
0x42: {  	_ =	shalt  }
0x43: {  	_ =	shalt  }
0x44: {  	_ =	shalt  }
0x45: {  	_ =	shalt  }
0x46: {  	_ =	shalt  }
0x47: {  	_ =	shalt  }
0x48: {  	_ =	shalt  }
0x49: {  	_ =	shalt  }
0x4a: {  	_ =	shalt  }
0x4b: {  	_ =	shalt  }
0x4c: {  	_ =	shalt  }
0x4d: {  	_ =	shalt  }
0x4e: {  	_ =	shalt  }
0x4f: {  	_ =	shalt  }
0x50: {  	_ =	shalt  }
0x51: {  	_ =	shalt  }
0x52: {  	_ =	shalt  }
0x53: {  	_ =	shalt  }
0x54: {  	_ =	shalt  }
0x55: {  	_ =	shalt  }
0x56: {  	_ =	shalt  }
0x57: {  	_ =	shalt  }
0x58: {  	_ =	shalt  }
0x59: {  	_ =	shalt  }
0x5a: {  	_ =	shalt  }
0x5b: {  	_ =	shalt  }
0x5c: {  	_ =	shalt  }
0x5d: {  	_ =	shalt  }
0x5e: {  	_ =	shalt  }
0x5f: {  	_ =	shalt  }
0x60: {  	_ =	shalt  }
0x61: {  	_ =	shalt  }
0x62: {  	_ =	shalt  }
0x63: {  	_ =	shalt  }
0x64: {  	_ =	shalt  }
0x65: {  	_ =	shalt  }
0x66: {  	_ =	shalt  }
0x67: {  	_ =	shalt  }
0x68: {  	_ =	shalt  }
0x69: {  	_ =	shalt  }
0x6a: {  	_ =	shalt  }
0x6b: {  	_ =	shalt  }
0x6c: {  	_ =	shalt  }
0x6d: {  	_ =	shalt  }
0x6e: {  	_ =	shalt  }
0x6f: {  	_ =	shalt  }
0x70: {  	_ =	shalt  }
0x71: {  	_ =	shalt  }
0x72: {  	_ =	shalt  }
0x73: {  	_ =	shalt  }
0x74: {  	_ =	shalt  }
0x75: {  	_ =	shalt  }
0x76: {  	_ =	shalt  }
0x77: {  	_ =	shalt  }
0x78: {  	_ =	shalt  }
0x79: {  	_ =	shalt  }
0x7a: {  	_ =	shalt  }
0x7b: {  	_ =	shalt  }
0x7c: {  	_ =	shalt  }
0x7d: {  	_ =	shalt  }
0x7e: {  	_ =	shalt  }
0x7f: {  	_ =	shalt  }
0x80: {  	_ =	shalt  }
0x81: {  	_ =	shalt  }
0x82: {  	_ =	shalt  }
0x83: {  	_ =	shalt  }
0x84: {  	_ =	shalt  }
0x85: {  	_ =	shalt  }
0x86: {  	_ =	shalt  }
0x87: {  	_ =	shalt  }
.Lfunc_end0:
.L_simem_size_0:
called_computation.3_lowered:
.L_overlay_start_0:
0x88: {  	s2 =	sld [smem:$0x3FD9]  }
0x89: {  	s3 =	sld [smem:$0x3FFE];
	_ =	sdelay $0x1  }
0x8a: {  	s1 =	srdreg.scid  }
0x8b: {  	s0 =	sand.u32 $0x1, s1  }
0x8c: {  	s16 =	sshll.u32 s0, $0xA;
	s2 =	sadd.s32 s3, s2  }
0x8d: {  	s2 =	sadd.s32 s2, s16  }
0x8e: {  	[smem:$0x3FB9] =	sst s2  }
0x8f: {  	_ = 	snop  }
0x90: {  	(tm) =	ssettm $0x1  }
0x91: {  	s17 =	sld [smem:$0x3FFB];
	_ =	sdelay $0x3  }
0x92: {  	_ =	strace s17  }
0x93: {  	s2 =	sld [smem:$0x3FFC];
	_ =	sdelay $0x3  }
0x94: {  	_ =	strace s2  }
0x95: {  	s2 =	sld [smem:$0x3FFD];
	_ =	sdelay $0x3  }
0x96: {  	_ =	strace s2  }
0x97: {  	_ =	strace $0x8FFFFFFF  }
0x98: {  	s18 =	sld [smem:$0x3FDB];
	_ =	sdelay $0x1  }
0x99: {  	s19 =	simm.s32 $_scs_section_size  }
0x9a: {  	s4 =	simm.s32 $_size__tile_overlayer_lowered;
	s5 =	simm.s32 $_tile_overlayer_lowered  }
0x9b: {  	s22 =	simm.s32 $0x1BFF;
	s21 =	sshll.u32 s5, $0x1;
	s2 =	sadd.s32 s19, s18  }
0x9c: {  	s6 =	simm.s32 $0x0;
	s20 =	sshll.u32 s4, $0x1;
	s4 =	sadd.s32 s21, s2  }
0x9d: {  	[timem:s6], [sflag:s22] =	dma.local [hbm:s4], s20  }
0x9e: {  	_ =	swait.ge [sflag:s22], s20  }
0x9f: {  	s3 =	ssub.s32 $0x0, s20;
	[sflag:s22] =	ssyncset.done $0x0  }
0xa0: {  	[sflag:s22] =	ssyncadd.s32 s3;
	_ =	sdelay $0x1  }
0xa1: {  	s23 =	simm.s32 $0x1B8B  }
0xa2: {  	_ =	swait.ge [sflag:s23], $0x1  }
0xa3: {  	[sflag:s23] =	ssyncset.done $0x0  }
0xa4: {  	s25 =	simm.s32 $0x1B8E;
	s24 =	sld [smem:$0x3FFE];
	[sflag:s23] =	ssyncadd.s32 $0xFFFFFFFF  }
0xa5: {  	s26 =	simm.s32 $execute0_lowered;
	[smem:$0x3FD2] =	sst s25  }
0xa6: {  	s4 =	sshll.u32 s26, $0x1;
	_ =	strace $0x8000004F;
	[dreg:$0x1] =	wrdreg $0xFFFFFFFF  }
0xa7: {  	s28 =	simm.s32 $_size_execute0_lowered;
	s2 =	sadd.s32 s2, s4;
	[dreg:$0x0] =	wrdreg $0x0  }
0xa8: {  	s4 =	sshll.u32 s28, $0x1;
	[dreg:$0x2] =	wrdreg s2  }
0xa9: {  	[dreg:$0x3] =	wrdreg s4  }
0xaa: {  	[dreg:$0x4] =	wrdreg $0xC0  }
0xab: {  	_ =	task [dreg:s6], $0x5FFFF  }
0xac: {  	[dreg:$0x1] =	wrdreg $0xFFFFFFFF  }
0xad: {  	[dreg:$0x0] =	wrdreg $0x60  }
0xae: {  	[dreg:$0x2] =	wrdreg s24  }
0xaf: {  	[dreg:$0x3] =	wrdreg $0x0  }
0xb0: {  	[dreg:$0x4] =	wrdreg $0x9  }
0xb1: {  	_ =	task.clear_ibuf [dreg:s6], $0x5FFFF;
	_ =	strace $0x9000004F  }
0xb2: {  	s29 =	simm.s32 $0x9;
	_ =	strace $0x80000051  }
0xb3: {  	_ =	swait.ge [sflag:s29], $0x1  }
0xb4: {  	[sflag:s29] =	ssyncadd.s32 $0xFFFFFFFF  }
0xb5: {  	_ =	strace $0x90000051  }
0xb6: {  	_ =	sfence  }
0xb7: {  	s30 =	sld [smem:$0x0];
	_ =	sdelay $0x2  }
0xb8: {  	s31 =	sshll.u32 s1, $0xD;
	s1 =	sshrl.u32 s1, $0x2  }
0xb9: {  	s3 =	sand.u32 $0x4000, s31;
	s1 =	sadd.s32 s1, s30  }
0xba: {  	s0 =	sor.u32 s3, s0;
	s1 =	sshll.u32 s1, $0x11  }
0xbb: {  	s0 =	sor.u32 s1, s0  }
0xbc: {  	s0 =	sadd.s32 $0x8F2B, s0  }
0xbd: {  	[sflag:s0] =	ssyncadd.remote.s32 $0x1  }
0xbe: {  	_ =	sfence.sel $0xFFFF  }
0xbf: {  	[dreg:$0x0] =	wrdreg $0xFFFFFFFF;
	(pc) =	sbr.abs _section_cstart, $3  }
0xc0: {  	[dreg:$0x1] =	wrdreg $0xFFFFFFFF  }
0xc1: {  	_ =	task.clear_ibuf [dreg:s6], $0x2FFFF;
	_ =	strace $0x9FFFFFFF  }
0xc2: {  	(tm) =	ssettm $0x7FFFFFFF  }
0xc3: {  	_ =	shalt  }
tec
execute0_lowered:
.L_overlay_start_1:
0x0: {  	(tag) =	ssettag $0x1  }
0x1: {  	s0 =	rddreg [dreg:$0x0];
	s1 =	srdreg.scid  }
0x2: {  	s12 =	stileid.u32;
	s2 =	rddreg [dreg:$0x1]  }
0x3: {  	s3 =	simm.s32 $0x0;
	s1 =	sand.u32 $0x1, s1;
	s4 =	sshll.u32 s12, $0x1  }
0x4: {  	[smem:$0x7FF] =	sst s3;
	s8 =	smul.u32 $0x50000, s12;
	s10 =	sadd.s32 $0x18800, s0  }
0x5: {  	s4 =	sor.u32 s1, s4;
	_ =	strace $0x80000050;
	s7 =	ssub.s32 $0x2, s1  }
0x6: {  	s5 =	smul.u32 $0x500, s4;
	s11 =	sshrl.u32 s7, $0x1;
	s24 =	sshrl.u32 s8, $0x2  }
0x7: {  	s6 =	smul.u32 $0x28000, s1;
	s23 =	ssub.s32 s7, s11;
	s7 =	sadd.s32 s24, s2  }
0x8: {  	s4 =	sadd.s32 $0x22800, s0;
	s9 =	sadd.s32 s5, s0;
	s26 =	sadd.s32 $0x1000, s7  }
0x9: {  	s0 =	sadd.s32 s6, s0;
	s6 =	smax.u32 s23, $0x1;
	[dreg:$0x5] =	wrdreg s26  }
0xa: {  	s28 =	smul.u32 $0x2800, s12;
	s11 =	sadd.s32 $0x3000, s7;
	[dreg:$0x6] =	wrdreg s6  }
0xb: {  	s17 =	smul.u32 $0xA00, s12;
	s13 =	sadd.s32 $0x4000, s7;
	[dreg:$0x8] =	wrdreg s11  }
0xc: {  	s12 =	simm.s32 $0x17A00;
	s14 =	sadd.s32 $0x5000, s7;
	[dreg:$0x9] =	wrdreg s13  }
0xd: {  	s1 =	smul.u32 $0x500, s1;
	s15 =	sadd.s32 $0x6000, s7;
	[dreg:$0xa] =	wrdreg s14  }
0xe: {  	s8 =	sadd.s32 s10, s5;
	s16 =	sadd.s32 $0x7000, s7;
	[dreg:$0xb] =	wrdreg s15  }
0xf: {  	s18 =	sadd.s32 $0x8000, s7;
	s19 =	sadd.s32 $0x9000, s7;
	[dreg:$0xc] =	wrdreg s16  }
0x10: {  	s20 =	sadd.s32 $0xA000, s7;
	s21 =	sadd.s32 $0xB000, s7;
	[dreg:$0xd] =	wrdreg s18  }
0x11: {  	s22 =	sadd.s32 $0xC000, s7;
	s23 =	sadd.s32 $0xD000, s7;
	[dreg:$0xe] =	wrdreg s19  }
0x12: {  	s24 =	sadd.s32 $0xE000, s7;
	s29 =	sadd.s32 $0x11000, s7;
	[dreg:$0xf] =	wrdreg s20  }
0x13: {  	s30 =	sadd.s32 $0x12000, s7;
	s31 =	sadd.s32 $0x13000, s7;
	[dreg:$0x10] =	wrdreg s21  }
0x14: {  	s25 =	sadd.s32 $0xE800, s9;
	s5 =	sadd.s32 $0x10, s8;
	[dreg:$0x11] =	wrdreg s22  }
0x15: {  	s0 =	sadd.s32 $0x4A800, s0;
	s9 =	sadd.s32 $0x2000, s7;
	[dreg:$0x12] =	wrdreg s23  }
0x16: {  	s6 =	sadd.s32 s17, s10;
	[dreg:$0x14] =	wrdreg s24;
	s26 =	sadd.s32 $0xF000, s7  }
0x17: {  	s24 =	smov.u32 s8;
	s10 =	simm.s32 $0x17880;
	s11 =	simm.s32 $0x7D  }
0x18: {  	s13 =	simm.s32 $0x14000;
	s14 =	simm.s32 $0x7;
	s15 =	simm.s32 $0x5  }
0x19: {  	s16 =	simm.s32 $0x1BA00;
	s17 =	simm.s32 $0x1;
	s18 =	simm.s32 $0x6  }
0x1a: {  	s19 =	simm.s32 $0x3;
	s20 =	simm.s32 $0x2;
	[dreg:$0x3] =	wrdreg s25  }
0x1b: {  	s21 =	simm.s32 $0x4;
	s22 =	simm.s32 $0x0;
	[dreg:$0x4] =	wrdreg s5  }
.Ltmp0:
0x1c: {  	[dreg:$0x7] =	wrdreg s9;
	s1 =	sadd.s32 s1, s6;
	(pc) =	sbr.rel .LBB2_1-.Ltmp0, $4  }
0x1d: {  	s0 =	sadd.s32 s28, s0;
	[dreg:$0x16] =	wrdreg s26;
	s28 =	sadd.s32 $0x10000, s7  }
0x1e: {  	s5 =	simm.s32 $0x15000;
	s9 =	simm.s32 $0x17800;
	[dreg:$0x13] =	wrdreg s0  }
0x1f: {  	s25 =	sadd.s32 $0x40, s1;
	[dreg:$0x17] =	wrdreg s28;
	s1 =	sadd.s32 $0x20, s8  }
0x20: {  	v0 =	vimm.f32 $0.0e+00;
	s0 =	sadd.s32 $0x30, s8;
	s8 =	simm.s32 $0x8;
	[dreg:$0x15] =	wrdreg s25  }
.LBB2_6:
0x21: {  	_ =	swait.ge [sflag:s20], $0x3E80  }
0x22: {  	[sflag:s20] =	ssyncset.done $0x0  }
0x23: {  	[sflag:s20] =	ssyncadd.s32 $0xFFFFC180  }
0x24: {  	[spmem:s2] =	stream.indirect.scatter.add.f32 [tilespmem:s16], [sflag:$0x4], $0x80, s26, s11, $0xb8;
	[tilespmem:$0x1FA00] =	vst v63  }
0x25: {  	_ =	swait.ge [sflag:s21], $0x3E80  }
0x26: {  	[sflag:s21] =	ssyncset.done $0x0  }
0x27: {  	s6 =	stileid.u32;
	[sflag:s21] =	ssyncadd.s32 $0xFFFFC180  }
0x28: {  	s6 =	sshll.u32 s6, $0x6;
	[bflag:$0x0] =	sbarrier.arrive $0xFFFF  }
0x29: {  	s23 =	sshrl.u32 s7, $0x3;
	s6 =	sor.u32 $0x1C08, s6;
	s25 =	rddreg [dreg:$0x13]  }
0x2a: {  	[hbm:s25], [sflag:s6] =	dma.local [spmem:s23], $0x2800  }
0x2b: {  	_ =	swait.ge [sflag:s8], $0x2800  }
0x2c: {  	s22 =	sadd.s32 $0x1, s22;
	s28 =	rddreg [dreg:$0x6]  }
0x2d: {  	p0 =	sne.s32 s22, s28  }
.Ltmp1:
0x2e: {  	_ = 	snop;
	(pc) =	sbr.rel @!p0 .LBB2_7-.Ltmp1, $3  }
0x2f: {  	_ =	sdelay $0x1  }
0x30: {  	[sflag:s8] =	ssyncset.done $0x0  }
0x31: {  	[sflag:s8] =	ssyncadd.s32 $0xFFFFD800  }
.LBB2_1:
0x32: {  	s6 =	rddreg [dreg:$0x3]  }
0x33: {  	[tilespmem:s5], [sflag:$0x8] =	stream.linear.gather [hbm4b:s6+s3], $0x2800, $0x38;
	[tilespmem:$0x1FA00] =	vst v63  }
0x34: {  	_ =	swait.ge [sflag:s8], $0x2800  }
0x35: {  	[sflag:s8] =	ssyncset.done $0x0  }
0x36: {  	[sflag:s8] =	ssyncadd.s32 $0xFFFFD800  }
0x37: {  	[tilespmem:s9], [sflag:$0x5] =	stream.linear.gather [hbm4b:s24+s3], $0x80, $0x38;
	[tilespmem:$0x1FA00] =	vst v63  }
0x38: {  	s28 =	rddreg [dreg:$0x4]  }
0x39: {  	[tilespmem:s10], [sflag:$0x6] =	stream.linear.gather [hbm4b:s28+s3], $0x80, $0x38;
	[tilespmem:$0x1FA00] =	vst v63  }
0x3a: {  	s23 =	simm.s32 $0x200;
	s6 =	simm.s32 $0x0  }
0x3b: {  	[tilespmem:s12], [sflag:$0x1] =	stream.indirect.gather [hbm4b:s4+s11], $0x80, s5, s11, $0xb8;
	[tilespmem:$0x1FA00] =	vst v63  }
.LBB2_2:
0x3c: {  	p0 =	sne.s32 s23, $0x3E00;
	[tilespmem:s6+$0x14070] =	vst v0  }
0x3d: {  	[tilespmem:s6+$0x14000] =	vst v0  }
0x3e: {  	[tilespmem:s6+$0x14010] =	vst v0  }
.Ltmp2:
0x3f: {  	[tilespmem:s6+$0x14020] =	vst v0;
	(pc) =	sbr.rel @p0 .LBB2_2-.Ltmp2, $4  }
0x40: {  	[tilespmem:s6+$0x14030] =	vst v0  }
0x41: {  	[tilespmem:s6+$0x14040] =	vst v0  }
0x42: {  	[tilespmem:s6+$0x14050] =	vst v0  }
0x43: {  	[tilespmem:s6+$0x14060] =	vst v0;
	s6 =	sshra.s32 s23, $0x2;
	s23 =	sadd.s32 $0x200, s23  }
0x44: {  	[tilespmem:s6+$0x14070] =	vst v0  }
0x45: {  	[tilespmem:s6+$0x14000] =	vst v0  }
0x46: {  	[tilespmem:s6+$0x14010] =	vst v0  }
0x47: {  	[tilespmem:s6+$0x14020] =	vst v0  }
0x48: {  	[tilespmem:s6+$0x14030] =	vst v0  }
0x49: {  	[tilespmem:s6+$0x14040] =	vst v0  }
0x4a: {  	[tilespmem:s6+$0x14050] =	vst v0  }
0x4b: {  	[tilespmem:s6+$0x14060] =	vst v0  }
0x4c: {  	[spmem:s7] =	stream.linear.scatter [tilespmem:s13], [sflag:$0x7], $0x1000, $0x38;
	[tilespmem:$0x1FA00] =	vst v63  }
0x4d: {  	s23 =	rddreg [dreg:$0x5]  }
0x4e: {  	[spmem:s23] =	stream.linear.scatter [tilespmem:s13], [sflag:$0x7], $0x1000, $0x38;
	[tilespmem:$0x1FA00] =	vst v63  }
0x4f: {  	_ =	swait.ge [sflag:s14], $0x1000  }
0x50: {  	[sflag:s14] =	ssyncset.done $0x0  }
0x51: {  	s25 =	rddreg [dreg:$0x7];
	[sflag:s14] =	ssyncadd.s32 $0xFFFFF000  }
0x52: {  	[spmem:s25] =	stream.linear.scatter [tilespmem:s13], [sflag:$0x7], $0x1000, $0x38;
	[tilespmem:$0x1FA00] =	vst v63  }
0x53: {  	_ =	swait.ge [sflag:s14], $0x1000  }
0x54: {  	[sflag:s14] =	ssyncset.done $0x0  }
0x55: {  	s26 =	rddreg [dreg:$0x8];
	[sflag:s14] =	ssyncadd.s32 $0xFFFFF000  }
0x56: {  	[spmem:s26] =	stream.linear.scatter [tilespmem:s13], [sflag:$0x7], $0x1000, $0x38;
	[tilespmem:$0x1FA00] =	vst v63  }
0x57: {  	_ =	swait.ge [sflag:s14], $0x1000  }
0x58: {  	[sflag:s14] =	ssyncset.done $0x0  }
0x59: {  	s28 =	rddreg [dreg:$0x9];
	[sflag:s14] =	ssyncadd.s32 $0xFFFFF000  }
0x5a: {  	[spmem:s28] =	stream.linear.scatter [tilespmem:s13], [sflag:$0x7], $0x1000, $0x38;
	[tilespmem:$0x1FA00] =	vst v63  }
0x5b: {  	_ =	swait.ge [sflag:s14], $0x1000  }
0x5c: {  	[sflag:s14] =	ssyncset.done $0x0  }
0x5d: {  	s23 =	rddreg [dreg:$0xa];
	[sflag:s14] =	ssyncadd.s32 $0xFFFFF000  }
0x5e: {  	[spmem:s23] =	stream.linear.scatter [tilespmem:s13], [sflag:$0x7], $0x1000, $0x38;
	[tilespmem:$0x1FA00] =	vst v63  }
0x5f: {  	_ =	swait.ge [sflag:s14], $0x1000  }
0x60: {  	[sflag:s14] =	ssyncset.done $0x0  }
0x61: {  	s25 =	rddreg [dreg:$0xb];
	[sflag:s14] =	ssyncadd.s32 $0xFFFFF000  }
0x62: {  	[spmem:s25] =	stream.linear.scatter [tilespmem:s13], [sflag:$0x7], $0x1000, $0x38;
	[tilespmem:$0x1FA00] =	vst v63  }
0x63: {  	_ =	swait.ge [sflag:s14], $0x1000  }
0x64: {  	[sflag:s14] =	ssyncset.done $0x0  }
0x65: {  	s26 =	rddreg [dreg:$0xc];
	[sflag:s14] =	ssyncadd.s32 $0xFFFFF000  }
0x66: {  	[spmem:s26] =	stream.linear.scatter [tilespmem:s13], [sflag:$0x7], $0x1000, $0x38;
	[tilespmem:$0x1FA00] =	vst v63  }
0x67: {  	_ =	swait.ge [sflag:s14], $0x1000  }
0x68: {  	[sflag:s14] =	ssyncset.done $0x0  }
0x69: {  	s28 =	rddreg [dreg:$0xd];
	[sflag:s14] =	ssyncadd.s32 $0xFFFFF000  }
0x6a: {  	[spmem:s28] =	stream.linear.scatter [tilespmem:s13], [sflag:$0x7], $0x1000, $0x38;
	[tilespmem:$0x1FA00] =	vst v63  }
0x6b: {  	_ =	swait.ge [sflag:s14], $0x1000  }
0x6c: {  	[sflag:s14] =	ssyncset.done $0x0  }
0x6d: {  	s23 =	rddreg [dreg:$0xe];
	[sflag:s14] =	ssyncadd.s32 $0xFFFFF000  }
0x6e: {  	[spmem:s23] =	stream.linear.scatter [tilespmem:s13], [sflag:$0x7], $0x1000, $0x38;
	[tilespmem:$0x1FA00] =	vst v63  }
0x6f: {  	_ =	swait.ge [sflag:s14], $0x1000  }
0x70: {  	[sflag:s14] =	ssyncset.done $0x0  }
0x71: {  	s25 =	rddreg [dreg:$0xf];
	[sflag:s14] =	ssyncadd.s32 $0xFFFFF000  }
0x72: {  	[spmem:s25] =	stream.linear.scatter [tilespmem:s13], [sflag:$0x7], $0x1000, $0x38;
	[tilespmem:$0x1FA00] =	vst v63  }
0x73: {  	_ =	swait.ge [sflag:s14], $0x1000  }
0x74: {  	[sflag:s14] =	ssyncset.done $0x0  }
0x75: {  	s26 =	rddreg [dreg:$0x10];
	[sflag:s14] =	ssyncadd.s32 $0xFFFFF000  }
0x76: {  	[spmem:s26] =	stream.linear.scatter [tilespmem:s13], [sflag:$0x7], $0x1000, $0x38;
	[tilespmem:$0x1FA00] =	vst v63  }
0x77: {  	_ =	swait.ge [sflag:s14], $0x1000  }
0x78: {  	[sflag:s14] =	ssyncset.done $0x0  }
0x79: {  	s28 =	rddreg [dreg:$0x11];
	[sflag:s14] =	ssyncadd.s32 $0xFFFFF000  }
0x7a: {  	[spmem:s28] =	stream.linear.scatter [tilespmem:s13], [sflag:$0x7], $0x1000, $0x38;
	[tilespmem:$0x1FA00] =	vst v63  }
0x7b: {  	_ =	swait.ge [sflag:s14], $0x1000  }
0x7c: {  	[sflag:s14] =	ssyncset.done $0x0  }
0x7d: {  	s23 =	rddreg [dreg:$0x12];
	[sflag:s14] =	ssyncadd.s32 $0xFFFFF000  }
0x7e: {  	[spmem:s23] =	stream.linear.scatter [tilespmem:s13], [sflag:$0x7], $0x1000, $0x38;
	[tilespmem:$0x1FA00] =	vst v63  }
0x7f: {  	_ =	swait.ge [sflag:s14], $0x1000  }
0x80: {  	[sflag:s14] =	ssyncset.done $0x0  }
0x81: {  	s25 =	rddreg [dreg:$0x14];
	[sflag:s14] =	ssyncadd.s32 $0xFFFFF000  }
0x82: {  	[spmem:s25] =	stream.linear.scatter [tilespmem:s13], [sflag:$0x7], $0x1000, $0x38;
	[tilespmem:$0x1FA00] =	vst v63  }
0x83: {  	_ =	swait.ge [sflag:s14], $0x1000  }
0x84: {  	[sflag:s14] =	ssyncset.done $0x0  }
0x85: {  	s26 =	rddreg [dreg:$0x16];
	[sflag:s14] =	ssyncadd.s32 $0xFFFFF000  }
0x86: {  	[spmem:s26] =	stream.linear.scatter [tilespmem:s13], [sflag:$0x7], $0x1000, $0x38;
	[tilespmem:$0x1FA00] =	vst v63  }
0x87: {  	_ =	swait.ge [sflag:s14], $0x1000  }
0x88: {  	[sflag:s14] =	ssyncset.done $0x0  }
0x89: {  	s28 =	rddreg [dreg:$0x17];
	[sflag:s14] =	ssyncadd.s32 $0xFFFFF000  }
0x8a: {  	[spmem:s28] =	stream.linear.scatter [tilespmem:s13], [sflag:$0x7], $0x1000, $0x38;
	[tilespmem:$0x1FA00] =	vst v63  }
0x8b: {  	_ =	swait.ge [sflag:s14], $0x1000  }
0x8c: {  	[sflag:s14] =	ssyncset.done $0x0  }
0x8d: {  	[sflag:s14] =	ssyncadd.s32 $0xFFFFF000  }
0x8e: {  	[spmem:s29] =	stream.linear.scatter [tilespmem:s13], [sflag:$0x7], $0x1000, $0x38;
	[tilespmem:$0x1FA00] =	vst v63  }
0x8f: {  	_ =	swait.ge [sflag:s14], $0x1000  }
0x90: {  	[sflag:s14] =	ssyncset.done $0x0  }
0x91: {  	[sflag:s14] =	ssyncadd.s32 $0xFFFFF000  }
0x92: {  	[spmem:s30] =	stream.linear.scatter [tilespmem:s13], [sflag:$0x7], $0x1000, $0x38;
	[tilespmem:$0x1FA00] =	vst v63  }
0x93: {  	_ =	swait.ge [sflag:s14], $0x1000  }
0x94: {  	[sflag:s14] =	ssyncset.done $0x0  }
0x95: {  	[sflag:s14] =	ssyncadd.s32 $0xFFFFF000  }
0x96: {  	[spmem:s31] =	stream.linear.scatter [tilespmem:s13], [sflag:$0x7], $0x1000, $0x38;
	[tilespmem:$0x1FA00] =	vst v63  }
0x97: {  	_ =	swait.ge [sflag:s14], $0x1000  }
0x98: {  	[sflag:s14] =	ssyncset.done $0x0  }
0x99: {  	[sflag:s14] =	ssyncadd.s32 $0xFFFFF000  }
0x9a: {  	_ =	swait.ge [sflag:s14], $0x1000  }
0x9b: {  	[sflag:s14] =	ssyncset.done $0x0  }
0x9c: {  	[sflag:s14] =	ssyncadd.s32 $0xFFFFF000  }
0x9d: {  	[bflag:$0x0] =	sbarrier.arrive $0xFFFF  }
0x9e: {  	_ =	swait.ge [sflag:s15], $0x80  }
0x9f: {  	[sflag:s15] =	ssyncset.done $0x0  }
0xa0: {  	s23 =	simm.s32 $0x15080;
	[sflag:s15] =	ssyncadd.s32 $0xFFFFFF80  }
0xa1: {  	[tilespmem:s16], [sflag:$0x2] =	stream.indirect.gather [hbm4b:s4+s11], $0x80, s23, s11, $0xb8;
	[tilespmem:$0x1FA00] =	vst v63  }
0xa2: {  	_ =	swait.ge [sflag:s17], $0x3E80  }
0xa3: {  	[sflag:s17] =	ssyncset.done $0x0  }
0xa4: {  	[sflag:s17] =	ssyncadd.s32 $0xFFFFC180  }
0xa5: {  	[spmem:s2] =	stream.indirect.scatter.add.f32 [tilespmem:s12], [sflag:$0x3], $0x80, s9, s11, $0xb8;
	[tilespmem:$0x1FA00] =	vst v63  }
0xa6: {  	s25 =	simm.s32 $0x17900  }
0xa7: {  	[tilespmem:s25], [sflag:$0x5] =	stream.linear.gather [hbm4b:s1+s3], $0x80, $0x38;
	[tilespmem:$0x1FA00] =	vst v63  }
0xa8: {  	_ =	swait.ge [sflag:s18], $0x80  }
0xa9: {  	[sflag:s18] =	ssyncset.done $0x0  }
0xaa: {  	[sflag:s18] =	ssyncadd.s32 $0xFFFFFF80  }
0xab: {  	_ =	swait.ge [sflag:s19], $0x3E80  }
0xac: {  	[sflag:s19] =	ssyncset.done $0x0  }
0xad: {  	s26 =	simm.s32 $0x15100;
	[sflag:s19] =	ssyncadd.s32 $0xFFFFC180  }
0xae: {  	[tilespmem:s12], [sflag:$0x1] =	stream.indirect.gather [hbm4b:s4+s11], $0x80, s26, s11, $0xb8;
	[tilespmem:$0x1FA00] =	vst v63  }
0xaf: {  	_ =	swait.ge [sflag:s20], $0x3E80  }
0xb0: {  	[sflag:s20] =	ssyncset.done $0x0  }
0xb1: {  	[sflag:s20] =	ssyncadd.s32 $0xFFFFC180  }
0xb2: {  	[spmem:s2] =	stream.indirect.scatter.add.f32 [tilespmem:s16], [sflag:$0x4], $0x80, s10, s11, $0xb8;
	[tilespmem:$0x1FA00] =	vst v63  }
0xb3: {  	s28 =	simm.s32 $0x17980;
	s23 =	simm.s32 $0xA00;
	s25 =	rddreg [dreg:$0x15]  }
0xb4: {  	[tilespmem:s28], [sflag:$0x6] =	stream.linear.gather [hbm4b:s0+s3], $0x80, $0x38;
	[tilespmem:$0x1FA00] =	vst v63  }
.LBB2_4:
0xb5: {  	_ =	swait.ge [sflag:s15], $0x80  }
0xb6: {  	[sflag:s15] =	ssyncset.done $0x0  }
0xb7: {  	[sflag:s15] =	ssyncadd.s32 $0xFFFFFF80  }
0xb8: {  	_ =	swait.ge [sflag:s21], $0x3E80  }
0xb9: {  	s6 =	sshra.s32 s23, $0x2;
	[sflag:s21] =	ssyncset.done $0x0  }
0xba: {  	s26 =	sadd.s32 $0xFFFFFA00, s23;
	s28 =	sadd.s32 $0x14F00, s6;
	[sflag:s21] =	ssyncadd.s32 $0xFFFFC180  }
0xbb: {  	[tilespmem:s16], [sflag:$0x2] =	stream.indirect.gather [hbm4b:s4+s11], $0x80, s28, s11, $0xb8;
	[tilespmem:$0x1FA00] =	vst v63  }
0xbc: {  	p0 =	seq.s32 s23, $0xA200;
	s26 =	sand.u32 $0x400, s26;
	_ =	swait.ge [sflag:s17], $0x3E80  }
0xbd: {  	s28 =	sshrl.u32 s26, $0x2;
	s26 =	sxor.u32 @!p0 $0x400, s26;
	[sflag:s17] =	ssyncset.done $0x0  }
0xbe: {  	s28 =	sor.u32 $0x17800, s28;
	s26 =	sshrl.u32 @!p0 s26, $0x2;
	[sflag:s17] =	ssyncadd.s32 $0xFFFFC180  }
0xbf: {  	[spmem:s2] =	stream.indirect.scatter.add.f32 [tilespmem:s12], [sflag:$0x3], $0x80, s28, s11, $0xb8;
	[tilespmem:$0x1FA00] =	vst v63  }
0xc0: {  	s26 =	sor.u32 @!p0 $0x17800, s26;
	s28 =	simm.s32 @!p0 $0x0  }
0xc1: {  	[tilespmem:s26], [sflag:$0x5] =	stream.linear.gather @!p0 [hbm4b:s25+s28], $0x80, $0x38;
	[tilespmem:$0x1FA00] =	vst v63  }
0xc2: {  	_ =	swait.ge [sflag:s18], $0x80  }
.Ltmp3:
0xc3: {  	[sflag:s18] =	ssyncset.done $0x0;
	(pc) =	sbr.rel @p0 .LBB2_6-.Ltmp3, $4  }
0xc4: {  	s28 =	sadd.s32 $0xFFFFFC00, s23;
	[sflag:s18] =	ssyncadd.s32 $0xFFFFFF80  }
0xc5: {  	s26 =	sand.u32 $0x600, s28;
	_ =	swait.ge [sflag:s19], $0x3E80  }
0xc6: {  	s26 =	sshrl.u32 s26, $0x2;
	[sflag:s19] =	ssyncset.done $0x0  }
0xc7: {  	s26 =	sor.u32 $0x17800, s26;
	[sflag:s19] =	ssyncadd.s32 $0xFFFFC180  }
0xc8: {  	s6 =	sadd.s32 $0x14F80, s6  }
0xc9: {  	[tilespmem:s12], [sflag:$0x1] =	stream.indirect.gather [hbm4b:s4+s11], $0x80, s6, s11, $0xb8;
	[tilespmem:$0x1FA00] =	vst v63  }
0xca: {  	_ =	swait.ge [sflag:s20], $0x3E80  }
0xcb: {  	[sflag:s20] =	ssyncset.done $0x0  }
0xcc: {  	[sflag:s20] =	ssyncadd.s32 $0xFFFFC180  }
0xcd: {  	[spmem:s2] =	stream.indirect.scatter.add.f32 [tilespmem:s16], [sflag:$0x4], $0x80, s26, s11, $0xb8;
	[tilespmem:$0x1FA00] =	vst v63  }
.Ltmp4:
0xce: {  	_ = 	snop;
	(pc) =	sbr.rel .LBB2_4-.Ltmp4, $4  }
0xcf: {  	s26 =	sand.u32 $0x600, s23  }
0xd0: {  	s28 =	sadd.s32 $0x10, s25;
	s6 =	sshrl.u32 s26, $0x2  }
0xd1: {  	s25 =	sadd.s32 $0x20, s25;
	s23 =	sadd.s32 $0x400, s23;
	s6 =	sor.u32 $0x17800, s6  }
0xd2: {  	[tilespmem:s6], [sflag:$0x6] =	stream.linear.gather [hbm4b:s28+s3], $0x80, $0x38;
	[tilespmem:$0x1FA00] =	vst v63  }
.LBB2_7:
0xd3: {  	_ =	sfence.sel $0x180000  }
0xd4: {  	[bflag:$0x0] =	sbarrier.arrive $0xFFFF  }
0xd5: {  	_ =	strace $0x90000050  }
0xd6: {  	s0 =	stileid.u32;
	[bflag:$0x2] =	sbarrier.arrive $0xFFFF  }
0xd7: {  	p0 =	sne.s32 s0, $0x0;
	s0 =	rddreg [dreg:$0x2]  }
0xd8: {  	s0 =	sadd.s32 @!p0 $0x100000, s0  }
0xd9: {  	[sflag:s0] =	ssyncadd.tile.s32 @!p0 $0x1;
	_ =	shalt  }
.Lfunc_end2:
_tile_overlayer_lowered:
.L_overlay_start_2:
0xda: {  	(tag) =	ssettag $0x2  }
0xdb: {  	s0 =	rddreg [dreg:$0x0];
	s2 =	stileid.u32  }
0xdc: {  	s1 =	rddreg [dreg:$0x1];
	p0 =	sne.s32 s2, $0x0  }
0xdd: {  	s3 =	rddreg [dreg:$0x2];
	[bflag:$0x3] =	sbarrier.arrive $0xFFFF;
	s2 =	simm.s32 @!p0 $0x1C08  }
0xde: {  	[timem:s3], [sflag:s2] =	dma.local @!p0 [hbm:s0], s1  }
0xdf: {  	s0 =	simm.s32 @!p0 $0x8  }
0xe0: {  	_ =	swait.ge @!p0 [sflag:s0], s1  }
0xe1: {  	s1 =	ssub.s32 @!p0 $0x0, s1;
	[sflag:s0] =	ssyncset.done @!p0 $0x0  }
0xe2: {  	[sflag:s0] =	ssyncadd.s32 @!p0 s1  }
0xe3: {  	[bflag:$0x3] =	sbarrier.arrive $0xFFFF  }
0xe4: {  	_ =	shalt  }

// kernel: kernel.27.cloned.1.call-start
scs
__scs_entry_jumppad:
0x0: {  	(pc) =	sbr.rel $0x88, $3  }
0x1: {  	(tag) =	ssettag $0x0;
	lr =	simm.s32 $0x1  }
0x2: {  	[smem:$0x3F92] =	sst lr;
	_ =	strace $0xD0000000  }
0x3: {  	_ = 	snop  }
0x4: {  	_ = 	snop  }
0x5: {  	_ = 	snop  }
0x6: {  	_ = 	snop  }
0x7: {  	_ = 	snop  }
__scs_overlays_trampoline_lowered:
0x8: {  	[smem:$0x3FA1] =	sst s0  }
0x9: {  	[smem:$0x3FA2] =	sst s1  }
0xa: {  	[smem:$0x3FA3] =	sst s2  }
0xb: {  	[smem:$0x3FA4] =	sst s3  }
0xc: {  	[smem:$0x3FA5] =	sst s4  }
0xd: {  	[smem:$0x3FA6] =	sst s5  }
0xe: {  	[smem:$0x3FA7] =	sst s6  }
0xf: {  	[smem:$0x3FA8] =	sst s7  }
0x10: {  	[smem:$0x3FA9] =	sst s8  }
0x11: {  	[smem:$0x3FAA] =	sst s9;
	s0 =	simm.s32 @!p0 $0x0  }
0x12: {  	s1 =	sld [smem:$0x3F90];
	s0 =	simm.s32 @p0 $0x1  }
0x13: {  	[smem:$0x3FAB] =	sst s0;
	s0 =	simm.s32 @!p1 $0x0  }
0x14: {  	s2 =	sld [smem:$0x3F8F];
	s0 =	simm.s32 @p1 $0x1  }
0x15: {  	[smem:$0x3FAC] =	sst s0;
	s0 =	simm.s32 @!p2 $0x0  }
0x16: {  	s3 =	sld [smem:$0x3FDB];
	s0 =	simm.s32 @p2 $0x1  }
0x17: {  	s4 =	simm.s32 $0x1BF5;
	[smem:$0x3FAE] =	sst s0  }
0x18: {  	s0 =	sld [smem:$0x3F91];
	_ =	swait.ge [sflag:s4], $0x0  }
0x19: {  	s7 =	sld [smem:$0x3F92]  }
0x1a: {  	s8 =	sadd.s32 $0xFFFFE003, lr  }
0x1b: {  	s9 =	sadd.s32 $0xFFFFFEF7, lr;
	s5 =	simm.s32 $0xFFFFFFFF;
	p2 =	slt.u32 s8, $0xFFFFF086  }
0x1c: {  	p1 =	slt.u32 s9, $0xF7A;
	s5 =	simm.s32 @!p2 $0x0  }
0x1d: {  	s5 =	simm.s32 @p1 $0x1;
	p0 =	seq.s32 s7, s2  }
0x1e: {  	s7 =	smul.u32 @!p0 $0xF7A, s2;
	p2 =	seq.s32 @!p0 s5, $0x0  }
0x1f: {  	s9 =	smul.u32 $0xF7A, s1;
	s8 =	simm.s32 @!p0 $0x1BF5;
	p2 =	por !p2, p0  }
0x20: {  	[sflag:s8] =	ssyncset.s32 @!p0 $0xFFFFF086;
	s6 =	sadd.s32 @!p0 s3, s7;
	s7 =	simm.s32 @!p0 $0x108  }
0x21: {  	s3 =	sadd.s32 s3, s9;
	s6 =	sadd.s32 @!p0 $0x88, s6;
	s7 =	simm.s32 @p2 $0x1082  }
0x22: {  	[simem:s7], [sflag:s8] =	dma.local @!p0 [hbm:s6], $0xF7A  }
0x23: {  	s9 =	sor.u32 $0xD0000000, s2;
	s6 =	simm.s32 $0x108;
	_ =	swait.ge @!p0 [sflag:s8], $0x0  }
0x24: {  	s3 =	sadd.s32 $0x88, s3;
	s6 =	simm.s32 @!p1 $0x1082;
	[sflag:s4] =	ssyncset.s32 $0xFFFFF086  }
0x25: {  	[simem:s6], [sflag:s4] =	dma.local [hbm:s3], $0xF7A  }
0x26: {  	[smem:$0x3F92] =	sst s1;
	(tag) =	ssettag s2;
	_ =	strace s9  }
0x27: {  	s1 =	sld [smem:$0x3FA2]  }
0x28: {  	s2 =	sld [smem:$0x3FA3]  }
0x29: {  	s4 =	sld [smem:$0x3FA5]  }
0x2a: {  	p0 =	seq.s32 s5, $0x0;
	s5 =	sld [smem:$0x3FA6]  }
0x2b: {  	s6 =	sld [smem:$0x3FA7]  }
0x2c: {  	s7 =	sld [smem:$0x3FA8]  }
0x2d: {  	s3 =	simm.s32 $0x108;
	s8 =	sld [smem:$0x3FA9]  }
0x2e: {  	s3 =	simm.s32 @!p0 $0x1082;
	s9 =	sld [smem:$0x3FAA]  }
0x2f: {  	lr =	sadd.s32 s0, s3;
	s0 =	sld [smem:$0x3FA1]  }
0x30: {  	s3 =	sld [smem:$0x3FA4]  }
0x31: {  	[smem:$0x3FAD] =	sst s10  }
0x32: {  	s10 =	sld [smem:$0x3FAB];
	_ =	sdelay $0x3  }
0x33: {  	p0 =	seq.s32 s10, $0x1;
	s10 =	sld [smem:$0x3FAD];
	_ =	sdelay $0x3  }
0x34: {  	[smem:$0x3FAD] =	sst s10  }
0x35: {  	s10 =	sld [smem:$0x3FAC];
	_ =	sdelay $0x3  }
0x36: {  	p1 =	seq.s32 s10, $0x1;
	s10 =	sld [smem:$0x3FAD];
	_ =	sdelay $0x3  }
0x37: {  	[smem:$0x3FAD] =	sst s10  }
0x38: {  	s10 =	sld [smem:$0x3FAE]  }
0x39: {  	_ = 	snop;
	(pc) =	sbr.ind lr, $3  }
0x3a: {  	_ = 	snop  }
0x3b: {  	_ = 	snop  }
0x3c: {  	p2 =	seq.s32 s10, $0x1;
	s10 =	sld [smem:$0x3FAD]  }
0x3d: {  	_ =	shalt  }
0x3e: {  	_ =	shalt  }
0x3f: {  	_ =	shalt  }
0x40: {  	_ =	shalt  }
0x41: {  	_ =	shalt  }
0x42: {  	_ =	shalt  }
0x43: {  	_ =	shalt  }
0x44: {  	_ =	shalt  }
0x45: {  	_ =	shalt  }
0x46: {  	_ =	shalt  }
0x47: {  	_ =	shalt  }
0x48: {  	_ =	shalt  }
0x49: {  	_ =	shalt  }
0x4a: {  	_ =	shalt  }
0x4b: {  	_ =	shalt  }
0x4c: {  	_ =	shalt  }
0x4d: {  	_ =	shalt  }
0x4e: {  	_ =	shalt  }
0x4f: {  	_ =	shalt  }
0x50: {  	_ =	shalt  }
0x51: {  	_ =	shalt  }
0x52: {  	_ =	shalt  }
0x53: {  	_ =	shalt  }
0x54: {  	_ =	shalt  }
0x55: {  	_ =	shalt  }
0x56: {  	_ =	shalt  }
0x57: {  	_ =	shalt  }
0x58: {  	_ =	shalt  }
0x59: {  	_ =	shalt  }
0x5a: {  	_ =	shalt  }
0x5b: {  	_ =	shalt  }
0x5c: {  	_ =	shalt  }
0x5d: {  	_ =	shalt  }
0x5e: {  	_ =	shalt  }
0x5f: {  	_ =	shalt  }
0x60: {  	_ =	shalt  }
0x61: {  	_ =	shalt  }
0x62: {  	_ =	shalt  }
0x63: {  	_ =	shalt  }
0x64: {  	_ =	shalt  }
0x65: {  	_ =	shalt  }
0x66: {  	_ =	shalt  }
0x67: {  	_ =	shalt  }
0x68: {  	_ =	shalt  }
0x69: {  	_ =	shalt  }
0x6a: {  	_ =	shalt  }
0x6b: {  	_ =	shalt  }
0x6c: {  	_ =	shalt  }
0x6d: {  	_ =	shalt  }
0x6e: {  	_ =	shalt  }
0x6f: {  	_ =	shalt  }
0x70: {  	_ =	shalt  }
0x71: {  	_ =	shalt  }
0x72: {  	_ =	shalt  }
0x73: {  	_ =	shalt  }
0x74: {  	_ =	shalt  }
0x75: {  	_ =	shalt  }
0x76: {  	_ =	shalt  }
0x77: {  	_ =	shalt  }
0x78: {  	_ =	shalt  }
0x79: {  	_ =	shalt  }
0x7a: {  	_ =	shalt  }
0x7b: {  	_ =	shalt  }
0x7c: {  	_ =	shalt  }
0x7d: {  	_ =	shalt  }
0x7e: {  	_ =	shalt  }
0x7f: {  	_ =	shalt  }
0x80: {  	_ =	shalt  }
0x81: {  	_ =	shalt  }
0x82: {  	_ =	shalt  }
0x83: {  	_ =	shalt  }
0x84: {  	_ =	shalt  }
0x85: {  	_ =	shalt  }
0x86: {  	_ =	shalt  }
0x87: {  	_ =	shalt  }
.Lfunc_end0:
.L_simem_size_0:
called_computation.4_lowered:
.L_overlay_start_0:
0x88: {  	s2 =	sld [smem:$0x3FD9]  }
0x89: {  	s3 =	sld [smem:$0x3FFE];
	_ =	sdelay $0x1  }
0x8a: {  	s1 =	srdreg.scid  }
0x8b: {  	s0 =	sand.u32 $0x1, s1  }
0x8c: {  	s16 =	sshll.u32 s0, $0xA;
	s2 =	sadd.s32 s3, s2  }
0x8d: {  	s2 =	sadd.s32 s2, s16  }
0x8e: {  	[smem:$0x3FB9] =	sst s2  }
0x8f: {  	_ = 	snop  }
0x90: {  	(tm) =	ssettm $0x1  }
0x91: {  	s17 =	sld [smem:$0x3FFB];
	_ =	sdelay $0x3  }
0x92: {  	_ =	strace s17  }
0x93: {  	s2 =	sld [smem:$0x3FFC];
	_ =	sdelay $0x3  }
0x94: {  	_ =	strace s2  }
0x95: {  	s2 =	sld [smem:$0x3FFD];
	_ =	sdelay $0x3  }
0x96: {  	_ =	strace s2  }
0x97: {  	_ =	strace $0x8FFFFFFF  }
0x98: {  	s18 =	sld [smem:$0x3FDB];
	_ =	sdelay $0x1  }
0x99: {  	s19 =	simm.s32 $_scs_section_size  }
0x9a: {  	s4 =	simm.s32 $_size__tile_overlayer_lowered;
	s5 =	simm.s32 $_tile_overlayer_lowered  }
0x9b: {  	s22 =	simm.s32 $0x1BFF;
	s21 =	sshll.u32 s5, $0x1;
	s2 =	sadd.s32 s19, s18  }
0x9c: {  	s6 =	simm.s32 $0x0;
	s20 =	sshll.u32 s4, $0x1;
	s4 =	sadd.s32 s21, s2  }
0x9d: {  	[timem:s6], [sflag:s22] =	dma.local [hbm:s4], s20  }
0x9e: {  	_ =	swait.ge [sflag:s22], s20  }
0x9f: {  	s3 =	ssub.s32 $0x0, s20;
	[sflag:s22] =	ssyncset.done $0x0  }
0xa0: {  	[sflag:s22] =	ssyncadd.s32 s3;
	_ =	sdelay $0x1  }
0xa1: {  	s23 =	simm.s32 $0x1B8B  }
0xa2: {  	_ =	swait.ge [sflag:s23], $0x1  }
0xa3: {  	[sflag:s23] =	ssyncset.done $0x0  }
0xa4: {  	s25 =	simm.s32 $0x1B8E;
	s24 =	sld [smem:$0x3FFE];
	[sflag:s23] =	ssyncadd.s32 $0xFFFFFFFF  }
0xa5: {  	s26 =	simm.s32 $execute0_lowered;
	[smem:$0x3FD2] =	sst s25  }
0xa6: {  	s4 =	sshll.u32 s26, $0x1;
	_ =	strace $0x80000052;
	[dreg:$0x1] =	wrdreg $0xFFFFFFFF  }
0xa7: {  	s28 =	simm.s32 $_size_execute0_lowered;
	s2 =	sadd.s32 s2, s4;
	[dreg:$0x0] =	wrdreg $0x0  }
0xa8: {  	s4 =	sshll.u32 s28, $0x1;
	[dreg:$0x2] =	wrdreg s2  }
0xa9: {  	[dreg:$0x3] =	wrdreg s4  }
0xaa: {  	[dreg:$0x4] =	wrdreg $0xC0  }
0xab: {  	_ =	task [dreg:s6], $0x5FFFF  }
0xac: {  	[dreg:$0x1] =	wrdreg $0xFFFFFFFF  }
0xad: {  	[dreg:$0x0] =	wrdreg $0x60  }
0xae: {  	[dreg:$0x2] =	wrdreg s24  }
0xaf: {  	[dreg:$0x3] =	wrdreg $0x0  }
0xb0: {  	[dreg:$0x4] =	wrdreg $0x9  }
0xb1: {  	_ =	task.clear_ibuf [dreg:s6], $0x5FFFF;
	_ =	strace $0x90000052  }
0xb2: {  	s29 =	simm.s32 $0x9;
	_ =	strace $0x80000054  }
0xb3: {  	_ =	swait.ge [sflag:s29], $0x1  }
0xb4: {  	[sflag:s29] =	ssyncadd.s32 $0xFFFFFFFF  }
0xb5: {  	_ =	strace $0x90000054  }
0xb6: {  	_ =	sfence  }
0xb7: {  	s30 =	sld [smem:$0x0];
	_ =	sdelay $0x2  }
0xb8: {  	s31 =	sshll.u32 s1, $0xD;
	s1 =	sshrl.u32 s1, $0x2  }
0xb9: {  	s3 =	sand.u32 $0x4000, s31;
	s1 =	sadd.s32 s1, s30  }
0xba: {  	s0 =	sor.u32 s3, s0;
	s1 =	sshll.u32 s1, $0x11  }
0xbb: {  	s0 =	sor.u32 s1, s0  }
0xbc: {  	s0 =	sadd.s32 $0x8F2B, s0  }
0xbd: {  	[sflag:s0] =	ssyncadd.remote.s32 $0x1  }
0xbe: {  	_ =	sfence.sel $0xFFFF  }
0xbf: {  	[dreg:$0x0] =	wrdreg $0xFFFFFFFF;
	(pc) =	sbr.abs _section_cstart, $3  }
0xc0: {  	[dreg:$0x1] =	wrdreg $0xFFFFFFFF  }
0xc1: {  	_ =	task.clear_ibuf [dreg:s6], $0x2FFFF;
	_ =	strace $0x9FFFFFFF  }
0xc2: {  	(tm) =	ssettm $0x7FFFFFFF  }
0xc3: {  	_ =	shalt  }
tec
execute0_lowered:
.L_overlay_start_1:
0x0: {  	(tag) =	ssettag $0x1  }
0x1: {  	s0 =	rddreg [dreg:$0x0];
	s1 =	srdreg.scid  }
0x2: {  	s12 =	stileid.u32;
	s2 =	rddreg [dreg:$0x1]  }
0x3: {  	s3 =	simm.s32 $0x0;
	s1 =	sand.u32 $0x1, s1;
	s4 =	sshll.u32 s12, $0x1  }
0x4: {  	[smem:$0x7FF] =	sst s3;
	s8 =	smul.u32 $0x50000, s12;
	s10 =	sadd.s32 $0x18800, s0  }
0x5: {  	s4 =	sor.u32 s1, s4;
	_ =	strace $0x80000053;
	s7 =	ssub.s32 $0x2, s1  }
0x6: {  	s5 =	smul.u32 $0x500, s4;
	s11 =	sshrl.u32 s7, $0x1;
	s24 =	sshrl.u32 s8, $0x2  }
0x7: {  	s6 =	smul.u32 $0x28000, s1;
	s23 =	ssub.s32 s7, s11;
	s7 =	sadd.s32 s24, s2  }
0x8: {  	s4 =	sadd.s32 $0x22800, s0;
	s9 =	sadd.s32 s5, s0;
	s26 =	sadd.s32 $0x1000, s7  }
0x9: {  	s0 =	sadd.s32 s6, s0;
	s6 =	smax.u32 s23, $0x1;
	[dreg:$0x5] =	wrdreg s26  }
0xa: {  	s28 =	smul.u32 $0x2800, s12;
	s11 =	sadd.s32 $0x3000, s7;
	[dreg:$0x6] =	wrdreg s6  }
0xb: {  	s17 =	smul.u32 $0xA00, s12;
	s13 =	sadd.s32 $0x4000, s7;
	[dreg:$0x8] =	wrdreg s11  }
0xc: {  	s12 =	simm.s32 $0x17A00;
	s14 =	sadd.s32 $0x5000, s7;
	[dreg:$0x9] =	wrdreg s13  }
0xd: {  	s1 =	smul.u32 $0x500, s1;
	s15 =	sadd.s32 $0x6000, s7;
	[dreg:$0xa] =	wrdreg s14  }
0xe: {  	s8 =	sadd.s32 s10, s5;
	s16 =	sadd.s32 $0x7000, s7;
	[dreg:$0xb] =	wrdreg s15  }
0xf: {  	s18 =	sadd.s32 $0x8000, s7;
	s19 =	sadd.s32 $0x9000, s7;
	[dreg:$0xc] =	wrdreg s16  }
0x10: {  	s20 =	sadd.s32 $0xA000, s7;
	s21 =	sadd.s32 $0xB000, s7;
	[dreg:$0xd] =	wrdreg s18  }
0x11: {  	s22 =	sadd.s32 $0xC000, s7;
	s23 =	sadd.s32 $0xD000, s7;
	[dreg:$0xe] =	wrdreg s19  }
0x12: {  	s24 =	sadd.s32 $0xE000, s7;
	s29 =	sadd.s32 $0x11000, s7;
	[dreg:$0xf] =	wrdreg s20  }
0x13: {  	s30 =	sadd.s32 $0x12000, s7;
	s31 =	sadd.s32 $0x13000, s7;
	[dreg:$0x10] =	wrdreg s21  }
0x14: {  	s25 =	sadd.s32 $0xE800, s9;
	s5 =	sadd.s32 $0x10, s8;
	[dreg:$0x11] =	wrdreg s22  }
0x15: {  	s0 =	sadd.s32 $0x4A800, s0;
	s9 =	sadd.s32 $0x2000, s7;
	[dreg:$0x12] =	wrdreg s23  }
0x16: {  	s6 =	sadd.s32 s17, s10;
	[dreg:$0x14] =	wrdreg s24;
	s26 =	sadd.s32 $0xF000, s7  }
0x17: {  	s24 =	smov.u32 s8;
	s10 =	simm.s32 $0x17880;
	s11 =	simm.s32 $0x7D  }
0x18: {  	s13 =	simm.s32 $0x14000;
	s14 =	simm.s32 $0x7;
	s15 =	simm.s32 $0x5  }
0x19: {  	s16 =	simm.s32 $0x1BA00;
	s17 =	simm.s32 $0x1;
	s18 =	simm.s32 $0x6  }
0x1a: {  	s19 =	simm.s32 $0x3;
	s20 =	simm.s32 $0x2;
	[dreg:$0x3] =	wrdreg s25  }
0x1b: {  	s21 =	simm.s32 $0x4;
	s22 =	simm.s32 $0x0;
	[dreg:$0x4] =	wrdreg s5  }
.Ltmp0:
0x1c: {  	[dreg:$0x7] =	wrdreg s9;
	s1 =	sadd.s32 s1, s6;
	(pc) =	sbr.rel .LBB2_1-.Ltmp0, $4  }
0x1d: {  	s0 =	sadd.s32 s28, s0;
	[dreg:$0x16] =	wrdreg s26;
	s28 =	sadd.s32 $0x10000, s7  }
0x1e: {  	s5 =	simm.s32 $0x15000;
	s9 =	simm.s32 $0x17800;
	[dreg:$0x13] =	wrdreg s0  }
0x1f: {  	s25 =	sadd.s32 $0x40, s1;
	[dreg:$0x17] =	wrdreg s28;
	s1 =	sadd.s32 $0x20, s8  }
0x20: {  	v0 =	vimm.f32 $0.0e+00;
	s0 =	sadd.s32 $0x30, s8;
	s8 =	simm.s32 $0x8;
	[dreg:$0x15] =	wrdreg s25  }
.LBB2_6:
0x21: {  	_ =	swait.ge [sflag:s20], $0x3E80  }
0x22: {  	[sflag:s20] =	ssyncset.done $0x0  }
0x23: {  	[sflag:s20] =	ssyncadd.s32 $0xFFFFC180  }
0x24: {  	[spmem:s2] =	stream.indirect.scatter.add.f32 [tilespmem:s16], [sflag:$0x4], $0x80, s26, s11, $0xb8;
	[tilespmem:$0x1FA00] =	vst v63  }
0x25: {  	_ =	swait.ge [sflag:s21], $0x3E80  }
0x26: {  	[sflag:s21] =	ssyncset.done $0x0  }
0x27: {  	s6 =	stileid.u32;
	[sflag:s21] =	ssyncadd.s32 $0xFFFFC180  }
0x28: {  	s6 =	sshll.u32 s6, $0x6;
	[bflag:$0x0] =	sbarrier.arrive $0xFFFF  }
0x29: {  	s23 =	sshrl.u32 s7, $0x3;
	s6 =	sor.u32 $0x1C08, s6;
	s25 =	rddreg [dreg:$0x13]  }
0x2a: {  	[hbm:s25], [sflag:s6] =	dma.local [spmem:s23], $0x2800  }
0x2b: {  	_ =	swait.ge [sflag:s8], $0x2800  }
0x2c: {  	s22 =	sadd.s32 $0x1, s22;
	s28 =	rddreg [dreg:$0x6]  }
0x2d: {  	p0 =	sne.s32 s22, s28  }
.Ltmp1:
0x2e: {  	_ = 	snop;
	(pc) =	sbr.rel @!p0 .LBB2_7-.Ltmp1, $3  }
0x2f: {  	_ =	sdelay $0x1  }
0x30: {  	[sflag:s8] =	ssyncset.done $0x0  }
0x31: {  	[sflag:s8] =	ssyncadd.s32 $0xFFFFD800  }
.LBB2_1:
0x32: {  	s6 =	rddreg [dreg:$0x3]  }
0x33: {  	[tilespmem:s5], [sflag:$0x8] =	stream.linear.gather [hbm4b:s6+s3], $0x2800, $0x38;
	[tilespmem:$0x1FA00] =	vst v63  }
0x34: {  	_ =	swait.ge [sflag:s8], $0x2800  }
0x35: {  	[sflag:s8] =	ssyncset.done $0x0  }
0x36: {  	[sflag:s8] =	ssyncadd.s32 $0xFFFFD800  }
0x37: {  	[tilespmem:s9], [sflag:$0x5] =	stream.linear.gather [hbm4b:s24+s3], $0x80, $0x38;
	[tilespmem:$0x1FA00] =	vst v63  }
0x38: {  	s28 =	rddreg [dreg:$0x4]  }
0x39: {  	[tilespmem:s10], [sflag:$0x6] =	stream.linear.gather [hbm4b:s28+s3], $0x80, $0x38;
	[tilespmem:$0x1FA00] =	vst v63  }
0x3a: {  	s23 =	simm.s32 $0x200;
	s6 =	simm.s32 $0x0  }
0x3b: {  	[tilespmem:s12], [sflag:$0x1] =	stream.indirect.gather [hbm4b:s4+s11], $0x80, s5, s11, $0xb8;
	[tilespmem:$0x1FA00] =	vst v63  }
.LBB2_2:
0x3c: {  	p0 =	sne.s32 s23, $0x3E00;
	[tilespmem:s6+$0x14070] =	vst v0  }
0x3d: {  	[tilespmem:s6+$0x14000] =	vst v0  }
0x3e: {  	[tilespmem:s6+$0x14010] =	vst v0  }
.Ltmp2:
0x3f: {  	[tilespmem:s6+$0x14020] =	vst v0;
	(pc) =	sbr.rel @p0 .LBB2_2-.Ltmp2, $4  }
0x40: {  	[tilespmem:s6+$0x14030] =	vst v0  }
0x41: {  	[tilespmem:s6+$0x14040] =	vst v0  }
0x42: {  	[tilespmem:s6+$0x14050] =	vst v0  }
0x43: {  	[tilespmem:s6+$0x14060] =	vst v0;
	s6 =	sshra.s32 s23, $0x2;
	s23 =	sadd.s32 $0x200, s23  }
0x44: {  	[tilespmem:s6+$0x14070] =	vst v0  }
0x45: {  	[tilespmem:s6+$0x14000] =	vst v0  }
0x46: {  	[tilespmem:s6+$0x14010] =	vst v0  }
0x47: {  	[tilespmem:s6+$0x14020] =	vst v0  }
0x48: {  	[tilespmem:s6+$0x14030] =	vst v0  }
0x49: {  	[tilespmem:s6+$0x14040] =	vst v0  }
0x4a: {  	[tilespmem:s6+$0x14050] =	vst v0  }
0x4b: {  	[tilespmem:s6+$0x14060] =	vst v0  }
0x4c: {  	[spmem:s7] =	stream.linear.scatter [tilespmem:s13], [sflag:$0x7], $0x1000, $0x38;
	[tilespmem:$0x1FA00] =	vst v63  }
0x4d: {  	s23 =	rddreg [dreg:$0x5]  }
0x4e: {  	[spmem:s23] =	stream.linear.scatter [tilespmem:s13], [sflag:$0x7], $0x1000, $0x38;
	[tilespmem:$0x1FA00] =	vst v63  }
0x4f: {  	_ =	swait.ge [sflag:s14], $0x1000  }
0x50: {  	[sflag:s14] =	ssyncset.done $0x0  }
0x51: {  	s25 =	rddreg [dreg:$0x7];
	[sflag:s14] =	ssyncadd.s32 $0xFFFFF000  }
0x52: {  	[spmem:s25] =	stream.linear.scatter [tilespmem:s13], [sflag:$0x7], $0x1000, $0x38;
	[tilespmem:$0x1FA00] =	vst v63  }
0x53: {  	_ =	swait.ge [sflag:s14], $0x1000  }
0x54: {  	[sflag:s14] =	ssyncset.done $0x0  }
0x55: {  	s26 =	rddreg [dreg:$0x8];
	[sflag:s14] =	ssyncadd.s32 $0xFFFFF000  }
0x56: {  	[spmem:s26] =	stream.linear.scatter [tilespmem:s13], [sflag:$0x7], $0x1000, $0x38;
	[tilespmem:$0x1FA00] =	vst v63  }
0x57: {  	_ =	swait.ge [sflag:s14], $0x1000  }
0x58: {  	[sflag:s14] =	ssyncset.done $0x0  }
0x59: {  	s28 =	rddreg [dreg:$0x9];
	[sflag:s14] =	ssyncadd.s32 $0xFFFFF000  }
0x5a: {  	[spmem:s28] =	stream.linear.scatter [tilespmem:s13], [sflag:$0x7], $0x1000, $0x38;
	[tilespmem:$0x1FA00] =	vst v63  }
0x5b: {  	_ =	swait.ge [sflag:s14], $0x1000  }
0x5c: {  	[sflag:s14] =	ssyncset.done $0x0  }
0x5d: {  	s23 =	rddreg [dreg:$0xa];
	[sflag:s14] =	ssyncadd.s32 $0xFFFFF000  }
0x5e: {  	[spmem:s23] =	stream.linear.scatter [tilespmem:s13], [sflag:$0x7], $0x1000, $0x38;
	[tilespmem:$0x1FA00] =	vst v63  }
0x5f: {  	_ =	swait.ge [sflag:s14], $0x1000  }
0x60: {  	[sflag:s14] =	ssyncset.done $0x0  }
0x61: {  	s25 =	rddreg [dreg:$0xb];
	[sflag:s14] =	ssyncadd.s32 $0xFFFFF000  }
0x62: {  	[spmem:s25] =	stream.linear.scatter [tilespmem:s13], [sflag:$0x7], $0x1000, $0x38;
	[tilespmem:$0x1FA00] =	vst v63  }
0x63: {  	_ =	swait.ge [sflag:s14], $0x1000  }
0x64: {  	[sflag:s14] =	ssyncset.done $0x0  }
0x65: {  	s26 =	rddreg [dreg:$0xc];
	[sflag:s14] =	ssyncadd.s32 $0xFFFFF000  }
0x66: {  	[spmem:s26] =	stream.linear.scatter [tilespmem:s13], [sflag:$0x7], $0x1000, $0x38;
	[tilespmem:$0x1FA00] =	vst v63  }
0x67: {  	_ =	swait.ge [sflag:s14], $0x1000  }
0x68: {  	[sflag:s14] =	ssyncset.done $0x0  }
0x69: {  	s28 =	rddreg [dreg:$0xd];
	[sflag:s14] =	ssyncadd.s32 $0xFFFFF000  }
0x6a: {  	[spmem:s28] =	stream.linear.scatter [tilespmem:s13], [sflag:$0x7], $0x1000, $0x38;
	[tilespmem:$0x1FA00] =	vst v63  }
0x6b: {  	_ =	swait.ge [sflag:s14], $0x1000  }
0x6c: {  	[sflag:s14] =	ssyncset.done $0x0  }
0x6d: {  	s23 =	rddreg [dreg:$0xe];
	[sflag:s14] =	ssyncadd.s32 $0xFFFFF000  }
0x6e: {  	[spmem:s23] =	stream.linear.scatter [tilespmem:s13], [sflag:$0x7], $0x1000, $0x38;
	[tilespmem:$0x1FA00] =	vst v63  }
0x6f: {  	_ =	swait.ge [sflag:s14], $0x1000  }
0x70: {  	[sflag:s14] =	ssyncset.done $0x0  }
0x71: {  	s25 =	rddreg [dreg:$0xf];
	[sflag:s14] =	ssyncadd.s32 $0xFFFFF000  }
0x72: {  	[spmem:s25] =	stream.linear.scatter [tilespmem:s13], [sflag:$0x7], $0x1000, $0x38;
	[tilespmem:$0x1FA00] =	vst v63  }
0x73: {  	_ =	swait.ge [sflag:s14], $0x1000  }
0x74: {  	[sflag:s14] =	ssyncset.done $0x0  }
0x75: {  	s26 =	rddreg [dreg:$0x10];
	[sflag:s14] =	ssyncadd.s32 $0xFFFFF000  }
0x76: {  	[spmem:s26] =	stream.linear.scatter [tilespmem:s13], [sflag:$0x7], $0x1000, $0x38;
	[tilespmem:$0x1FA00] =	vst v63  }
0x77: {  	_ =	swait.ge [sflag:s14], $0x1000  }
0x78: {  	[sflag:s14] =	ssyncset.done $0x0  }
0x79: {  	s28 =	rddreg [dreg:$0x11];
	[sflag:s14] =	ssyncadd.s32 $0xFFFFF000  }
0x7a: {  	[spmem:s28] =	stream.linear.scatter [tilespmem:s13], [sflag:$0x7], $0x1000, $0x38;
	[tilespmem:$0x1FA00] =	vst v63  }
0x7b: {  	_ =	swait.ge [sflag:s14], $0x1000  }
0x7c: {  	[sflag:s14] =	ssyncset.done $0x0  }
0x7d: {  	s23 =	rddreg [dreg:$0x12];
	[sflag:s14] =	ssyncadd.s32 $0xFFFFF000  }
0x7e: {  	[spmem:s23] =	stream.linear.scatter [tilespmem:s13], [sflag:$0x7], $0x1000, $0x38;
	[tilespmem:$0x1FA00] =	vst v63  }
0x7f: {  	_ =	swait.ge [sflag:s14], $0x1000  }
0x80: {  	[sflag:s14] =	ssyncset.done $0x0  }
0x81: {  	s25 =	rddreg [dreg:$0x14];
	[sflag:s14] =	ssyncadd.s32 $0xFFFFF000  }
0x82: {  	[spmem:s25] =	stream.linear.scatter [tilespmem:s13], [sflag:$0x7], $0x1000, $0x38;
	[tilespmem:$0x1FA00] =	vst v63  }
0x83: {  	_ =	swait.ge [sflag:s14], $0x1000  }
0x84: {  	[sflag:s14] =	ssyncset.done $0x0  }
0x85: {  	s26 =	rddreg [dreg:$0x16];
	[sflag:s14] =	ssyncadd.s32 $0xFFFFF000  }
0x86: {  	[spmem:s26] =	stream.linear.scatter [tilespmem:s13], [sflag:$0x7], $0x1000, $0x38;
	[tilespmem:$0x1FA00] =	vst v63  }
0x87: {  	_ =	swait.ge [sflag:s14], $0x1000  }
0x88: {  	[sflag:s14] =	ssyncset.done $0x0  }
0x89: {  	s28 =	rddreg [dreg:$0x17];
	[sflag:s14] =	ssyncadd.s32 $0xFFFFF000  }
0x8a: {  	[spmem:s28] =	stream.linear.scatter [tilespmem:s13], [sflag:$0x7], $0x1000, $0x38;
	[tilespmem:$0x1FA00] =	vst v63  }
0x8b: {  	_ =	swait.ge [sflag:s14], $0x1000  }
0x8c: {  	[sflag:s14] =	ssyncset.done $0x0  }
0x8d: {  	[sflag:s14] =	ssyncadd.s32 $0xFFFFF000  }
0x8e: {  	[spmem:s29] =	stream.linear.scatter [tilespmem:s13], [sflag:$0x7], $0x1000, $0x38;
	[tilespmem:$0x1FA00] =	vst v63  }
0x8f: {  	_ =	swait.ge [sflag:s14], $0x1000  }
0x90: {  	[sflag:s14] =	ssyncset.done $0x0  }
0x91: {  	[sflag:s14] =	ssyncadd.s32 $0xFFFFF000  }
0x92: {  	[spmem:s30] =	stream.linear.scatter [tilespmem:s13], [sflag:$0x7], $0x1000, $0x38;
	[tilespmem:$0x1FA00] =	vst v63  }
0x93: {  	_ =	swait.ge [sflag:s14], $0x1000  }
0x94: {  	[sflag:s14] =	ssyncset.done $0x0  }
0x95: {  	[sflag:s14] =	ssyncadd.s32 $0xFFFFF000  }
0x96: {  	[spmem:s31] =	stream.linear.scatter [tilespmem:s13], [sflag:$0x7], $0x1000, $0x38;
	[tilespmem:$0x1FA00] =	vst v63  }
0x97: {  	_ =	swait.ge [sflag:s14], $0x1000  }
0x98: {  	[sflag:s14] =	ssyncset.done $0x0  }
0x99: {  	[sflag:s14] =	ssyncadd.s32 $0xFFFFF000  }
0x9a: {  	_ =	swait.ge [sflag:s14], $0x1000  }
0x9b: {  	[sflag:s14] =	ssyncset.done $0x0  }
0x9c: {  	[sflag:s14] =	ssyncadd.s32 $0xFFFFF000  }
0x9d: {  	[bflag:$0x0] =	sbarrier.arrive $0xFFFF  }
0x9e: {  	_ =	swait.ge [sflag:s15], $0x80  }
0x9f: {  	[sflag:s15] =	ssyncset.done $0x0  }
0xa0: {  	s23 =	simm.s32 $0x15080;
	[sflag:s15] =	ssyncadd.s32 $0xFFFFFF80  }
0xa1: {  	[tilespmem:s16], [sflag:$0x2] =	stream.indirect.gather [hbm4b:s4+s11], $0x80, s23, s11, $0xb8;
	[tilespmem:$0x1FA00] =	vst v63  }
0xa2: {  	_ =	swait.ge [sflag:s17], $0x3E80  }
0xa3: {  	[sflag:s17] =	ssyncset.done $0x0  }
0xa4: {  	[sflag:s17] =	ssyncadd.s32 $0xFFFFC180  }
0xa5: {  	[spmem:s2] =	stream.indirect.scatter.add.f32 [tilespmem:s12], [sflag:$0x3], $0x80, s9, s11, $0xb8;
	[tilespmem:$0x1FA00] =	vst v63  }
0xa6: {  	s25 =	simm.s32 $0x17900  }
0xa7: {  	[tilespmem:s25], [sflag:$0x5] =	stream.linear.gather [hbm4b:s1+s3], $0x80, $0x38;
	[tilespmem:$0x1FA00] =	vst v63  }
0xa8: {  	_ =	swait.ge [sflag:s18], $0x80  }
0xa9: {  	[sflag:s18] =	ssyncset.done $0x0  }
0xaa: {  	[sflag:s18] =	ssyncadd.s32 $0xFFFFFF80  }
0xab: {  	_ =	swait.ge [sflag:s19], $0x3E80  }
0xac: {  	[sflag:s19] =	ssyncset.done $0x0  }
0xad: {  	s26 =	simm.s32 $0x15100;
	[sflag:s19] =	ssyncadd.s32 $0xFFFFC180  }
0xae: {  	[tilespmem:s12], [sflag:$0x1] =	stream.indirect.gather [hbm4b:s4+s11], $0x80, s26, s11, $0xb8;
	[tilespmem:$0x1FA00] =	vst v63  }
0xaf: {  	_ =	swait.ge [sflag:s20], $0x3E80  }
0xb0: {  	[sflag:s20] =	ssyncset.done $0x0  }
0xb1: {  	[sflag:s20] =	ssyncadd.s32 $0xFFFFC180  }
0xb2: {  	[spmem:s2] =	stream.indirect.scatter.add.f32 [tilespmem:s16], [sflag:$0x4], $0x80, s10, s11, $0xb8;
	[tilespmem:$0x1FA00] =	vst v63  }
0xb3: {  	s28 =	simm.s32 $0x17980;
	s23 =	simm.s32 $0xA00;
	s25 =	rddreg [dreg:$0x15]  }
0xb4: {  	[tilespmem:s28], [sflag:$0x6] =	stream.linear.gather [hbm4b:s0+s3], $0x80, $0x38;
	[tilespmem:$0x1FA00] =	vst v63  }
.LBB2_4:
0xb5: {  	_ =	swait.ge [sflag:s15], $0x80  }
0xb6: {  	[sflag:s15] =	ssyncset.done $0x0  }
0xb7: {  	[sflag:s15] =	ssyncadd.s32 $0xFFFFFF80  }
0xb8: {  	_ =	swait.ge [sflag:s21], $0x3E80  }
0xb9: {  	s6 =	sshra.s32 s23, $0x2;
	[sflag:s21] =	ssyncset.done $0x0  }
0xba: {  	s26 =	sadd.s32 $0xFFFFFA00, s23;
	s28 =	sadd.s32 $0x14F00, s6;
	[sflag:s21] =	ssyncadd.s32 $0xFFFFC180  }
0xbb: {  	[tilespmem:s16], [sflag:$0x2] =	stream.indirect.gather [hbm4b:s4+s11], $0x80, s28, s11, $0xb8;
	[tilespmem:$0x1FA00] =	vst v63  }
0xbc: {  	p0 =	seq.s32 s23, $0xA200;
	s26 =	sand.u32 $0x400, s26;
	_ =	swait.ge [sflag:s17], $0x3E80  }
0xbd: {  	s28 =	sshrl.u32 s26, $0x2;
	s26 =	sxor.u32 @!p0 $0x400, s26;
	[sflag:s17] =	ssyncset.done $0x0  }
0xbe: {  	s28 =	sor.u32 $0x17800, s28;
	s26 =	sshrl.u32 @!p0 s26, $0x2;
	[sflag:s17] =	ssyncadd.s32 $0xFFFFC180  }
0xbf: {  	[spmem:s2] =	stream.indirect.scatter.add.f32 [tilespmem:s12], [sflag:$0x3], $0x80, s28, s11, $0xb8;
	[tilespmem:$0x1FA00] =	vst v63  }
0xc0: {  	s26 =	sor.u32 @!p0 $0x17800, s26;
	s28 =	simm.s32 @!p0 $0x0  }
0xc1: {  	[tilespmem:s26], [sflag:$0x5] =	stream.linear.gather @!p0 [hbm4b:s25+s28], $0x80, $0x38;
	[tilespmem:$0x1FA00] =	vst v63  }
0xc2: {  	_ =	swait.ge [sflag:s18], $0x80  }
.Ltmp3:
0xc3: {  	[sflag:s18] =	ssyncset.done $0x0;
	(pc) =	sbr.rel @p0 .LBB2_6-.Ltmp3, $4  }
0xc4: {  	s28 =	sadd.s32 $0xFFFFFC00, s23;
	[sflag:s18] =	ssyncadd.s32 $0xFFFFFF80  }
0xc5: {  	s26 =	sand.u32 $0x600, s28;
	_ =	swait.ge [sflag:s19], $0x3E80  }
0xc6: {  	s26 =	sshrl.u32 s26, $0x2;
	[sflag:s19] =	ssyncset.done $0x0  }
0xc7: {  	s26 =	sor.u32 $0x17800, s26;
	[sflag:s19] =	ssyncadd.s32 $0xFFFFC180  }
0xc8: {  	s6 =	sadd.s32 $0x14F80, s6  }
0xc9: {  	[tilespmem:s12], [sflag:$0x1] =	stream.indirect.gather [hbm4b:s4+s11], $0x80, s6, s11, $0xb8;
	[tilespmem:$0x1FA00] =	vst v63  }
0xca: {  	_ =	swait.ge [sflag:s20], $0x3E80  }
0xcb: {  	[sflag:s20] =	ssyncset.done $0x0  }
0xcc: {  	[sflag:s20] =	ssyncadd.s32 $0xFFFFC180  }
0xcd: {  	[spmem:s2] =	stream.indirect.scatter.add.f32 [tilespmem:s16], [sflag:$0x4], $0x80, s26, s11, $0xb8;
	[tilespmem:$0x1FA00] =	vst v63  }
.Ltmp4:
0xce: {  	_ = 	snop;
	(pc) =	sbr.rel .LBB2_4-.Ltmp4, $4  }
0xcf: {  	s26 =	sand.u32 $0x600, s23  }
0xd0: {  	s28 =	sadd.s32 $0x10, s25;
	s6 =	sshrl.u32 s26, $0x2  }
0xd1: {  	s25 =	sadd.s32 $0x20, s25;
	s23 =	sadd.s32 $0x400, s23;
	s6 =	sor.u32 $0x17800, s6  }
0xd2: {  	[tilespmem:s6], [sflag:$0x6] =	stream.linear.gather [hbm4b:s28+s3], $0x80, $0x38;
	[tilespmem:$0x1FA00] =	vst v63  }
.LBB2_7:
0xd3: {  	_ =	sfence.sel $0x180000  }
0xd4: {  	[bflag:$0x0] =	sbarrier.arrive $0xFFFF  }
0xd5: {  	_ =	strace $0x90000053  }
0xd6: {  	s0 =	stileid.u32;
	[bflag:$0x2] =	sbarrier.arrive $0xFFFF  }
0xd7: {  	p0 =	sne.s32 s0, $0x0;
	s0 =	rddreg [dreg:$0x2]  }
0xd8: {  	s0 =	sadd.s32 @!p0 $0x100000, s0  }
0xd9: {  	[sflag:s0] =	ssyncadd.tile.s32 @!p0 $0x1;
	_ =	shalt  }
.Lfunc_end2:
_tile_overlayer_lowered:
.L_overlay_start_2:
0xda: {  	(tag) =	ssettag $0x2  }
0xdb: {  	s0 =	rddreg [dreg:$0x0];
	s2 =	stileid.u32  }
0xdc: {  	s1 =	rddreg [dreg:$0x1];
	p0 =	sne.s32 s2, $0x0  }
0xdd: {  	s3 =	rddreg [dreg:$0x2];
	[bflag:$0x3] =	sbarrier.arrive $0xFFFF;
	s2 =	simm.s32 @!p0 $0x1C08  }
0xde: {  	[timem:s3], [sflag:s2] =	dma.local @!p0 [hbm:s0], s1  }
0xdf: {  	s0 =	simm.s32 @!p0 $0x8  }
0xe0: {  	_ =	swait.ge @!p0 [sflag:s0], s1  }
0xe1: {  	s1 =	ssub.s32 @!p0 $0x0, s1;
	[sflag:s0] =	ssyncset.done @!p0 $0x0  }
0xe2: {  	[sflag:s0] =	ssyncadd.s32 @!p0 s1  }
0xe3: {  	[bflag:$0x3] =	sbarrier.arrive $0xFFFF  }
0xe4: {  	_ =	shalt  }

</sc_bundles>
